<compile_context>
chip_gen: v7x
topology: tpu7x:2x2x1
jax: 0.10.2.dev20260603
libtpu: 0.0.44.dev20260713+nightly
codegen_flags: <defaults>
</compile_context>

<pallas_src>
import functools

import jax
import jax.numpy as jnp
from jax import lax
from jax.experimental import pallas as pl
from jax.experimental.pallas import tpu as pltpu
from jax.experimental.pallas import tpu_sc as plsc

N_NODES = 10000
D = 128
N_EDGES = 320000

NC = 2
NS = 16
NW = NC * NS

CHUNK = 128
CPT = 80
EPT = CHUNK * CPT
E_PAD = EPT * NW
ACC_ROWS = 10240
ZROWS = ACC_ROWS // NS
ROWS_OUT = N_NODES // NS
N_PAD = 10016
TOTAL_CHUNKS = N_EDGES // CHUNK
CPT0 = 80
CPT1 = 80
NBUF = 2
IBLK = 16
NIB = CPT // IBLK

_mesh = plsc.VectorSubcoreMesh(
    core_axis_name="c", subcore_axis_name="s", num_cores=NC, num_subcores=NS)


HROWS = 80


@functools.partial(
    pl.kernel,
    out_type=jax.ShapeDtypeStruct((NC, HROWS, D), jnp.float32),
    mesh=_mesh,
    compiler_params=pltpu.CompilerParams(needs_layout_passes=False),
    scratch_types=[
        pltpu.VMEM((CPT, CHUNK), jnp.int32),
        pltpu.VMEM((HROWS, D), jnp.float32),
        pltpu.VMEM((HROWS,), jnp.int32),
        pltpu.VMEM_SHARED((HROWS, D), jnp.float32),
    ],
)
def _sc_degree(dst_hbm, zeros_hbm, out_hbm, idx_v, hist, rowidx, acc):
    c = lax.axis_index("c")
    s = lax.axis_index("s")
    w = c * NS + s
    nreal = jnp.minimum(CPT, jnp.maximum(0, TOTAL_CHUNKS - w * CPT))
    pltpu.sync_copy(dst_hbm.at[pl.ds(w * CPT, CPT)], idx_v)
    pltpu.sync_copy(zeros_hbm.at[pl.ds(0, HROWS)], hist)
    for m in range(HROWS // 16):
        rowidx[pl.ds(m * 16, 16)] = lax.iota(jnp.int32, 16) + m * 16
    @pl.when(s == 0)
    def _():
        pltpu.sync_copy(zeros_hbm.at[pl.ds(0, HROWS)], acc)
    plsc.subcore_barrier()

    ones16 = jnp.full((16,), 1.0, jnp.float32)

    def body(j, _):
        for k in range(CHUNK // 16):
            idx16 = idx_v[j, pl.ds(k * 16, 16)]
            plsc.addupdate_scatter(
                hist, [lax.shift_right_logical(idx16, 7),
                       lax.bitwise_and(idx16, 127)], ones16)
        return _

    lax.fori_loop(0, nreal, body, None)
    pltpu.sync_copy(hist, acc.at[rowidx], add=True)
    plsc.subcore_barrier()

    @pl.when(s == 0)
    def _():
        pltpu.sync_copy(acc, out_hbm.at[c])


@functools.partial(
    pl.kernel,
    out_type=jax.ShapeDtypeStruct((NC, NS, ROWS_OUT, D), jnp.float32),
    mesh=_mesh,
    scratch_types=[
        pltpu.VMEM((IBLK, CHUNK), jnp.int32),
        pltpu.VMEM((IBLK, CHUNK), jnp.int32),
        pltpu.VMEM((CHUNK, D), jnp.float32),
        pltpu.VMEM((CHUNK, D), jnp.float32),
        pltpu.SemaphoreType.DMA,
        pltpu.SemaphoreType.DMA,
        pltpu.VMEM_SHARED((ACC_ROWS, D), jnp.float32),
    ],
)
def _sc_aggregate(g_hbm, src_hbm, dst_hbm, zeros_hbm, out_hbm,
                  sidx, didx, r0, r1, sm0, sm1, acc):
    rows = [r0, r1]
    sems = [sm0, sm1]
    c = lax.axis_index("c")
    s = lax.axis_index("s")
    pltpu.sync_copy(zeros_hbm, acc.at[pl.ds(s * ZROWS, ZROWS)])
    plsc.subcore_barrier()
    chunk_base = jnp.where(c == 0, s * CPT0, NS * CPT0 + s * CPT1)
    nblk = jnp.where(c == 0, CPT0 // IBLK, CPT1 // IBLK)

    def blk_body(blk, carry):
        base = pl.multiple_of(chunk_base + blk * IBLK, 8)
        pltpu.sync_copy(src_hbm.at[pl.ds(base, IBLK)], sidx)
        pltpu.sync_copy(dst_hbm.at[pl.ds(base, IBLK)], didx)
        for b in range(NBUF):
            pltpu.async_copy(g_hbm.at[sidx.at[b]], rows[b], sems[b])

        def body(i, _):
            for b in range(NBUF):
                j = i * NBUF + b
                pltpu.make_async_copy(
                    g_hbm.at[pl.ds(0, CHUNK)], rows[b], sems[b]).wait()
                pltpu.sync_copy(rows[b], acc.at[didx.at[j]], add=True)
                pltpu.async_copy(g_hbm.at[sidx.at[j + NBUF]], rows[b], sems[b])
            return _

        lax.fori_loop(0, IBLK // NBUF - 1, body, None)
        for b in range(NBUF):
            j = IBLK - NBUF + b
            pltpu.make_async_copy(
                g_hbm.at[pl.ds(0, CHUNK)], rows[b], sems[b]).wait()
            pltpu.sync_copy(rows[b], acc.at[didx.at[j]], add=True)
        return carry

    lax.fori_loop(0, nblk, blk_body, None)
    plsc.subcore_barrier()
    pltpu.sync_copy(acc.at[pl.ds(s * ROWS_OUT, ROWS_OUT)], out_hbm.at[c, s])


@functools.partial(
    pl.kernel,
    out_type=jax.ShapeDtypeStruct((NW, CPT, CHUNK), jnp.float32),
    mesh=_mesh,
    compiler_params=pltpu.CompilerParams(needs_layout_passes=False),
    scratch_types=[
        pltpu.VMEM((N_PAD,), jnp.float32),
        pltpu.VMEM((N_PAD,), jnp.float32),
        pltpu.VMEM((CPT, CHUNK), jnp.int32),
        pltpu.VMEM((CPT, CHUNK), jnp.int32),
        pltpu.VMEM((CPT, CHUNK), jnp.float32),
    ],
)
def _sc_edge_logits(a_hbm, b_hbm, src_hbm, dst_hbm, out_hbm,
                    a_v, b_v, sidx, didx, out_v):
    c = lax.axis_index("c")
    s = lax.axis_index("s")
    w = c * NS + s
    nreal = jnp.minimum(CPT, jnp.maximum(0, TOTAL_CHUNKS - w * CPT))
    pltpu.sync_copy(a_hbm, a_v)
    pltpu.sync_copy(b_hbm, b_v)
    pltpu.sync_copy(src_hbm.at[pl.ds(w * CPT, CPT)], sidx)
    pltpu.sync_copy(dst_hbm.at[pl.ds(w * CPT, CPT)], didx)

    def body(j, _):
        for k in range(CHUNK // 16):
            isrc = sidx[j, pl.ds(k * 16, 16)]
            idst = didx[j, pl.ds(k * 16, 16)]
            ag = plsc.load_gather(a_v, [isrc])
            bg = plsc.load_gather(b_v, [idst])
            t = ag + bg
            out_v[j, pl.ds(k * 16, 16)] = 1.0 / (1.0 + jnp.exp(-t))
        return _

    lax.fori_loop(0, nreal, body, None)
    pltpu.sync_copy(out_v, out_hbm.at[w])


_BLK = 1000
_GRID = N_NODES // _BLK


def _tc_h_body(x_ref, w1_ref, h_ref):
    h_ref[...] = jnp.dot(x_ref[...], w1_ref[...],
                         preferred_element_type=jnp.float32,
                         precision=lax.Precision.HIGHEST)


def _tc_a_body(h_ref, dp_ref, g_ref, dinv_ref):
    deg = dp_ref[0] + dp_ref[1] + 1.0
    dinv = lax.rsqrt(deg)
    g_ref[...] = h_ref[...] * dinv[:, :1]
    dinv_ref[...] = jnp.broadcast_to(dinv, (dinv.shape[0], 16))


def _tc_b_body(part_ref, g_ref, dinv_ref, b_ref, w_ref, gout_ref):
    ssum = part_ref[0] + part_ref[1] + g_ref[...]
    dinv = dinv_ref[:, :1]
    z = jnp.maximum(ssum * dinv + b_ref[...], 0.0)
    gout_ref[...] = jnp.dot(z, w_ref[...], preferred_element_type=jnp.float32,
                 precision=lax.Precision.HIGHEST) * dinv


def _tc_c_body(part_ref, g_ref, dinv_ref, b_ref, wl_ref, bl_ref, a_ref, bv_ref):
    ssum = part_ref[0] + part_ref[1] + g_ref[...]
    dinv = dinv_ref[:, :1]
    z = jnp.maximum(ssum * dinv + b_ref[...], 0.0)
    a_ref[...] = jnp.sum(z * wl_ref[0:1, :], axis=1, keepdims=True) + bl_ref[...]
    bv_ref[...] = jnp.sum(z * wl_ref[1:2, :], axis=1, keepdims=True)


def _rows_spec():
    return pl.BlockSpec((_BLK, D), lambda i: (i, 0))


def _full_spec(shape):
    nd = len(shape)
    return pl.BlockSpec(shape, lambda i, _nd=nd: (0,) * _nd)


def _tc_h(x, w1):
    return pl.pallas_call(
        _tc_h_body,
        grid=(_GRID,),
        in_specs=[_rows_spec(), _full_spec((D, D))],
        out_specs=_rows_spec(),
        out_shape=jax.ShapeDtypeStruct((N_NODES, D), jnp.float32),
    )(x, w1)


def _tc_a(h, deg_col):
    return pl.pallas_call(
        _tc_a_body,
        grid=(_GRID,),
        in_specs=[
            _rows_spec(),
            pl.BlockSpec((2, _BLK, 1), lambda i: (0, i, 0)),
        ],
        out_specs=[_rows_spec(), pl.BlockSpec((_BLK, 16), lambda i: (i, 0))],
        out_shape=[
            jax.ShapeDtypeStruct((N_NODES, D), jnp.float32),
            jax.ShapeDtypeStruct((N_NODES, 16), jnp.float32),
        ],
    )(h, deg_col)


def _tc_b(parts, g, dinv16, b, w):
    return pl.pallas_call(
        _tc_b_body,
        grid=(_GRID,),
        in_specs=[
            pl.BlockSpec((2, _BLK, D), lambda i: (0, i, 0)),
            _rows_spec(),
            pl.BlockSpec((_BLK, 16), lambda i: (i, 0)),
            _full_spec((1, D)),
            _full_spec((D, D)),
        ],
        out_specs=_rows_spec(),
        out_shape=jax.ShapeDtypeStruct((N_NODES, D), jnp.float32),
    )(parts, g, dinv16, b, w)


def _tc_c(parts, g, dinv16, b, wl2, bl):
    return pl.pallas_call(
        _tc_c_body,
        grid=(_GRID,),
        in_specs=[
            pl.BlockSpec((2, _BLK, D), lambda i: (0, i, 0)),
            _rows_spec(),
            pl.BlockSpec((_BLK, 16), lambda i: (i, 0)),
            _full_spec((1, D)),
            _full_spec((2, D)),
            _full_spec((1, 1)),
        ],
        out_specs=[
            pl.BlockSpec((_BLK, 1), lambda i: (i, 0)),
            pl.BlockSpec((_BLK, 1), lambda i: (i, 0)),
        ],
        out_shape=[
            jax.ShapeDtypeStruct((N_NODES, 1), jnp.float32),
            jax.ShapeDtypeStruct((N_NODES, 1), jnp.float32),
        ],
    )(parts, g, dinv16, b, wl2, bl)


def kernel(x, edge_index, W1, b1, W2, b2, Wl, bl):
    src = edge_index[0].astype(jnp.int32)
    dst = edge_index[1].astype(jnp.int32)
    npad = E_PAD - N_EDGES
    src_r = jnp.concatenate([src, src[:npad]]).reshape(E_PAD // CHUNK, CHUNK)
    fake_dst = N_NODES + (jnp.arange(npad, dtype=jnp.int32) % (ACC_ROWS - N_NODES))
    dst_r = jnp.concatenate([dst, fake_dst]).reshape(E_PAD // CHUNK, CHUNK)

    zerosD = jnp.zeros((ZROWS, D), jnp.float32)

    deg_parts = _sc_degree(dst_r, zerosD)
    deg_col = deg_parts.reshape(NC, HROWS * D)[:, :N_NODES].reshape(
        NC, N_NODES, 1)

    h1 = _tc_h(x, W1)
    g1, dinv16 = _tc_a(h1, deg_col)

    parts1 = _sc_aggregate(g1, src_r, dst_r, zerosD).reshape(NC, N_NODES, D)
    g2 = _tc_b(parts1, g1, dinv16, b1.reshape(1, D), W2)

    parts2 = _sc_aggregate(g2, src_r, dst_r, zerosD).reshape(NC, N_NODES, D)
    wl2 = Wl[:, 0].reshape(2, D)
    a_col, b_col = _tc_c(parts2, g2, dinv16, b2.reshape(1, D), wl2,
                         bl.reshape(1, 1))

    a_pad = jnp.pad(a_col.reshape(N_NODES), (0, N_PAD - N_NODES))
    b_pad = jnp.pad(b_col.reshape(N_NODES), (0, N_PAD - N_NODES))

    probs = _sc_edge_logits(a_pad, b_pad, src_r, dst_r)
    return probs.reshape(E_PAD)[:N_EDGES]

# --- scband reference (transcript-rebuilt; emitter-appended) ---
"""Pipeline reference for scband-gcn-no-edge-weights-75118978007274 (READ-ONLY COPY).

The authoritative reference and input builder live on the scoring server;
editing this copy changes nothing except your own understanding.
"""

import jax, jax.numpy as jnp
import numpy as np

N_NODES = 10000
D_IN = 128
D_HID = 128
N_EDGES = 320000


def gcn_conv(x, src, dst, W, b, n_nodes):
    # GCNConv: add self-loops, symmetric normalization deg^-1/2 A_hat deg^-1/2
    loop = jnp.arange(n_nodes, dtype=src.dtype)
    s = jnp.concatenate([src, loop])
    d = jnp.concatenate([dst, loop])
    deg = jnp.zeros((n_nodes,), dtype=x.dtype).at[d].add(1.0)
    dinv = jnp.where(deg > 0, deg ** -0.5, 0.0)
    h = x @ W
    norm = dinv[s] * dinv[d]
    msg = h[s] * norm[:, None]
    out = jnp.zeros_like(h).at[d].add(msg)
    return out + b


def setup_inputs(seed: int = 0) -> dict:
    key = jax.random.key(seed)
    k1, k2, k3, k4, k5 = jax.random.split(key, 5)
    x = jax.random.normal(k1, (N_NODES, D_IN), dtype=jnp.float32)
    edge_index = jax.random.randint(k2, (2, N_EDGES), 0, N_NODES, dtype=jnp.int64)
    # learned parameters
    W1 = jax.random.normal(k3, (D_IN, D_HID), dtype=jnp.float32) * (1.0 / np.sqrt(D_IN))
    b1 = jnp.zeros((D_HID,), dtype=jnp.float32)
    W2 = jax.random.normal(k4, (D_HID, D_HID), dtype=jnp.float32) * (1.0 / np.sqrt(D_HID))
    b2 = jnp.zeros((D_HID,), dtype=jnp.float32)
    Wl = jax.random.normal(k5, (2 * D_HID, 1), dtype=jnp.float32) * (1.0 / np.sqrt(2 * D_HID))
    bl = jnp.zeros((1,), dtype=jnp.float32)
    return {"x": x, "edge_index": edge_index, "W1": W1, "b1": b1, "W2": W2, "b2": b2, "Wl": Wl, "bl": bl}


def reference(x, edge_index, W1, b1, W2, b2, Wl, bl):
    src = edge_index[0]
    dst = edge_index[1]
    n_nodes = x.shape[0]
    h = jax.nn.relu(gcn_conv(x, src, dst, W1, b1, n_nodes))
    # dropout is identity in eval mode
    h = jax.nn.relu(gcn_conv(h, src, dst, W2, b2, n_nodes))
    edge_features = jnp.concatenate([h[src], h[dst]], axis=1)
    logits = edge_features @ Wl + bl
    return jax.nn.sigmoid(logits).squeeze()

if __name__ == "__main__":
    import jax
    _d = setup_inputs()
    print(jax.jit(kernel)(*tuple(_d.values())))

</pallas_src>

<mosaic_0001>
#map = affine_map<(d0, d1) -> (0, 0)>
#map1 = affine_map<(d0, d1) -> (0, 0, 0)>
module attributes {stable_mosaic.version = 14 : i64} {
  func.func @_sc_degree(%arg0: i32, %arg1: i32, %arg2: memref<2560x128xi32, #tpu.memory_space<hbm>>, %arg3: memref<640x128xf32, #tpu.memory_space<hbm>>, %arg4: memref<2x80x128xf32, #tpu.memory_space<hbm>>, %arg5: memref<80x128xi32, #tpu.memory_space<vmem>>, %arg6: memref<80x128xf32, #tpu.memory_space<vmem>>, %arg7: memref<80xi32, #tpu.memory_space<vmem>>, %arg8: memref<80x128xf32, #tpu.memory_space<vmem_shared>>) attributes {dimension_semantics = [#tpu.dimension_semantics<core_parallel>, #tpu.dimension_semantics<subcore_parallel>], iteration_bounds = array<i64: 2, 16>, scalar_prefetch = 0 : i64, scratch_operands = 4 : i64, tpu.core_type = #tpu.core_type<sc_vector_subcore>, window_params = [{transform_indices = #map}, {transform_indices = #map}, {transform_indices = #map1}]} {
    %mul3A = arith.constant 16 : i32
    %mul3A_0 = arith.muli %arg0, %mul3A : i32
    %add3A = arith.addi %mul3A_0, %arg1 : i32
    %mul3A_1 = arith.constant 80 : i32
    %mul3A_2 = arith.muli %add3A, %mul3A_1 : i32
    %sub3A = arith.constant 2500 : i32
    %sub3A_3 = arith.subi %sub3A, %mul3A_2 : i32
    %max3A = arith.constant 0 : i32
    %max3A_4 = arith.maxsi %max3A, %sub3A_3 : i32
    %min3A = arith.constant 80 : i32
    %min3A_5 = arith.minsi %min3A, %max3A_4 : i32
    %mul3A_6 = arith.constant 80 : i32
    %mul3A_7 = arith.muli %add3A, %mul3A_6 : i32
    "tpu.region"() ({
      %run_scoped3A = tpu.sem_alloc : memref<!tpu.dma_semaphore, #tpu.memory_space<semaphore_mem>>
      %dma_start3A = arith.constant 0 : i32
      %dma_start3A_53 = tpu.memref_slice %arg2[%mul3A_7, %dma_start3A] : memref<2560x128xi32, #tpu.memory_space<hbm>> -> memref<80x128xi32, #tpu.memory_space<hbm>>
      %dma_start3A_54 = arith.constant 0 : i32
      %dma_start3A_55 = tpu.memref_slice %arg2[%mul3A_7, %dma_start3A_54] : memref<2560x128xi32, #tpu.memory_space<hbm>> -> memref<80x128xi32, #tpu.memory_space<hbm>>
      tpu.enqueue_dma source(%dma_start3A_55 : memref<80x128xi32, #tpu.memory_space<hbm>>) target(%arg5 : memref<80x128xi32, #tpu.memory_space<vmem>>) target_semaphore(%run_scoped3A : memref<!tpu.dma_semaphore, #tpu.memory_space<semaphore_mem>>)
      %dma_wait3A = arith.constant 0 : i32
      %dma_wait3A_56 = tpu.memref_slice %arg2[%mul3A_7, %dma_wait3A] : memref<2560x128xi32, #tpu.memory_space<hbm>> -> memref<80x128xi32, #tpu.memory_space<hbm>>
      %dma_wait3A_57 = arith.constant 0 : i32
      %dma_wait3A_58 = tpu.memref_slice %arg2[%mul3A_7, %dma_wait3A_57] : memref<2560x128xi32, #tpu.memory_space<hbm>> -> memref<80x128xi32, #tpu.memory_space<hbm>>
      tpu.wait_dma2 semaphore(%run_scoped3A : memref<!tpu.dma_semaphore, #tpu.memory_space<semaphore_mem>>) src(%dma_wait3A_58 : memref<80x128xi32, #tpu.memory_space<hbm>>) dst(%arg5 : memref<80x128xi32, #tpu.memory_space<vmem>>)
      tpu.yield
    }) : () -> ()
    "tpu.region"() ({
      %run_scoped3A = tpu.sem_alloc : memref<!tpu.dma_semaphore, #tpu.memory_space<semaphore_mem>>
      %dma_start3A = arith.constant 0 : i32
      %dma_start3A_53 = arith.constant 0 : i32
      %dma_start3A_54 = tpu.memref_slice %arg3[%dma_start3A, %dma_start3A_53] : memref<640x128xf32, #tpu.memory_space<hbm>> -> memref<80x128xf32, #tpu.memory_space<hbm>>
      %dma_start3A_55 = arith.constant 0 : i32
      %dma_start3A_56 = arith.constant 0 : i32
      %dma_start3A_57 = tpu.memref_slice %arg3[%dma_start3A_55, %dma_start3A_56] : memref<640x128xf32, #tpu.memory_space<hbm>> -> memref<80x128xf32, #tpu.memory_space<hbm>>
      tpu.enqueue_dma source(%dma_start3A_57 : memref<80x128xf32, #tpu.memory_space<hbm>>) target(%arg6 : memref<80x128xf32, #tpu.memory_space<vmem>>) target_semaphore(%run_scoped3A : memref<!tpu.dma_semaphore, #tpu.memory_space<semaphore_mem>>)
      %dma_wait3A = arith.constant 0 : i32
      %dma_wait3A_58 = arith.constant 0 : i32
      %dma_wait3A_59 = tpu.memref_slice %arg3[%dma_wait3A, %dma_wait3A_58] : memref<640x128xf32, #tpu.memory_space<hbm>> -> memref<80x128xf32, #tpu.memory_space<hbm>>
      %dma_wait3A_60 = arith.constant 0 : i32
      %dma_wait3A_61 = arith.constant 0 : i32
      %dma_wait3A_62 = tpu.memref_slice %arg3[%dma_wait3A_60, %dma_wait3A_61] : memref<640x128xf32, #tpu.memory_space<hbm>> -> memref<80x128xf32, #tpu.memory_space<hbm>>
      tpu.wait_dma2 semaphore(%run_scoped3A : memref<!tpu.dma_semaphore, #tpu.memory_space<semaphore_mem>>) src(%dma_wait3A_62 : memref<80x128xf32, #tpu.memory_space<hbm>>) dst(%arg6 : memref<80x128xf32, #tpu.memory_space<vmem>>)
      tpu.yield
    }) : () -> ()
    %iota3A = tpu.iota {dimensions = array<i32: 0>} : vector<16xi32>
    %add3A_8 = arith.constant 0 : i32
    %add3A_9 = vector.broadcast %add3A_8 : i32 to vector<16xi32>
    %add3A_10 = arith.addi %iota3A, %add3A_9 : vector<16xi32>
    %swap3A = arith.constant 0 : index
    %swap3A_11 = tpu.vector_load %arg7[%swap3A] {strides = array<i32>} : memref<80xi32, #tpu.memory_space<vmem>>, vector<16xi32>,
    tpu.vector_store %arg7[%swap3A], %add3A_10 {strides = array<i32>} : memref<80xi32, #tpu.memory_space<vmem>>, vector<16xi32>,
    %iota3A_12 = tpu.iota {dimensions = array<i32: 0>} : vector<16xi32>
    %add3A_13 = arith.constant 16 : i32
    %add3A_14 = vector.broadcast %add3A_13 : i32 to vector<16xi32>
    %add3A_15 = arith.addi %iota3A_12, %add3A_14 : vector<16xi32>
    %swap3A_16 = arith.constant 16 : index
    %swap3A_17 = tpu.vector_load %arg7[%swap3A_16] {strides = array<i32>} : memref<80xi32, #tpu.memory_space<vmem>>, vector<16xi32>,
    tpu.vector_store %arg7[%swap3A_16], %add3A_15 {strides = array<i32>} : memref<80xi32, #tpu.memory_space<vmem>>, vector<16xi32>,
    %iota3A_18 = tpu.iota {dimensions = array<i32: 0>} : vector<16xi32>
    %add3A_19 = arith.constant 32 : i32
    %add3A_20 = vector.broadcast %add3A_19 : i32 to vector<16xi32>
    %add3A_21 = arith.addi %iota3A_18, %add3A_20 : vector<16xi32>
    %swap3A_22 = arith.constant 32 : index
    %swap3A_23 = tpu.vector_load %arg7[%swap3A_22] {strides = array<i32>} : memref<80xi32, #tpu.memory_space<vmem>>, vector<16xi32>,
    tpu.vector_store %arg7[%swap3A_22], %add3A_21 {strides = array<i32>} : memref<80xi32, #tpu.memory_space<vmem>>, vector<16xi32>,
    %iota3A_24 = tpu.iota {dimensions = array<i32: 0>} : vector<16xi32>
    %add3A_25 = arith.constant 48 : i32
    %add3A_26 = vector.broadcast %add3A_25 : i32 to vector<16xi32>
    %add3A_27 = arith.addi %iota3A_24, %add3A_26 : vector<16xi32>
    %swap3A_28 = arith.constant 48 : index
    %swap3A_29 = tpu.vector_load %arg7[%swap3A_28] {strides = array<i32>} : memref<80xi32, #tpu.memory_space<vmem>>, vector<16xi32>,
    tpu.vector_store %arg7[%swap3A_28], %add3A_27 {strides = array<i32>} : memref<80xi32, #tpu.memory_space<vmem>>, vector<16xi32>,
    %iota3A_30 = tpu.iota {dimensions = array<i32: 0>} : vector<16xi32>
    %add3A_31 = arith.constant 64 : i32
    %add3A_32 = vector.broadcast %add3A_31 : i32 to vector<16xi32>
    %add3A_33 = arith.addi %iota3A_30, %add3A_32 : vector<16xi32>
    %swap3A_34 = arith.constant 64 : index
    %swap3A_35 = tpu.vector_load %arg7[%swap3A_34] {strides = array<i32>} : memref<80xi32, #tpu.memory_space<vmem>>, vector<16xi32>,
    tpu.vector_store %arg7[%swap3A_34], %add3A_33 {strides = array<i32>} : memref<80xi32, #tpu.memory_space<vmem>>, vector<16xi32>,
    %eq3A = arith.constant 0 : i32
    %eq3A_36 = arith.cmpi eq, %arg1, %eq3A : i32
    %convert_element_type3A = arith.extui %eq3A_36 : i1 to i32
    %cond3A = arith.constant 0 : i32
    %cond3A_37 = arith.cmpi ne, %convert_element_type3A, %cond3A : i32
    scf.if %cond3A_37 {
      "tpu.region"() ({
        %run_scoped3A = tpu.sem_alloc : memref<!tpu.dma_semaphore, #tpu.memory_space<semaphore_mem>>
        %dma_start3A = arith.constant 0 : i32
        %dma_start3A_53 = arith.constant 0 : i32
        %dma_start3A_54 = tpu.memref_slice %arg3[%dma_start3A, %dma_start3A_53] : memref<640x128xf32, #tpu.memory_space<hbm>> -> memref<80x128xf32, #tpu.memory_space<hbm>>
        tpu.enqueue_dma source(%dma_start3A_54 : memref<80x128xf32, #tpu.memory_space<hbm>>) target(%arg8 : memref<80x128xf32, #tpu.memory_space<vmem_shared>>) target_semaphore(%run_scoped3A : memref<!tpu.dma_semaphore, #tpu.memory_space<semaphore_mem>>)
        %dma_wait3A = arith.constant 0 : i32
        %dma_wait3A_55 = arith.constant 0 : i32
        %dma_wait3A_56 = tpu.memref_slice %arg3[%dma_wait3A, %dma_wait3A_55] : memref<640x128xf32, #tpu.memory_space<hbm>> -> memref<80x128xf32, #tpu.memory_space<hbm>>
        tpu.wait_dma2 semaphore(%run_scoped3A : memref<!tpu.dma_semaphore, #tpu.memory_space<semaphore_mem>>) src(%dma_wait3A_56 : memref<80x128xf32, #tpu.memory_space<hbm>>) dst(%arg8 : memref<80x128xf32, #tpu.memory_space<vmem_shared>>)
        tpu.yield
      }) : () -> ()
    } else {
    }
    %barrier3A = arith.constant 0 : index
    tpu.barrier barrier_id(%barrier3A)
    %broadcast_in_dim3A = arith.constant 1.000000e+00 : f32
    %broadcast_in_dim3A_38 = vector.broadcast %broadcast_in_dim3A : f32 to vector<16xf32>
    %while3A = arith.constant 0 : i32
    %while3A_39 = arith.subi %min3A_5, %while3A : i32
    %while3A_40 = arith.addi %while3A, %while3A_39 : i32
    %while3A_41 = arith.constant 1 : i32
    %while3A_42 = arith.divsi %while3A_39, %while3A_41 : i32
    %while3A_43 = arith.muli %while3A_42, %while3A_41 : i32
    %while3A_44 = arith.addi %while3A, %while3A_43 : i32
    %while3A_45 = arith.constant 1 : i32
    scf.for %while3A_53 = %while3A to %while3A_44 step %while3A_45  : i32 {
      %get3A = arith.index_cast %while3A_53 : i32 to index
      %get3A_54 = arith.constant 0 : index
      %get3A_55 = tpu.vector_load %arg5[%get3A, %get3A_54] {strides = array<i32>} : memref<80x128xi32, #tpu.memory_space<vmem>>, vector<16xi32>,
      %shift_right_logical3A = arith.constant 7 : i32
      %shift_right_logical3A_56 = vector.broadcast %shift_right_logical3A : i32 to vector<16xi32>
      %shift_right_logical3A_57 = arith.shrui %get3A_55, %shift_right_logical3A_56 : vector<16xi32>
      %and3A = arith.constant 127 : i32
      %and3A_58 = vector.broadcast %and3A : i32 to vector<16xi32>
      %and3A_59 = arith.andi %get3A_55, %and3A_58 : vector<16xi32>
      tpu.vector_store_idx %arg6[%shift_right_logical3A_57, %and3A_59], %broadcast_in_dim3A_38 {add = true} : memref<80x128xf32, #tpu.memory_space<vmem>>[vector<16xi32>, vector<16xi32>], vector<16xf32>,
      %get3A_60 = arith.index_cast %while3A_53 : i32 to index
      %get3A_61 = arith.constant 16 : index
      %get3A_62 = tpu.vector_load %arg5[%get3A_60, %get3A_61] {strides = array<i32>} : memref<80x128xi32, #tpu.memory_space<vmem>>, vector<16xi32>,
      %shift_right_logical3A_63 = arith.constant 7 : i32
      %shift_right_logical3A_64 = vector.broadcast %shift_right_logical3A_63 : i32 to vector<16xi32>
      %shift_right_logical3A_65 = arith.shrui %get3A_62, %shift_right_logical3A_64 : vector<16xi32>
      %and3A_66 = arith.constant 127 : i32
      %and3A_67 = vector.broadcast %and3A_66 : i32 to vector<16xi32>
      %and3A_68 = arith.andi %get3A_62, %and3A_67 : vector<16xi32>
      tpu.vector_store_idx %arg6[%shift_right_logical3A_65, %and3A_68], %broadcast_in_dim3A_38 {add = true} : memref<80x128xf32, #tpu.memory_space<vmem>>[vector<16xi32>, vector<16xi32>], vector<16xf32>,
      %get3A_69 = arith.index_cast %while3A_53 : i32 to index
      %get3A_70 = arith.constant 32 : index
      %get3A_71 = tpu.vector_load %arg5[%get3A_69, %get3A_70] {strides = array<i32>} : memref<80x128xi32, #tpu.memory_space<vmem>>, vector<16xi32>,
      %shift_right_logical3A_72 = arith.constant 7 : i32
      %shift_right_logical3A_73 = vector.broadcast %shift_right_logical3A_72 : i32 to vector<16xi32>
      %shift_right_logical3A_74 = arith.shrui %get3A_71, %shift_right_logical3A_73 : vector<16xi32>
      %and3A_75 = arith.constant 127 : i32
      %and3A_76 = vector.broadcast %and3A_75 : i32 to vector<16xi32>
      %and3A_77 = arith.andi %get3A_71, %and3A_76 : vector<16xi32>
      tpu.vector_store_idx %arg6[%shift_right_logical3A_74, %and3A_77], %broadcast_in_dim3A_38 {add = true} : memref<80x128xf32, #tpu.memory_space<vmem>>[vector<16xi32>, vector<16xi32>], vector<16xf32>,
      %get3A_78 = arith.index_cast %while3A_53 : i32 to index
      %get3A_79 = arith.constant 48 : index
      %get3A_80 = tpu.vector_load %arg5[%get3A_78, %get3A_79] {strides = array<i32>} : memref<80x128xi32, #tpu.memory_space<vmem>>, vector<16xi32>,
      %shift_right_logical3A_81 = arith.constant 7 : i32
      %shift_right_logical3A_82 = vector.broadcast %shift_right_logical3A_81 : i32 to vector<16xi32>
      %shift_right_logical3A_83 = arith.shrui %get3A_80, %shift_right_logical3A_82 : vector<16xi32>
      %and3A_84 = arith.constant 127 : i32
      %and3A_85 = vector.broadcast %and3A_84 : i32 to vector<16xi32>
      %and3A_86 = arith.andi %get3A_80, %and3A_85 : vector<16xi32>
      tpu.vector_store_idx %arg6[%shift_right_logical3A_83, %and3A_86], %broadcast_in_dim3A_38 {add = true} : memref<80x128xf32, #tpu.memory_space<vmem>>[vector<16xi32>, vector<16xi32>], vector<16xf32>,
      %get3A_87 = arith.index_cast %while3A_53 : i32 to index
      %get3A_88 = arith.constant 64 : index
      %get3A_89 = tpu.vector_load %arg5[%get3A_87, %get3A_88] {strides = array<i32>} : memref<80x128xi32, #tpu.memory_space<vmem>>, vector<16xi32>,
      %shift_right_logical3A_90 = arith.constant 7 : i32
      %shift_right_logical3A_91 = vector.broadcast %shift_right_logical3A_90 : i32 to vector<16xi32>
      %shift_right_logical3A_92 = arith.shrui %get3A_89, %shift_right_logical3A_91 : vector<16xi32>
      %and3A_93 = arith.constant 127 : i32
      %and3A_94 = vector.broadcast %and3A_93 : i32 to vector<16xi32>
      %and3A_95 = arith.andi %get3A_89, %and3A_94 : vector<16xi32>
      tpu.vector_store_idx %arg6[%shift_right_logical3A_92, %and3A_95], %broadcast_in_dim3A_38 {add = true} : memref<80x128xf32, #tpu.memory_space<vmem>>[vector<16xi32>, vector<16xi32>], vector<16xf32>,
      %get3A_96 = arith.index_cast %while3A_53 : i32 to index
      %get3A_97 = arith.constant 80 : index
      %get3A_98 = tpu.vector_load %arg5[%get3A_96, %get3A_97] {strides = array<i32>} : memref<80x128xi32, #tpu.memory_space<vmem>>, vector<16xi32>,
      %shift_right_logical3A_99 = arith.constant 7 : i32
      %shift_right_logical3A_100 = vector.broadcast %shift_right_logical3A_99 : i32 to vector<16xi32>
      %shift_right_logical3A_101 = arith.shrui %get3A_98, %shift_right_logical3A_100 : vector<16xi32>
      %and3A_102 = arith.constant 127 : i32
      %and3A_103 = vector.broadcast %and3A_102 : i32 to vector<16xi32>
      %and3A_104 = arith.andi %get3A_98, %and3A_103 : vector<16xi32>
      tpu.vector_store_idx %arg6[%shift_right_logical3A_101, %and3A_104], %broadcast_in_dim3A_38 {add = true} : memref<80x128xf32, #tpu.memory_space<vmem>>[vector<16xi32>, vector<16xi32>], vector<16xf32>,
      %get3A_105 = arith.index_cast %while3A_53 : i32 to index
      %get3A_106 = arith.constant 96 : index
      %get3A_107 = tpu.vector_load %arg5[%get3A_105, %get3A_106] {strides = array<i32>} : memref<80x128xi32, #tpu.memory_space<vmem>>, vector<16xi32>,
      %shift_right_logical3A_108 = arith.constant 7 : i32
      %shift_right_logical3A_109 = vector.broadcast %shift_right_logical3A_108 : i32 to vector<16xi32>
      %shift_right_logical3A_110 = arith.shrui %get3A_107, %shift_right_logical3A_109 : vector<16xi32>
      %and3A_111 = arith.constant 127 : i32
      %and3A_112 = vector.broadcast %and3A_111 : i32 to vector<16xi32>
      %and3A_113 = arith.andi %get3A_107, %and3A_112 : vector<16xi32>
      tpu.vector_store_idx %arg6[%shift_right_logical3A_110, %and3A_113], %broadcast_in_dim3A_38 {add = true} : memref<80x128xf32, #tpu.memory_space<vmem>>[vector<16xi32>, vector<16xi32>], vector<16xf32>,
      %get3A_114 = arith.index_cast %while3A_53 : i32 to index
      %get3A_115 = arith.constant 112 : index
      %get3A_116 = tpu.vector_load %arg5[%get3A_114, %get3A_115] {strides = array<i32>} : memref<80x128xi32, #tpu.memory_space<vmem>>, vector<16xi32>,
      %shift_right_logical3A_117 = arith.constant 7 : i32
      %shift_right_logical3A_118 = vector.broadcast %shift_right_logical3A_117 : i32 to vector<16xi32>
      %shift_right_logical3A_119 = arith.shrui %get3A_116, %shift_right_logical3A_118 : vector<16xi32>
      %and3A_120 = arith.constant 127 : i32
      %and3A_121 = vector.broadcast %and3A_120 : i32 to vector<16xi32>
      %and3A_122 = arith.andi %get3A_116, %and3A_121 : vector<16xi32>
      tpu.vector_store_idx %arg6[%shift_right_logical3A_119, %and3A_122], %broadcast_in_dim3A_38 {add = true} : memref<80x128xf32, #tpu.memory_space<vmem>>[vector<16xi32>, vector<16xi32>], vector<16xf32>,
    }
    %while3A_46 = arith.constant 1 : i32
    scf.for %while3A_53 = %while3A_44 to %while3A_40 step %while3A_46  : i32 {
      %get3A = arith.index_cast %while3A_53 : i32 to index
      %get3A_54 = arith.constant 0 : index
      %get3A_55 = tpu.vector_load %arg5[%get3A, %get3A_54] {strides = array<i32>} : memref<80x128xi32, #tpu.memory_space<vmem>>, vector<16xi32>,
      %shift_right_logical3A = arith.constant 7 : i32
      %shift_right_logical3A_56 = vector.broadcast %shift_right_logical3A : i32 to vector<16xi32>
      %shift_right_logical3A_57 = arith.shrui %get3A_55, %shift_right_logical3A_56 : vector<16xi32>
      %and3A = arith.constant 127 : i32
      %and3A_58 = vector.broadcast %and3A : i32 to vector<16xi32>
      %and3A_59 = arith.andi %get3A_55, %and3A_58 : vector<16xi32>
      tpu.vector_store_idx %arg6[%shift_right_logical3A_57, %and3A_59], %broadcast_in_dim3A_38 {add = true} : memref<80x128xf32, #tpu.memory_space<vmem>>[vector<16xi32>, vector<16xi32>], vector<16xf32>,
      %get3A_60 = arith.index_cast %while3A_53 : i32 to index
      %get3A_61 = arith.constant 16 : index
      %get3A_62 = tpu.vector_load %arg5[%get3A_60, %get3A_61] {strides = array<i32>} : memref<80x128xi32, #tpu.memory_space<vmem>>, vector<16xi32>,
      %shift_right_logical3A_63 = arith.constant 7 : i32
      %shift_right_logical3A_64 = vector.broadcast %shift_right_logical3A_63 : i32 to vector<16xi32>
      %shift_right_logical3A_65 = arith.shrui %get3A_62, %shift_right_logical3A_64 : vector<16xi32>
      %and3A_66 = arith.constant 127 : i32
      %and3A_67 = vector.broadcast %and3A_66 : i32 to vector<16xi32>
      %and3A_68 = arith.andi %get3A_62, %and3A_67 : vector<16xi32>
      tpu.vector_store_idx %arg6[%shift_right_logical3A_65, %and3A_68], %broadcast_in_dim3A_38 {add = true} : memref<80x128xf32, #tpu.memory_space<vmem>>[vector<16xi32>, vector<16xi32>], vector<16xf32>,
      %get3A_69 = arith.index_cast %while3A_53 : i32 to index
      %get3A_70 = arith.constant 32 : index
      %get3A_71 = tpu.vector_load %arg5[%get3A_69, %get3A_70] {strides = array<i32>} : memref<80x128xi32, #tpu.memory_space<vmem>>, vector<16xi32>,
      %shift_right_logical3A_72 = arith.constant 7 : i32
      %shift_right_logical3A_73 = vector.broadcast %shift_right_logical3A_72 : i32 to vector<16xi32>
      %shift_right_logical3A_74 = arith.shrui %get3A_71, %shift_right_logical3A_73 : vector<16xi32>
      %and3A_75 = arith.constant 127 : i32
      %and3A_76 = vector.broadcast %and3A_75 : i32 to vector<16xi32>
      %and3A_77 = arith.andi %get3A_71, %and3A_76 : vector<16xi32>
      tpu.vector_store_idx %arg6[%shift_right_logical3A_74, %and3A_77], %broadcast_in_dim3A_38 {add = true} : memref<80x128xf32, #tpu.memory_space<vmem>>[vector<16xi32>, vector<16xi32>], vector<16xf32>,
      %get3A_78 = arith.index_cast %while3A_53 : i32 to index
      %get3A_79 = arith.constant 48 : index
      %get3A_80 = tpu.vector_load %arg5[%get3A_78, %get3A_79] {strides = array<i32>} : memref<80x128xi32, #tpu.memory_space<vmem>>, vector<16xi32>,
      %shift_right_logical3A_81 = arith.constant 7 : i32
      %shift_right_logical3A_82 = vector.broadcast %shift_right_logical3A_81 : i32 to vector<16xi32>
      %shift_right_logical3A_83 = arith.shrui %get3A_80, %shift_right_logical3A_82 : vector<16xi32>
      %and3A_84 = arith.constant 127 : i32
      %and3A_85 = vector.broadcast %and3A_84 : i32 to vector<16xi32>
      %and3A_86 = arith.andi %get3A_80, %and3A_85 : vector<16xi32>
      tpu.vector_store_idx %arg6[%shift_right_logical3A_83, %and3A_86], %broadcast_in_dim3A_38 {add = true} : memref<80x128xf32, #tpu.memory_space<vmem>>[vector<16xi32>, vector<16xi32>], vector<16xf32>,
      %get3A_87 = arith.index_cast %while3A_53 : i32 to index
      %get3A_88 = arith.constant 64 : index
      %get3A_89 = tpu.vector_load %arg5[%get3A_87, %get3A_88] {strides = array<i32>} : memref<80x128xi32, #tpu.memory_space<vmem>>, vector<16xi32>,
      %shift_right_logical3A_90 = arith.constant 7 : i32
      %shift_right_logical3A_91 = vector.broadcast %shift_right_logical3A_90 : i32 to vector<16xi32>
      %shift_right_logical3A_92 = arith.shrui %get3A_89, %shift_right_logical3A_91 : vector<16xi32>
      %and3A_93 = arith.constant 127 : i32
      %and3A_94 = vector.broadcast %and3A_93 : i32 to vector<16xi32>
      %and3A_95 = arith.andi %get3A_89, %and3A_94 : vector<16xi32>
      tpu.vector_store_idx %arg6[%shift_right_logical3A_92, %and3A_95], %broadcast_in_dim3A_38 {add = true} : memref<80x128xf32, #tpu.memory_space<vmem>>[vector<16xi32>, vector<16xi32>], vector<16xf32>,
      %get3A_96 = arith.index_cast %while3A_53 : i32 to index
      %get3A_97 = arith.constant 80 : index
      %get3A_98 = tpu.vector_load %arg5[%get3A_96, %get3A_97] {strides = array<i32>} : memref<80x128xi32, #tpu.memory_space<vmem>>, vector<16xi32>,
      %shift_right_logical3A_99 = arith.constant 7 : i32
      %shift_right_logical3A_100 = vector.broadcast %shift_right_logical3A_99 : i32 to vector<16xi32>
      %shift_right_logical3A_101 = arith.shrui %get3A_98, %shift_right_logical3A_100 : vector<16xi32>
      %and3A_102 = arith.constant 127 : i32
      %and3A_103 = vector.broadcast %and3A_102 : i32 to vector<16xi32>
      %and3A_104 = arith.andi %get3A_98, %and3A_103 : vector<16xi32>
      tpu.vector_store_idx %arg6[%shift_right_logical3A_101, %and3A_104], %broadcast_in_dim3A_38 {add = true} : memref<80x128xf32, #tpu.memory_space<vmem>>[vector<16xi32>, vector<16xi32>], vector<16xf32>,
      %get3A_105 = arith.index_cast %while3A_53 : i32 to index
      %get3A_106 = arith.constant 96 : index
      %get3A_107 = tpu.vector_load %arg5[%get3A_105, %get3A_106] {strides = array<i32>} : memref<80x128xi32, #tpu.memory_space<vmem>>, vector<16xi32>,
      %shift_right_logical3A_108 = arith.constant 7 : i32
      %shift_right_logical3A_109 = vector.broadcast %shift_right_logical3A_108 : i32 to vector<16xi32>
      %shift_right_logical3A_110 = arith.shrui %get3A_107, %shift_right_logical3A_109 : vector<16xi32>
      %and3A_111 = arith.constant 127 : i32
      %and3A_112 = vector.broadcast %and3A_111 : i32 to vector<16xi32>
      %and3A_113 = arith.andi %get3A_107, %and3A_112 : vector<16xi32>
      tpu.vector_store_idx %arg6[%shift_right_logical3A_110, %and3A_113], %broadcast_in_dim3A_38 {add = true} : memref<80x128xf32, #tpu.memory_space<vmem>>[vector<16xi32>, vector<16xi32>], vector<16xf32>,
      %get3A_114 = arith.index_cast %while3A_53 : i32 to index
      %get3A_115 = arith.constant 112 : index
      %get3A_116 = tpu.vector_load %arg5[%get3A_114, %get3A_115] {strides = array<i32>} : memref<80x128xi32, #tpu.memory_space<vmem>>, vector<16xi32>,
      %shift_right_logical3A_117 = arith.constant 7 : i32
      %shift_right_logical3A_118 = vector.broadcast %shift_right_logical3A_117 : i32 to vector<16xi32>
      %shift_right_logical3A_119 = arith.shrui %get3A_116, %shift_right_logical3A_118 : vector<16xi32>
      %and3A_120 = arith.constant 127 : i32
      %and3A_121 = vector.broadcast %and3A_120 : i32 to vector<16xi32>
      %and3A_122 = arith.andi %get3A_116, %and3A_121 : vector<16xi32>
      tpu.vector_store_idx %arg6[%shift_right_logical3A_119, %and3A_122], %broadcast_in_dim3A_38 {add = true} : memref<80x128xf32, #tpu.memory_space<vmem>>[vector<16xi32>, vector<16xi32>], vector<16xf32>,
    }
    "tpu.region"() ({
      %run_scoped3A = tpu.sem_alloc : memref<!tpu.dma_semaphore, #tpu.memory_space<semaphore_mem>>
      %dma_start3A = arith.constant 0 : i32
      %dma_start3A_53 = arith.constant 0 : i32
      %dma_start3A_54 = tpu.memref_slice %arg8[%dma_start3A, %dma_start3A_53] : memref<80x128xf32, #tpu.memory_space<vmem_shared>> -> memref<80x128xf32, #tpu.memory_space<vmem_shared>>
      tpu.enqueue_indirect_dma source(%arg6 : memref<80x128xf32, #tpu.memory_space<vmem>>) target(%dma_start3A_54 : memref<80x128xf32, #tpu.memory_space<vmem_shared>>) offsets(%arg7 : memref<80xi32, #tpu.memory_space<vmem>>) semaphore(%run_scoped3A : memref<!tpu.dma_semaphore, #tpu.memory_space<semaphore_mem>>) {add = true}
      %dma_wait3A = arith.constant 0 : i32
      %dma_wait3A_55 = arith.constant 0 : i32
      %dma_wait3A_56 = tpu.memref_slice %arg8[%dma_wait3A, %dma_wait3A_55] : memref<80x128xf32, #tpu.memory_space<vmem_shared>> -> memref<80x128xf32, #tpu.memory_space<vmem_shared>>
      tpu.wait_indirect_dma semaphore(%run_scoped3A : memref<!tpu.dma_semaphore, #tpu.memory_space<semaphore_mem>>) src(%arg6 : memref<80x128xf32, #tpu.memory_space<vmem>>) dst(%dma_wait3A_56 : memref<80x128xf32, #tpu.memory_space<vmem_shared>>)
      tpu.yield
    }) : () -> ()
    %barrier3A_47 = arith.constant 0 : index
    tpu.barrier barrier_id(%barrier3A_47)
    %eq3A_48 = arith.constant 0 : i32
    %eq3A_49 = arith.cmpi eq, %arg1, %eq3A_48 : i32
    %convert_element_type3A_50 = arith.extui %eq3A_49 : i1 to i32
    %cond3A_51 = arith.constant 0 : i32
    %cond3A_52 = arith.cmpi ne, %convert_element_type3A_50, %cond3A_51 : i32
    scf.if %cond3A_52 {
      "tpu.region"() ({
        %run_scoped3A = tpu.sem_alloc : memref<!tpu.dma_semaphore, #tpu.memory_space<semaphore_mem>>
        %dma_start3A = arith.constant 0 : i32
        %dma_start3A_53 = arith.constant 0 : i32
        %dma_start3A_54 = tpu.memref_slice %arg4[%arg0, %dma_start3A, %dma_start3A_53] : memref<2x80x128xf32, #tpu.memory_space<hbm>> -> memref<1x80x128xf32, #tpu.memory_space<hbm>>
        %dma_start3A_55 = tpu.memref_squeeze %dma_start3A_54 : memref<1x80x128xf32, #tpu.memory_space<hbm>> -> memref<80x128xf32, #tpu.memory_space<hbm>>
        tpu.enqueue_dma source(%arg8 : memref<80x128xf32, #tpu.memory_space<vmem_shared>>) target(%dma_start3A_55 : memref<80x128xf32, #tpu.memory_space<hbm>>) target_semaphore(%run_scoped3A : memref<!tpu.dma_semaphore, #tpu.memory_space<semaphore_mem>>)
        %dma_wait3A = arith.constant 0 : i32
        %dma_wait3A_56 = arith.constant 0 : i32
        %dma_wait3A_57 = tpu.memref_slice %arg4[%arg0, %dma_wait3A, %dma_wait3A_56] : memref<2x80x128xf32, #tpu.memory_space<hbm>> -> memref<1x80x128xf32, #tpu.memory_space<hbm>>
        %dma_wait3A_58 = tpu.memref_squeeze %dma_wait3A_57 : memref<1x80x128xf32, #tpu.memory_space<hbm>> -> memref<80x128xf32, #tpu.memory_space<hbm>>
        tpu.wait_dma2 semaphore(%run_scoped3A : memref<!tpu.dma_semaphore, #tpu.memory_space<semaphore_mem>>) src(%arg8 : memref<80x128xf32, #tpu.memory_space<vmem_shared>>) dst(%dma_wait3A_58 : memref<80x128xf32, #tpu.memory_space<hbm>>)
        tpu.yield
      }) : () -> ()
    } else {
    }
    return
  }
}

#map = affine_map<(d0, d1) -> (0, 0)>
#map1 = affine_map<(d0, d1) -> (0, 0, 0, 0)>
module attributes {stable_mosaic.version = 14 : i64} {
  func.func @_sc_aggregate(%arg0: i32, %arg1: i32, %arg2: memref<10000x128xf32, #tpu.memory_space<hbm>>, %arg3: memref<2560x128xi32, #tpu.memory_space<hbm>>, %arg4: memref<2560x128xi32, #tpu.memory_space<hbm>>, %arg5: memref<640x128xf32, #tpu.memory_space<hbm>>, %arg6: memref<2x16x625x128xf32, #tpu.memory_space<hbm>>, %arg7: memref<16x128xi32, #tpu.memory_space<vmem>>, %arg8: memref<16x128xi32, #tpu.memory_space<vmem>>, %arg9: memref<128x128xf32, #tpu.memory_space<vmem>>, %arg10: memref<128x128xf32, #tpu.memory_space<vmem>>, %arg11: memref<!tpu.dma_semaphore, #tpu.memory_space<semaphore_mem>>, %arg12: memref<!tpu.dma_semaphore, #tpu.memory_space<semaphore_mem>>, %arg13: memref<10240x128xf32, #tpu.memory_space<vmem_shared>>) attributes {dimension_semantics = [#tpu.dimension_semantics<core_parallel>, #tpu.dimension_semantics<subcore_parallel>], iteration_bounds = array<i64: 2, 16>, scalar_prefetch = 0 : i64, scratch_operands = 7 : i64, tpu.core_type = #tpu.core_type<sc_vector_subcore>, window_params = [{transform_indices = #map}, {transform_indices = #map}, {transform_indices = #map}, {transform_indices = #map}, {transform_indices = #map1}]} {
    %mul3A = arith.constant 640 : i32
    %mul3A_0 = arith.muli %arg1, %mul3A : i32
    "tpu.region"() ({
      %run_scoped3A = tpu.sem_alloc : memref<!tpu.dma_semaphore, #tpu.memory_space<semaphore_mem>>
      %dma_start3A = arith.constant 0 : i32
      %dma_start3A_22 = tpu.memref_slice %arg13[%mul3A_0, %dma_start3A] : memref<10240x128xf32, #tpu.memory_space<vmem_shared>> -> memref<640x128xf32, #tpu.memory_space<vmem_shared>>
      tpu.enqueue_dma source(%arg5 : memref<640x128xf32, #tpu.memory_space<hbm>>) target(%dma_start3A_22 : memref<640x128xf32, #tpu.memory_space<vmem_shared>>) target_semaphore(%run_scoped3A : memref<!tpu.dma_semaphore, #tpu.memory_space<semaphore_mem>>)
      %dma_wait3A = arith.constant 0 : i32
      %dma_wait3A_23 = tpu.memref_slice %arg13[%mul3A_0, %dma_wait3A] : memref<10240x128xf32, #tpu.memory_space<vmem_shared>> -> memref<640x128xf32, #tpu.memory_space<vmem_shared>>
      tpu.wait_dma2 semaphore(%run_scoped3A : memref<!tpu.dma_semaphore, #tpu.memory_space<semaphore_mem>>) src(%arg5 : memref<640x128xf32, #tpu.memory_space<hbm>>) dst(%dma_wait3A_23 : memref<640x128xf32, #tpu.memory_space<vmem_shared>>)
      tpu.yield
    }) : () -> ()
    %barrier3A = arith.constant 0 : index
    tpu.barrier barrier_id(%barrier3A)
    %eq3A = arith.constant 0 : i32
    %eq3A_1 = arith.cmpi eq, %arg0, %eq3A : i32
    %mul3A_2 = arith.constant 80 : i32
    %mul3A_3 = arith.muli %arg1, %mul3A_2 : i32
    %mul3A_4 = arith.constant 80 : i32
    %mul3A_5 = arith.muli %arg1, %mul3A_4 : i32
    %add3A = arith.constant 1280 : i32
    %add3A_6 = arith.addi %add3A, %mul3A_5 : i32
    %select_n3A = arith.select %eq3A_1, %mul3A_3, %add3A_6 : i32
    %eq3A_7 = arith.constant 0 : i32
    %eq3A_8 = arith.cmpi eq, %arg0, %eq3A_7 : i32
    %jit3A = arith.constant 5 : i32
    %jit3A_9 = arith.constant 5 : i32
    %select_n3A_10 = arith.select %eq3A_8, %jit3A, %jit3A_9 : i32
    %while3A = arith.constant 0 : i32
    %while3A_11 = arith.subi %select_n3A_10, %while3A : i32
    %while3A_12 = arith.addi %while3A, %while3A_11 : i32
    %while3A_13 = arith.constant 1 : i32
    %while3A_14 = arith.divsi %while3A_11, %while3A_13 : i32
    %while3A_15 = arith.muli %while3A_14, %while3A_13 : i32
    %while3A_16 = arith.addi %while3A, %while3A_15 : i32
    %while3A_17 = arith.constant 1 : i32
    scf.for %while3A_22 = %while3A to %while3A_16 step %while3A_17  : i32 {
      %mul3A_23 = arith.constant 16 : i32
      %mul3A_24 = arith.muli %while3A_22, %mul3A_23 : i32
      %add3A_25 = arith.addi %select_n3A, %mul3A_24 : i32
      %multiple_of3A = tpu.assume_multiple %add3A_25, 8 : i32
      "tpu.region"() ({
        %run_scoped3A_55 = tpu.sem_alloc : memref<!tpu.dma_semaphore, #tpu.memory_space<semaphore_mem>>
        %dma_start3A_56 = arith.constant 0 : i32
        %dma_start3A_57 = tpu.memref_slice %arg3[%multiple_of3A, %dma_start3A_56] : memref<2560x128xi32, #tpu.memory_space<hbm>> -> memref<16x128xi32, #tpu.memory_space<hbm>>
        %dma_start3A_58 = arith.constant 0 : i32
        %dma_start3A_59 = tpu.memref_slice %arg3[%multiple_of3A, %dma_start3A_58] : memref<2560x128xi32, #tpu.memory_space<hbm>> -> memref<16x128xi32, #tpu.memory_space<hbm>>
        tpu.enqueue_dma source(%dma_start3A_59 : memref<16x128xi32, #tpu.memory_space<hbm>>) target(%arg7 : memref<16x128xi32, #tpu.memory_space<vmem>>) target_semaphore(%run_scoped3A_55 : memref<!tpu.dma_semaphore, #tpu.memory_space<semaphore_mem>>)
        %dma_wait3A_60 = arith.constant 0 : i32
        %dma_wait3A_61 = tpu.memref_slice %arg3[%multiple_of3A, %dma_wait3A_60] : memref<2560x128xi32, #tpu.memory_space<hbm>> -> memref<16x128xi32, #tpu.memory_space<hbm>>
        %dma_wait3A_62 = arith.constant 0 : i32
        %dma_wait3A_63 = tpu.memref_slice %arg3[%multiple_of3A, %dma_wait3A_62] : memref<2560x128xi32, #tpu.memory_space<hbm>> -> memref<16x128xi32, #tpu.memory_space<hbm>>
        tpu.wait_dma2 semaphore(%run_scoped3A_55 : memref<!tpu.dma_semaphore, #tpu.memory_space<semaphore_mem>>) src(%dma_wait3A_63 : memref<16x128xi32, #tpu.memory_space<hbm>>) dst(%arg7 : memref<16x128xi32, #tpu.memory_space<vmem>>)
        tpu.yield
      }) : () -> ()
      "tpu.region"() ({
        %run_scoped3A_55 = tpu.sem_alloc : memref<!tpu.dma_semaphore, #tpu.memory_space<semaphore_mem>>
        %dma_start3A_56 = arith.constant 0 : i32
        %dma_start3A_57 = tpu.memref_slice %arg4[%multiple_of3A, %dma_start3A_56] : memref<2560x128xi32, #tpu.memory_space<hbm>> -> memref<16x128xi32, #tpu.memory_space<hbm>>
        %dma_start3A_58 = arith.constant 0 : i32
        %dma_start3A_59 = tpu.memref_slice %arg4[%multiple_of3A, %dma_start3A_58] : memref<2560x128xi32, #tpu.memory_space<hbm>> -> memref<16x128xi32, #tpu.memory_space<hbm>>
        tpu.enqueue_dma source(%dma_start3A_59 : memref<16x128xi32, #tpu.memory_space<hbm>>) target(%arg8 : memref<16x128xi32, #tpu.memory_space<vmem>>) target_semaphore(%run_scoped3A_55 : memref<!tpu.dma_semaphore, #tpu.memory_space<semaphore_mem>>)
        %dma_wait3A_60 = arith.constant 0 : i32
        %dma_wait3A_61 = tpu.memref_slice %arg4[%multiple_of3A, %dma_wait3A_60] : memref<2560x128xi32, #tpu.memory_space<hbm>> -> memref<16x128xi32, #tpu.memory_space<hbm>>
        %dma_wait3A_62 = arith.constant 0 : i32
        %dma_wait3A_63 = tpu.memref_slice %arg4[%multiple_of3A, %dma_wait3A_62] : memref<2560x128xi32, #tpu.memory_space<hbm>> -> memref<16x128xi32, #tpu.memory_space<hbm>>
        tpu.wait_dma2 semaphore(%run_scoped3A_55 : memref<!tpu.dma_semaphore, #tpu.memory_space<semaphore_mem>>) src(%dma_wait3A_63 : memref<16x128xi32, #tpu.memory_space<hbm>>) dst(%arg8 : memref<16x128xi32, #tpu.memory_space<vmem>>)
        tpu.yield
      }) : () -> ()
      %dma_start3A = arith.constant 0 : i32
      %dma_start3A_26 = arith.constant 0 : i32
      %dma_start3A_27 = tpu.memref_slice %arg7[%dma_start3A, %dma_start3A_26] : memref<16x128xi32, #tpu.memory_space<vmem>> -> memref<1x128xi32, #tpu.memory_space<vmem>>
      %dma_start3A_28 = tpu.memref_squeeze %dma_start3A_27 : memref<1x128xi32, #tpu.memory_space<vmem>> -> memref<128xi32, #tpu.memory_space<vmem>>
      %dma_start3A_29 = arith.constant 0 : i32
      %dma_start3A_30 = arith.constant 0 : i32
      %dma_start3A_31 = tpu.memref_slice %arg2[%dma_start3A_29, %dma_start3A_30] : memref<10000x128xf32, #tpu.memory_space<hbm>> -> memref<10000x128xf32, #tpu.memory_space<hbm>>
      tpu.enqueue_indirect_dma source(%dma_start3A_31 : memref<10000x128xf32, #tpu.memory_space<hbm>>) target(%arg9 : memref<128x128xf32, #tpu.memory_space<vmem>>) offsets(%dma_start3A_28 : memref<128xi32, #tpu.memory_space<vmem>>) semaphore(%arg11 : memref<!tpu.dma_semaphore, #tpu.memory_space<semaphore_mem>>)
      %dma_start3A_32 = arith.constant 1 : i32
      %dma_start3A_33 = arith.constant 0 : i32
      %dma_start3A_34 = tpu.memref_slice %arg7[%dma_start3A_32, %dma_start3A_33] : memref<16x128xi32, #tpu.memory_space<vmem>> -> memref<1x128xi32, #tpu.memory_space<vmem>>
      %dma_start3A_35 = tpu.memref_squeeze %dma_start3A_34 : memref<1x128xi32, #tpu.memory_space<vmem>> -> memref<128xi32, #tpu.memory_space<vmem>>
      %dma_start3A_36 = arith.constant 0 : i32
      %dma_start3A_37 = arith.constant 0 : i32
      %dma_start3A_38 = tpu.memref_slice %arg2[%dma_start3A_36, %dma_start3A_37] : memref<10000x128xf32, #tpu.memory_space<hbm>> -> memref<10000x128xf32, #tpu.memory_space<hbm>>
      tpu.enqueue_indirect_dma source(%dma_start3A_38 : memref<10000x128xf32, #tpu.memory_space<hbm>>) target(%arg10 : memref<128x128xf32, #tpu.memory_space<vmem>>) offsets(%dma_start3A_35 : memref<128xi32, #tpu.memory_space<vmem>>) semaphore(%arg12 : memref<!tpu.dma_semaphore, #tpu.memory_space<semaphore_mem>>)
      %scan3A = arith.constant 0 : i32
      %scan3A_39 = arith.constant 7 : i32
      %scan3A_40 = arith.addi %scan3A, %scan3A_39 : i32
      %scan3A_41 = arith.constant 1 : i32
      scf.for %scan3A_55 = %scan3A to %scan3A_40 step %scan3A_41  : i32 {
        %mul3A_56 = arith.constant 2 : i32
        %mul3A_57 = arith.muli %scan3A_55, %mul3A_56 : i32
        %add3A_58 = arith.constant 0 : i32
        %add3A_59 = arith.addi %mul3A_57, %add3A_58 : i32
        %dma_wait3A_60 = arith.constant 0 : i32
        %dma_wait3A_61 = arith.constant 0 : i32
        %dma_wait3A_62 = tpu.memref_slice %arg2[%dma_wait3A_60, %dma_wait3A_61] : memref<10000x128xf32, #tpu.memory_space<hbm>> -> memref<128x128xf32, #tpu.memory_space<hbm>>
        %dma_wait3A_63 = arith.constant 0 : i32
        %dma_wait3A_64 = arith.constant 0 : i32
        %dma_wait3A_65 = tpu.memref_slice %arg2[%dma_wait3A_63, %dma_wait3A_64] : memref<10000x128xf32, #tpu.memory_space<hbm>> -> memref<128x128xf32, #tpu.memory_space<hbm>>
        tpu.wait_dma2 semaphore(%arg11 : memref<!tpu.dma_semaphore, #tpu.memory_space<semaphore_mem>>) src(%dma_wait3A_65 : memref<128x128xf32, #tpu.memory_space<hbm>>) dst(%arg9 : memref<128x128xf32, #tpu.memory_space<vmem>>)
        "tpu.region"() ({
          %run_scoped3A_92 = tpu.sem_alloc : memref<!tpu.dma_semaphore, #tpu.memory_space<semaphore_mem>>
          %dma_start3A_93 = arith.constant 0 : i32
          %dma_start3A_94 = tpu.memref_slice %arg8[%add3A_59, %dma_start3A_93] : memref<16x128xi32, #tpu.memory_space<vmem>> -> memref<1x128xi32, #tpu.memory_space<vmem>>
          %dma_start3A_95 = tpu.memref_squeeze %dma_start3A_94 : memref<1x128xi32, #tpu.memory_space<vmem>> -> memref<128xi32, #tpu.memory_space<vmem>>
          %dma_start3A_96 = arith.constant 0 : i32
          %dma_start3A_97 = arith.constant 0 : i32
          %dma_start3A_98 = tpu.memref_slice %arg13[%dma_start3A_96, %dma_start3A_97] : memref<10240x128xf32, #tpu.memory_space<vmem_shared>> -> memref<10240x128xf32, #tpu.memory_space<vmem_shared>>
          tpu.enqueue_indirect_dma source(%arg9 : memref<128x128xf32, #tpu.memory_space<vmem>>) target(%dma_start3A_98 : memref<10240x128xf32, #tpu.memory_space<vmem_shared>>) offsets(%dma_start3A_95 : memref<128xi32, #tpu.memory_space<vmem>>) semaphore(%run_scoped3A_92 : memref<!tpu.dma_semaphore, #tpu.memory_space<semaphore_mem>>) {add = true}
          %dma_wait3A_99 = arith.constant 0 : i32
          %dma_wait3A_100 = tpu.memref_slice %arg8[%add3A_59, %dma_wait3A_99] : memref<16x128xi32, #tpu.memory_space<vmem>> -> memref<1x128xi32, #tpu.memory_space<vmem>>
          %dma_wait3A_101 = tpu.memref_squeeze %dma_wait3A_100 : memref<1x128xi32, #tpu.memory_space<vmem>> -> memref<128xi32, #tpu.memory_space<vmem>>
          %dma_wait3A_102 = arith.constant 0 : i32
          %dma_wait3A_103 = arith.constant 0 : i32
          %dma_wait3A_104 = tpu.memref_slice %arg13[%dma_wait3A_102, %dma_wait3A_103] : memref<10240x128xf32, #tpu.memory_space<vmem_shared>> -> memref<10240x128xf32, #tpu.memory_space<vmem_shared>>
          tpu.wait_indirect_dma semaphore(%run_scoped3A_92 : memref<!tpu.dma_semaphore, #tpu.memory_space<semaphore_mem>>) src(%arg9 : memref<128x128xf32, #tpu.memory_space<vmem>>) dst(%dma_wait3A_104 : memref<10240x128xf32, #tpu.memory_space<vmem_shared>>)
          tpu.yield
        }) : () -> ()
        %add3A_66 = arith.constant 2 : i32
        %add3A_67 = arith.addi %add3A_59, %add3A_66 : i32
        %dma_start3A_68 = arith.constant 0 : i32
        %dma_start3A_69 = tpu.memref_slice %arg7[%add3A_67, %dma_start3A_68] : memref<16x128xi32, #tpu.memory_space<vmem>> -> memref<1x128xi32, #tpu.memory_space<vmem>>
        %dma_start3A_70 = tpu.memref_squeeze %dma_start3A_69 : memref<1x128xi32, #tpu.memory_space<vmem>> -> memref<128xi32, #tpu.memory_space<vmem>>
        %dma_start3A_71 = arith.constant 0 : i32
        %dma_start3A_72 = arith.constant 0 : i32
        %dma_start3A_73 = tpu.memref_slice %arg2[%dma_start3A_71, %dma_start3A_72] : memref<10000x128xf32, #tpu.memory_space<hbm>> -> memref<10000x128xf32, #tpu.memory_space<hbm>>
        tpu.enqueue_indirect_dma source(%dma_start3A_73 : memref<10000x128xf32, #tpu.memory_space<hbm>>) target(%arg9 : memref<128x128xf32, #tpu.memory_space<vmem>>) offsets(%dma_start3A_70 : memref<128xi32, #tpu.memory_space<vmem>>) semaphore(%arg11 : memref<!tpu.dma_semaphore, #tpu.memory_space<semaphore_mem>>)
        %mul3A_74 = arith.constant 2 : i32
        %mul3A_75 = arith.muli %scan3A_55, %mul3A_74 : i32
        %add3A_76 = arith.constant 1 : i32
        %add3A_77 = arith.addi %mul3A_75, %add3A_76 : i32
        %dma_wait3A_78 = arith.constant 0 : i32
        %dma_wait3A_79 = arith.constant 0 : i32
        %dma_wait3A_80 = tpu.memref_slice %arg2[%dma_wait3A_78, %dma_wait3A_79] : memref<10000x128xf32, #tpu.memory_space<hbm>> -> memref<128x128xf32, #tpu.memory_space<hbm>>
        %dma_wait3A_81 = arith.constant 0 : i32
        %dma_wait3A_82 = arith.constant 0 : i32
        %dma_wait3A_83 = tpu.memref_slice %arg2[%dma_wait3A_81, %dma_wait3A_82] : memref<10000x128xf32, #tpu.memory_space<hbm>> -> memref<128x128xf32, #tpu.memory_space<hbm>>
        tpu.wait_dma2 semaphore(%arg12 : memref<!tpu.dma_semaphore, #tpu.memory_space<semaphore_mem>>) src(%dma_wait3A_83 : memref<128x128xf32, #tpu.memory_space<hbm>>) dst(%arg10 : memref<128x128xf32, #tpu.memory_space<vmem>>)
        "tpu.region"() ({
          %run_scoped3A_92 = tpu.sem_alloc : memref<!tpu.dma_semaphore, #tpu.memory_space<semaphore_mem>>
          %dma_start3A_93 = arith.constant 0 : i32
          %dma_start3A_94 = tpu.memref_slice %arg8[%add3A_77, %dma_start3A_93] : memref<16x128xi32, #tpu.memory_space<vmem>> -> memref<1x128xi32, #tpu.memory_space<vmem>>
          %dma_start3A_95 = tpu.memref_squeeze %dma_start3A_94 : memref<1x128xi32, #tpu.memory_space<vmem>> -> memref<128xi32, #tpu.memory_space<vmem>>
          %dma_start3A_96 = arith.constant 0 : i32
          %dma_start3A_97 = arith.constant 0 : i32
          %dma_start3A_98 = tpu.memref_slice %arg13[%dma_start3A_96, %dma_start3A_97] : memref<10240x128xf32, #tpu.memory_space<vmem_shared>> -> memref<10240x128xf32, #tpu.memory_space<vmem_shared>>
          tpu.enqueue_indirect_dma source(%arg10 : memref<128x128xf32, #tpu.memory_space<vmem>>) target(%dma_start3A_98 : memref<10240x128xf32, #tpu.memory_space<vmem_shared>>) offsets(%dma_start3A_95 : memref<128xi32, #tpu.memory_space<vmem>>) semaphore(%run_scoped3A_92 : memref<!tpu.dma_semaphore, #tpu.memory_space<semaphore_mem>>) {add = true}
          %dma_wait3A_99 = arith.constant 0 : i32
          %dma_wait3A_100 = tpu.memref_slice %arg8[%add3A_77, %dma_wait3A_99] : memref<16x128xi32, #tpu.memory_space<vmem>> -> memref<1x128xi32, #tpu.memory_space<vmem>>
          %dma_wait3A_101 = tpu.memref_squeeze %dma_wait3A_100 : memref<1x128xi32, #tpu.memory_space<vmem>> -> memref<128xi32, #tpu.memory_space<vmem>>
          %dma_wait3A_102 = arith.constant 0 : i32
          %dma_wait3A_103 = arith.constant 0 : i32
          %dma_wait3A_104 = tpu.memref_slice %arg13[%dma_wait3A_102, %dma_wait3A_103] : memref<10240x128xf32, #tpu.memory_space<vmem_shared>> -> memref<10240x128xf32, #tpu.memory_space<vmem_shared>>
          tpu.wait_indirect_dma semaphore(%run_scoped3A_92 : memref<!tpu.dma_semaphore, #tpu.memory_space<semaphore_mem>>) src(%arg10 : memref<128x128xf32, #tpu.memory_space<vmem>>) dst(%dma_wait3A_104 : memref<10240x128xf32, #tpu.memory_space<vmem_shared>>)
          tpu.yield
        }) : () -> ()
        %add3A_84 = arith.constant 2 : i32
        %add3A_85 = arith.addi %add3A_77, %add3A_84 : i32
        %dma_start3A_86 = arith.constant 0 : i32
        %dma_start3A_87 = tpu.memref_slice %arg7[%add3A_85, %dma_start3A_86] : memref<16x128xi32, #tpu.memory_space<vmem>> -> memref<1x128xi32, #tpu.memory_space<vmem>>
        %dma_start3A_88 = tpu.memref_squeeze %dma_start3A_87 : memref<1x128xi32, #tpu.memory_space<vmem>> -> memref<128xi32, #tpu.memory_space<vmem>>
        %dma_start3A_89 = arith.constant 0 : i32
        %dma_start3A_90 = arith.constant 0 : i32
        %dma_start3A_91 = tpu.memref_slice %arg2[%dma_start3A_89, %dma_start3A_90] : memref<10000x128xf32, #tpu.memory_space<hbm>> -> memref<10000x128xf32, #tpu.memory_space<hbm>>
        tpu.enqueue_indirect_dma source(%dma_start3A_91 : memref<10000x128xf32, #tpu.memory_space<hbm>>) target(%arg10 : memref<128x128xf32, #tpu.memory_space<vmem>>) offsets(%dma_start3A_88 : memref<128xi32, #tpu.memory_space<vmem>>) semaphore(%arg12 : memref<!tpu.dma_semaphore, #tpu.memory_space<semaphore_mem>>)
      }
      %scan3A_42 = arith.constant 7 : i32
      %dma_wait3A = arith.constant 0 : i32
      %dma_wait3A_43 = arith.constant 0 : i32
      %dma_wait3A_44 = tpu.memref_slice %arg2[%dma_wait3A, %dma_wait3A_43] : memref<10000x128xf32, #tpu.memory_space<hbm>> -> memref<128x128xf32, #tpu.memory_space<hbm>>
      %dma_wait3A_45 = arith.constant 0 : i32
      %dma_wait3A_46 = arith.constant 0 : i32
      %dma_wait3A_47 = tpu.memref_slice %arg2[%dma_wait3A_45, %dma_wait3A_46] : memref<10000x128xf32, #tpu.memory_space<hbm>> -> memref<128x128xf32, #tpu.memory_space<hbm>>
      tpu.wait_dma2 semaphore(%arg11 : memref<!tpu.dma_semaphore, #tpu.memory_space<semaphore_mem>>) src(%dma_wait3A_47 : memref<128x128xf32, #tpu.memory_space<hbm>>) dst(%arg9 : memref<128x128xf32, #tpu.memory_space<vmem>>)
      %run_scoped3A = arith.constant 14 : i32
      "tpu.region"() ({
        %run_scoped3A_55 = tpu.sem_alloc : memref<!tpu.dma_semaphore, #tpu.memory_space<semaphore_mem>>
        %dma_start3A_56 = arith.constant 0 : i32
        %dma_start3A_57 = tpu.memref_slice %arg8[%run_scoped3A, %dma_start3A_56] : memref<16x128xi32, #tpu.memory_space<vmem>> -> memref<1x128xi32, #tpu.memory_space<vmem>>
        %dma_start3A_58 = tpu.memref_squeeze %dma_start3A_57 : memref<1x128xi32, #tpu.memory_space<vmem>> -> memref<128xi32, #tpu.memory_space<vmem>>
        %dma_start3A_59 = arith.constant 0 : i32
        %dma_start3A_60 = arith.constant 0 : i32
        %dma_start3A_61 = tpu.memref_slice %arg13[%dma_start3A_59, %dma_start3A_60] : memref<10240x128xf32, #tpu.memory_space<vmem_shared>> -> memref<10240x128xf32, #tpu.memory_space<vmem_shared>>
        tpu.enqueue_indirect_dma source(%arg9 : memref<128x128xf32, #tpu.memory_space<vmem>>) target(%dma_start3A_61 : memref<10240x128xf32, #tpu.memory_space<vmem_shared>>) offsets(%dma_start3A_58 : memref<128xi32, #tpu.memory_space<vmem>>) semaphore(%run_scoped3A_55 : memref<!tpu.dma_semaphore, #tpu.memory_space<semaphore_mem>>) {add = true}
        %dma_wait3A_62 = arith.constant 0 : i32
        %dma_wait3A_63 = tpu.memref_slice %arg8[%run_scoped3A, %dma_wait3A_62] : memref<16x128xi32, #tpu.memory_space<vmem>> -> memref<1x128xi32, #tpu.memory_space<vmem>>
        %dma_wait3A_64 = tpu.memref_squeeze %dma_wait3A_63 : memref<1x128xi32, #tpu.memory_space<vmem>> -> memref<128xi32, #tpu.memory_space<vmem>>
        %dma_wait3A_65 = arith.constant 0 : i32
        %dma_wait3A_66 = arith.constant 0 : i32
        %dma_wait3A_67 = tpu.memref_slice %arg13[%dma_wait3A_65, %dma_wait3A_66] : memref<10240x128xf32, #tpu.memory_space<vmem_shared>> -> memref<10240x128xf32, #tpu.memory_space<vmem_shared>>
        tpu.wait_indirect_dma semaphore(%run_scoped3A_55 : memref<!tpu.dma_semaphore, #tpu.memory_space<semaphore_mem>>) src(%arg9 : memref<128x128xf32, #tpu.memory_space<vmem>>) dst(%dma_wait3A_67 : memref<10240x128xf32, #tpu.memory_space<vmem_shared>>)
        tpu.yield
      }) : () -> ()
      %dma_wait3A_48 = arith.constant 0 : i32
      %dma_wait3A_49 = arith.constant 0 : i32
      %dma_wait3A_50 = tpu.memref_slice %arg2[%dma_wait3A_48, %dma_wait3A_49] : memref<10000x128xf32, #tpu.memory_space<hbm>> -> memref<128x128xf32, #tpu.memory_space<hbm>>
      %dma_wait3A_51 = arith.constant 0 : i32
      %dma_wait3A_52 = arith.constant 0 : i32
      %dma_wait3A_53 = tpu.memref_slice %arg2[%dma_wait3A_51, %dma_wait3A_52] : memref<10000x128xf32, #tpu.memory_space<hbm>> -> memref<128x128xf32, #tpu.memory_space<hbm>>
      tpu.wait_dma2 semaphore(%arg12 : memref<!tpu.dma_semaphore, #tpu.memory_space<semaphore_mem>>) src(%dma_wait3A_53 : memref<128x128xf32, #tpu.memory_space<hbm>>) dst(%arg10 : memref<128x128xf32, #tpu.memory_space<vmem>>)
      %run_scoped3A_54 = arith.constant 15 : i32
      "tpu.region"() ({
        %run_scoped3A_55 = tpu.sem_alloc : memref<!tpu.dma_semaphore, #tpu.memory_space<semaphore_mem>>
        %dma_start3A_56 = arith.constant 0 : i32
        %dma_start3A_57 = tpu.memref_slice %arg8[%run_scoped3A_54, %dma_start3A_56] : memref<16x128xi32, #tpu.memory_space<vmem>> -> memref<1x128xi32, #tpu.memory_space<vmem>>
        %dma_start3A_58 = tpu.memref_squeeze %dma_start3A_57 : memref<1x128xi32, #tpu.memory_space<vmem>> -> memref<128xi32, #tpu.memory_space<vmem>>
        %dma_start3A_59 = arith.constant 0 : i32
        %dma_start3A_60 = arith.constant 0 : i32
        %dma_start3A_61 = tpu.memref_slice %arg13[%dma_start3A_59, %dma_start3A_60] : memref<10240x128xf32, #tpu.memory_space<vmem_shared>> -> memref<10240x128xf32, #tpu.memory_space<vmem_shared>>
        tpu.enqueue_indirect_dma source(%arg10 : memref<128x128xf32, #tpu.memory_space<vmem>>) target(%dma_start3A_61 : memref<10240x128xf32, #tpu.memory_space<vmem_shared>>) offsets(%dma_start3A_58 : memref<128xi32, #tpu.memory_space<vmem>>) semaphore(%run_scoped3A_55 : memref<!tpu.dma_semaphore, #tpu.memory_space<semaphore_mem>>) {add = true}
        %dma_wait3A_62 = arith.constant 0 : i32
        %dma_wait3A_63 = tpu.memref_slice %arg8[%run_scoped3A_54, %dma_wait3A_62] : memref<16x128xi32, #tpu.memory_space<vmem>> -> memref<1x128xi32, #tpu.memory_space<vmem>>
        %dma_wait3A_64 = tpu.memref_squeeze %dma_wait3A_63 : memref<1x128xi32, #tpu.memory_space<vmem>> -> memref<128xi32, #tpu.memory_space<vmem>>
        %dma_wait3A_65 = arith.constant 0 : i32
        %dma_wait3A_66 = arith.constant 0 : i32
        %dma_wait3A_67 = tpu.memref_slice %arg13[%dma_wait3A_65, %dma_wait3A_66] : memref<10240x128xf32, #tpu.memory_space<vmem_shared>> -> memref<10240x128xf32, #tpu.memory_space<vmem_shared>>
        tpu.wait_indirect_dma semaphore(%run_scoped3A_55 : memref<!tpu.dma_semaphore, #tpu.memory_space<semaphore_mem>>) src(%arg10 : memref<128x128xf32, #tpu.memory_space<vmem>>) dst(%dma_wait3A_67 : memref<10240x128xf32, #tpu.memory_space<vmem_shared>>)
        tpu.yield
      }) : () -> ()
    }
    %while3A_18 = arith.constant 1 : i32
    scf.for %while3A_22 = %while3A_16 to %while3A_12 step %while3A_18  : i32 {
      %mul3A_23 = arith.constant 16 : i32
      %mul3A_24 = arith.muli %while3A_22, %mul3A_23 : i32
      %add3A_25 = arith.addi %select_n3A, %mul3A_24 : i32
      %multiple_of3A = tpu.assume_multiple %add3A_25, 8 : i32
      "tpu.region"() ({
        %run_scoped3A_55 = tpu.sem_alloc : memref<!tpu.dma_semaphore, #tpu.memory_space<semaphore_mem>>
        %dma_start3A_56 = arith.constant 0 : i32
        %dma_start3A_57 = tpu.memref_slice %arg3[%multiple_of3A, %dma_start3A_56] : memref<2560x128xi32, #tpu.memory_space<hbm>> -> memref<16x128xi32, #tpu.memory_space<hbm>>
        %dma_start3A_58 = arith.constant 0 : i32
        %dma_start3A_59 = tpu.memref_slice %arg3[%multiple_of3A, %dma_start3A_58] : memref<2560x128xi32, #tpu.memory_space<hbm>> -> memref<16x128xi32, #tpu.memory_space<hbm>>
        tpu.enqueue_dma source(%dma_start3A_59 : memref<16x128xi32, #tpu.memory_space<hbm>>) target(%arg7 : memref<16x128xi32, #tpu.memory_space<vmem>>) target_semaphore(%run_scoped3A_55 : memref<!tpu.dma_semaphore, #tpu.memory_space<semaphore_mem>>)
        %dma_wait3A_60 = arith.constant 0 : i32
        %dma_wait3A_61 = tpu.memref_slice %arg3[%multiple_of3A, %dma_wait3A_60] : memref<2560x128xi32, #tpu.memory_space<hbm>> -> memref<16x128xi32, #tpu.memory_space<hbm>>
        %dma_wait3A_62 = arith.constant 0 : i32
        %dma_wait3A_63 = tpu.memref_slice %arg3[%multiple_of3A, %dma_wait3A_62] : memref<2560x128xi32, #tpu.memory_space<hbm>> -> memref<16x128xi32, #tpu.memory_space<hbm>>
        tpu.wait_dma2 semaphore(%run_scoped3A_55 : memref<!tpu.dma_semaphore, #tpu.memory_space<semaphore_mem>>) src(%dma_wait3A_63 : memref<16x128xi32, #tpu.memory_space<hbm>>) dst(%arg7 : memref<16x128xi32, #tpu.memory_space<vmem>>)
        tpu.yield
      }) : () -> ()
      "tpu.region"() ({
        %run_scoped3A_55 = tpu.sem_alloc : memref<!tpu.dma_semaphore, #tpu.memory_space<semaphore_mem>>
        %dma_start3A_56 = arith.constant 0 : i32
        %dma_start3A_57 = tpu.memref_slice %arg4[%multiple_of3A, %dma_start3A_56] : memref<2560x128xi32, #tpu.memory_space<hbm>> -> memref<16x128xi32, #tpu.memory_space<hbm>>
        %dma_start3A_58 = arith.constant 0 : i32
        %dma_start3A_59 = tpu.memref_slice %arg4[%multiple_of3A, %dma_start3A_58] : memref<2560x128xi32, #tpu.memory_space<hbm>> -> memref<16x128xi32, #tpu.memory_space<hbm>>
        tpu.enqueue_dma source(%dma_start3A_59 : memref<16x128xi32, #tpu.memory_space<hbm>>) target(%arg8 : memref<16x128xi32, #tpu.memory_space<vmem>>) target_semaphore(%run_scoped3A_55 : memref<!tpu.dma_semaphore, #tpu.memory_space<semaphore_mem>>)
        %dma_wait3A_60 = arith.constant 0 : i32
        %dma_wait3A_61 = tpu.memref_slice %arg4[%multiple_of3A, %dma_wait3A_60] : memref<2560x128xi32, #tpu.memory_space<hbm>> -> memref<16x128xi32, #tpu.memory_space<hbm>>
        %dma_wait3A_62 = arith.constant 0 : i32
        %dma_wait3A_63 = tpu.memref_slice %arg4[%multiple_of3A, %dma_wait3A_62] : memref<2560x128xi32, #tpu.memory_space<hbm>> -> memref<16x128xi32, #tpu.memory_space<hbm>>
        tpu.wait_dma2 semaphore(%run_scoped3A_55 : memref<!tpu.dma_semaphore, #tpu.memory_space<semaphore_mem>>) src(%dma_wait3A_63 : memref<16x128xi32, #tpu.memory_space<hbm>>) dst(%arg8 : memref<16x128xi32, #tpu.memory_space<vmem>>)
        tpu.yield
      }) : () -> ()
      %dma_start3A = arith.constant 0 : i32
      %dma_start3A_26 = arith.constant 0 : i32
      %dma_start3A_27 = tpu.memref_slice %arg7[%dma_start3A, %dma_start3A_26] : memref<16x128xi32, #tpu.memory_space<vmem>> -> memref<1x128xi32, #tpu.memory_space<vmem>>
      %dma_start3A_28 = tpu.memref_squeeze %dma_start3A_27 : memref<1x128xi32, #tpu.memory_space<vmem>> -> memref<128xi32, #tpu.memory_space<vmem>>
      %dma_start3A_29 = arith.constant 0 : i32
      %dma_start3A_30 = arith.constant 0 : i32
      %dma_start3A_31 = tpu.memref_slice %arg2[%dma_start3A_29, %dma_start3A_30] : memref<10000x128xf32, #tpu.memory_space<hbm>> -> memref<10000x128xf32, #tpu.memory_space<hbm>>
      tpu.enqueue_indirect_dma source(%dma_start3A_31 : memref<10000x128xf32, #tpu.memory_space<hbm>>) target(%arg9 : memref<128x128xf32, #tpu.memory_space<vmem>>) offsets(%dma_start3A_28 : memref<128xi32, #tpu.memory_space<vmem>>) semaphore(%arg11 : memref<!tpu.dma_semaphore, #tpu.memory_space<semaphore_mem>>)
      %dma_start3A_32 = arith.constant 1 : i32
      %dma_start3A_33 = arith.constant 0 : i32
      %dma_start3A_34 = tpu.memref_slice %arg7[%dma_start3A_32, %dma_start3A_33] : memref<16x128xi32, #tpu.memory_space<vmem>> -> memref<1x128xi32, #tpu.memory_space<vmem>>
      %dma_start3A_35 = tpu.memref_squeeze %dma_start3A_34 : memref<1x128xi32, #tpu.memory_space<vmem>> -> memref<128xi32, #tpu.memory_space<vmem>>
      %dma_start3A_36 = arith.constant 0 : i32
      %dma_start3A_37 = arith.constant 0 : i32
      %dma_start3A_38 = tpu.memref_slice %arg2[%dma_start3A_36, %dma_start3A_37] : memref<10000x128xf32, #tpu.memory_space<hbm>> -> memref<10000x128xf32, #tpu.memory_space<hbm>>
      tpu.enqueue_indirect_dma source(%dma_start3A_38 : memref<10000x128xf32, #tpu.memory_space<hbm>>) target(%arg10 : memref<128x128xf32, #tpu.memory_space<vmem>>) offsets(%dma_start3A_35 : memref<128xi32, #tpu.memory_space<vmem>>) semaphore(%arg12 : memref<!tpu.dma_semaphore, #tpu.memory_space<semaphore_mem>>)
      %scan3A = arith.constant 0 : i32
      %scan3A_39 = arith.constant 7 : i32
      %scan3A_40 = arith.addi %scan3A, %scan3A_39 : i32
      %scan3A_41 = arith.constant 1 : i32
      scf.for %scan3A_55 = %scan3A to %scan3A_40 step %scan3A_41  : i32 {
        %mul3A_56 = arith.constant 2 : i32
        %mul3A_57 = arith.muli %scan3A_55, %mul3A_56 : i32
        %add3A_58 = arith.constant 0 : i32
        %add3A_59 = arith.addi %mul3A_57, %add3A_58 : i32
        %dma_wait3A_60 = arith.constant 0 : i32
        %dma_wait3A_61 = arith.constant 0 : i32
        %dma_wait3A_62 = tpu.memref_slice %arg2[%dma_wait3A_60, %dma_wait3A_61] : memref<10000x128xf32, #tpu.memory_space<hbm>> -> memref<128x128xf32, #tpu.memory_space<hbm>>
        %dma_wait3A_63 = arith.constant 0 : i32
        %dma_wait3A_64 = arith.constant 0 : i32
        %dma_wait3A_65 = tpu.memref_slice %arg2[%dma_wait3A_63, %dma_wait3A_64] : memref<10000x128xf32, #tpu.memory_space<hbm>> -> memref<128x128xf32, #tpu.memory_space<hbm>>
        tpu.wait_dma2 semaphore(%arg11 : memref<!tpu.dma_semaphore, #tpu.memory_space<semaphore_mem>>) src(%dma_wait3A_65 : memref<128x128xf32, #tpu.memory_space<hbm>>) dst(%arg9 : memref<128x128xf32, #tpu.memory_space<vmem>>)
        "tpu.region"() ({
          %run_scoped3A_92 = tpu.sem_alloc : memref<!tpu.dma_semaphore, #tpu.memory_space<semaphore_mem>>
          %dma_start3A_93 = arith.constant 0 : i32
          %dma_start3A_94 = tpu.memref_slice %arg8[%add3A_59, %dma_start3A_93] : memref<16x128xi32, #tpu.memory_space<vmem>> -> memref<1x128xi32, #tpu.memory_space<vmem>>
          %dma_start3A_95 = tpu.memref_squeeze %dma_start3A_94 : memref<1x128xi32, #tpu.memory_space<vmem>> -> memref<128xi32, #tpu.memory_space<vmem>>
          %dma_start3A_96 = arith.constant 0 : i32
          %dma_start3A_97 = arith.constant 0 : i32
          %dma_start3A_98 = tpu.memref_slice %arg13[%dma_start3A_96, %dma_start3A_97] : memref<10240x128xf32, #tpu.memory_space<vmem_shared>> -> memref<10240x128xf32, #tpu.memory_space<vmem_shared>>
          tpu.enqueue_indirect_dma source(%arg9 : memref<128x128xf32, #tpu.memory_space<vmem>>) target(%dma_start3A_98 : memref<10240x128xf32, #tpu.memory_space<vmem_shared>>) offsets(%dma_start3A_95 : memref<128xi32, #tpu.memory_space<vmem>>) semaphore(%run_scoped3A_92 : memref<!tpu.dma_semaphore, #tpu.memory_space<semaphore_mem>>) {add = true}
          %dma_wait3A_99 = arith.constant 0 : i32
          %dma_wait3A_100 = tpu.memref_slice %arg8[%add3A_59, %dma_wait3A_99] : memref<16x128xi32, #tpu.memory_space<vmem>> -> memref<1x128xi32, #tpu.memory_space<vmem>>
          %dma_wait3A_101 = tpu.memref_squeeze %dma_wait3A_100 : memref<1x128xi32, #tpu.memory_space<vmem>> -> memref<128xi32, #tpu.memory_space<vmem>>
          %dma_wait3A_102 = arith.constant 0 : i32
          %dma_wait3A_103 = arith.constant 0 : i32
          %dma_wait3A_104 = tpu.memref_slice %arg13[%dma_wait3A_102, %dma_wait3A_103] : memref<10240x128xf32, #tpu.memory_space<vmem_shared>> -> memref<10240x128xf32, #tpu.memory_space<vmem_shared>>
          tpu.wait_indirect_dma semaphore(%run_scoped3A_92 : memref<!tpu.dma_semaphore, #tpu.memory_space<semaphore_mem>>) src(%arg9 : memref<128x128xf32, #tpu.memory_space<vmem>>) dst(%dma_wait3A_104 : memref<10240x128xf32, #tpu.memory_space<vmem_shared>>)
          tpu.yield
        }) : () -> ()
        %add3A_66 = arith.constant 2 : i32
        %add3A_67 = arith.addi %add3A_59, %add3A_66 : i32
        %dma_start3A_68 = arith.constant 0 : i32
        %dma_start3A_69 = tpu.memref_slice %arg7[%add3A_67, %dma_start3A_68] : memref<16x128xi32, #tpu.memory_space<vmem>> -> memref<1x128xi32, #tpu.memory_space<vmem>>
        %dma_start3A_70 = tpu.memref_squeeze %dma_start3A_69 : memref<1x128xi32, #tpu.memory_space<vmem>> -> memref<128xi32, #tpu.memory_space<vmem>>
        %dma_start3A_71 = arith.constant 0 : i32
        %dma_start3A_72 = arith.constant 0 : i32
        %dma_start3A_73 = tpu.memref_slice %arg2[%dma_start3A_71, %dma_start3A_72] : memref<10000x128xf32, #tpu.memory_space<hbm>> -> memref<10000x128xf32, #tpu.memory_space<hbm>>
        tpu.enqueue_indirect_dma source(%dma_start3A_73 : memref<10000x128xf32, #tpu.memory_space<hbm>>) target(%arg9 : memref<128x128xf32, #tpu.memory_space<vmem>>) offsets(%dma_start3A_70 : memref<128xi32, #tpu.memory_space<vmem>>) semaphore(%arg11 : memref<!tpu.dma_semaphore, #tpu.memory_space<semaphore_mem>>)
        %mul3A_74 = arith.constant 2 : i32
        %mul3A_75 = arith.muli %scan3A_55, %mul3A_74 : i32
        %add3A_76 = arith.constant 1 : i32
        %add3A_77 = arith.addi %mul3A_75, %add3A_76 : i32
        %dma_wait3A_78 = arith.constant 0 : i32
        %dma_wait3A_79 = arith.constant 0 : i32
        %dma_wait3A_80 = tpu.memref_slice %arg2[%dma_wait3A_78, %dma_wait3A_79] : memref<10000x128xf32, #tpu.memory_space<hbm>> -> memref<128x128xf32, #tpu.memory_space<hbm>>
        %dma_wait3A_81 = arith.constant 0 : i32
        %dma_wait3A_82 = arith.constant 0 : i32
        %dma_wait3A_83 = tpu.memref_slice %arg2[%dma_wait3A_81, %dma_wait3A_82] : memref<10000x128xf32, #tpu.memory_space<hbm>> -> memref<128x128xf32, #tpu.memory_space<hbm>>
        tpu.wait_dma2 semaphore(%arg12 : memref<!tpu.dma_semaphore, #tpu.memory_space<semaphore_mem>>) src(%dma_wait3A_83 : memref<128x128xf32, #tpu.memory_space<hbm>>) dst(%arg10 : memref<128x128xf32, #tpu.memory_space<vmem>>)
        "tpu.region"() ({
          %run_scoped3A_92 = tpu.sem_alloc : memref<!tpu.dma_semaphore, #tpu.memory_space<semaphore_mem>>
          %dma_start3A_93 = arith.constant 0 : i32
          %dma_start3A_94 = tpu.memref_slice %arg8[%add3A_77, %dma_start3A_93] : memref<16x128xi32, #tpu.memory_space<vmem>> -> memref<1x128xi32, #tpu.memory_space<vmem>>
          %dma_start3A_95 = tpu.memref_squeeze %dma_start3A_94 : memref<1x128xi32, #tpu.memory_space<vmem>> -> memref<128xi32, #tpu.memory_space<vmem>>
          %dma_start3A_96 = arith.constant 0 : i32
          %dma_start3A_97 = arith.constant 0 : i32
          %dma_start3A_98 = tpu.memref_slice %arg13[%dma_start3A_96, %dma_start3A_97] : memref<10240x128xf32, #tpu.memory_space<vmem_shared>> -> memref<10240x128xf32, #tpu.memory_space<vmem_shared>>
          tpu.enqueue_indirect_dma source(%arg10 : memref<128x128xf32, #tpu.memory_space<vmem>>) target(%dma_start3A_98 : memref<10240x128xf32, #tpu.memory_space<vmem_shared>>) offsets(%dma_start3A_95 : memref<128xi32, #tpu.memory_space<vmem>>) semaphore(%run_scoped3A_92 : memref<!tpu.dma_semaphore, #tpu.memory_space<semaphore_mem>>) {add = true}
          %dma_wait3A_99 = arith.constant 0 : i32
          %dma_wait3A_100 = tpu.memref_slice %arg8[%add3A_77, %dma_wait3A_99] : memref<16x128xi32, #tpu.memory_space<vmem>> -> memref<1x128xi32, #tpu.memory_space<vmem>>
          %dma_wait3A_101 = tpu.memref_squeeze %dma_wait3A_100 : memref<1x128xi32, #tpu.memory_space<vmem>> -> memref<128xi32, #tpu.memory_space<vmem>>
          %dma_wait3A_102 = arith.constant 0 : i32
          %dma_wait3A_103 = arith.constant 0 : i32
          %dma_wait3A_104 = tpu.memref_slice %arg13[%dma_wait3A_102, %dma_wait3A_103] : memref<10240x128xf32, #tpu.memory_space<vmem_shared>> -> memref<10240x128xf32, #tpu.memory_space<vmem_shared>>
          tpu.wait_indirect_dma semaphore(%run_scoped3A_92 : memref<!tpu.dma_semaphore, #tpu.memory_space<semaphore_mem>>) src(%arg10 : memref<128x128xf32, #tpu.memory_space<vmem>>) dst(%dma_wait3A_104 : memref<10240x128xf32, #tpu.memory_space<vmem_shared>>)
          tpu.yield
        }) : () -> ()
        %add3A_84 = arith.constant 2 : i32
        %add3A_85 = arith.addi %add3A_77, %add3A_84 : i32
        %dma_start3A_86 = arith.constant 0 : i32
        %dma_start3A_87 = tpu.memref_slice %arg7[%add3A_85, %dma_start3A_86] : memref<16x128xi32, #tpu.memory_space<vmem>> -> memref<1x128xi32, #tpu.memory_space<vmem>>
        %dma_start3A_88 = tpu.memref_squeeze %dma_start3A_87 : memref<1x128xi32, #tpu.memory_space<vmem>> -> memref<128xi32, #tpu.memory_space<vmem>>
        %dma_start3A_89 = arith.constant 0 : i32
        %dma_start3A_90 = arith.constant 0 : i32
        %dma_start3A_91 = tpu.memref_slice %arg2[%dma_start3A_89, %dma_start3A_90] : memref<10000x128xf32, #tpu.memory_space<hbm>> -> memref<10000x128xf32, #tpu.memory_space<hbm>>
        tpu.enqueue_indirect_dma source(%dma_start3A_91 : memref<10000x128xf32, #tpu.memory_space<hbm>>) target(%arg10 : memref<128x128xf32, #tpu.memory_space<vmem>>) offsets(%dma_start3A_88 : memref<128xi32, #tpu.memory_space<vmem>>) semaphore(%arg12 : memref<!tpu.dma_semaphore, #tpu.memory_space<semaphore_mem>>)
      }
      %scan3A_42 = arith.constant 7 : i32
      %dma_wait3A = arith.constant 0 : i32
      %dma_wait3A_43 = arith.constant 0 : i32
      %dma_wait3A_44 = tpu.memref_slice %arg2[%dma_wait3A, %dma_wait3A_43] : memref<10000x128xf32, #tpu.memory_space<hbm>> -> memref<128x128xf32, #tpu.memory_space<hbm>>
      %dma_wait3A_45 = arith.constant 0 : i32
      %dma_wait3A_46 = arith.constant 0 : i32
      %dma_wait3A_47 = tpu.memref_slice %arg2[%dma_wait3A_45, %dma_wait3A_46] : memref<10000x128xf32, #tpu.memory_space<hbm>> -> memref<128x128xf32, #tpu.memory_space<hbm>>
      tpu.wait_dma2 semaphore(%arg11 : memref<!tpu.dma_semaphore, #tpu.memory_space<semaphore_mem>>) src(%dma_wait3A_47 : memref<128x128xf32, #tpu.memory_space<hbm>>) dst(%arg9 : memref<128x128xf32, #tpu.memory_space<vmem>>)
      %run_scoped3A = arith.constant 14 : i32
      "tpu.region"() ({
        %run_scoped3A_55 = tpu.sem_alloc : memref<!tpu.dma_semaphore, #tpu.memory_space<semaphore_mem>>
        %dma_start3A_56 = arith.constant 0 : i32
        %dma_start3A_57 = tpu.memref_slice %arg8[%run_scoped3A, %dma_start3A_56] : memref<16x128xi32, #tpu.memory_space<vmem>> -> memref<1x128xi32, #tpu.memory_space<vmem>>
        %dma_start3A_58 = tpu.memref_squeeze %dma_start3A_57 : memref<1x128xi32, #tpu.memory_space<vmem>> -> memref<128xi32, #tpu.memory_space<vmem>>
        %dma_start3A_59 = arith.constant 0 : i32
        %dma_start3A_60 = arith.constant 0 : i32
        %dma_start3A_61 = tpu.memref_slice %arg13[%dma_start3A_59, %dma_start3A_60] : memref<10240x128xf32, #tpu.memory_space<vmem_shared>> -> memref<10240x128xf32, #tpu.memory_space<vmem_shared>>
        tpu.enqueue_indirect_dma source(%arg9 : memref<128x128xf32, #tpu.memory_space<vmem>>) target(%dma_start3A_61 : memref<10240x128xf32, #tpu.memory_space<vmem_shared>>) offsets(%dma_start3A_58 : memref<128xi32, #tpu.memory_space<vmem>>) semaphore(%run_scoped3A_55 : memref<!tpu.dma_semaphore, #tpu.memory_space<semaphore_mem>>) {add = true}
        %dma_wait3A_62 = arith.constant 0 : i32
        %dma_wait3A_63 = tpu.memref_slice %arg8[%run_scoped3A, %dma_wait3A_62] : memref<16x128xi32, #tpu.memory_space<vmem>> -> memref<1x128xi32, #tpu.memory_space<vmem>>
        %dma_wait3A_64 = tpu.memref_squeeze %dma_wait3A_63 : memref<1x128xi32, #tpu.memory_space<vmem>> -> memref<128xi32, #tpu.memory_space<vmem>>
        %dma_wait3A_65 = arith.constant 0 : i32
        %dma_wait3A_66 = arith.constant 0 : i32
        %dma_wait3A_67 = tpu.memref_slice %arg13[%dma_wait3A_65, %dma_wait3A_66] : memref<10240x128xf32, #tpu.memory_space<vmem_shared>> -> memref<10240x128xf32, #tpu.memory_space<vmem_shared>>
        tpu.wait_indirect_dma semaphore(%run_scoped3A_55 : memref<!tpu.dma_semaphore, #tpu.memory_space<semaphore_mem>>) src(%arg9 : memref<128x128xf32, #tpu.memory_space<vmem>>) dst(%dma_wait3A_67 : memref<10240x128xf32, #tpu.memory_space<vmem_shared>>)
        tpu.yield
      }) : () -> ()
      %dma_wait3A_48 = arith.constant 0 : i32
      %dma_wait3A_49 = arith.constant 0 : i32
      %dma_wait3A_50 = tpu.memref_slice %arg2[%dma_wait3A_48, %dma_wait3A_49] : memref<10000x128xf32, #tpu.memory_space<hbm>> -> memref<128x128xf32, #tpu.memory_space<hbm>>
      %dma_wait3A_51 = arith.constant 0 : i32
      %dma_wait3A_52 = arith.constant 0 : i32
      %dma_wait3A_53 = tpu.memref_slice %arg2[%dma_wait3A_51, %dma_wait3A_52] : memref<10000x128xf32, #tpu.memory_space<hbm>> -> memref<128x128xf32, #tpu.memory_space<hbm>>
      tpu.wait_dma2 semaphore(%arg12 : memref<!tpu.dma_semaphore, #tpu.memory_space<semaphore_mem>>) src(%dma_wait3A_53 : memref<128x128xf32, #tpu.memory_space<hbm>>) dst(%arg10 : memref<128x128xf32, #tpu.memory_space<vmem>>)
      %run_scoped3A_54 = arith.constant 15 : i32
      "tpu.region"() ({
        %run_scoped3A_55 = tpu.sem_alloc : memref<!tpu.dma_semaphore, #tpu.memory_space<semaphore_mem>>
        %dma_start3A_56 = arith.constant 0 : i32
        %dma_start3A_57 = tpu.memref_slice %arg8[%run_scoped3A_54, %dma_start3A_56] : memref<16x128xi32, #tpu.memory_space<vmem>> -> memref<1x128xi32, #tpu.memory_space<vmem>>
        %dma_start3A_58 = tpu.memref_squeeze %dma_start3A_57 : memref<1x128xi32, #tpu.memory_space<vmem>> -> memref<128xi32, #tpu.memory_space<vmem>>
        %dma_start3A_59 = arith.constant 0 : i32
        %dma_start3A_60 = arith.constant 0 : i32
        %dma_start3A_61 = tpu.memref_slice %arg13[%dma_start3A_59, %dma_start3A_60] : memref<10240x128xf32, #tpu.memory_space<vmem_shared>> -> memref<10240x128xf32, #tpu.memory_space<vmem_shared>>
        tpu.enqueue_indirect_dma source(%arg10 : memref<128x128xf32, #tpu.memory_space<vmem>>) target(%dma_start3A_61 : memref<10240x128xf32, #tpu.memory_space<vmem_shared>>) offsets(%dma_start3A_58 : memref<128xi32, #tpu.memory_space<vmem>>) semaphore(%run_scoped3A_55 : memref<!tpu.dma_semaphore, #tpu.memory_space<semaphore_mem>>) {add = true}
        %dma_wait3A_62 = arith.constant 0 : i32
        %dma_wait3A_63 = tpu.memref_slice %arg8[%run_scoped3A_54, %dma_wait3A_62] : memref<16x128xi32, #tpu.memory_space<vmem>> -> memref<1x128xi32, #tpu.memory_space<vmem>>
        %dma_wait3A_64 = tpu.memref_squeeze %dma_wait3A_63 : memref<1x128xi32, #tpu.memory_space<vmem>> -> memref<128xi32, #tpu.memory_space<vmem>>
        %dma_wait3A_65 = arith.constant 0 : i32
        %dma_wait3A_66 = arith.constant 0 : i32
        %dma_wait3A_67 = tpu.memref_slice %arg13[%dma_wait3A_65, %dma_wait3A_66] : memref<10240x128xf32, #tpu.memory_space<vmem_shared>> -> memref<10240x128xf32, #tpu.memory_space<vmem_shared>>
        tpu.wait_indirect_dma semaphore(%run_scoped3A_55 : memref<!tpu.dma_semaphore, #tpu.memory_space<semaphore_mem>>) src(%arg10 : memref<128x128xf32, #tpu.memory_space<vmem>>) dst(%dma_wait3A_67 : memref<10240x128xf32, #tpu.memory_space<vmem_shared>>)
        tpu.yield
      }) : () -> ()
    }
    %barrier3A_19 = arith.constant 0 : index
    tpu.barrier barrier_id(%barrier3A_19)
    %mul3A_20 = arith.constant 625 : i32
    %mul3A_21 = arith.muli %arg1, %mul3A_20 : i32
    "tpu.region"() ({
      %run_scoped3A = tpu.sem_alloc : memref<!tpu.dma_semaphore, #tpu.memory_space<semaphore_mem>>
      %dma_start3A = arith.constant 0 : i32
      %dma_start3A_22 = arith.constant 0 : i32
      %dma_start3A_23 = tpu.memref_slice %arg6[%arg0, %arg1, %dma_start3A, %dma_start3A_22] : memref<2x16x625x128xf32, #tpu.memory_space<hbm>> -> memref<1x1x625x128xf32, #tpu.memory_space<hbm>>
      %dma_start3A_24 = tpu.memref_squeeze %dma_start3A_23 : memref<1x1x625x128xf32, #tpu.memory_space<hbm>> -> memref<625x128xf32, #tpu.memory_space<hbm>>
      %dma_start3A_25 = arith.constant 0 : i32
      %dma_start3A_26 = tpu.memref_slice %arg13[%mul3A_21, %dma_start3A_25] : memref<10240x128xf32, #tpu.memory_space<vmem_shared>> -> memref<625x128xf32, #tpu.memory_space<vmem_shared>>
      tpu.enqueue_dma source(%dma_start3A_26 : memref<625x128xf32, #tpu.memory_space<vmem_shared>>) target(%dma_start3A_24 : memref<625x128xf32, #tpu.memory_space<hbm>>) target_semaphore(%run_scoped3A : memref<!tpu.dma_semaphore, #tpu.memory_space<semaphore_mem>>)
      %dma_wait3A = arith.constant 0 : i32
      %dma_wait3A_27 = arith.constant 0 : i32
      %dma_wait3A_28 = tpu.memref_slice %arg6[%arg0, %arg1, %dma_wait3A, %dma_wait3A_27] : memref<2x16x625x128xf32, #tpu.memory_space<hbm>> -> memref<1x1x625x128xf32, #tpu.memory_space<hbm>>
      %dma_wait3A_29 = tpu.memref_squeeze %dma_wait3A_28 : memref<1x1x625x128xf32, #tpu.memory_space<hbm>> -> memref<625x128xf32, #tpu.memory_space<hbm>>
      %dma_wait3A_30 = arith.constant 0 : i32
      %dma_wait3A_31 = tpu.memref_slice %arg13[%mul3A_21, %dma_wait3A_30] : memref<10240x128xf32, #tpu.memory_space<vmem_shared>> -> memref<625x128xf32, #tpu.memory_space<vmem_shared>>
      tpu.wait_dma2 semaphore(%run_scoped3A : memref<!tpu.dma_semaphore, #tpu.memory_space<semaphore_mem>>) src(%dma_wait3A_31 : memref<625x128xf32, #tpu.memory_space<vmem_shared>>) dst(%dma_wait3A_29 : memref<625x128xf32, #tpu.memory_space<hbm>>)
      tpu.yield
    }) : () -> ()
    return
  }
}

#map = affine_map<(d0, d1) -> (0)>
#map1 = affine_map<(d0, d1) -> (0, 0)>
#map2 = affine_map<(d0, d1) -> (0, 0, 0)>
module attributes {stable_mosaic.version = 14 : i64} {
  func.func @_sc_edge_logits(%arg0: i32, %arg1: i32, %arg2: memref<10016xf32, #tpu.memory_space<hbm>>, %arg3: memref<10016xf32, #tpu.memory_space<hbm>>, %arg4: memref<2560x128xi32, #tpu.memory_space<hbm>>, %arg5: memref<2560x128xi32, #tpu.memory_space<hbm>>, %arg6: memref<32x80x128xf32, #tpu.memory_space<hbm>>, %arg7: memref<10016xf32, #tpu.memory_space<vmem>>, %arg8: memref<10016xf32, #tpu.memory_space<vmem>>, %arg9: memref<80x128xi32, #tpu.memory_space<vmem>>, %arg10: memref<80x128xi32, #tpu.memory_space<vmem>>, %arg11: memref<80x128xf32, #tpu.memory_space<vmem>>) attributes {dimension_semantics = [#tpu.dimension_semantics<core_parallel>, #tpu.dimension_semantics<subcore_parallel>], iteration_bounds = array<i64: 2, 16>, scalar_prefetch = 0 : i64, scratch_operands = 5 : i64, tpu.core_type = #tpu.core_type<sc_vector_subcore>, window_params = [{transform_indices = #map}, {transform_indices = #map}, {transform_indices = #map1}, {transform_indices = #map1}, {transform_indices = #map2}]} {
    %mul3A = arith.constant 16 : i32
    %mul3A_0 = arith.muli %arg0, %mul3A : i32
    %add3A = arith.addi %mul3A_0, %arg1 : i32
    %mul3A_1 = arith.constant 80 : i32
    %mul3A_2 = arith.muli %add3A, %mul3A_1 : i32
    %sub3A = arith.constant 2500 : i32
    %sub3A_3 = arith.subi %sub3A, %mul3A_2 : i32
    %max3A = arith.constant 0 : i32
    %max3A_4 = arith.maxsi %max3A, %sub3A_3 : i32
    %min3A = arith.constant 80 : i32
    %min3A_5 = arith.minsi %min3A, %max3A_4 : i32
    "tpu.region"() ({
      %run_scoped3A = tpu.sem_alloc : memref<!tpu.dma_semaphore, #tpu.memory_space<semaphore_mem>>
      tpu.enqueue_dma source(%arg2 : memref<10016xf32, #tpu.memory_space<hbm>>) target(%arg7 : memref<10016xf32, #tpu.memory_space<vmem>>) target_semaphore(%run_scoped3A : memref<!tpu.dma_semaphore, #tpu.memory_space<semaphore_mem>>)
      tpu.wait_dma2 semaphore(%run_scoped3A : memref<!tpu.dma_semaphore, #tpu.memory_space<semaphore_mem>>) src(%arg2 : memref<10016xf32, #tpu.memory_space<hbm>>) dst(%arg7 : memref<10016xf32, #tpu.memory_space<vmem>>)
      tpu.yield
    }) : () -> ()
    "tpu.region"() ({
      %run_scoped3A = tpu.sem_alloc : memref<!tpu.dma_semaphore, #tpu.memory_space<semaphore_mem>>
      tpu.enqueue_dma source(%arg3 : memref<10016xf32, #tpu.memory_space<hbm>>) target(%arg8 : memref<10016xf32, #tpu.memory_space<vmem>>) target_semaphore(%run_scoped3A : memref<!tpu.dma_semaphore, #tpu.memory_space<semaphore_mem>>)
      tpu.wait_dma2 semaphore(%run_scoped3A : memref<!tpu.dma_semaphore, #tpu.memory_space<semaphore_mem>>) src(%arg3 : memref<10016xf32, #tpu.memory_space<hbm>>) dst(%arg8 : memref<10016xf32, #tpu.memory_space<vmem>>)
      tpu.yield
    }) : () -> ()
    %mul3A_6 = arith.constant 80 : i32
    %mul3A_7 = arith.muli %add3A, %mul3A_6 : i32
    "tpu.region"() ({
      %run_scoped3A = tpu.sem_alloc : memref<!tpu.dma_semaphore, #tpu.memory_space<semaphore_mem>>
      %dma_start3A = arith.constant 0 : i32
      %dma_start3A_18 = tpu.memref_slice %arg4[%mul3A_7, %dma_start3A] : memref<2560x128xi32, #tpu.memory_space<hbm>> -> memref<80x128xi32, #tpu.memory_space<hbm>>
      %dma_start3A_19 = arith.constant 0 : i32
      %dma_start3A_20 = tpu.memref_slice %arg4[%mul3A_7, %dma_start3A_19] : memref<2560x128xi32, #tpu.memory_space<hbm>> -> memref<80x128xi32, #tpu.memory_space<hbm>>
      tpu.enqueue_dma source(%dma_start3A_20 : memref<80x128xi32, #tpu.memory_space<hbm>>) target(%arg9 : memref<80x128xi32, #tpu.memory_space<vmem>>) target_semaphore(%run_scoped3A : memref<!tpu.dma_semaphore, #tpu.memory_space<semaphore_mem>>)
      %dma_wait3A = arith.constant 0 : i32
      %dma_wait3A_21 = tpu.memref_slice %arg4[%mul3A_7, %dma_wait3A] : memref<2560x128xi32, #tpu.memory_space<hbm>> -> memref<80x128xi32, #tpu.memory_space<hbm>>
      %dma_wait3A_22 = arith.constant 0 : i32
      %dma_wait3A_23 = tpu.memref_slice %arg4[%mul3A_7, %dma_wait3A_22] : memref<2560x128xi32, #tpu.memory_space<hbm>> -> memref<80x128xi32, #tpu.memory_space<hbm>>
      tpu.wait_dma2 semaphore(%run_scoped3A : memref<!tpu.dma_semaphore, #tpu.memory_space<semaphore_mem>>) src(%dma_wait3A_23 : memref<80x128xi32, #tpu.memory_space<hbm>>) dst(%arg9 : memref<80x128xi32, #tpu.memory_space<vmem>>)
      tpu.yield
    }) : () -> ()
    %mul3A_8 = arith.constant 80 : i32
    %mul3A_9 = arith.muli %add3A, %mul3A_8 : i32
    "tpu.region"() ({
      %run_scoped3A = tpu.sem_alloc : memref<!tpu.dma_semaphore, #tpu.memory_space<semaphore_mem>>
      %dma_start3A = arith.constant 0 : i32
      %dma_start3A_18 = tpu.memref_slice %arg5[%mul3A_9, %dma_start3A] : memref<2560x128xi32, #tpu.memory_space<hbm>> -> memref<80x128xi32, #tpu.memory_space<hbm>>
      %dma_start3A_19 = arith.constant 0 : i32
      %dma_start3A_20 = tpu.memref_slice %arg5[%mul3A_9, %dma_start3A_19] : memref<2560x128xi32, #tpu.memory_space<hbm>> -> memref<80x128xi32, #tpu.memory_space<hbm>>
      tpu.enqueue_dma source(%dma_start3A_20 : memref<80x128xi32, #tpu.memory_space<hbm>>) target(%arg10 : memref<80x128xi32, #tpu.memory_space<vmem>>) target_semaphore(%run_scoped3A : memref<!tpu.dma_semaphore, #tpu.memory_space<semaphore_mem>>)
      %dma_wait3A = arith.constant 0 : i32
      %dma_wait3A_21 = tpu.memref_slice %arg5[%mul3A_9, %dma_wait3A] : memref<2560x128xi32, #tpu.memory_space<hbm>> -> memref<80x128xi32, #tpu.memory_space<hbm>>
      %dma_wait3A_22 = arith.constant 0 : i32
      %dma_wait3A_23 = tpu.memref_slice %arg5[%mul3A_9, %dma_wait3A_22] : memref<2560x128xi32, #tpu.memory_space<hbm>> -> memref<80x128xi32, #tpu.memory_space<hbm>>
      tpu.wait_dma2 semaphore(%run_scoped3A : memref<!tpu.dma_semaphore, #tpu.memory_space<semaphore_mem>>) src(%dma_wait3A_23 : memref<80x128xi32, #tpu.memory_space<hbm>>) dst(%arg10 : memref<80x128xi32, #tpu.memory_space<vmem>>)
      tpu.yield
    }) : () -> ()
    %while3A = arith.constant 0 : i32
    %while3A_10 = arith.subi %min3A_5, %while3A : i32
    %while3A_11 = arith.addi %while3A, %while3A_10 : i32
    %while3A_12 = arith.constant 1 : i32
    %while3A_13 = arith.divsi %while3A_10, %while3A_12 : i32
    %while3A_14 = arith.muli %while3A_13, %while3A_12 : i32
    %while3A_15 = arith.addi %while3A, %while3A_14 : i32
    %while3A_16 = arith.constant 1 : i32
    scf.for %while3A_18 = %while3A to %while3A_15 step %while3A_16  : i32 {
      %get3A = arith.index_cast %while3A_18 : i32 to index
      %get3A_19 = arith.constant 0 : index
      %get3A_20 = tpu.vector_load %arg9[%get3A, %get3A_19] {strides = array<i32>} : memref<80x128xi32, #tpu.memory_space<vmem>>, vector<16xi32>,
      %get3A_21 = arith.index_cast %while3A_18 : i32 to index
      %get3A_22 = arith.constant 0 : index
      %get3A_23 = tpu.vector_load %arg10[%get3A_21, %get3A_22] {strides = array<i32>} : memref<80x128xi32, #tpu.memory_space<vmem>>, vector<16xi32>,
      %gather3A = tpu.vector_load_idx %arg7[%get3A_20] : memref<10016xf32, #tpu.memory_space<vmem>>[vector<16xi32>], vector<16xf32>,
      %gather3A_24 = tpu.vector_load_idx %arg8[%get3A_23] : memref<10016xf32, #tpu.memory_space<vmem>>[vector<16xi32>], vector<16xf32>,
      %add3A_25 = arith.addf %gather3A, %gather3A_24 : vector<16xf32>
      %neg3A = arith.constant 0.000000e+00 : f32
      %neg3A_26 = vector.broadcast %neg3A : f32 to vector<16xf32>
      %neg3A_27 = arith.subf %neg3A_26, %add3A_25 : vector<16xf32>
      %exp3A = math.exp %neg3A_27 : vector<16xf32>
      %add3A_28 = arith.constant 1.000000e+00 : f32
      %add3A_29 = vector.broadcast %add3A_28 : f32 to vector<16xf32>
      %add3A_30 = arith.addf %add3A_29, %exp3A : vector<16xf32>
      %div3A = arith.constant 1.000000e+00 : f32
      %div3A_31 = vector.broadcast %div3A : f32 to vector<16xf32>
      %div3A_32 = arith.divf %div3A_31, %add3A_30 : vector<16xf32>
      %swap3A = arith.index_cast %while3A_18 : i32 to index
      %swap3A_33 = arith.constant 0 : index
      %swap3A_34 = tpu.vector_load %arg11[%swap3A, %swap3A_33] {strides = array<i32>} : memref<80x128xf32, #tpu.memory_space<vmem>>, vector<16xf32>,
      tpu.vector_store %arg11[%swap3A, %swap3A_33], %div3A_32 {strides = array<i32>} : memref<80x128xf32, #tpu.memory_space<vmem>>, vector<16xf32>,
      %get3A_35 = arith.index_cast %while3A_18 : i32 to index
      %get3A_36 = arith.constant 16 : index
      %get3A_37 = tpu.vector_load %arg9[%get3A_35, %get3A_36] {strides = array<i32>} : memref<80x128xi32, #tpu.memory_space<vmem>>, vector<16xi32>,
      %get3A_38 = arith.index_cast %while3A_18 : i32 to index
      %get3A_39 = arith.constant 16 : index
      %get3A_40 = tpu.vector_load %arg10[%get3A_38, %get3A_39] {strides = array<i32>} : memref<80x128xi32, #tpu.memory_space<vmem>>, vector<16xi32>,
      %gather3A_41 = tpu.vector_load_idx %arg7[%get3A_37] : memref<10016xf32, #tpu.memory_space<vmem>>[vector<16xi32>], vector<16xf32>,
      %gather3A_42 = tpu.vector_load_idx %arg8[%get3A_40] : memref<10016xf32, #tpu.memory_space<vmem>>[vector<16xi32>], vector<16xf32>,
      %add3A_43 = arith.addf %gather3A_41, %gather3A_42 : vector<16xf32>
      %neg3A_44 = arith.constant 0.000000e+00 : f32
      %neg3A_45 = vector.broadcast %neg3A_44 : f32 to vector<16xf32>
      %neg3A_46 = arith.subf %neg3A_45, %add3A_43 : vector<16xf32>
      %exp3A_47 = math.exp %neg3A_46 : vector<16xf32>
      %add3A_48 = arith.constant 1.000000e+00 : f32
      %add3A_49 = vector.broadcast %add3A_48 : f32 to vector<16xf32>
      %add3A_50 = arith.addf %add3A_49, %exp3A_47 : vector<16xf32>
      %div3A_51 = arith.constant 1.000000e+00 : f32
      %div3A_52 = vector.broadcast %div3A_51 : f32 to vector<16xf32>
      %div3A_53 = arith.divf %div3A_52, %add3A_50 : vector<16xf32>
      %swap3A_54 = arith.index_cast %while3A_18 : i32 to index
      %swap3A_55 = arith.constant 16 : index
      %swap3A_56 = tpu.vector_load %arg11[%swap3A_54, %swap3A_55] {strides = array<i32>} : memref<80x128xf32, #tpu.memory_space<vmem>>, vector<16xf32>,
      tpu.vector_store %arg11[%swap3A_54, %swap3A_55], %div3A_53 {strides = array<i32>} : memref<80x128xf32, #tpu.memory_space<vmem>>, vector<16xf32>,
      %get3A_57 = arith.index_cast %while3A_18 : i32 to index
      %get3A_58 = arith.constant 32 : index
      %get3A_59 = tpu.vector_load %arg9[%get3A_57, %get3A_58] {strides = array<i32>} : memref<80x128xi32, #tpu.memory_space<vmem>>, vector<16xi32>,
      %get3A_60 = arith.index_cast %while3A_18 : i32 to index
      %get3A_61 = arith.constant 32 : index
      %get3A_62 = tpu.vector_load %arg10[%get3A_60, %get3A_61] {strides = array<i32>} : memref<80x128xi32, #tpu.memory_space<vmem>>, vector<16xi32>,
      %gather3A_63 = tpu.vector_load_idx %arg7[%get3A_59] : memref<10016xf32, #tpu.memory_space<vmem>>[vector<16xi32>], vector<16xf32>,
      %gather3A_64 = tpu.vector_load_idx %arg8[%get3A_62] : memref<10016xf32, #tpu.memory_space<vmem>>[vector<16xi32>], vector<16xf32>,
      %add3A_65 = arith.addf %gather3A_63, %gather3A_64 : vector<16xf32>
      %neg3A_66 = arith.constant 0.000000e+00 : f32
      %neg3A_67 = vector.broadcast %neg3A_66 : f32 to vector<16xf32>
      %neg3A_68 = arith.subf %neg3A_67, %add3A_65 : vector<16xf32>
      %exp3A_69 = math.exp %neg3A_68 : vector<16xf32>
      %add3A_70 = arith.constant 1.000000e+00 : f32
      %add3A_71 = vector.broadcast %add3A_70 : f32 to vector<16xf32>
      %add3A_72 = arith.addf %add3A_71, %exp3A_69 : vector<16xf32>
      %div3A_73 = arith.constant 1.000000e+00 : f32
      %div3A_74 = vector.broadcast %div3A_73 : f32 to vector<16xf32>
      %div3A_75 = arith.divf %div3A_74, %add3A_72 : vector<16xf32>
      %swap3A_76 = arith.index_cast %while3A_18 : i32 to index
      %swap3A_77 = arith.constant 32 : index
      %swap3A_78 = tpu.vector_load %arg11[%swap3A_76, %swap3A_77] {strides = array<i32>} : memref<80x128xf32, #tpu.memory_space<vmem>>, vector<16xf32>,
      tpu.vector_store %arg11[%swap3A_76, %swap3A_77], %div3A_75 {strides = array<i32>} : memref<80x128xf32, #tpu.memory_space<vmem>>, vector<16xf32>,
      %get3A_79 = arith.index_cast %while3A_18 : i32 to index
      %get3A_80 = arith.constant 48 : index
      %get3A_81 = tpu.vector_load %arg9[%get3A_79, %get3A_80] {strides = array<i32>} : memref<80x128xi32, #tpu.memory_space<vmem>>, vector<16xi32>,
      %get3A_82 = arith.index_cast %while3A_18 : i32 to index
      %get3A_83 = arith.constant 48 : index
      %get3A_84 = tpu.vector_load %arg10[%get3A_82, %get3A_83] {strides = array<i32>} : memref<80x128xi32, #tpu.memory_space<vmem>>, vector<16xi32>,
      %gather3A_85 = tpu.vector_load_idx %arg7[%get3A_81] : memref<10016xf32, #tpu.memory_space<vmem>>[vector<16xi32>], vector<16xf32>,
      %gather3A_86 = tpu.vector_load_idx %arg8[%get3A_84] : memref<10016xf32, #tpu.memory_space<vmem>>[vector<16xi32>], vector<16xf32>,
      %add3A_87 = arith.addf %gather3A_85, %gather3A_86 : vector<16xf32>
      %neg3A_88 = arith.constant 0.000000e+00 : f32
      %neg3A_89 = vector.broadcast %neg3A_88 : f32 to vector<16xf32>
      %neg3A_90 = arith.subf %neg3A_89, %add3A_87 : vector<16xf32>
      %exp3A_91 = math.exp %neg3A_90 : vector<16xf32>
      %add3A_92 = arith.constant 1.000000e+00 : f32
      %add3A_93 = vector.broadcast %add3A_92 : f32 to vector<16xf32>
      %add3A_94 = arith.addf %add3A_93, %exp3A_91 : vector<16xf32>
      %div3A_95 = arith.constant 1.000000e+00 : f32
      %div3A_96 = vector.broadcast %div3A_95 : f32 to vector<16xf32>
      %div3A_97 = arith.divf %div3A_96, %add3A_94 : vector<16xf32>
      %swap3A_98 = arith.index_cast %while3A_18 : i32 to index
      %swap3A_99 = arith.constant 48 : index
      %swap3A_100 = tpu.vector_load %arg11[%swap3A_98, %swap3A_99] {strides = array<i32>} : memref<80x128xf32, #tpu.memory_space<vmem>>, vector<16xf32>,
      tpu.vector_store %arg11[%swap3A_98, %swap3A_99], %div3A_97 {strides = array<i32>} : memref<80x128xf32, #tpu.memory_space<vmem>>, vector<16xf32>,
      %get3A_101 = arith.index_cast %while3A_18 : i32 to index
      %get3A_102 = arith.constant 64 : index
      %get3A_103 = tpu.vector_load %arg9[%get3A_101, %get3A_102] {strides = array<i32>} : memref<80x128xi32, #tpu.memory_space<vmem>>, vector<16xi32>,
      %get3A_104 = arith.index_cast %while3A_18 : i32 to index
      %get3A_105 = arith.constant 64 : index
      %get3A_106 = tpu.vector_load %arg10[%get3A_104, %get3A_105] {strides = array<i32>} : memref<80x128xi32, #tpu.memory_space<vmem>>, vector<16xi32>,
      %gather3A_107 = tpu.vector_load_idx %arg7[%get3A_103] : memref<10016xf32, #tpu.memory_space<vmem>>[vector<16xi32>], vector<16xf32>,
      %gather3A_108 = tpu.vector_load_idx %arg8[%get3A_106] : memref<10016xf32, #tpu.memory_space<vmem>>[vector<16xi32>], vector<16xf32>,
      %add3A_109 = arith.addf %gather3A_107, %gather3A_108 : vector<16xf32>
      %neg3A_110 = arith.constant 0.000000e+00 : f32
      %neg3A_111 = vector.broadcast %neg3A_110 : f32 to vector<16xf32>
      %neg3A_112 = arith.subf %neg3A_111, %add3A_109 : vector<16xf32>
      %exp3A_113 = math.exp %neg3A_112 : vector<16xf32>
      %add3A_114 = arith.constant 1.000000e+00 : f32
      %add3A_115 = vector.broadcast %add3A_114 : f32 to vector<16xf32>
      %add3A_116 = arith.addf %add3A_115, %exp3A_113 : vector<16xf32>
      %div3A_117 = arith.constant 1.000000e+00 : f32
      %div3A_118 = vector.broadcast %div3A_117 : f32 to vector<16xf32>
      %div3A_119 = arith.divf %div3A_118, %add3A_116 : vector<16xf32>
      %swap3A_120 = arith.index_cast %while3A_18 : i32 to index
      %swap3A_121 = arith.constant 64 : index
      %swap3A_122 = tpu.vector_load %arg11[%swap3A_120, %swap3A_121] {strides = array<i32>} : memref<80x128xf32, #tpu.memory_space<vmem>>, vector<16xf32>,
      tpu.vector_store %arg11[%swap3A_120, %swap3A_121], %div3A_119 {strides = array<i32>} : memref<80x128xf32, #tpu.memory_space<vmem>>, vector<16xf32>,
      %get3A_123 = arith.index_cast %while3A_18 : i32 to index
      %get3A_124 = arith.constant 80 : index
      %get3A_125 = tpu.vector_load %arg9[%get3A_123, %get3A_124] {strides = array<i32>} : memref<80x128xi32, #tpu.memory_space<vmem>>, vector<16xi32>,
      %get3A_126 = arith.index_cast %while3A_18 : i32 to index
      %get3A_127 = arith.constant 80 : index
      %get3A_128 = tpu.vector_load %arg10[%get3A_126, %get3A_127] {strides = array<i32>} : memref<80x128xi32, #tpu.memory_space<vmem>>, vector<16xi32>,
      %gather3A_129 = tpu.vector_load_idx %arg7[%get3A_125] : memref<10016xf32, #tpu.memory_space<vmem>>[vector<16xi32>], vector<16xf32>,
      %gather3A_130 = tpu.vector_load_idx %arg8[%get3A_128] : memref<10016xf32, #tpu.memory_space<vmem>>[vector<16xi32>], vector<16xf32>,
      %add3A_131 = arith.addf %gather3A_129, %gather3A_130 : vector<16xf32>
      %neg3A_132 = arith.constant 0.000000e+00 : f32
      %neg3A_133 = vector.broadcast %neg3A_132 : f32 to vector<16xf32>
      %neg3A_134 = arith.subf %neg3A_133, %add3A_131 : vector<16xf32>
      %exp3A_135 = math.exp %neg3A_134 : vector<16xf32>
      %add3A_136 = arith.constant 1.000000e+00 : f32
      %add3A_137 = vector.broadcast %add3A_136 : f32 to vector<16xf32>
      %add3A_138 = arith.addf %add3A_137, %exp3A_135 : vector<16xf32>
      %div3A_139 = arith.constant 1.000000e+00 : f32
      %div3A_140 = vector.broadcast %div3A_139 : f32 to vector<16xf32>
      %div3A_141 = arith.divf %div3A_140, %add3A_138 : vector<16xf32>
      %swap3A_142 = arith.index_cast %while3A_18 : i32 to index
      %swap3A_143 = arith.constant 80 : index
      %swap3A_144 = tpu.vector_load %arg11[%swap3A_142, %swap3A_143] {strides = array<i32>} : memref<80x128xf32, #tpu.memory_space<vmem>>, vector<16xf32>,
      tpu.vector_store %arg11[%swap3A_142, %swap3A_143], %div3A_141 {strides = array<i32>} : memref<80x128xf32, #tpu.memory_space<vmem>>, vector<16xf32>,
      %get3A_145 = arith.index_cast %while3A_18 : i32 to index
      %get3A_146 = arith.constant 96 : index
      %get3A_147 = tpu.vector_load %arg9[%get3A_145, %get3A_146] {strides = array<i32>} : memref<80x128xi32, #tpu.memory_space<vmem>>, vector<16xi32>,
      %get3A_148 = arith.index_cast %while3A_18 : i32 to index
      %get3A_149 = arith.constant 96 : index
      %get3A_150 = tpu.vector_load %arg10[%get3A_148, %get3A_149] {strides = array<i32>} : memref<80x128xi32, #tpu.memory_space<vmem>>, vector<16xi32>,
      %gather3A_151 = tpu.vector_load_idx %arg7[%get3A_147] : memref<10016xf32, #tpu.memory_space<vmem>>[vector<16xi32>], vector<16xf32>,
      %gather3A_152 = tpu.vector_load_idx %arg8[%get3A_150] : memref<10016xf32, #tpu.memory_space<vmem>>[vector<16xi32>], vector<16xf32>,
      %add3A_153 = arith.addf %gather3A_151, %gather3A_152 : vector<16xf32>
      %neg3A_154 = arith.constant 0.000000e+00 : f32
      %neg3A_155 = vector.broadcast %neg3A_154 : f32 to vector<16xf32>
      %neg3A_156 = arith.subf %neg3A_155, %add3A_153 : vector<16xf32>
      %exp3A_157 = math.exp %neg3A_156 : vector<16xf32>
      %add3A_158 = arith.constant 1.000000e+00 : f32
      %add3A_159 = vector.broadcast %add3A_158 : f32 to vector<16xf32>
      %add3A_160 = arith.addf %add3A_159, %exp3A_157 : vector<16xf32>
      %div3A_161 = arith.constant 1.000000e+00 : f32
      %div3A_162 = vector.broadcast %div3A_161 : f32 to vector<16xf32>
      %div3A_163 = arith.divf %div3A_162, %add3A_160 : vector<16xf32>
      %swap3A_164 = arith.index_cast %while3A_18 : i32 to index
      %swap3A_165 = arith.constant 96 : index
      %swap3A_166 = tpu.vector_load %arg11[%swap3A_164, %swap3A_165] {strides = array<i32>} : memref<80x128xf32, #tpu.memory_space<vmem>>, vector<16xf32>,
      tpu.vector_store %arg11[%swap3A_164, %swap3A_165], %div3A_163 {strides = array<i32>} : memref<80x128xf32, #tpu.memory_space<vmem>>, vector<16xf32>,
      %get3A_167 = arith.index_cast %while3A_18 : i32 to index
      %get3A_168 = arith.constant 112 : index
      %get3A_169 = tpu.vector_load %arg9[%get3A_167, %get3A_168] {strides = array<i32>} : memref<80x128xi32, #tpu.memory_space<vmem>>, vector<16xi32>,
      %get3A_170 = arith.index_cast %while3A_18 : i32 to index
      %get3A_171 = arith.constant 112 : index
      %get3A_172 = tpu.vector_load %arg10[%get3A_170, %get3A_171] {strides = array<i32>} : memref<80x128xi32, #tpu.memory_space<vmem>>, vector<16xi32>,
      %gather3A_173 = tpu.vector_load_idx %arg7[%get3A_169] : memref<10016xf32, #tpu.memory_space<vmem>>[vector<16xi32>], vector<16xf32>,
      %gather3A_174 = tpu.vector_load_idx %arg8[%get3A_172] : memref<10016xf32, #tpu.memory_space<vmem>>[vector<16xi32>], vector<16xf32>,
      %add3A_175 = arith.addf %gather3A_173, %gather3A_174 : vector<16xf32>
      %neg3A_176 = arith.constant 0.000000e+00 : f32
      %neg3A_177 = vector.broadcast %neg3A_176 : f32 to vector<16xf32>
      %neg3A_178 = arith.subf %neg3A_177, %add3A_175 : vector<16xf32>
      %exp3A_179 = math.exp %neg3A_178 : vector<16xf32>
      %add3A_180 = arith.constant 1.000000e+00 : f32
      %add3A_181 = vector.broadcast %add3A_180 : f32 to vector<16xf32>
      %add3A_182 = arith.addf %add3A_181, %exp3A_179 : vector<16xf32>
      %div3A_183 = arith.constant 1.000000e+00 : f32
      %div3A_184 = vector.broadcast %div3A_183 : f32 to vector<16xf32>
      %div3A_185 = arith.divf %div3A_184, %add3A_182 : vector<16xf32>
      %swap3A_186 = arith.index_cast %while3A_18 : i32 to index
      %swap3A_187 = arith.constant 112 : index
      %swap3A_188 = tpu.vector_load %arg11[%swap3A_186, %swap3A_187] {strides = array<i32>} : memref<80x128xf32, #tpu.memory_space<vmem>>, vector<16xf32>,
      tpu.vector_store %arg11[%swap3A_186, %swap3A_187], %div3A_185 {strides = array<i32>} : memref<80x128xf32, #tpu.memory_space<vmem>>, vector<16xf32>,
    }
    %while3A_17 = arith.constant 1 : i32
    scf.for %while3A_18 = %while3A_15 to %while3A_11 step %while3A_17  : i32 {
      %get3A = arith.index_cast %while3A_18 : i32 to index
      %get3A_19 = arith.constant 0 : index
      %get3A_20 = tpu.vector_load %arg9[%get3A, %get3A_19] {strides = array<i32>} : memref<80x128xi32, #tpu.memory_space<vmem>>, vector<16xi32>,
      %get3A_21 = arith.index_cast %while3A_18 : i32 to index
      %get3A_22 = arith.constant 0 : index
      %get3A_23 = tpu.vector_load %arg10[%get3A_21, %get3A_22] {strides = array<i32>} : memref<80x128xi32, #tpu.memory_space<vmem>>, vector<16xi32>,
      %gather3A = tpu.vector_load_idx %arg7[%get3A_20] : memref<10016xf32, #tpu.memory_space<vmem>>[vector<16xi32>], vector<16xf32>,
      %gather3A_24 = tpu.vector_load_idx %arg8[%get3A_23] : memref<10016xf32, #tpu.memory_space<vmem>>[vector<16xi32>], vector<16xf32>,
      %add3A_25 = arith.addf %gather3A, %gather3A_24 : vector<16xf32>
      %neg3A = arith.constant 0.000000e+00 : f32
      %neg3A_26 = vector.broadcast %neg3A : f32 to vector<16xf32>
      %neg3A_27 = arith.subf %neg3A_26, %add3A_25 : vector<16xf32>
      %exp3A = math.exp %neg3A_27 : vector<16xf32>
      %add3A_28 = arith.constant 1.000000e+00 : f32
      %add3A_29 = vector.broadcast %add3A_28 : f32 to vector<16xf32>
      %add3A_30 = arith.addf %add3A_29, %exp3A : vector<16xf32>
      %div3A = arith.constant 1.000000e+00 : f32
      %div3A_31 = vector.broadcast %div3A : f32 to vector<16xf32>
      %div3A_32 = arith.divf %div3A_31, %add3A_30 : vector<16xf32>
      %swap3A = arith.index_cast %while3A_18 : i32 to index
      %swap3A_33 = arith.constant 0 : index
      %swap3A_34 = tpu.vector_load %arg11[%swap3A, %swap3A_33] {strides = array<i32>} : memref<80x128xf32, #tpu.memory_space<vmem>>, vector<16xf32>,
      tpu.vector_store %arg11[%swap3A, %swap3A_33], %div3A_32 {strides = array<i32>} : memref<80x128xf32, #tpu.memory_space<vmem>>, vector<16xf32>,
      %get3A_35 = arith.index_cast %while3A_18 : i32 to index
      %get3A_36 = arith.constant 16 : index
      %get3A_37 = tpu.vector_load %arg9[%get3A_35, %get3A_36] {strides = array<i32>} : memref<80x128xi32, #tpu.memory_space<vmem>>, vector<16xi32>,
      %get3A_38 = arith.index_cast %while3A_18 : i32 to index
      %get3A_39 = arith.constant 16 : index
      %get3A_40 = tpu.vector_load %arg10[%get3A_38, %get3A_39] {strides = array<i32>} : memref<80x128xi32, #tpu.memory_space<vmem>>, vector<16xi32>,
      %gather3A_41 = tpu.vector_load_idx %arg7[%get3A_37] : memref<10016xf32, #tpu.memory_space<vmem>>[vector<16xi32>], vector<16xf32>,
      %gather3A_42 = tpu.vector_load_idx %arg8[%get3A_40] : memref<10016xf32, #tpu.memory_space<vmem>>[vector<16xi32>], vector<16xf32>,
      %add3A_43 = arith.addf %gather3A_41, %gather3A_42 : vector<16xf32>
      %neg3A_44 = arith.constant 0.000000e+00 : f32
      %neg3A_45 = vector.broadcast %neg3A_44 : f32 to vector<16xf32>
      %neg3A_46 = arith.subf %neg3A_45, %add3A_43 : vector<16xf32>
      %exp3A_47 = math.exp %neg3A_46 : vector<16xf32>
      %add3A_48 = arith.constant 1.000000e+00 : f32
      %add3A_49 = vector.broadcast %add3A_48 : f32 to vector<16xf32>
      %add3A_50 = arith.addf %add3A_49, %exp3A_47 : vector<16xf32>
      %div3A_51 = arith.constant 1.000000e+00 : f32
      %div3A_52 = vector.broadcast %div3A_51 : f32 to vector<16xf32>
      %div3A_53 = arith.divf %div3A_52, %add3A_50 : vector<16xf32>
      %swap3A_54 = arith.index_cast %while3A_18 : i32 to index
      %swap3A_55 = arith.constant 16 : index
      %swap3A_56 = tpu.vector_load %arg11[%swap3A_54, %swap3A_55] {strides = array<i32>} : memref<80x128xf32, #tpu.memory_space<vmem>>, vector<16xf32>,
      tpu.vector_store %arg11[%swap3A_54, %swap3A_55], %div3A_53 {strides = array<i32>} : memref<80x128xf32, #tpu.memory_space<vmem>>, vector<16xf32>,
      %get3A_57 = arith.index_cast %while3A_18 : i32 to index
      %get3A_58 = arith.constant 32 : index
      %get3A_59 = tpu.vector_load %arg9[%get3A_57, %get3A_58] {strides = array<i32>} : memref<80x128xi32, #tpu.memory_space<vmem>>, vector<16xi32>,
      %get3A_60 = arith.index_cast %while3A_18 : i32 to index
      %get3A_61 = arith.constant 32 : index
      %get3A_62 = tpu.vector_load %arg10[%get3A_60, %get3A_61] {strides = array<i32>} : memref<80x128xi32, #tpu.memory_space<vmem>>, vector<16xi32>,
      %gather3A_63 = tpu.vector_load_idx %arg7[%get3A_59] : memref<10016xf32, #tpu.memory_space<vmem>>[vector<16xi32>], vector<16xf32>,
      %gather3A_64 = tpu.vector_load_idx %arg8[%get3A_62] : memref<10016xf32, #tpu.memory_space<vmem>>[vector<16xi32>], vector<16xf32>,
      %add3A_65 = arith.addf %gather3A_63, %gather3A_64 : vector<16xf32>
      %neg3A_66 = arith.constant 0.000000e+00 : f32
      %neg3A_67 = vector.broadcast %neg3A_66 : f32 to vector<16xf32>
      %neg3A_68 = arith.subf %neg3A_67, %add3A_65 : vector<16xf32>
      %exp3A_69 = math.exp %neg3A_68 : vector<16xf32>
      %add3A_70 = arith.constant 1.000000e+00 : f32
      %add3A_71 = vector.broadcast %add3A_70 : f32 to vector<16xf32>
      %add3A_72 = arith.addf %add3A_71, %exp3A_69 : vector<16xf32>
      %div3A_73 = arith.constant 1.000000e+00 : f32
      %div3A_74 = vector.broadcast %div3A_73 : f32 to vector<16xf32>
      %div3A_75 = arith.divf %div3A_74, %add3A_72 : vector<16xf32>
      %swap3A_76 = arith.index_cast %while3A_18 : i32 to index
      %swap3A_77 = arith.constant 32 : index
      %swap3A_78 = tpu.vector_load %arg11[%swap3A_76, %swap3A_77] {strides = array<i32>} : memref<80x128xf32, #tpu.memory_space<vmem>>, vector<16xf32>,
      tpu.vector_store %arg11[%swap3A_76, %swap3A_77], %div3A_75 {strides = array<i32>} : memref<80x128xf32, #tpu.memory_space<vmem>>, vector<16xf32>,
      %get3A_79 = arith.index_cast %while3A_18 : i32 to index
      %get3A_80 = arith.constant 48 : index
      %get3A_81 = tpu.vector_load %arg9[%get3A_79, %get3A_80] {strides = array<i32>} : memref<80x128xi32, #tpu.memory_space<vmem>>, vector<16xi32>,
      %get3A_82 = arith.index_cast %while3A_18 : i32 to index
      %get3A_83 = arith.constant 48 : index
      %get3A_84 = tpu.vector_load %arg10[%get3A_82, %get3A_83] {strides = array<i32>} : memref<80x128xi32, #tpu.memory_space<vmem>>, vector<16xi32>,
      %gather3A_85 = tpu.vector_load_idx %arg7[%get3A_81] : memref<10016xf32, #tpu.memory_space<vmem>>[vector<16xi32>], vector<16xf32>,
      %gather3A_86 = tpu.vector_load_idx %arg8[%get3A_84] : memref<10016xf32, #tpu.memory_space<vmem>>[vector<16xi32>], vector<16xf32>,
      %add3A_87 = arith.addf %gather3A_85, %gather3A_86 : vector<16xf32>
      %neg3A_88 = arith.constant 0.000000e+00 : f32
      %neg3A_89 = vector.broadcast %neg3A_88 : f32 to vector<16xf32>
      %neg3A_90 = arith.subf %neg3A_89, %add3A_87 : vector<16xf32>
      %exp3A_91 = math.exp %neg3A_90 : vector<16xf32>
      %add3A_92 = arith.constant 1.000000e+00 : f32
      %add3A_93 = vector.broadcast %add3A_92 : f32 to vector<16xf32>
      %add3A_94 = arith.addf %add3A_93, %exp3A_91 : vector<16xf32>
      %div3A_95 = arith.constant 1.000000e+00 : f32
      %div3A_96 = vector.broadcast %div3A_95 : f32 to vector<16xf32>
      %div3A_97 = arith.divf %div3A_96, %add3A_94 : vector<16xf32>
      %swap3A_98 = arith.index_cast %while3A_18 : i32 to index
      %swap3A_99 = arith.constant 48 : index
      %swap3A_100 = tpu.vector_load %arg11[%swap3A_98, %swap3A_99] {strides = array<i32>} : memref<80x128xf32, #tpu.memory_space<vmem>>, vector<16xf32>,
      tpu.vector_store %arg11[%swap3A_98, %swap3A_99], %div3A_97 {strides = array<i32>} : memref<80x128xf32, #tpu.memory_space<vmem>>, vector<16xf32>,
      %get3A_101 = arith.index_cast %while3A_18 : i32 to index
      %get3A_102 = arith.constant 64 : index
      %get3A_103 = tpu.vector_load %arg9[%get3A_101, %get3A_102] {strides = array<i32>} : memref<80x128xi32, #tpu.memory_space<vmem>>, vector<16xi32>,
      %get3A_104 = arith.index_cast %while3A_18 : i32 to index
      %get3A_105 = arith.constant 64 : index
      %get3A_106 = tpu.vector_load %arg10[%get3A_104, %get3A_105] {strides = array<i32>} : memref<80x128xi32, #tpu.memory_space<vmem>>, vector<16xi32>,
      %gather3A_107 = tpu.vector_load_idx %arg7[%get3A_103] : memref<10016xf32, #tpu.memory_space<vmem>>[vector<16xi32>], vector<16xf32>,
      %gather3A_108 = tpu.vector_load_idx %arg8[%get3A_106] : memref<10016xf32, #tpu.memory_space<vmem>>[vector<16xi32>], vector<16xf32>,
      %add3A_109 = arith.addf %gather3A_107, %gather3A_108 : vector<16xf32>
      %neg3A_110 = arith.constant 0.000000e+00 : f32
      %neg3A_111 = vector.broadcast %neg3A_110 : f32 to vector<16xf32>
      %neg3A_112 = arith.subf %neg3A_111, %add3A_109 : vector<16xf32>
      %exp3A_113 = math.exp %neg3A_112 : vector<16xf32>
      %add3A_114 = arith.constant 1.000000e+00 : f32
      %add3A_115 = vector.broadcast %add3A_114 : f32 to vector<16xf32>
      %add3A_116 = arith.addf %add3A_115, %exp3A_113 : vector<16xf32>
      %div3A_117 = arith.constant 1.000000e+00 : f32
      %div3A_118 = vector.broadcast %div3A_117 : f32 to vector<16xf32>
      %div3A_119 = arith.divf %div3A_118, %add3A_116 : vector<16xf32>
      %swap3A_120 = arith.index_cast %while3A_18 : i32 to index
      %swap3A_121 = arith.constant 64 : index
      %swap3A_122 = tpu.vector_load %arg11[%swap3A_120, %swap3A_121] {strides = array<i32>} : memref<80x128xf32, #tpu.memory_space<vmem>>, vector<16xf32>,
      tpu.vector_store %arg11[%swap3A_120, %swap3A_121], %div3A_119 {strides = array<i32>} : memref<80x128xf32, #tpu.memory_space<vmem>>, vector<16xf32>,
      %get3A_123 = arith.index_cast %while3A_18 : i32 to index
      %get3A_124 = arith.constant 80 : index
      %get3A_125 = tpu.vector_load %arg9[%get3A_123, %get3A_124] {strides = array<i32>} : memref<80x128xi32, #tpu.memory_space<vmem>>, vector<16xi32>,
      %get3A_126 = arith.index_cast %while3A_18 : i32 to index
      %get3A_127 = arith.constant 80 : index
      %get3A_128 = tpu.vector_load %arg10[%get3A_126, %get3A_127] {strides = array<i32>} : memref<80x128xi32, #tpu.memory_space<vmem>>, vector<16xi32>,
      %gather3A_129 = tpu.vector_load_idx %arg7[%get3A_125] : memref<10016xf32, #tpu.memory_space<vmem>>[vector<16xi32>], vector<16xf32>,
      %gather3A_130 = tpu.vector_load_idx %arg8[%get3A_128] : memref<10016xf32, #tpu.memory_space<vmem>>[vector<16xi32>], vector<16xf32>,
      %add3A_131 = arith.addf %gather3A_129, %gather3A_130 : vector<16xf32>
      %neg3A_132 = arith.constant 0.000000e+00 : f32
      %neg3A_133 = vector.broadcast %neg3A_132 : f32 to vector<16xf32>
      %neg3A_134 = arith.subf %neg3A_133, %add3A_131 : vector<16xf32>
      %exp3A_135 = math.exp %neg3A_134 : vector<16xf32>
      %add3A_136 = arith.constant 1.000000e+00 : f32
      %add3A_137 = vector.broadcast %add3A_136 : f32 to vector<16xf32>
      %add3A_138 = arith.addf %add3A_137, %exp3A_135 : vector<16xf32>
      %div3A_139 = arith.constant 1.000000e+00 : f32
      %div3A_140 = vector.broadcast %div3A_139 : f32 to vector<16xf32>
      %div3A_141 = arith.divf %div3A_140, %add3A_138 : vector<16xf32>
      %swap3A_142 = arith.index_cast %while3A_18 : i32 to index
      %swap3A_143 = arith.constant 80 : index
      %swap3A_144 = tpu.vector_load %arg11[%swap3A_142, %swap3A_143] {strides = array<i32>} : memref<80x128xf32, #tpu.memory_space<vmem>>, vector<16xf32>,
      tpu.vector_store %arg11[%swap3A_142, %swap3A_143], %div3A_141 {strides = array<i32>} : memref<80x128xf32, #tpu.memory_space<vmem>>, vector<16xf32>,
      %get3A_145 = arith.index_cast %while3A_18 : i32 to index
      %get3A_146 = arith.constant 96 : index
      %get3A_147 = tpu.vector_load %arg9[%get3A_145, %get3A_146] {strides = array<i32>} : memref<80x128xi32, #tpu.memory_space<vmem>>, vector<16xi32>,
      %get3A_148 = arith.index_cast %while3A_18 : i32 to index
      %get3A_149 = arith.constant 96 : index
      %get3A_150 = tpu.vector_load %arg10[%get3A_148, %get3A_149] {strides = array<i32>} : memref<80x128xi32, #tpu.memory_space<vmem>>, vector<16xi32>,
      %gather3A_151 = tpu.vector_load_idx %arg7[%get3A_147] : memref<10016xf32, #tpu.memory_space<vmem>>[vector<16xi32>], vector<16xf32>,
      %gather3A_152 = tpu.vector_load_idx %arg8[%get3A_150] : memref<10016xf32, #tpu.memory_space<vmem>>[vector<16xi32>], vector<16xf32>,
      %add3A_153 = arith.addf %gather3A_151, %gather3A_152 : vector<16xf32>
      %neg3A_154 = arith.constant 0.000000e+00 : f32
      %neg3A_155 = vector.broadcast %neg3A_154 : f32 to vector<16xf32>
      %neg3A_156 = arith.subf %neg3A_155, %add3A_153 : vector<16xf32>
      %exp3A_157 = math.exp %neg3A_156 : vector<16xf32>
      %add3A_158 = arith.constant 1.000000e+00 : f32
      %add3A_159 = vector.broadcast %add3A_158 : f32 to vector<16xf32>
      %add3A_160 = arith.addf %add3A_159, %exp3A_157 : vector<16xf32>
      %div3A_161 = arith.constant 1.000000e+00 : f32
      %div3A_162 = vector.broadcast %div3A_161 : f32 to vector<16xf32>
      %div3A_163 = arith.divf %div3A_162, %add3A_160 : vector<16xf32>
      %swap3A_164 = arith.index_cast %while3A_18 : i32 to index
      %swap3A_165 = arith.constant 96 : index
      %swap3A_166 = tpu.vector_load %arg11[%swap3A_164, %swap3A_165] {strides = array<i32>} : memref<80x128xf32, #tpu.memory_space<vmem>>, vector<16xf32>,
      tpu.vector_store %arg11[%swap3A_164, %swap3A_165], %div3A_163 {strides = array<i32>} : memref<80x128xf32, #tpu.memory_space<vmem>>, vector<16xf32>,
      %get3A_167 = arith.index_cast %while3A_18 : i32 to index
      %get3A_168 = arith.constant 112 : index
      %get3A_169 = tpu.vector_load %arg9[%get3A_167, %get3A_168] {strides = array<i32>} : memref<80x128xi32, #tpu.memory_space<vmem>>, vector<16xi32>,
      %get3A_170 = arith.index_cast %while3A_18 : i32 to index
      %get3A_171 = arith.constant 112 : index
      %get3A_172 = tpu.vector_load %arg10[%get3A_170, %get3A_171] {strides = array<i32>} : memref<80x128xi32, #tpu.memory_space<vmem>>, vector<16xi32>,
      %gather3A_173 = tpu.vector_load_idx %arg7[%get3A_169] : memref<10016xf32, #tpu.memory_space<vmem>>[vector<16xi32>], vector<16xf32>,
      %gather3A_174 = tpu.vector_load_idx %arg8[%get3A_172] : memref<10016xf32, #tpu.memory_space<vmem>>[vector<16xi32>], vector<16xf32>,
      %add3A_175 = arith.addf %gather3A_173, %gather3A_174 : vector<16xf32>
      %neg3A_176 = arith.constant 0.000000e+00 : f32
      %neg3A_177 = vector.broadcast %neg3A_176 : f32 to vector<16xf32>
      %neg3A_178 = arith.subf %neg3A_177, %add3A_175 : vector<16xf32>
      %exp3A_179 = math.exp %neg3A_178 : vector<16xf32>
      %add3A_180 = arith.constant 1.000000e+00 : f32
      %add3A_181 = vector.broadcast %add3A_180 : f32 to vector<16xf32>
      %add3A_182 = arith.addf %add3A_181, %exp3A_179 : vector<16xf32>
      %div3A_183 = arith.constant 1.000000e+00 : f32
      %div3A_184 = vector.broadcast %div3A_183 : f32 to vector<16xf32>
      %div3A_185 = arith.divf %div3A_184, %add3A_182 : vector<16xf32>
      %swap3A_186 = arith.index_cast %while3A_18 : i32 to index
      %swap3A_187 = arith.constant 112 : index
      %swap3A_188 = tpu.vector_load %arg11[%swap3A_186, %swap3A_187] {strides = array<i32>} : memref<80x128xf32, #tpu.memory_space<vmem>>, vector<16xf32>,
      tpu.vector_store %arg11[%swap3A_186, %swap3A_187], %div3A_185 {strides = array<i32>} : memref<80x128xf32, #tpu.memory_space<vmem>>, vector<16xf32>,
    }
    "tpu.region"() ({
      %run_scoped3A = tpu.sem_alloc : memref<!tpu.dma_semaphore, #tpu.memory_space<semaphore_mem>>
      %dma_start3A = arith.constant 0 : i32
      %dma_start3A_18 = arith.constant 0 : i32
      %dma_start3A_19 = tpu.memref_slice %arg6[%add3A, %dma_start3A, %dma_start3A_18] : memref<32x80x128xf32, #tpu.memory_space<hbm>> -> memref<1x80x128xf32, #tpu.memory_space<hbm>>
      %dma_start3A_20 = tpu.memref_squeeze %dma_start3A_19 : memref<1x80x128xf32, #tpu.memory_space<hbm>> -> memref<80x128xf32, #tpu.memory_space<hbm>>
      %dma_start3A_21 = arith.constant 0 : i32
      %dma_start3A_22 = arith.constant 0 : i32
      %dma_start3A_23 = tpu.memref_slice %arg6[%add3A, %dma_start3A_21, %dma_start3A_22] : memref<32x80x128xf32, #tpu.memory_space<hbm>> -> memref<1x80x128xf32, #tpu.memory_space<hbm>>
      %dma_start3A_24 = tpu.memref_squeeze %dma_start3A_23 : memref<1x80x128xf32, #tpu.memory_space<hbm>> -> memref<80x128xf32, #tpu.memory_space<hbm>>
      tpu.enqueue_dma source(%arg11 : memref<80x128xf32, #tpu.memory_space<vmem>>) target(%dma_start3A_24 : memref<80x128xf32, #tpu.memory_space<hbm>>) target_semaphore(%run_scoped3A : memref<!tpu.dma_semaphore, #tpu.memory_space<semaphore_mem>>)
      %dma_wait3A = arith.constant 0 : i32
      %dma_wait3A_25 = arith.constant 0 : i32
      %dma_wait3A_26 = tpu.memref_slice %arg6[%add3A, %dma_wait3A, %dma_wait3A_25] : memref<32x80x128xf32, #tpu.memory_space<hbm>> -> memref<1x80x128xf32, #tpu.memory_space<hbm>>
      %dma_wait3A_27 = tpu.memref_squeeze %dma_wait3A_26 : memref<1x80x128xf32, #tpu.memory_space<hbm>> -> memref<80x128xf32, #tpu.memory_space<hbm>>
      %dma_wait3A_28 = arith.constant 0 : i32
      %dma_wait3A_29 = arith.constant 0 : i32
      %dma_wait3A_30 = tpu.memref_slice %arg6[%add3A, %dma_wait3A_28, %dma_wait3A_29] : memref<32x80x128xf32, #tpu.memory_space<hbm>> -> memref<1x80x128xf32, #tpu.memory_space<hbm>>
      %dma_wait3A_31 = tpu.memref_squeeze %dma_wait3A_30 : memref<1x80x128xf32, #tpu.memory_space<hbm>> -> memref<80x128xf32, #tpu.memory_space<hbm>>
      tpu.wait_dma2 semaphore(%run_scoped3A : memref<!tpu.dma_semaphore, #tpu.memory_space<semaphore_mem>>) src(%arg11 : memref<80x128xf32, #tpu.memory_space<vmem>>) dst(%dma_wait3A_31 : memref<80x128xf32, #tpu.memory_space<hbm>>)
      tpu.yield
    }) : () -> ()
    return
  }
}

#map = affine_map<(d0, d1) -> (0, 0)>
#map1 = affine_map<(d0, d1) -> (0, 0, 0, 0)>
module attributes {stable_mosaic.version = 14 : i64} {
  func.func @_sc_aggregate(%arg0: i32, %arg1: i32, %arg2: memref<10000x128xf32, #tpu.memory_space<hbm>>, %arg3: memref<2560x128xi32, #tpu.memory_space<hbm>>, %arg4: memref<2560x128xi32, #tpu.memory_space<hbm>>, %arg5: memref<640x128xf32, #tpu.memory_space<hbm>>, %arg6: memref<2x16x625x128xf32, #tpu.memory_space<hbm>>, %arg7: memref<16x128xi32, #tpu.memory_space<vmem>>, %arg8: memref<16x128xi32, #tpu.memory_space<vmem>>, %arg9: memref<128x128xf32, #tpu.memory_space<vmem>>, %arg10: memref<128x128xf32, #tpu.memory_space<vmem>>, %arg11: memref<!tpu.dma_semaphore, #tpu.memory_space<semaphore_mem>>, %arg12: memref<!tpu.dma_semaphore, #tpu.memory_space<semaphore_mem>>, %arg13: memref<10240x128xf32, #tpu.memory_space<vmem_shared>>) attributes {dimension_semantics = [#tpu.dimension_semantics<core_parallel>, #tpu.dimension_semantics<subcore_parallel>], iteration_bounds = array<i64: 2, 16>, scalar_prefetch = 0 : i64, scratch_operands = 7 : i64, tpu.core_type = #tpu.core_type<sc_vector_subcore>, window_params = [{transform_indices = #map}, {transform_indices = #map}, {transform_indices = #map}, {transform_indices = #map}, {transform_indices = #map1}]} {
    %mul3A = arith.constant 640 : i32
    %mul3A_0 = arith.muli %arg1, %mul3A : i32
    "tpu.region"() ({
      %run_scoped3A = tpu.sem_alloc : memref<!tpu.dma_semaphore, #tpu.memory_space<semaphore_mem>>
      %dma_start3A = arith.constant 0 : i32
      %dma_start3A_22 = tpu.memref_slice %arg13[%mul3A_0, %dma_start3A] : memref<10240x128xf32, #tpu.memory_space<vmem_shared>> -> memref<640x128xf32, #tpu.memory_space<vmem_shared>>
      tpu.enqueue_dma source(%arg5 : memref<640x128xf32, #tpu.memory_space<hbm>>) target(%dma_start3A_22 : memref<640x128xf32, #tpu.memory_space<vmem_shared>>) target_semaphore(%run_scoped3A : memref<!tpu.dma_semaphore, #tpu.memory_space<semaphore_mem>>)
      %dma_wait3A = arith.constant 0 : i32
      %dma_wait3A_23 = tpu.memref_slice %arg13[%mul3A_0, %dma_wait3A] : memref<10240x128xf32, #tpu.memory_space<vmem_shared>> -> memref<640x128xf32, #tpu.memory_space<vmem_shared>>
      tpu.wait_dma2 semaphore(%run_scoped3A : memref<!tpu.dma_semaphore, #tpu.memory_space<semaphore_mem>>) src(%arg5 : memref<640x128xf32, #tpu.memory_space<hbm>>) dst(%dma_wait3A_23 : memref<640x128xf32, #tpu.memory_space<vmem_shared>>)
      tpu.yield
    }) : () -> ()
    %barrier3A = arith.constant 0 : index
    tpu.barrier barrier_id(%barrier3A)
    %eq3A = arith.constant 0 : i32
    %eq3A_1 = arith.cmpi eq, %arg0, %eq3A : i32
    %mul3A_2 = arith.constant 80 : i32
    %mul3A_3 = arith.muli %arg1, %mul3A_2 : i32
    %mul3A_4 = arith.constant 80 : i32
    %mul3A_5 = arith.muli %arg1, %mul3A_4 : i32
    %add3A = arith.constant 1280 : i32
    %add3A_6 = arith.addi %add3A, %mul3A_5 : i32
    %select_n3A = arith.select %eq3A_1, %mul3A_3, %add3A_6 : i32
    %eq3A_7 = arith.constant 0 : i32
    %eq3A_8 = arith.cmpi eq, %arg0, %eq3A_7 : i32
    %jit3A = arith.constant 5 : i32
    %jit3A_9 = arith.constant 5 : i32
    %select_n3A_10 = arith.select %eq3A_8, %jit3A, %jit3A_9 : i32
    %while3A = arith.constant 0 : i32
    %while3A_11 = arith.subi %select_n3A_10, %while3A : i32
    %while3A_12 = arith.addi %while3A, %while3A_11 : i32
    %while3A_13 = arith.constant 1 : i32
    %while3A_14 = arith.divsi %while3A_11, %while3A_13 : i32
    %while3A_15 = arith.muli %while3A_14, %while3A_13 : i32
    %while3A_16 = arith.addi %while3A, %while3A_15 : i32
    %while3A_17 = arith.constant 1 : i32
    scf.for %while3A_22 = %while3A to %while3A_16 step %while3A_17  : i32 {
      %mul3A_23 = arith.constant 16 : i32
      %mul3A_24 = arith.muli %while3A_22, %mul3A_23 : i32
      %add3A_25 = arith.addi %select_n3A, %mul3A_24 : i32
      %multiple_of3A = tpu.assume_multiple %add3A_25, 8 : i32
      "tpu.region"() ({
        %run_scoped3A_55 = tpu.sem_alloc : memref<!tpu.dma_semaphore, #tpu.memory_space<semaphore_mem>>
        %dma_start3A_56 = arith.constant 0 : i32
        %dma_start3A_57 = tpu.memref_slice %arg3[%multiple_of3A, %dma_start3A_56] : memref<2560x128xi32, #tpu.memory_space<hbm>> -> memref<16x128xi32, #tpu.memory_space<hbm>>
        %dma_start3A_58 = arith.constant 0 : i32
        %dma_start3A_59 = tpu.memref_slice %arg3[%multiple_of3A, %dma_start3A_58] : memref<2560x128xi32, #tpu.memory_space<hbm>> -> memref<16x128xi32, #tpu.memory_space<hbm>>
        tpu.enqueue_dma source(%dma_start3A_59 : memref<16x128xi32, #tpu.memory_space<hbm>>) target(%arg7 : memref<16x128xi32, #tpu.memory_space<vmem>>) target_semaphore(%run_scoped3A_55 : memref<!tpu.dma_semaphore, #tpu.memory_space<semaphore_mem>>)
        %dma_wait3A_60 = arith.constant 0 : i32
        %dma_wait3A_61 = tpu.memref_slice %arg3[%multiple_of3A, %dma_wait3A_60] : memref<2560x128xi32, #tpu.memory_space<hbm>> -> memref<16x128xi32, #tpu.memory_space<hbm>>
        %dma_wait3A_62 = arith.constant 0 : i32
        %dma_wait3A_63 = tpu.memref_slice %arg3[%multiple_of3A, %dma_wait3A_62] : memref<2560x128xi32, #tpu.memory_space<hbm>> -> memref<16x128xi32, #tpu.memory_space<hbm>>
        tpu.wait_dma2 semaphore(%run_scoped3A_55 : memref<!tpu.dma_semaphore, #tpu.memory_space<semaphore_mem>>) src(%dma_wait3A_63 : memref<16x128xi32, #tpu.memory_space<hbm>>) dst(%arg7 : memref<16x128xi32, #tpu.memory_space<vmem>>)
        tpu.yield
      }) : () -> ()
      "tpu.region"() ({
        %run_scoped3A_55 = tpu.sem_alloc : memref<!tpu.dma_semaphore, #tpu.memory_space<semaphore_mem>>
        %dma_start3A_56 = arith.constant 0 : i32
        %dma_start3A_57 = tpu.memref_slice %arg4[%multiple_of3A, %dma_start3A_56] : memref<2560x128xi32, #tpu.memory_space<hbm>> -> memref<16x128xi32, #tpu.memory_space<hbm>>
        %dma_start3A_58 = arith.constant 0 : i32
        %dma_start3A_59 = tpu.memref_slice %arg4[%multiple_of3A, %dma_start3A_58] : memref<2560x128xi32, #tpu.memory_space<hbm>> -> memref<16x128xi32, #tpu.memory_space<hbm>>
        tpu.enqueue_dma source(%dma_start3A_59 : memref<16x128xi32, #tpu.memory_space<hbm>>) target(%arg8 : memref<16x128xi32, #tpu.memory_space<vmem>>) target_semaphore(%run_scoped3A_55 : memref<!tpu.dma_semaphore, #tpu.memory_space<semaphore_mem>>)
        %dma_wait3A_60 = arith.constant 0 : i32
        %dma_wait3A_61 = tpu.memref_slice %arg4[%multiple_of3A, %dma_wait3A_60] : memref<2560x128xi32, #tpu.memory_space<hbm>> -> memref<16x128xi32, #tpu.memory_space<hbm>>
        %dma_wait3A_62 = arith.constant 0 : i32
        %dma_wait3A_63 = tpu.memref_slice %arg4[%multiple_of3A, %dma_wait3A_62] : memref<2560x128xi32, #tpu.memory_space<hbm>> -> memref<16x128xi32, #tpu.memory_space<hbm>>
        tpu.wait_dma2 semaphore(%run_scoped3A_55 : memref<!tpu.dma_semaphore, #tpu.memory_space<semaphore_mem>>) src(%dma_wait3A_63 : memref<16x128xi32, #tpu.memory_space<hbm>>) dst(%arg8 : memref<16x128xi32, #tpu.memory_space<vmem>>)
        tpu.yield
      }) : () -> ()
      %dma_start3A = arith.constant 0 : i32
      %dma_start3A_26 = arith.constant 0 : i32
      %dma_start3A_27 = tpu.memref_slice %arg7[%dma_start3A, %dma_start3A_26] : memref<16x128xi32, #tpu.memory_space<vmem>> -> memref<1x128xi32, #tpu.memory_space<vmem>>
      %dma_start3A_28 = tpu.memref_squeeze %dma_start3A_27 : memref<1x128xi32, #tpu.memory_space<vmem>> -> memref<128xi32, #tpu.memory_space<vmem>>
      %dma_start3A_29 = arith.constant 0 : i32
      %dma_start3A_30 = arith.constant 0 : i32
      %dma_start3A_31 = tpu.memref_slice %arg2[%dma_start3A_29, %dma_start3A_30] : memref<10000x128xf32, #tpu.memory_space<hbm>> -> memref<10000x128xf32, #tpu.memory_space<hbm>>
      tpu.enqueue_indirect_dma source(%dma_start3A_31 : memref<10000x128xf32, #tpu.memory_space<hbm>>) target(%arg9 : memref<128x128xf32, #tpu.memory_space<vmem>>) offsets(%dma_start3A_28 : memref<128xi32, #tpu.memory_space<vmem>>) semaphore(%arg11 : memref<!tpu.dma_semaphore, #tpu.memory_space<semaphore_mem>>)
      %dma_start3A_32 = arith.constant 1 : i32
      %dma_start3A_33 = arith.constant 0 : i32
      %dma_start3A_34 = tpu.memref_slice %arg7[%dma_start3A_32, %dma_start3A_33] : memref<16x128xi32, #tpu.memory_space<vmem>> -> memref<1x128xi32, #tpu.memory_space<vmem>>
      %dma_start3A_35 = tpu.memref_squeeze %dma_start3A_34 : memref<1x128xi32, #tpu.memory_space<vmem>> -> memref<128xi32, #tpu.memory_space<vmem>>
      %dma_start3A_36 = arith.constant 0 : i32
      %dma_start3A_37 = arith.constant 0 : i32
      %dma_start3A_38 = tpu.memref_slice %arg2[%dma_start3A_36, %dma_start3A_37] : memref<10000x128xf32, #tpu.memory_space<hbm>> -> memref<10000x128xf32, #tpu.memory_space<hbm>>
      tpu.enqueue_indirect_dma source(%dma_start3A_38 : memref<10000x128xf32, #tpu.memory_space<hbm>>) target(%arg10 : memref<128x128xf32, #tpu.memory_space<vmem>>) offsets(%dma_start3A_35 : memref<128xi32, #tpu.memory_space<vmem>>) semaphore(%arg12 : memref<!tpu.dma_semaphore, #tpu.memory_space<semaphore_mem>>)
      %scan3A = arith.constant 0 : i32
      %scan3A_39 = arith.constant 7 : i32
      %scan3A_40 = arith.addi %scan3A, %scan3A_39 : i32
      %scan3A_41 = arith.constant 1 : i32
      scf.for %scan3A_55 = %scan3A to %scan3A_40 step %scan3A_41  : i32 {
        %mul3A_56 = arith.constant 2 : i32
        %mul3A_57 = arith.muli %scan3A_55, %mul3A_56 : i32
        %add3A_58 = arith.constant 0 : i32
        %add3A_59 = arith.addi %mul3A_57, %add3A_58 : i32
        %dma_wait3A_60 = arith.constant 0 : i32
        %dma_wait3A_61 = arith.constant 0 : i32
        %dma_wait3A_62 = tpu.memref_slice %arg2[%dma_wait3A_60, %dma_wait3A_61] : memref<10000x128xf32, #tpu.memory_space<hbm>> -> memref<128x128xf32, #tpu.memory_space<hbm>>
        %dma_wait3A_63 = arith.constant 0 : i32
        %dma_wait3A_64 = arith.constant 0 : i32
        %dma_wait3A_65 = tpu.memref_slice %arg2[%dma_wait3A_63, %dma_wait3A_64] : memref<10000x128xf32, #tpu.memory_space<hbm>> -> memref<128x128xf32, #tpu.memory_space<hbm>>
        tpu.wait_dma2 semaphore(%arg11 : memref<!tpu.dma_semaphore, #tpu.memory_space<semaphore_mem>>) src(%dma_wait3A_65 : memref<128x128xf32, #tpu.memory_space<hbm>>) dst(%arg9 : memref<128x128xf32, #tpu.memory_space<vmem>>)
        "tpu.region"() ({
          %run_scoped3A_92 = tpu.sem_alloc : memref<!tpu.dma_semaphore, #tpu.memory_space<semaphore_mem>>
          %dma_start3A_93 = arith.constant 0 : i32
          %dma_start3A_94 = tpu.memref_slice %arg8[%add3A_59, %dma_start3A_93] : memref<16x128xi32, #tpu.memory_space<vmem>> -> memref<1x128xi32, #tpu.memory_space<vmem>>
          %dma_start3A_95 = tpu.memref_squeeze %dma_start3A_94 : memref<1x128xi32, #tpu.memory_space<vmem>> -> memref<128xi32, #tpu.memory_space<vmem>>
          %dma_start3A_96 = arith.constant 0 : i32
          %dma_start3A_97 = arith.constant 0 : i32
          %dma_start3A_98 = tpu.memref_slice %arg13[%dma_start3A_96, %dma_start3A_97] : memref<10240x128xf32, #tpu.memory_space<vmem_shared>> -> memref<10240x128xf32, #tpu.memory_space<vmem_shared>>
          tpu.enqueue_indirect_dma source(%arg9 : memref<128x128xf32, #tpu.memory_space<vmem>>) target(%dma_start3A_98 : memref<10240x128xf32, #tpu.memory_space<vmem_shared>>) offsets(%dma_start3A_95 : memref<128xi32, #tpu.memory_space<vmem>>) semaphore(%run_scoped3A_92 : memref<!tpu.dma_semaphore, #tpu.memory_space<semaphore_mem>>) {add = true}
          %dma_wait3A_99 = arith.constant 0 : i32
          %dma_wait3A_100 = tpu.memref_slice %arg8[%add3A_59, %dma_wait3A_99] : memref<16x128xi32, #tpu.memory_space<vmem>> -> memref<1x128xi32, #tpu.memory_space<vmem>>
          %dma_wait3A_101 = tpu.memref_squeeze %dma_wait3A_100 : memref<1x128xi32, #tpu.memory_space<vmem>> -> memref<128xi32, #tpu.memory_space<vmem>>
          %dma_wait3A_102 = arith.constant 0 : i32
          %dma_wait3A_103 = arith.constant 0 : i32
          %dma_wait3A_104 = tpu.memref_slice %arg13[%dma_wait3A_102, %dma_wait3A_103] : memref<10240x128xf32, #tpu.memory_space<vmem_shared>> -> memref<10240x128xf32, #tpu.memory_space<vmem_shared>>
          tpu.wait_indirect_dma semaphore(%run_scoped3A_92 : memref<!tpu.dma_semaphore, #tpu.memory_space<semaphore_mem>>) src(%arg9 : memref<128x128xf32, #tpu.memory_space<vmem>>) dst(%dma_wait3A_104 : memref<10240x128xf32, #tpu.memory_space<vmem_shared>>)
          tpu.yield
        }) : () -> ()
        %add3A_66 = arith.constant 2 : i32
        %add3A_67 = arith.addi %add3A_59, %add3A_66 : i32
        %dma_start3A_68 = arith.constant 0 : i32
        %dma_start3A_69 = tpu.memref_slice %arg7[%add3A_67, %dma_start3A_68] : memref<16x128xi32, #tpu.memory_space<vmem>> -> memref<1x128xi32, #tpu.memory_space<vmem>>
        %dma_start3A_70 = tpu.memref_squeeze %dma_start3A_69 : memref<1x128xi32, #tpu.memory_space<vmem>> -> memref<128xi32, #tpu.memory_space<vmem>>
        %dma_start3A_71 = arith.constant 0 : i32
        %dma_start3A_72 = arith.constant 0 : i32
        %dma_start3A_73 = tpu.memref_slice %arg2[%dma_start3A_71, %dma_start3A_72] : memref<10000x128xf32, #tpu.memory_space<hbm>> -> memref<10000x128xf32, #tpu.memory_space<hbm>>
        tpu.enqueue_indirect_dma source(%dma_start3A_73 : memref<10000x128xf32, #tpu.memory_space<hbm>>) target(%arg9 : memref<128x128xf32, #tpu.memory_space<vmem>>) offsets(%dma_start3A_70 : memref<128xi32, #tpu.memory_space<vmem>>) semaphore(%arg11 : memref<!tpu.dma_semaphore, #tpu.memory_space<semaphore_mem>>)
        %mul3A_74 = arith.constant 2 : i32
        %mul3A_75 = arith.muli %scan3A_55, %mul3A_74 : i32
        %add3A_76 = arith.constant 1 : i32
        %add3A_77 = arith.addi %mul3A_75, %add3A_76 : i32
        %dma_wait3A_78 = arith.constant 0 : i32
        %dma_wait3A_79 = arith.constant 0 : i32
        %dma_wait3A_80 = tpu.memref_slice %arg2[%dma_wait3A_78, %dma_wait3A_79] : memref<10000x128xf32, #tpu.memory_space<hbm>> -> memref<128x128xf32, #tpu.memory_space<hbm>>
        %dma_wait3A_81 = arith.constant 0 : i32
        %dma_wait3A_82 = arith.constant 0 : i32
        %dma_wait3A_83 = tpu.memref_slice %arg2[%dma_wait3A_81, %dma_wait3A_82] : memref<10000x128xf32, #tpu.memory_space<hbm>> -> memref<128x128xf32, #tpu.memory_space<hbm>>
        tpu.wait_dma2 semaphore(%arg12 : memref<!tpu.dma_semaphore, #tpu.memory_space<semaphore_mem>>) src(%dma_wait3A_83 : memref<128x128xf32, #tpu.memory_space<hbm>>) dst(%arg10 : memref<128x128xf32, #tpu.memory_space<vmem>>)
        "tpu.region"() ({
          %run_scoped3A_92 = tpu.sem_alloc : memref<!tpu.dma_semaphore, #tpu.memory_space<semaphore_mem>>
          %dma_start3A_93 = arith.constant 0 : i32
          %dma_start3A_94 = tpu.memref_slice %arg8[%add3A_77, %dma_start3A_93] : memref<16x128xi32, #tpu.memory_space<vmem>> -> memref<1x128xi32, #tpu.memory_space<vmem>>
          %dma_start3A_95 = tpu.memref_squeeze %dma_start3A_94 : memref<1x128xi32, #tpu.memory_space<vmem>> -> memref<128xi32, #tpu.memory_space<vmem>>
          %dma_start3A_96 = arith.constant 0 : i32
          %dma_start3A_97 = arith.constant 0 : i32
          %dma_start3A_98 = tpu.memref_slice %arg13[%dma_start3A_96, %dma_start3A_97] : memref<10240x128xf32, #tpu.memory_space<vmem_shared>> -> memref<10240x128xf32, #tpu.memory_space<vmem_shared>>
          tpu.enqueue_indirect_dma source(%arg10 : memref<128x128xf32, #tpu.memory_space<vmem>>) target(%dma_start3A_98 : memref<10240x128xf32, #tpu.memory_space<vmem_shared>>) offsets(%dma_start3A_95 : memref<128xi32, #tpu.memory_space<vmem>>) semaphore(%run_scoped3A_92 : memref<!tpu.dma_semaphore, #tpu.memory_space<semaphore_mem>>) {add = true}
          %dma_wait3A_99 = arith.constant 0 : i32
          %dma_wait3A_100 = tpu.memref_slice %arg8[%add3A_77, %dma_wait3A_99] : memref<16x128xi32, #tpu.memory_space<vmem>> -> memref<1x128xi32, #tpu.memory_space<vmem>>
          %dma_wait3A_101 = tpu.memref_squeeze %dma_wait3A_100 : memref<1x128xi32, #tpu.memory_space<vmem>> -> memref<128xi32, #tpu.memory_space<vmem>>
          %dma_wait3A_102 = arith.constant 0 : i32
          %dma_wait3A_103 = arith.constant 0 : i32
          %dma_wait3A_104 = tpu.memref_slice %arg13[%dma_wait3A_102, %dma_wait3A_103] : memref<10240x128xf32, #tpu.memory_space<vmem_shared>> -> memref<10240x128xf32, #tpu.memory_space<vmem_shared>>
          tpu.wait_indirect_dma semaphore(%run_scoped3A_92 : memref<!tpu.dma_semaphore, #tpu.memory_space<semaphore_mem>>) src(%arg10 : memref<128x128xf32, #tpu.memory_space<vmem>>) dst(%dma_wait3A_104 : memref<10240x128xf32, #tpu.memory_space<vmem_shared>>)
          tpu.yield
        }) : () -> ()
        %add3A_84 = arith.constant 2 : i32
        %add3A_85 = arith.addi %add3A_77, %add3A_84 : i32
        %dma_start3A_86 = arith.constant 0 : i32
        %dma_start3A_87 = tpu.memref_slice %arg7[%add3A_85, %dma_start3A_86] : memref<16x128xi32, #tpu.memory_space<vmem>> -> memref<1x128xi32, #tpu.memory_space<vmem>>
        %dma_start3A_88 = tpu.memref_squeeze %dma_start3A_87 : memref<1x128xi32, #tpu.memory_space<vmem>> -> memref<128xi32, #tpu.memory_space<vmem>>
        %dma_start3A_89 = arith.constant 0 : i32
        %dma_start3A_90 = arith.constant 0 : i32
        %dma_start3A_91 = tpu.memref_slice %arg2[%dma_start3A_89, %dma_start3A_90] : memref<10000x128xf32, #tpu.memory_space<hbm>> -> memref<10000x128xf32, #tpu.memory_space<hbm>>
        tpu.enqueue_indirect_dma source(%dma_start3A_91 : memref<10000x128xf32, #tpu.memory_space<hbm>>) target(%arg10 : memref<128x128xf32, #tpu.memory_space<vmem>>) offsets(%dma_start3A_88 : memref<128xi32, #tpu.memory_space<vmem>>) semaphore(%arg12 : memref<!tpu.dma_semaphore, #tpu.memory_space<semaphore_mem>>)
      }
      %scan3A_42 = arith.constant 7 : i32
      %dma_wait3A = arith.constant 0 : i32
      %dma_wait3A_43 = arith.constant 0 : i32
      %dma_wait3A_44 = tpu.memref_slice %arg2[%dma_wait3A, %dma_wait3A_43] : memref<10000x128xf32, #tpu.memory_space<hbm>> -> memref<128x128xf32, #tpu.memory_space<hbm>>
      %dma_wait3A_45 = arith.constant 0 : i32
      %dma_wait3A_46 = arith.constant 0 : i32
      %dma_wait3A_47 = tpu.memref_slice %arg2[%dma_wait3A_45, %dma_wait3A_46] : memref<10000x128xf32, #tpu.memory_space<hbm>> -> memref<128x128xf32, #tpu.memory_space<hbm>>
      tpu.wait_dma2 semaphore(%arg11 : memref<!tpu.dma_semaphore, #tpu.memory_space<semaphore_mem>>) src(%dma_wait3A_47 : memref<128x128xf32, #tpu.memory_space<hbm>>) dst(%arg9 : memref<128x128xf32, #tpu.memory_space<vmem>>)
      %run_scoped3A = arith.constant 14 : i32
      "tpu.region"() ({
        %run_scoped3A_55 = tpu.sem_alloc : memref<!tpu.dma_semaphore, #tpu.memory_space<semaphore_mem>>
        %dma_start3A_56 = arith.constant 0 : i32
        %dma_start3A_57 = tpu.memref_slice %arg8[%run_scoped3A, %dma_start3A_56] : memref<16x128xi32, #tpu.memory_space<vmem>> -> memref<1x128xi32, #tpu.memory_space<vmem>>
        %dma_start3A_58 = tpu.memref_squeeze %dma_start3A_57 : memref<1x128xi32, #tpu.memory_space<vmem>> -> memref<128xi32, #tpu.memory_space<vmem>>
        %dma_start3A_59 = arith.constant 0 : i32
        %dma_start3A_60 = arith.constant 0 : i32
        %dma_start3A_61 = tpu.memref_slice %arg13[%dma_start3A_59, %dma_start3A_60] : memref<10240x128xf32, #tpu.memory_space<vmem_shared>> -> memref<10240x128xf32, #tpu.memory_space<vmem_shared>>
        tpu.enqueue_indirect_dma source(%arg9 : memref<128x128xf32, #tpu.memory_space<vmem>>) target(%dma_start3A_61 : memref<10240x128xf32, #tpu.memory_space<vmem_shared>>) offsets(%dma_start3A_58 : memref<128xi32, #tpu.memory_space<vmem>>) semaphore(%run_scoped3A_55 : memref<!tpu.dma_semaphore, #tpu.memory_space<semaphore_mem>>) {add = true}
        %dma_wait3A_62 = arith.constant 0 : i32
        %dma_wait3A_63 = tpu.memref_slice %arg8[%run_scoped3A, %dma_wait3A_62] : memref<16x128xi32, #tpu.memory_space<vmem>> -> memref<1x128xi32, #tpu.memory_space<vmem>>
        %dma_wait3A_64 = tpu.memref_squeeze %dma_wait3A_63 : memref<1x128xi32, #tpu.memory_space<vmem>> -> memref<128xi32, #tpu.memory_space<vmem>>
        %dma_wait3A_65 = arith.constant 0 : i32
        %dma_wait3A_66 = arith.constant 0 : i32
        %dma_wait3A_67 = tpu.memref_slice %arg13[%dma_wait3A_65, %dma_wait3A_66] : memref<10240x128xf32, #tpu.memory_space<vmem_shared>> -> memref<10240x128xf32, #tpu.memory_space<vmem_shared>>
        tpu.wait_indirect_dma semaphore(%run_scoped3A_55 : memref<!tpu.dma_semaphore, #tpu.memory_space<semaphore_mem>>) src(%arg9 : memref<128x128xf32, #tpu.memory_space<vmem>>) dst(%dma_wait3A_67 : memref<10240x128xf32, #tpu.memory_space<vmem_shared>>)
        tpu.yield
      }) : () -> ()
      %dma_wait3A_48 = arith.constant 0 : i32
      %dma_wait3A_49 = arith.constant 0 : i32
      %dma_wait3A_50 = tpu.memref_slice %arg2[%dma_wait3A_48, %dma_wait3A_49] : memref<10000x128xf32, #tpu.memory_space<hbm>> -> memref<128x128xf32, #tpu.memory_space<hbm>>
      %dma_wait3A_51 = arith.constant 0 : i32
      %dma_wait3A_52 = arith.constant 0 : i32
      %dma_wait3A_53 = tpu.memref_slice %arg2[%dma_wait3A_51, %dma_wait3A_52] : memref<10000x128xf32, #tpu.memory_space<hbm>> -> memref<128x128xf32, #tpu.memory_space<hbm>>
      tpu.wait_dma2 semaphore(%arg12 : memref<!tpu.dma_semaphore, #tpu.memory_space<semaphore_mem>>) src(%dma_wait3A_53 : memref<128x128xf32, #tpu.memory_space<hbm>>) dst(%arg10 : memref<128x128xf32, #tpu.memory_space<vmem>>)
      %run_scoped3A_54 = arith.constant 15 : i32
      "tpu.region"() ({
        %run_scoped3A_55 = tpu.sem_alloc : memref<!tpu.dma_semaphore, #tpu.memory_space<semaphore_mem>>
        %dma_start3A_56 = arith.constant 0 : i32
        %dma_start3A_57 = tpu.memref_slice %arg8[%run_scoped3A_54, %dma_start3A_56] : memref<16x128xi32, #tpu.memory_space<vmem>> -> memref<1x128xi32, #tpu.memory_space<vmem>>
        %dma_start3A_58 = tpu.memref_squeeze %dma_start3A_57 : memref<1x128xi32, #tpu.memory_space<vmem>> -> memref<128xi32, #tpu.memory_space<vmem>>
        %dma_start3A_59 = arith.constant 0 : i32
        %dma_start3A_60 = arith.constant 0 : i32
        %dma_start3A_61 = tpu.memref_slice %arg13[%dma_start3A_59, %dma_start3A_60] : memref<10240x128xf32, #tpu.memory_space<vmem_shared>> -> memref<10240x128xf32, #tpu.memory_space<vmem_shared>>
        tpu.enqueue_indirect_dma source(%arg10 : memref<128x128xf32, #tpu.memory_space<vmem>>) target(%dma_start3A_61 : memref<10240x128xf32, #tpu.memory_space<vmem_shared>>) offsets(%dma_start3A_58 : memref<128xi32, #tpu.memory_space<vmem>>) semaphore(%run_scoped3A_55 : memref<!tpu.dma_semaphore, #tpu.memory_space<semaphore_mem>>) {add = true}
        %dma_wait3A_62 = arith.constant 0 : i32
        %dma_wait3A_63 = tpu.memref_slice %arg8[%run_scoped3A_54, %dma_wait3A_62] : memref<16x128xi32, #tpu.memory_space<vmem>> -> memref<1x128xi32, #tpu.memory_space<vmem>>
        %dma_wait3A_64 = tpu.memref_squeeze %dma_wait3A_63 : memref<1x128xi32, #tpu.memory_space<vmem>> -> memref<128xi32, #tpu.memory_space<vmem>>
        %dma_wait3A_65 = arith.constant 0 : i32
        %dma_wait3A_66 = arith.constant 0 : i32
        %dma_wait3A_67 = tpu.memref_slice %arg13[%dma_wait3A_65, %dma_wait3A_66] : memref<10240x128xf32, #tpu.memory_space<vmem_shared>> -> memref<10240x128xf32, #tpu.memory_space<vmem_shared>>
        tpu.wait_indirect_dma semaphore(%run_scoped3A_55 : memref<!tpu.dma_semaphore, #tpu.memory_space<semaphore_mem>>) src(%arg10 : memref<128x128xf32, #tpu.memory_space<vmem>>) dst(%dma_wait3A_67 : memref<10240x128xf32, #tpu.memory_space<vmem_shared>>)
        tpu.yield
      }) : () -> ()
    }
    %while3A_18 = arith.constant 1 : i32
    scf.for %while3A_22 = %while3A_16 to %while3A_12 step %while3A_18  : i32 {
      %mul3A_23 = arith.constant 16 : i32
      %mul3A_24 = arith.muli %while3A_22, %mul3A_23 : i32
      %add3A_25 = arith.addi %select_n3A, %mul3A_24 : i32
      %multiple_of3A = tpu.assume_multiple %add3A_25, 8 : i32
      "tpu.region"() ({
        %run_scoped3A_55 = tpu.sem_alloc : memref<!tpu.dma_semaphore, #tpu.memory_space<semaphore_mem>>
        %dma_start3A_56 = arith.constant 0 : i32
        %dma_start3A_57 = tpu.memref_slice %arg3[%multiple_of3A, %dma_start3A_56] : memref<2560x128xi32, #tpu.memory_space<hbm>> -> memref<16x128xi32, #tpu.memory_space<hbm>>
        %dma_start3A_58 = arith.constant 0 : i32
        %dma_start3A_59 = tpu.memref_slice %arg3[%multiple_of3A, %dma_start3A_58] : memref<2560x128xi32, #tpu.memory_space<hbm>> -> memref<16x128xi32, #tpu.memory_space<hbm>>
        tpu.enqueue_dma source(%dma_start3A_59 : memref<16x128xi32, #tpu.memory_space<hbm>>) target(%arg7 : memref<16x128xi32, #tpu.memory_space<vmem>>) target_semaphore(%run_scoped3A_55 : memref<!tpu.dma_semaphore, #tpu.memory_space<semaphore_mem>>)
        %dma_wait3A_60 = arith.constant 0 : i32
        %dma_wait3A_61 = tpu.memref_slice %arg3[%multiple_of3A, %dma_wait3A_60] : memref<2560x128xi32, #tpu.memory_space<hbm>> -> memref<16x128xi32, #tpu.memory_space<hbm>>
        %dma_wait3A_62 = arith.constant 0 : i32
        %dma_wait3A_63 = tpu.memref_slice %arg3[%multiple_of3A, %dma_wait3A_62] : memref<2560x128xi32, #tpu.memory_space<hbm>> -> memref<16x128xi32, #tpu.memory_space<hbm>>
        tpu.wait_dma2 semaphore(%run_scoped3A_55 : memref<!tpu.dma_semaphore, #tpu.memory_space<semaphore_mem>>) src(%dma_wait3A_63 : memref<16x128xi32, #tpu.memory_space<hbm>>) dst(%arg7 : memref<16x128xi32, #tpu.memory_space<vmem>>)
        tpu.yield
      }) : () -> ()
      "tpu.region"() ({
        %run_scoped3A_55 = tpu.sem_alloc : memref<!tpu.dma_semaphore, #tpu.memory_space<semaphore_mem>>
        %dma_start3A_56 = arith.constant 0 : i32
        %dma_start3A_57 = tpu.memref_slice %arg4[%multiple_of3A, %dma_start3A_56] : memref<2560x128xi32, #tpu.memory_space<hbm>> -> memref<16x128xi32, #tpu.memory_space<hbm>>
        %dma_start3A_58 = arith.constant 0 : i32
        %dma_start3A_59 = tpu.memref_slice %arg4[%multiple_of3A, %dma_start3A_58] : memref<2560x128xi32, #tpu.memory_space<hbm>> -> memref<16x128xi32, #tpu.memory_space<hbm>>
        tpu.enqueue_dma source(%dma_start3A_59 : memref<16x128xi32, #tpu.memory_space<hbm>>) target(%arg8 : memref<16x128xi32, #tpu.memory_space<vmem>>) target_semaphore(%run_scoped3A_55 : memref<!tpu.dma_semaphore, #tpu.memory_space<semaphore_mem>>)
        %dma_wait3A_60 = arith.constant 0 : i32
        %dma_wait3A_61 = tpu.memref_slice %arg4[%multiple_of3A, %dma_wait3A_60] : memref<2560x128xi32, #tpu.memory_space<hbm>> -> memref<16x128xi32, #tpu.memory_space<hbm>>
        %dma_wait3A_62 = arith.constant 0 : i32
        %dma_wait3A_63 = tpu.memref_slice %arg4[%multiple_of3A, %dma_wait3A_62] : memref<2560x128xi32, #tpu.memory_space<hbm>> -> memref<16x128xi32, #tpu.memory_space<hbm>>
        tpu.wait_dma2 semaphore(%run_scoped3A_55 : memref<!tpu.dma_semaphore, #tpu.memory_space<semaphore_mem>>) src(%dma_wait3A_63 : memref<16x128xi32, #tpu.memory_space<hbm>>) dst(%arg8 : memref<16x128xi32, #tpu.memory_space<vmem>>)
        tpu.yield
      }) : () -> ()
      %dma_start3A = arith.constant 0 : i32
      %dma_start3A_26 = arith.constant 0 : i32
      %dma_start3A_27 = tpu.memref_slice %arg7[%dma_start3A, %dma_start3A_26] : memref<16x128xi32, #tpu.memory_space<vmem>> -> memref<1x128xi32, #tpu.memory_space<vmem>>
      %dma_start3A_28 = tpu.memref_squeeze %dma_start3A_27 : memref<1x128xi32, #tpu.memory_space<vmem>> -> memref<128xi32, #tpu.memory_space<vmem>>
      %dma_start3A_29 = arith.constant 0 : i32
      %dma_start3A_30 = arith.constant 0 : i32
      %dma_start3A_31 = tpu.memref_slice %arg2[%dma_start3A_29, %dma_start3A_30] : memref<10000x128xf32, #tpu.memory_space<hbm>> -> memref<10000x128xf32, #tpu.memory_space<hbm>>
      tpu.enqueue_indirect_dma source(%dma_start3A_31 : memref<10000x128xf32, #tpu.memory_space<hbm>>) target(%arg9 : memref<128x128xf32, #tpu.memory_space<vmem>>) offsets(%dma_start3A_28 : memref<128xi32, #tpu.memory_space<vmem>>) semaphore(%arg11 : memref<!tpu.dma_semaphore, #tpu.memory_space<semaphore_mem>>)
      %dma_start3A_32 = arith.constant 1 : i32
      %dma_start3A_33 = arith.constant 0 : i32
      %dma_start3A_34 = tpu.memref_slice %arg7[%dma_start3A_32, %dma_start3A_33] : memref<16x128xi32, #tpu.memory_space<vmem>> -> memref<1x128xi32, #tpu.memory_space<vmem>>
      %dma_start3A_35 = tpu.memref_squeeze %dma_start3A_34 : memref<1x128xi32, #tpu.memory_space<vmem>> -> memref<128xi32, #tpu.memory_space<vmem>>
      %dma_start3A_36 = arith.constant 0 : i32
      %dma_start3A_37 = arith.constant 0 : i32
      %dma_start3A_38 = tpu.memref_slice %arg2[%dma_start3A_36, %dma_start3A_37] : memref<10000x128xf32, #tpu.memory_space<hbm>> -> memref<10000x128xf32, #tpu.memory_space<hbm>>
      tpu.enqueue_indirect_dma source(%dma_start3A_38 : memref<10000x128xf32, #tpu.memory_space<hbm>>) target(%arg10 : memref<128x128xf32, #tpu.memory_space<vmem>>) offsets(%dma_start3A_35 : memref<128xi32, #tpu.memory_space<vmem>>) semaphore(%arg12 : memref<!tpu.dma_semaphore, #tpu.memory_space<semaphore_mem>>)
      %scan3A = arith.constant 0 : i32
      %scan3A_39 = arith.constant 7 : i32
      %scan3A_40 = arith.addi %scan3A, %scan3A_39 : i32
      %scan3A_41 = arith.constant 1 : i32
      scf.for %scan3A_55 = %scan3A to %scan3A_40 step %scan3A_41  : i32 {
        %mul3A_56 = arith.constant 2 : i32
        %mul3A_57 = arith.muli %scan3A_55, %mul3A_56 : i32
        %add3A_58 = arith.constant 0 : i32
        %add3A_59 = arith.addi %mul3A_57, %add3A_58 : i32
        %dma_wait3A_60 = arith.constant 0 : i32
        %dma_wait3A_61 = arith.constant 0 : i32
        %dma_wait3A_62 = tpu.memref_slice %arg2[%dma_wait3A_60, %dma_wait3A_61] : memref<10000x128xf32, #tpu.memory_space<hbm>> -> memref<128x128xf32, #tpu.memory_space<hbm>>
        %dma_wait3A_63 = arith.constant 0 : i32
        %dma_wait3A_64 = arith.constant 0 : i32
        %dma_wait3A_65 = tpu.memref_slice %arg2[%dma_wait3A_63, %dma_wait3A_64] : memref<10000x128xf32, #tpu.memory_space<hbm>> -> memref<128x128xf32, #tpu.memory_space<hbm>>
        tpu.wait_dma2 semaphore(%arg11 : memref<!tpu.dma_semaphore, #tpu.memory_space<semaphore_mem>>) src(%dma_wait3A_65 : memref<128x128xf32, #tpu.memory_space<hbm>>) dst(%arg9 : memref<128x128xf32, #tpu.memory_space<vmem>>)
        "tpu.region"() ({
          %run_scoped3A_92 = tpu.sem_alloc : memref<!tpu.dma_semaphore, #tpu.memory_space<semaphore_mem>>
          %dma_start3A_93 = arith.constant 0 : i32
          %dma_start3A_94 = tpu.memref_slice %arg8[%add3A_59, %dma_start3A_93] : memref<16x128xi32, #tpu.memory_space<vmem>> -> memref<1x128xi32, #tpu.memory_space<vmem>>
          %dma_start3A_95 = tpu.memref_squeeze %dma_start3A_94 : memref<1x128xi32, #tpu.memory_space<vmem>> -> memref<128xi32, #tpu.memory_space<vmem>>
          %dma_start3A_96 = arith.constant 0 : i32
          %dma_start3A_97 = arith.constant 0 : i32
          %dma_start3A_98 = tpu.memref_slice %arg13[%dma_start3A_96, %dma_start3A_97] : memref<10240x128xf32, #tpu.memory_space<vmem_shared>> -> memref<10240x128xf32, #tpu.memory_space<vmem_shared>>
          tpu.enqueue_indirect_dma source(%arg9 : memref<128x128xf32, #tpu.memory_space<vmem>>) target(%dma_start3A_98 : memref<10240x128xf32, #tpu.memory_space<vmem_shared>>) offsets(%dma_start3A_95 : memref<128xi32, #tpu.memory_space<vmem>>) semaphore(%run_scoped3A_92 : memref<!tpu.dma_semaphore, #tpu.memory_space<semaphore_mem>>) {add = true}
          %dma_wait3A_99 = arith.constant 0 : i32
          %dma_wait3A_100 = tpu.memref_slice %arg8[%add3A_59, %dma_wait3A_99] : memref<16x128xi32, #tpu.memory_space<vmem>> -> memref<1x128xi32, #tpu.memory_space<vmem>>
          %dma_wait3A_101 = tpu.memref_squeeze %dma_wait3A_100 : memref<1x128xi32, #tpu.memory_space<vmem>> -> memref<128xi32, #tpu.memory_space<vmem>>
          %dma_wait3A_102 = arith.constant 0 : i32
          %dma_wait3A_103 = arith.constant 0 : i32
          %dma_wait3A_104 = tpu.memref_slice %arg13[%dma_wait3A_102, %dma_wait3A_103] : memref<10240x128xf32, #tpu.memory_space<vmem_shared>> -> memref<10240x128xf32, #tpu.memory_space<vmem_shared>>
          tpu.wait_indirect_dma semaphore(%run_scoped3A_92 : memref<!tpu.dma_semaphore, #tpu.memory_space<semaphore_mem>>) src(%arg9 : memref<128x128xf32, #tpu.memory_space<vmem>>) dst(%dma_wait3A_104 : memref<10240x128xf32, #tpu.memory_space<vmem_shared>>)
          tpu.yield
        }) : () -> ()
        %add3A_66 = arith.constant 2 : i32
        %add3A_67 = arith.addi %add3A_59, %add3A_66 : i32
        %dma_start3A_68 = arith.constant 0 : i32
        %dma_start3A_69 = tpu.memref_slice %arg7[%add3A_67, %dma_start3A_68] : memref<16x128xi32, #tpu.memory_space<vmem>> -> memref<1x128xi32, #tpu.memory_space<vmem>>
        %dma_start3A_70 = tpu.memref_squeeze %dma_start3A_69 : memref<1x128xi32, #tpu.memory_space<vmem>> -> memref<128xi32, #tpu.memory_space<vmem>>
        %dma_start3A_71 = arith.constant 0 : i32
        %dma_start3A_72 = arith.constant 0 : i32
        %dma_start3A_73 = tpu.memref_slice %arg2[%dma_start3A_71, %dma_start3A_72] : memref<10000x128xf32, #tpu.memory_space<hbm>> -> memref<10000x128xf32, #tpu.memory_space<hbm>>
        tpu.enqueue_indirect_dma source(%dma_start3A_73 : memref<10000x128xf32, #tpu.memory_space<hbm>>) target(%arg9 : memref<128x128xf32, #tpu.memory_space<vmem>>) offsets(%dma_start3A_70 : memref<128xi32, #tpu.memory_space<vmem>>) semaphore(%arg11 : memref<!tpu.dma_semaphore, #tpu.memory_space<semaphore_mem>>)
        %mul3A_74 = arith.constant 2 : i32
        %mul3A_75 = arith.muli %scan3A_55, %mul3A_74 : i32
        %add3A_76 = arith.constant 1 : i32
        %add3A_77 = arith.addi %mul3A_75, %add3A_76 : i32
        %dma_wait3A_78 = arith.constant 0 : i32
        %dma_wait3A_79 = arith.constant 0 : i32
        %dma_wait3A_80 = tpu.memref_slice %arg2[%dma_wait3A_78, %dma_wait3A_79] : memref<10000x128xf32, #tpu.memory_space<hbm>> -> memref<128x128xf32, #tpu.memory_space<hbm>>
        %dma_wait3A_81 = arith.constant 0 : i32
        %dma_wait3A_82 = arith.constant 0 : i32
        %dma_wait3A_83 = tpu.memref_slice %arg2[%dma_wait3A_81, %dma_wait3A_82] : memref<10000x128xf32, #tpu.memory_space<hbm>> -> memref<128x128xf32, #tpu.memory_space<hbm>>
        tpu.wait_dma2 semaphore(%arg12 : memref<!tpu.dma_semaphore, #tpu.memory_space<semaphore_mem>>) src(%dma_wait3A_83 : memref<128x128xf32, #tpu.memory_space<hbm>>) dst(%arg10 : memref<128x128xf32, #tpu.memory_space<vmem>>)
        "tpu.region"() ({
          %run_scoped3A_92 = tpu.sem_alloc : memref<!tpu.dma_semaphore, #tpu.memory_space<semaphore_mem>>
          %dma_start3A_93 = arith.constant 0 : i32
          %dma_start3A_94 = tpu.memref_slice %arg8[%add3A_77, %dma_start3A_93] : memref<16x128xi32, #tpu.memory_space<vmem>> -> memref<1x128xi32, #tpu.memory_space<vmem>>
          %dma_start3A_95 = tpu.memref_squeeze %dma_start3A_94 : memref<1x128xi32, #tpu.memory_space<vmem>> -> memref<128xi32, #tpu.memory_space<vmem>>
          %dma_start3A_96 = arith.constant 0 : i32
          %dma_start3A_97 = arith.constant 0 : i32
          %dma_start3A_98 = tpu.memref_slice %arg13[%dma_start3A_96, %dma_start3A_97] : memref<10240x128xf32, #tpu.memory_space<vmem_shared>> -> memref<10240x128xf32, #tpu.memory_space<vmem_shared>>
          tpu.enqueue_indirect_dma source(%arg10 : memref<128x128xf32, #tpu.memory_space<vmem>>) target(%dma_start3A_98 : memref<10240x128xf32, #tpu.memory_space<vmem_shared>>) offsets(%dma_start3A_95 : memref<128xi32, #tpu.memory_space<vmem>>) semaphore(%run_scoped3A_92 : memref<!tpu.dma_semaphore, #tpu.memory_space<semaphore_mem>>) {add = true}
          %dma_wait3A_99 = arith.constant 0 : i32
          %dma_wait3A_100 = tpu.memref_slice %arg8[%add3A_77, %dma_wait3A_99] : memref<16x128xi32, #tpu.memory_space<vmem>> -> memref<1x128xi32, #tpu.memory_space<vmem>>
          %dma_wait3A_101 = tpu.memref_squeeze %dma_wait3A_100 : memref<1x128xi32, #tpu.memory_space<vmem>> -> memref<128xi32, #tpu.memory_space<vmem>>
          %dma_wait3A_102 = arith.constant 0 : i32
          %dma_wait3A_103 = arith.constant 0 : i32
          %dma_wait3A_104 = tpu.memref_slice %arg13[%dma_wait3A_102, %dma_wait3A_103] : memref<10240x128xf32, #tpu.memory_space<vmem_shared>> -> memref<10240x128xf32, #tpu.memory_space<vmem_shared>>
          tpu.wait_indirect_dma semaphore(%run_scoped3A_92 : memref<!tpu.dma_semaphore, #tpu.memory_space<semaphore_mem>>) src(%arg10 : memref<128x128xf32, #tpu.memory_space<vmem>>) dst(%dma_wait3A_104 : memref<10240x128xf32, #tpu.memory_space<vmem_shared>>)
          tpu.yield
        }) : () -> ()
        %add3A_84 = arith.constant 2 : i32
        %add3A_85 = arith.addi %add3A_77, %add3A_84 : i32
        %dma_start3A_86 = arith.constant 0 : i32
        %dma_start3A_87 = tpu.memref_slice %arg7[%add3A_85, %dma_start3A_86] : memref<16x128xi32, #tpu.memory_space<vmem>> -> memref<1x128xi32, #tpu.memory_space<vmem>>
        %dma_start3A_88 = tpu.memref_squeeze %dma_start3A_87 : memref<1x128xi32, #tpu.memory_space<vmem>> -> memref<128xi32, #tpu.memory_space<vmem>>
        %dma_start3A_89 = arith.constant 0 : i32
        %dma_start3A_90 = arith.constant 0 : i32
        %dma_start3A_91 = tpu.memref_slice %arg2[%dma_start3A_89, %dma_start3A_90] : memref<10000x128xf32, #tpu.memory_space<hbm>> -> memref<10000x128xf32, #tpu.memory_space<hbm>>
        tpu.enqueue_indirect_dma source(%dma_start3A_91 : memref<10000x128xf32, #tpu.memory_space<hbm>>) target(%arg10 : memref<128x128xf32, #tpu.memory_space<vmem>>) offsets(%dma_start3A_88 : memref<128xi32, #tpu.memory_space<vmem>>) semaphore(%arg12 : memref<!tpu.dma_semaphore, #tpu.memory_space<semaphore_mem>>)
      }
      %scan3A_42 = arith.constant 7 : i32
      %dma_wait3A = arith.constant 0 : i32
      %dma_wait3A_43 = arith.constant 0 : i32
      %dma_wait3A_44 = tpu.memref_slice %arg2[%dma_wait3A, %dma_wait3A_43] : memref<10000x128xf32, #tpu.memory_space<hbm>> -> memref<128x128xf32, #tpu.memory_space<hbm>>
      %dma_wait3A_45 = arith.constant 0 : i32
      %dma_wait3A_46 = arith.constant 0 : i32
      %dma_wait3A_47 = tpu.memref_slice %arg2[%dma_wait3A_45, %dma_wait3A_46] : memref<10000x128xf32, #tpu.memory_space<hbm>> -> memref<128x128xf32, #tpu.memory_space<hbm>>
      tpu.wait_dma2 semaphore(%arg11 : memref<!tpu.dma_semaphore, #tpu.memory_space<semaphore_mem>>) src(%dma_wait3A_47 : memref<128x128xf32, #tpu.memory_space<hbm>>) dst(%arg9 : memref<128x128xf32, #tpu.memory_space<vmem>>)
      %run_scoped3A = arith.constant 14 : i32
      "tpu.region"() ({
        %run_scoped3A_55 = tpu.sem_alloc : memref<!tpu.dma_semaphore, #tpu.memory_space<semaphore_mem>>
        %dma_start3A_56 = arith.constant 0 : i32
        %dma_start3A_57 = tpu.memref_slice %arg8[%run_scoped3A, %dma_start3A_56] : memref<16x128xi32, #tpu.memory_space<vmem>> -> memref<1x128xi32, #tpu.memory_space<vmem>>
        %dma_start3A_58 = tpu.memref_squeeze %dma_start3A_57 : memref<1x128xi32, #tpu.memory_space<vmem>> -> memref<128xi32, #tpu.memory_space<vmem>>
        %dma_start3A_59 = arith.constant 0 : i32
        %dma_start3A_60 = arith.constant 0 : i32
        %dma_start3A_61 = tpu.memref_slice %arg13[%dma_start3A_59, %dma_start3A_60] : memref<10240x128xf32, #tpu.memory_space<vmem_shared>> -> memref<10240x128xf32, #tpu.memory_space<vmem_shared>>
        tpu.enqueue_indirect_dma source(%arg9 : memref<128x128xf32, #tpu.memory_space<vmem>>) target(%dma_start3A_61 : memref<10240x128xf32, #tpu.memory_space<vmem_shared>>) offsets(%dma_start3A_58 : memref<128xi32, #tpu.memory_space<vmem>>) semaphore(%run_scoped3A_55 : memref<!tpu.dma_semaphore, #tpu.memory_space<semaphore_mem>>) {add = true}
        %dma_wait3A_62 = arith.constant 0 : i32
        %dma_wait3A_63 = tpu.memref_slice %arg8[%run_scoped3A, %dma_wait3A_62] : memref<16x128xi32, #tpu.memory_space<vmem>> -> memref<1x128xi32, #tpu.memory_space<vmem>>
        %dma_wait3A_64 = tpu.memref_squeeze %dma_wait3A_63 : memref<1x128xi32, #tpu.memory_space<vmem>> -> memref<128xi32, #tpu.memory_space<vmem>>
        %dma_wait3A_65 = arith.constant 0 : i32
        %dma_wait3A_66 = arith.constant 0 : i32
        %dma_wait3A_67 = tpu.memref_slice %arg13[%dma_wait3A_65, %dma_wait3A_66] : memref<10240x128xf32, #tpu.memory_space<vmem_shared>> -> memref<10240x128xf32, #tpu.memory_space<vmem_shared>>
        tpu.wait_indirect_dma semaphore(%run_scoped3A_55 : memref<!tpu.dma_semaphore, #tpu.memory_space<semaphore_mem>>) src(%arg9 : memref<128x128xf32, #tpu.memory_space<vmem>>) dst(%dma_wait3A_67 : memref<10240x128xf32, #tpu.memory_space<vmem_shared>>)
        tpu.yield
      }) : () -> ()
      %dma_wait3A_48 = arith.constant 0 : i32
      %dma_wait3A_49 = arith.constant 0 : i32
      %dma_wait3A_50 = tpu.memref_slice %arg2[%dma_wait3A_48, %dma_wait3A_49] : memref<10000x128xf32, #tpu.memory_space<hbm>> -> memref<128x128xf32, #tpu.memory_space<hbm>>
      %dma_wait3A_51 = arith.constant 0 : i32
      %dma_wait3A_52 = arith.constant 0 : i32
      %dma_wait3A_53 = tpu.memref_slice %arg2[%dma_wait3A_51, %dma_wait3A_52] : memref<10000x128xf32, #tpu.memory_space<hbm>> -> memref<128x128xf32, #tpu.memory_space<hbm>>
      tpu.wait_dma2 semaphore(%arg12 : memref<!tpu.dma_semaphore, #tpu.memory_space<semaphore_mem>>) src(%dma_wait3A_53 : memref<128x128xf32, #tpu.memory_space<hbm>>) dst(%arg10 : memref<128x128xf32, #tpu.memory_space<vmem>>)
      %run_scoped3A_54 = arith.constant 15 : i32
      "tpu.region"() ({
        %run_scoped3A_55 = tpu.sem_alloc : memref<!tpu.dma_semaphore, #tpu.memory_space<semaphore_mem>>
        %dma_start3A_56 = arith.constant 0 : i32
        %dma_start3A_57 = tpu.memref_slice %arg8[%run_scoped3A_54, %dma_start3A_56] : memref<16x128xi32, #tpu.memory_space<vmem>> -> memref<1x128xi32, #tpu.memory_space<vmem>>
        %dma_start3A_58 = tpu.memref_squeeze %dma_start3A_57 : memref<1x128xi32, #tpu.memory_space<vmem>> -> memref<128xi32, #tpu.memory_space<vmem>>
        %dma_start3A_59 = arith.constant 0 : i32
        %dma_start3A_60 = arith.constant 0 : i32
        %dma_start3A_61 = tpu.memref_slice %arg13[%dma_start3A_59, %dma_start3A_60] : memref<10240x128xf32, #tpu.memory_space<vmem_shared>> -> memref<10240x128xf32, #tpu.memory_space<vmem_shared>>
        tpu.enqueue_indirect_dma source(%arg10 : memref<128x128xf32, #tpu.memory_space<vmem>>) target(%dma_start3A_61 : memref<10240x128xf32, #tpu.memory_space<vmem_shared>>) offsets(%dma_start3A_58 : memref<128xi32, #tpu.memory_space<vmem>>) semaphore(%run_scoped3A_55 : memref<!tpu.dma_semaphore, #tpu.memory_space<semaphore_mem>>) {add = true}
        %dma_wait3A_62 = arith.constant 0 : i32
        %dma_wait3A_63 = tpu.memref_slice %arg8[%run_scoped3A_54, %dma_wait3A_62] : memref<16x128xi32, #tpu.memory_space<vmem>> -> memref<1x128xi32, #tpu.memory_space<vmem>>
        %dma_wait3A_64 = tpu.memref_squeeze %dma_wait3A_63 : memref<1x128xi32, #tpu.memory_space<vmem>> -> memref<128xi32, #tpu.memory_space<vmem>>
        %dma_wait3A_65 = arith.constant 0 : i32
        %dma_wait3A_66 = arith.constant 0 : i32
        %dma_wait3A_67 = tpu.memref_slice %arg13[%dma_wait3A_65, %dma_wait3A_66] : memref<10240x128xf32, #tpu.memory_space<vmem_shared>> -> memref<10240x128xf32, #tpu.memory_space<vmem_shared>>
        tpu.wait_indirect_dma semaphore(%run_scoped3A_55 : memref<!tpu.dma_semaphore, #tpu.memory_space<semaphore_mem>>) src(%arg10 : memref<128x128xf32, #tpu.memory_space<vmem>>) dst(%dma_wait3A_67 : memref<10240x128xf32, #tpu.memory_space<vmem_shared>>)
        tpu.yield
      }) : () -> ()
    }
    %barrier3A_19 = arith.constant 0 : index
    tpu.barrier barrier_id(%barrier3A_19)
    %mul3A_20 = arith.constant 625 : i32
    %mul3A_21 = arith.muli %arg1, %mul3A_20 : i32
    "tpu.region"() ({
      %run_scoped3A = tpu.sem_alloc : memref<!tpu.dma_semaphore, #tpu.memory_space<semaphore_mem>>
      %dma_start3A = arith.constant 0 : i32
      %dma_start3A_22 = arith.constant 0 : i32
      %dma_start3A_23 = tpu.memref_slice %arg6[%arg0, %arg1, %dma_start3A, %dma_start3A_22] : memref<2x16x625x128xf32, #tpu.memory_space<hbm>> -> memref<1x1x625x128xf32, #tpu.memory_space<hbm>>
      %dma_start3A_24 = tpu.memref_squeeze %dma_start3A_23 : memref<1x1x625x128xf32, #tpu.memory_space<hbm>> -> memref<625x128xf32, #tpu.memory_space<hbm>>
      %dma_start3A_25 = arith.constant 0 : i32
      %dma_start3A_26 = tpu.memref_slice %arg13[%mul3A_21, %dma_start3A_25] : memref<10240x128xf32, #tpu.memory_space<vmem_shared>> -> memref<625x128xf32, #tpu.memory_space<vmem_shared>>
      tpu.enqueue_dma source(%dma_start3A_26 : memref<625x128xf32, #tpu.memory_space<vmem_shared>>) target(%dma_start3A_24 : memref<625x128xf32, #tpu.memory_space<hbm>>) target_semaphore(%run_scoped3A : memref<!tpu.dma_semaphore, #tpu.memory_space<semaphore_mem>>)
      %dma_wait3A = arith.constant 0 : i32
      %dma_wait3A_27 = arith.constant 0 : i32
      %dma_wait3A_28 = tpu.memref_slice %arg6[%arg0, %arg1, %dma_wait3A, %dma_wait3A_27] : memref<2x16x625x128xf32, #tpu.memory_space<hbm>> -> memref<1x1x625x128xf32, #tpu.memory_space<hbm>>
      %dma_wait3A_29 = tpu.memref_squeeze %dma_wait3A_28 : memref<1x1x625x128xf32, #tpu.memory_space<hbm>> -> memref<625x128xf32, #tpu.memory_space<hbm>>
      %dma_wait3A_30 = arith.constant 0 : i32
      %dma_wait3A_31 = tpu.memref_slice %arg13[%mul3A_21, %dma_wait3A_30] : memref<10240x128xf32, #tpu.memory_space<vmem_shared>> -> memref<625x128xf32, #tpu.memory_space<vmem_shared>>
      tpu.wait_dma2 semaphore(%run_scoped3A : memref<!tpu.dma_semaphore, #tpu.memory_space<semaphore_mem>>) src(%dma_wait3A_31 : memref<625x128xf32, #tpu.memory_space<vmem_shared>>) dst(%dma_wait3A_29 : memref<625x128xf32, #tpu.memory_space<hbm>>)
      tpu.yield
    }) : () -> ()
    return
  }
}

module attributes {stable_mosaic.version = 14 : i64} {
  func.func @_tc_h_body(%arg0: i32, %arg1: memref<1000x128xf32, #tpu.memory_space<vmem>>, %arg2: memref<128x128xf32, #tpu.memory_space<vmem>>, %arg3: memref<1000x128xf32, #tpu.memory_space<vmem>>) attributes {dimension_semantics = [#tpu.dimension_semantics<arbitrary>], iteration_bounds = array<i64: 10>, scalar_prefetch = 0 : i64, scratch_operands = 0 : i64, tpu.core_type = #tpu.core_type<tc>, window_params = [{transform_indices = @transform_0, window_bounds = array<i64: 1000, 128>}, {pipeline_mode = #tpu.pipeline_mode<synchronous>, transform_indices = @transform_1, window_bounds = array<i64: 128, 128>}, {transform_indices = @transform_2, window_bounds = array<i64: 1000, 128>}]} {
    %get3A = arith.constant 0 : index
    %get3A_0 = arith.constant 0 : index
    %get3A_1 = vector.load %arg1[%get3A, %get3A_0] : memref<1000x128xf32, #tpu.memory_space<vmem>>, vector<1000x128xf32>
    %get3A_2 = arith.constant 0 : index
    %get3A_3 = arith.constant 0 : index
    %get3A_4 = vector.load %arg2[%get3A_2, %get3A_3] : memref<128x128xf32, #tpu.memory_space<vmem>>, vector<128x128xf32>
    %dot_general3A = arith.constant dense<0.000000e+00> : vector<1000x128xf32>
    %dot_general3A_5 = tpu.matmul %get3A_1, %get3A_4, %dot_general3A {dimension_numbers = #tpu.dot_dimension_numbers<[1], [0], [0], [1], [0, 0, 1, 1], [], []>, precision = #tpu.contract_precision<fp32>, transpose_lhs_hint = false} : vector<1000x128xf32>, vector<128x128xf32>, vector<1000x128xf32> -> vector<1000x128xf32>
    %swap3A = arith.constant 0 : index
    %swap3A_6 = arith.constant 0 : index
    %swap3A_7 = vector.load %arg3[%swap3A, %swap3A_6] : memref<1000x128xf32, #tpu.memory_space<vmem>>, vector<1000x128xf32>
    tpu.vector_store %arg3[%swap3A, %swap3A_6], %dot_general3A_5 {strides = array<i32>} : memref<1000x128xf32, #tpu.memory_space<vmem>>, vector<1000x128xf32>,
    return
  }
  func.func @transform_0(%arg0: i32) -> (i32, i32) {
    %c0_i32 = arith.constant 0 : i32
    %c0_i32_0 = arith.constant 0 : i32
    return %arg0, %c0_i32 : i32, i32
  }
  func.func @transform_1(%arg0: i32) -> (i32, i32) {
    %c0_i32 = arith.constant 0 : i32
    %c0_i32_0 = arith.constant 0 : i32
    %c0_i32_1 = arith.constant 0 : i32
    return %c0_i32, %c0_i32_0 : i32, i32
  }
  func.func @transform_2(%arg0: i32) -> (i32, i32) {
    %c0_i32 = arith.constant 0 : i32
    %c0_i32_0 = arith.constant 0 : i32
    return %arg0, %c0_i32 : i32, i32
  }
}

module attributes {stable_mosaic.version = 14 : i64} {
  func.func @_tc_a_body(%arg0: i32, %arg1: memref<1000x128xf32, #tpu.memory_space<vmem>>, %arg2: memref<2x1000x1xf32, #tpu.memory_space<vmem>>, %arg3: memref<1000x128xf32, #tpu.memory_space<vmem>>, %arg4: memref<1000x16xf32, #tpu.memory_space<vmem>>) attributes {dimension_semantics = [#tpu.dimension_semantics<arbitrary>], iteration_bounds = array<i64: 10>, scalar_prefetch = 0 : i64, scratch_operands = 0 : i64, tpu.core_type = #tpu.core_type<tc>, window_params = [{transform_indices = @transform_0, window_bounds = array<i64: 1000, 128>}, {transform_indices = @transform_1, window_bounds = array<i64: 2, 1000, 1>}, {transform_indices = @transform_2, window_bounds = array<i64: 1000, 128>}, {transform_indices = @transform_3, window_bounds = array<i64: 1000, 16>}]} {
    %get3A = arith.constant 0 : index
    %get3A_0 = arith.constant 0 : index
    %get3A_1 = arith.constant 0 : index
    %get3A_2 = vector.load %arg2[%get3A, %get3A_0, %get3A_1] : memref<2x1000x1xf32, #tpu.memory_space<vmem>>, vector<1x1000x1xf32>
    %get3A_3 = vector.shape_cast %get3A_2 : vector<1x1000x1xf32> to vector<1000x1xf32>
    %get3A_4 = arith.constant 1 : index
    %get3A_5 = arith.constant 0 : index
    %get3A_6 = arith.constant 0 : index
    %get3A_7 = vector.load %arg2[%get3A_4, %get3A_5, %get3A_6] : memref<2x1000x1xf32, #tpu.memory_space<vmem>>, vector<1x1000x1xf32>
    %get3A_8 = vector.shape_cast %get3A_7 : vector<1x1000x1xf32> to vector<1000x1xf32>
    %add3A = arith.addf %get3A_3, %get3A_8 : vector<1000x1xf32>
    %add3A_9 = arith.constant 1.000000e+00 : f32
    %add3A_10 = vector.broadcast %add3A_9 : f32 to vector<1000x1xf32>
    %add3A_11 = arith.addf %add3A, %add3A_10 : vector<1000x1xf32>
    %rsqrt3A = math.rsqrt %add3A_11 : vector<1000x1xf32>
    %get3A_12 = arith.constant 0 : index
    %get3A_13 = arith.constant 0 : index
    %get3A_14 = vector.load %arg1[%get3A_12, %get3A_13] : memref<1000x128xf32, #tpu.memory_space<vmem>>, vector<1000x128xf32>
    %mul3A = vector.broadcast %rsqrt3A : vector<1000x1xf32> to vector<1000x128xf32>
    %mul3A_15 = arith.mulf %get3A_14, %mul3A : vector<1000x128xf32>
    %swap3A = arith.constant 0 : index
    %swap3A_16 = arith.constant 0 : index
    %swap3A_17 = vector.load %arg3[%swap3A, %swap3A_16] : memref<1000x128xf32, #tpu.memory_space<vmem>>, vector<1000x128xf32>
    tpu.vector_store %arg3[%swap3A, %swap3A_16], %mul3A_15 {strides = array<i32>} : memref<1000x128xf32, #tpu.memory_space<vmem>>, vector<1000x128xf32>,
    %broadcast_in_dim3A = vector.shape_cast %rsqrt3A : vector<1000x1xf32> to vector<1000x1xf32>
    %broadcast_in_dim3A_18 = vector.broadcast %broadcast_in_dim3A : vector<1000x1xf32> to vector<1000x16xf32>
    %swap3A_19 = arith.constant 0 : index
    %swap3A_20 = arith.constant 0 : index
    %swap3A_21 = vector.load %arg4[%swap3A_19, %swap3A_20] : memref<1000x16xf32, #tpu.memory_space<vmem>>, vector<1000x16xf32>
    tpu.vector_store %arg4[%swap3A_19, %swap3A_20], %broadcast_in_dim3A_18 {strides = array<i32>} : memref<1000x16xf32, #tpu.memory_space<vmem>>, vector<1000x16xf32>,
    return
  }
  func.func @transform_0(%arg0: i32) -> (i32, i32) {
    %c0_i32 = arith.constant 0 : i32
    %c0_i32_0 = arith.constant 0 : i32
    return %arg0, %c0_i32 : i32, i32
  }
  func.func @transform_1(%arg0: i32) -> (i32, i32, i32) {
    %c0_i32 = arith.constant 0 : i32
    %c0_i32_0 = arith.constant 0 : i32
    %c0_i32_1 = arith.constant 0 : i32
    return %c0_i32, %arg0, %c0_i32_0 : i32, i32, i32
  }
  func.func @transform_2(%arg0: i32) -> (i32, i32) {
    %c0_i32 = arith.constant 0 : i32
    %c0_i32_0 = arith.constant 0 : i32
    return %arg0, %c0_i32 : i32, i32
  }
  func.func @transform_3(%arg0: i32) -> (i32, i32) {
    %c0_i32 = arith.constant 0 : i32
    %c0_i32_0 = arith.constant 0 : i32
    return %arg0, %c0_i32 : i32, i32
  }
}

module attributes {stable_mosaic.version = 14 : i64} {
  func.func @_tc_b_body(%arg0: i32, %arg1: memref<2x1000x128xf32, #tpu.memory_space<vmem>>, %arg2: memref<1000x128xf32, #tpu.memory_space<vmem>>, %arg3: memref<1000x16xf32, #tpu.memory_space<vmem>>, %arg4: memref<1x128xf32, #tpu.memory_space<vmem>>, %arg5: memref<128x128xf32, #tpu.memory_space<vmem>>, %arg6: memref<1000x128xf32, #tpu.memory_space<vmem>>) attributes {dimension_semantics = [#tpu.dimension_semantics<arbitrary>], iteration_bounds = array<i64: 10>, scalar_prefetch = 0 : i64, scratch_operands = 0 : i64, tpu.core_type = #tpu.core_type<tc>, window_params = [{transform_indices = @transform_0, window_bounds = array<i64: 2, 1000, 128>}, {transform_indices = @transform_1, window_bounds = array<i64: 1000, 128>}, {transform_indices = @transform_2, window_bounds = array<i64: 1000, 16>}, {pipeline_mode = #tpu.pipeline_mode<synchronous>, transform_indices = @transform_3, window_bounds = array<i64: 1, 128>}, {pipeline_mode = #tpu.pipeline_mode<synchronous>, transform_indices = @transform_4, window_bounds = array<i64: 128, 128>}, {transform_indices = @transform_5, window_bounds = array<i64: 1000, 128>}]} {
    %get3A = arith.constant 0 : index
    %get3A_0 = arith.constant 0 : index
    %get3A_1 = arith.constant 0 : index
    %get3A_2 = vector.load %arg1[%get3A, %get3A_0, %get3A_1] : memref<2x1000x128xf32, #tpu.memory_space<vmem>>, vector<1x1000x128xf32>
    %get3A_3 = vector.shape_cast %get3A_2 : vector<1x1000x128xf32> to vector<1000x128xf32>
    %get3A_4 = arith.constant 1 : index
    %get3A_5 = arith.constant 0 : index
    %get3A_6 = arith.constant 0 : index
    %get3A_7 = vector.load %arg1[%get3A_4, %get3A_5, %get3A_6] : memref<2x1000x128xf32, #tpu.memory_space<vmem>>, vector<1x1000x128xf32>
    %get3A_8 = vector.shape_cast %get3A_7 : vector<1x1000x128xf32> to vector<1000x128xf32>
    %add3A = arith.addf %get3A_3, %get3A_8 : vector<1000x128xf32>
    %get3A_9 = arith.constant 0 : index
    %get3A_10 = arith.constant 0 : index
    %get3A_11 = vector.load %arg2[%get3A_9, %get3A_10] : memref<1000x128xf32, #tpu.memory_space<vmem>>, vector<1000x128xf32>
    %add3A_12 = arith.addf %add3A, %get3A_11 : vector<1000x128xf32>
    %get3A_13 = arith.constant 0 : index
    %get3A_14 = arith.constant 0 : index
    %get3A_15 = vector.load %arg3[%get3A_13, %get3A_14] : memref<1000x16xf32, #tpu.memory_space<vmem>>, vector<1000x1xf32>
    %mul3A = vector.broadcast %get3A_15 : vector<1000x1xf32> to vector<1000x128xf32>
    %mul3A_16 = arith.mulf %add3A_12, %mul3A : vector<1000x128xf32>
    %get3A_17 = arith.constant 0 : index
    %get3A_18 = arith.constant 0 : index
    %get3A_19 = vector.load %arg4[%get3A_17, %get3A_18] : memref<1x128xf32, #tpu.memory_space<vmem>>, vector<1x128xf32>
    %add3A_20 = vector.broadcast %get3A_19 : vector<1x128xf32> to vector<1000x128xf32>
    %add3A_21 = arith.addf %mul3A_16, %add3A_20 : vector<1000x128xf32>
    %max3A = arith.constant 0.000000e+00 : f32
    %max3A_22 = vector.broadcast %max3A : f32 to vector<1000x128xf32>
    %max3A_23 = arith.maximumf %add3A_21, %max3A_22 : vector<1000x128xf32>
    %get3A_24 = arith.constant 0 : index
    %get3A_25 = arith.constant 0 : index
    %get3A_26 = vector.load %arg5[%get3A_24, %get3A_25] : memref<128x128xf32, #tpu.memory_space<vmem>>, vector<128x128xf32>
    %dot_general3A = arith.constant dense<0.000000e+00> : vector<1000x128xf32>
    %dot_general3A_27 = tpu.matmul %max3A_23, %get3A_26, %dot_general3A {dimension_numbers = #tpu.dot_dimension_numbers<[1], [0], [0], [1], [0, 0, 1, 1], [], []>, precision = #tpu.contract_precision<fp32>, transpose_lhs_hint = false} : vector<1000x128xf32>, vector<128x128xf32>, vector<1000x128xf32> -> vector<1000x128xf32>
    %mul3A_28 = vector.broadcast %get3A_15 : vector<1000x1xf32> to vector<1000x128xf32>
    %mul3A_29 = arith.mulf %dot_general3A_27, %mul3A_28 : vector<1000x128xf32>
    %swap3A = arith.constant 0 : index
    %swap3A_30 = arith.constant 0 : index
    %swap3A_31 = vector.load %arg6[%swap3A, %swap3A_30] : memref<1000x128xf32, #tpu.memory_space<vmem>>, vector<1000x128xf32>
    tpu.vector_store %arg6[%swap3A, %swap3A_30], %mul3A_29 {strides = array<i32>} : memref<1000x128xf32, #tpu.memory_space<vmem>>, vector<1000x128xf32>,
    return
  }
  func.func @transform_0(%arg0: i32) -> (i32, i32, i32) {
    %c0_i32 = arith.constant 0 : i32
    %c0_i32_0 = arith.constant 0 : i32
    %c0_i32_1 = arith.constant 0 : i32
    return %c0_i32, %arg0, %c0_i32_0 : i32, i32, i32
  }
  func.func @transform_1(%arg0: i32) -> (i32, i32) {
    %c0_i32 = arith.constant 0 : i32
    %c0_i32_0 = arith.constant 0 : i32
    return %arg0, %c0_i32 : i32, i32
  }
  func.func @transform_2(%arg0: i32) -> (i32, i32) {
    %c0_i32 = arith.constant 0 : i32
    %c0_i32_0 = arith.constant 0 : i32
    return %arg0, %c0_i32 : i32, i32
  }
  func.func @transform_3(%arg0: i32) -> (i32, i32) {
    %c0_i32 = arith.constant 0 : i32
    %c0_i32_0 = arith.constant 0 : i32
    %c0_i32_1 = arith.constant 0 : i32
    return %c0_i32, %c0_i32_0 : i32, i32
  }
  func.func @transform_4(%arg0: i32) -> (i32, i32) {
    %c0_i32 = arith.constant 0 : i32
    %c0_i32_0 = arith.constant 0 : i32
    %c0_i32_1 = arith.constant 0 : i32
    return %c0_i32, %c0_i32_0 : i32, i32
  }
  func.func @transform_5(%arg0: i32) -> (i32, i32) {
    %c0_i32 = arith.constant 0 : i32
    %c0_i32_0 = arith.constant 0 : i32
    return %arg0, %c0_i32 : i32, i32
  }
}

module attributes {stable_mosaic.version = 14 : i64} {
  func.func @_tc_c_body(%arg0: i32, %arg1: memref<2x1000x128xf32, #tpu.memory_space<vmem>>, %arg2: memref<1000x128xf32, #tpu.memory_space<vmem>>, %arg3: memref<1000x16xf32, #tpu.memory_space<vmem>>, %arg4: memref<1x128xf32, #tpu.memory_space<vmem>>, %arg5: memref<2x128xf32, #tpu.memory_space<vmem>>, %arg6: memref<1x1xf32, #tpu.memory_space<vmem>>, %arg7: memref<1000x1xf32, #tpu.memory_space<vmem>>, %arg8: memref<1000x1xf32, #tpu.memory_space<vmem>>) attributes {dimension_semantics = [#tpu.dimension_semantics<arbitrary>], iteration_bounds = array<i64: 10>, scalar_prefetch = 0 : i64, scratch_operands = 0 : i64, tpu.core_type = #tpu.core_type<tc>, window_params = [{transform_indices = @transform_0, window_bounds = array<i64: 2, 1000, 128>}, {transform_indices = @transform_1, window_bounds = array<i64: 1000, 128>}, {transform_indices = @transform_2, window_bounds = array<i64: 1000, 16>}, {pipeline_mode = #tpu.pipeline_mode<synchronous>, transform_indices = @transform_3, window_bounds = array<i64: 1, 128>}, {pipeline_mode = #tpu.pipeline_mode<synchronous>, transform_indices = @transform_4, window_bounds = array<i64: 2, 128>}, {pipeline_mode = #tpu.pipeline_mode<synchronous>, transform_indices = @transform_5, window_bounds = array<i64: 1, 1>}, {transform_indices = @transform_6, window_bounds = array<i64: 1000, 1>}, {transform_indices = @transform_7, window_bounds = array<i64: 1000, 1>}]} {
    %get3A = arith.constant 0 : index
    %get3A_0 = arith.constant 0 : index
    %get3A_1 = arith.constant 0 : index
    %get3A_2 = vector.load %arg1[%get3A, %get3A_0, %get3A_1] : memref<2x1000x128xf32, #tpu.memory_space<vmem>>, vector<1x1000x128xf32>
    %get3A_3 = vector.shape_cast %get3A_2 : vector<1x1000x128xf32> to vector<1000x128xf32>
    %get3A_4 = arith.constant 1 : index
    %get3A_5 = arith.constant 0 : index
    %get3A_6 = arith.constant 0 : index
    %get3A_7 = vector.load %arg1[%get3A_4, %get3A_5, %get3A_6] : memref<2x1000x128xf32, #tpu.memory_space<vmem>>, vector<1x1000x128xf32>
    %get3A_8 = vector.shape_cast %get3A_7 : vector<1x1000x128xf32> to vector<1000x128xf32>
    %add3A = arith.addf %get3A_3, %get3A_8 : vector<1000x128xf32>
    %get3A_9 = arith.constant 0 : index
    %get3A_10 = arith.constant 0 : index
    %get3A_11 = vector.load %arg2[%get3A_9, %get3A_10] : memref<1000x128xf32, #tpu.memory_space<vmem>>, vector<1000x128xf32>
    %add3A_12 = arith.addf %add3A, %get3A_11 : vector<1000x128xf32>
    %get3A_13 = arith.constant 0 : index
    %get3A_14 = arith.constant 0 : index
    %get3A_15 = vector.load %arg3[%get3A_13, %get3A_14] : memref<1000x16xf32, #tpu.memory_space<vmem>>, vector<1000x1xf32>
    %mul3A = vector.broadcast %get3A_15 : vector<1000x1xf32> to vector<1000x128xf32>
    %mul3A_16 = arith.mulf %add3A_12, %mul3A : vector<1000x128xf32>
    %get3A_17 = arith.constant 0 : index
    %get3A_18 = arith.constant 0 : index
    %get3A_19 = vector.load %arg4[%get3A_17, %get3A_18] : memref<1x128xf32, #tpu.memory_space<vmem>>, vector<1x128xf32>
    %add3A_20 = vector.broadcast %get3A_19 : vector<1x128xf32> to vector<1000x128xf32>
    %add3A_21 = arith.addf %mul3A_16, %add3A_20 : vector<1000x128xf32>
    %max3A = arith.constant 0.000000e+00 : f32
    %max3A_22 = vector.broadcast %max3A : f32 to vector<1000x128xf32>
    %max3A_23 = arith.maximumf %add3A_21, %max3A_22 : vector<1000x128xf32>
    %get3A_24 = arith.constant 0 : index
    %get3A_25 = arith.constant 0 : index
    %get3A_26 = vector.load %arg5[%get3A_24, %get3A_25] : memref<2x128xf32, #tpu.memory_space<vmem>>, vector<1x128xf32>
    %mul3A_27 = vector.broadcast %get3A_26 : vector<1x128xf32> to vector<1000x128xf32>
    %mul3A_28 = arith.mulf %max3A_23, %mul3A_27 : vector<1000x128xf32>
    %reduce_sum3A = arith.constant dense<0.000000e+00> : vector<1000xf32>
    %reduce_sum3A_29 = vector.multi_reduction <add>, %mul3A_28, %reduce_sum3A [1] : vector<1000x128xf32> to vector<1000xf32>
    %broadcast_in_dim3A = vector.shape_cast %reduce_sum3A_29 : vector<1000xf32> to vector<1000x1xf32>
    %get3A_30 = arith.constant 0 : index
    %get3A_31 = arith.constant 0 : index
    %get3A_32 = vector.load %arg6[%get3A_30, %get3A_31] : memref<1x1xf32, #tpu.memory_space<vmem>>, vector<1x1xf32>
    %add3A_33 = vector.broadcast %get3A_32 : vector<1x1xf32> to vector<1000x1xf32>
    %add3A_34 = arith.addf %broadcast_in_dim3A, %add3A_33 : vector<1000x1xf32>
    %swap3A = arith.constant 0 : index
    %swap3A_35 = arith.constant 0 : index
    %swap3A_36 = vector.load %arg7[%swap3A, %swap3A_35] : memref<1000x1xf32, #tpu.memory_space<vmem>>, vector<1000x1xf32>
    tpu.vector_store %arg7[%swap3A, %swap3A_35], %add3A_34 {strides = array<i32>} : memref<1000x1xf32, #tpu.memory_space<vmem>>, vector<1000x1xf32>,
    %get3A_37 = arith.constant 1 : index
    %get3A_38 = arith.constant 0 : index
    %get3A_39 = vector.load %arg5[%get3A_37, %get3A_38] : memref<2x128xf32, #tpu.memory_space<vmem>>, vector<1x128xf32>
    %mul3A_40 = vector.broadcast %get3A_39 : vector<1x128xf32> to vector<1000x128xf32>
    %mul3A_41 = arith.mulf %max3A_23, %mul3A_40 : vector<1000x128xf32>
    %reduce_sum3A_42 = arith.constant dense<0.000000e+00> : vector<1000xf32>
    %reduce_sum3A_43 = vector.multi_reduction <add>, %mul3A_41, %reduce_sum3A_42 [1] : vector<1000x128xf32> to vector<1000xf32>
    %broadcast_in_dim3A_44 = vector.shape_cast %reduce_sum3A_43 : vector<1000xf32> to vector<1000x1xf32>
    %swap3A_45 = arith.constant 0 : index
    %swap3A_46 = arith.constant 0 : index
    %swap3A_47 = vector.load %arg8[%swap3A_45, %swap3A_46] : memref<1000x1xf32, #tpu.memory_space<vmem>>, vector<1000x1xf32>
    tpu.vector_store %arg8[%swap3A_45, %swap3A_46], %broadcast_in_dim3A_44 {strides = array<i32>} : memref<1000x1xf32, #tpu.memory_space<vmem>>, vector<1000x1xf32>,
    return
  }
  func.func @transform_0(%arg0: i32) -> (i32, i32, i32) {
    %c0_i32 = arith.constant 0 : i32
    %c0_i32_0 = arith.constant 0 : i32
    %c0_i32_1 = arith.constant 0 : i32
    return %c0_i32, %arg0, %c0_i32_0 : i32, i32, i32
  }
  func.func @transform_1(%arg0: i32) -> (i32, i32) {
    %c0_i32 = arith.constant 0 : i32
    %c0_i32_0 = arith.constant 0 : i32
    return %arg0, %c0_i32 : i32, i32
  }
  func.func @transform_2(%arg0: i32) -> (i32, i32) {
    %c0_i32 = arith.constant 0 : i32
    %c0_i32_0 = arith.constant 0 : i32
    return %arg0, %c0_i32 : i32, i32
  }
  func.func @transform_3(%arg0: i32) -> (i32, i32) {
    %c0_i32 = arith.constant 0 : i32
    %c0_i32_0 = arith.constant 0 : i32
    %c0_i32_1 = arith.constant 0 : i32
    return %c0_i32, %c0_i32_0 : i32, i32
  }
  func.func @transform_4(%arg0: i32) -> (i32, i32) {
    %c0_i32 = arith.constant 0 : i32
    %c0_i32_0 = arith.constant 0 : i32
    %c0_i32_1 = arith.constant 0 : i32
    return %c0_i32, %c0_i32_0 : i32, i32
  }
  func.func @transform_5(%arg0: i32) -> (i32, i32) {
    %c0_i32 = arith.constant 0 : i32
    %c0_i32_0 = arith.constant 0 : i32
    %c0_i32_1 = arith.constant 0 : i32
    return %c0_i32, %c0_i32_0 : i32, i32
  }
  func.func @transform_6(%arg0: i32) -> (i32, i32) {
    %c0_i32 = arith.constant 0 : i32
    %c0_i32_0 = arith.constant 0 : i32
    return %arg0, %c0_i32 : i32, i32
  }
  func.func @transform_7(%arg0: i32) -> (i32, i32) {
    %c0_i32 = arith.constant 0 : i32
    %c0_i32_0 = arith.constant 0 : i32
    return %arg0, %c0_i32 : i32, i32
  }
}

</mosaic_0001>

<sc_bundles>
// kernel: kernel.10.cloned.1.call-start
scs
__scs_entry_jumppad:
0x0: {  	(pc) =	sbr.rel $0x88, $3  }
0x1: {  	(tag) =	ssettag $0x0;
	lr =	simm.s32 $0x1  }
0x2: {  	[smem:$0x3F99] =	sst lr;
	_ =	strace $0xD0000000  }
0x3: {  	_ = 	snop  }
0x4: {  	_ = 	snop  }
0x5: {  	_ = 	snop  }
0x6: {  	_ = 	snop  }
0x7: {  	_ = 	snop  }
__scs_overlays_trampoline_lowered:
0x8: {  	[smem:$0x3FA8] =	sst s0  }
0x9: {  	[smem:$0x3FA9] =	sst s1  }
0xa: {  	[smem:$0x3FAA] =	sst s2  }
0xb: {  	[smem:$0x3FAB] =	sst s3  }
0xc: {  	[smem:$0x3FAC] =	sst s4  }
0xd: {  	[smem:$0x3FAD] =	sst s5  }
0xe: {  	[smem:$0x3FAE] =	sst s6  }
0xf: {  	[smem:$0x3FAF] =	sst s7  }
0x10: {  	[smem:$0x3FB0] =	sst s8  }
0x11: {  	[smem:$0x3FB1] =	sst s9;
	s0 =	simm.s32 @!p0 $0x0  }
0x12: {  	s1 =	sld [smem:$0x3F97];
	s0 =	simm.s32 @p0 $0x1  }
0x13: {  	[smem:$0x3FB2] =	sst s0;
	s0 =	simm.s32 @!p1 $0x0  }
0x14: {  	s2 =	sld [smem:$0x3F96];
	s0 =	simm.s32 @p1 $0x1  }
0x15: {  	[smem:$0x3FB3] =	sst s0;
	s0 =	simm.s32 @!p2 $0x0  }
0x16: {  	s3 =	sld [smem:$0x3FDB];
	s0 =	simm.s32 @p2 $0x1  }
0x17: {  	s4 =	simm.s32 $0x1BF5;
	[smem:$0x3FB5] =	sst s0  }
0x18: {  	s0 =	sld [smem:$0x3F98];
	_ =	swait.ge [sflag:s4], $0x0  }
0x19: {  	s7 =	sld [smem:$0x3F99]  }
0x1a: {  	s8 =	sadd.s32 $0xFFFFE003, lr  }
0x1b: {  	s9 =	sadd.s32 $0xFFFFFEF7, lr;
	s5 =	simm.s32 $0xFFFFFFFF;
	p2 =	slt.u32 s8, $0xFFFFF086  }
0x1c: {  	p1 =	slt.u32 s9, $0xF7A;
	s5 =	simm.s32 @!p2 $0x0  }
0x1d: {  	s5 =	simm.s32 @p1 $0x1;
	p0 =	seq.s32 s7, s2  }
0x1e: {  	s7 =	smul.u32 @!p0 $0xF7A, s2;
	p2 =	seq.s32 @!p0 s5, $0x0  }
0x1f: {  	s9 =	smul.u32 $0xF7A, s1;
	s8 =	simm.s32 @!p0 $0x1BF5;
	p2 =	por !p2, p0  }
0x20: {  	[sflag:s8] =	ssyncset.s32 @!p0 $0xFFFFF086;
	s6 =	sadd.s32 @!p0 s3, s7;
	s7 =	simm.s32 @!p0 $0x108  }
0x21: {  	s3 =	sadd.s32 s3, s9;
	s6 =	sadd.s32 @!p0 $0x88, s6;
	s7 =	simm.s32 @p2 $0x1082  }
0x22: {  	[simem:s7], [sflag:s8] =	dma.local @!p0 [hbm:s6], $0xF7A  }
0x23: {  	s9 =	sor.u32 $0xD0000000, s2;
	s6 =	simm.s32 $0x108;
	_ =	swait.ge @!p0 [sflag:s8], $0x0  }
0x24: {  	s3 =	sadd.s32 $0x88, s3;
	s6 =	simm.s32 @!p1 $0x1082;
	[sflag:s4] =	ssyncset.s32 $0xFFFFF086  }
0x25: {  	[simem:s6], [sflag:s4] =	dma.local [hbm:s3], $0xF7A  }
0x26: {  	[smem:$0x3F99] =	sst s1;
	(tag) =	ssettag s2;
	_ =	strace s9  }
0x27: {  	s1 =	sld [smem:$0x3FA9]  }
0x28: {  	s2 =	sld [smem:$0x3FAA]  }
0x29: {  	s4 =	sld [smem:$0x3FAC]  }
0x2a: {  	p0 =	seq.s32 s5, $0x0;
	s5 =	sld [smem:$0x3FAD]  }
0x2b: {  	s6 =	sld [smem:$0x3FAE]  }
0x2c: {  	s7 =	sld [smem:$0x3FAF]  }
0x2d: {  	s3 =	simm.s32 $0x108;
	s8 =	sld [smem:$0x3FB0]  }
0x2e: {  	s3 =	simm.s32 @!p0 $0x1082;
	s9 =	sld [smem:$0x3FB1]  }
0x2f: {  	lr =	sadd.s32 s0, s3;
	s0 =	sld [smem:$0x3FA8]  }
0x30: {  	s3 =	sld [smem:$0x3FAB]  }
0x31: {  	[smem:$0x3FB4] =	sst s10  }
0x32: {  	s10 =	sld [smem:$0x3FB2];
	_ =	sdelay $0x3  }
0x33: {  	p0 =	seq.s32 s10, $0x1;
	s10 =	sld [smem:$0x3FB4];
	_ =	sdelay $0x3  }
0x34: {  	[smem:$0x3FB4] =	sst s10  }
0x35: {  	s10 =	sld [smem:$0x3FB3];
	_ =	sdelay $0x3  }
0x36: {  	p1 =	seq.s32 s10, $0x1;
	s10 =	sld [smem:$0x3FB4];
	_ =	sdelay $0x3  }
0x37: {  	[smem:$0x3FB4] =	sst s10  }
0x38: {  	s10 =	sld [smem:$0x3FB5]  }
0x39: {  	_ = 	snop;
	(pc) =	sbr.ind lr, $3  }
0x3a: {  	_ = 	snop  }
0x3b: {  	_ = 	snop  }
0x3c: {  	p2 =	seq.s32 s10, $0x1;
	s10 =	sld [smem:$0x3FB4]  }
0x3d: {  	_ =	shalt  }
0x3e: {  	_ =	shalt  }
0x3f: {  	_ =	shalt  }
0x40: {  	_ =	shalt  }
0x41: {  	_ =	shalt  }
0x42: {  	_ =	shalt  }
0x43: {  	_ =	shalt  }
0x44: {  	_ =	shalt  }
0x45: {  	_ =	shalt  }
0x46: {  	_ =	shalt  }
0x47: {  	_ =	shalt  }
0x48: {  	_ =	shalt  }
0x49: {  	_ =	shalt  }
0x4a: {  	_ =	shalt  }
0x4b: {  	_ =	shalt  }
0x4c: {  	_ =	shalt  }
0x4d: {  	_ =	shalt  }
0x4e: {  	_ =	shalt  }
0x4f: {  	_ =	shalt  }
0x50: {  	_ =	shalt  }
0x51: {  	_ =	shalt  }
0x52: {  	_ =	shalt  }
0x53: {  	_ =	shalt  }
0x54: {  	_ =	shalt  }
0x55: {  	_ =	shalt  }
0x56: {  	_ =	shalt  }
0x57: {  	_ =	shalt  }
0x58: {  	_ =	shalt  }
0x59: {  	_ =	shalt  }
0x5a: {  	_ =	shalt  }
0x5b: {  	_ =	shalt  }
0x5c: {  	_ =	shalt  }
0x5d: {  	_ =	shalt  }
0x5e: {  	_ =	shalt  }
0x5f: {  	_ =	shalt  }
0x60: {  	_ =	shalt  }
0x61: {  	_ =	shalt  }
0x62: {  	_ =	shalt  }
0x63: {  	_ =	shalt  }
0x64: {  	_ =	shalt  }
0x65: {  	_ =	shalt  }
0x66: {  	_ =	shalt  }
0x67: {  	_ =	shalt  }
0x68: {  	_ =	shalt  }
0x69: {  	_ =	shalt  }
0x6a: {  	_ =	shalt  }
0x6b: {  	_ =	shalt  }
0x6c: {  	_ =	shalt  }
0x6d: {  	_ =	shalt  }
0x6e: {  	_ =	shalt  }
0x6f: {  	_ =	shalt  }
0x70: {  	_ =	shalt  }
0x71: {  	_ =	shalt  }
0x72: {  	_ =	shalt  }
0x73: {  	_ =	shalt  }
0x74: {  	_ =	shalt  }
0x75: {  	_ =	shalt  }
0x76: {  	_ =	shalt  }
0x77: {  	_ =	shalt  }
0x78: {  	_ =	shalt  }
0x79: {  	_ =	shalt  }
0x7a: {  	_ =	shalt  }
0x7b: {  	_ =	shalt  }
0x7c: {  	_ =	shalt  }
0x7d: {  	_ =	shalt  }
0x7e: {  	_ =	shalt  }
0x7f: {  	_ =	shalt  }
0x80: {  	_ =	shalt  }
0x81: {  	_ =	shalt  }
0x82: {  	_ =	shalt  }
0x83: {  	_ =	shalt  }
0x84: {  	_ =	shalt  }
0x85: {  	_ =	shalt  }
0x86: {  	_ =	shalt  }
0x87: {  	_ =	shalt  }
.Lfunc_end0:
.L_simem_size_0:
called_computation_lowered:
.L_overlay_start_0:
0x88: {  	s2 =	sld [smem:$0x3FD9]  }
0x89: {  	s3 =	sld [smem:$0x3FFE];
	_ =	sdelay $0x1  }
0x8a: {  	s1 =	srdreg.scid  }
0x8b: {  	s0 =	sand.u32 $0x1, s1  }
0x8c: {  	s17 =	sshll.u32 s0, $0xA;
	s2 =	sadd.s32 s3, s2  }
0x8d: {  	s2 =	sadd.s32 s2, s17  }
0x8e: {  	[smem:$0x3FC0] =	sst s2  }
0x8f: {  	_ = 	snop  }
0x90: {  	s2 =	sld [smem:$0x3FD0];
	(tm) =	ssettm $0x1  }
0x91: {  	s18 =	sld [smem:$0x3FFB];
	_ =	sdelay $0x3  }
0x92: {  	_ =	strace s18  }
0x93: {  	s3 =	sld [smem:$0x3FFC];
	_ =	sdelay $0x3  }
0x94: {  	_ =	strace s3  }
0x95: {  	s3 =	sld [smem:$0x3FFD];
	_ =	sdelay $0x3  }
0x96: {  	_ =	strace s3  }
0x97: {  	_ =	strace $0x8FFFFFFF  }
0x98: {  	s19 =	sld [smem:$0x3FDB];
	_ =	sdelay $0x1  }
0x99: {  	s4 =	simm.s32 $_scs_section_size  }
0x9a: {  	s5 =	simm.s32 $_size__tile_overlayer_lowered;
	s6 =	simm.s32 $_tile_overlayer_lowered  }
0x9b: {  	s22 =	simm.s32 $0x1BFF;
	s21 =	sshll.u32 s6, $0x1;
	s3 =	sadd.s32 s4, s19  }
0x9c: {  	s7 =	simm.s32 $0x0;
	s20 =	sshll.u32 s5, $0x1;
	s5 =	sadd.s32 s21, s3  }
0x9d: {  	[timem:s7], [sflag:s22] =	dma.local [hbm:s5], s20  }
0x9e: {  	_ =	swait.ge [sflag:s22], s20  }
0x9f: {  	s4 =	ssub.s32 $0x0, s20;
	[sflag:s22] =	ssyncset.done $0x0  }
0xa0: {  	[sflag:s22] =	ssyncadd.s32 s4;
	_ =	sdelay $0x1  }
0xa1: {  	s23 =	simm.s32 $0x1B8B  }
0xa2: {  	_ =	swait.ge [sflag:s23], $0x1  }
0xa3: {  	[sflag:s23] =	ssyncset.done $0x0  }
0xa4: {  	s25 =	simm.s32 $0x1B8E;
	s24 =	sld [smem:$0x3FFE];
	[sflag:s23] =	ssyncadd.s32 $0xFFFFFFFF  }
0xa5: {  	s26 =	simm.s32 $execute0_lowered;
	[smem:$0x3FD2] =	sst s25  }
0xa6: {  	s5 =	sshll.u32 s26, $0x1;
	_ =	strace $0x80000046;
	[dreg:$0x1] =	wrdreg $0xFFFFFFFF  }
0xa7: {  	s28 =	simm.s32 $_size_execute0_lowered;
	s3 =	sadd.s32 s3, s5;
	[dreg:$0x0] =	wrdreg $0x0  }
0xa8: {  	s5 =	sshll.u32 s28, $0x1;
	[dreg:$0x2] =	wrdreg s3  }
0xa9: {  	[dreg:$0x3] =	wrdreg s5  }
0xaa: {  	[dreg:$0x4] =	wrdreg $0xC0  }
0xab: {  	_ =	task [dreg:s7], $0x5FFFF  }
0xac: {  	[dreg:$0x1] =	wrdreg $0xFFFFFFFF  }
0xad: {  	[dreg:$0x0] =	wrdreg $0x60  }
0xae: {  	[dreg:$0x2] =	wrdreg s24  }
0xaf: {  	[dreg:$0x3] =	wrdreg s2  }
0xb0: {  	[dreg:$0x4] =	wrdreg $0x50800  }
0xb1: {  	[dreg:$0x5] =	wrdreg $0x9  }
0xb2: {  	_ =	task.clear_ibuf [dreg:s7], $0x6FFFF;
	_ =	strace $0x90000046  }
0xb3: {  	s29 =	simm.s32 $0x9;
	_ =	strace $0x80000048  }
0xb4: {  	_ =	swait.ge [sflag:s29], $0x1  }
0xb5: {  	[sflag:s29] =	ssyncadd.s32 $0xFFFFFFFF  }
0xb6: {  	_ =	strace $0x90000048  }
0xb7: {  	_ =	sfence  }
0xb8: {  	s30 =	sld [smem:$0x0];
	_ =	sdelay $0x2  }
0xb9: {  	s31 =	sshll.u32 s1, $0xD;
	s1 =	sshrl.u32 s1, $0x2  }
0xba: {  	s3 =	sand.u32 $0x4000, s31;
	s1 =	sadd.s32 s1, s30  }
0xbb: {  	s0 =	sor.u32 s3, s0;
	s1 =	sshll.u32 s1, $0x11  }
0xbc: {  	s0 =	sor.u32 s1, s0  }
0xbd: {  	s0 =	sadd.s32 $0x8F2B, s0  }
0xbe: {  	[sflag:s0] =	ssyncadd.remote.s32 $0x1  }
0xbf: {  	_ =	sfence.sel $0xFFFF  }
0xc0: {  	[dreg:$0x0] =	wrdreg $0xFFFFFFFF;
	(pc) =	sbr.abs _section_cstart, $3  }
0xc1: {  	[dreg:$0x1] =	wrdreg $0xFFFFFFFF  }
0xc2: {  	_ =	task.clear_ibuf [dreg:s7], $0x2FFFF;
	_ =	strace $0x9FFFFFFF  }
0xc3: {  	(tm) =	ssettm $0x7FFFFFFF  }
tec
execute0_lowered:
.L_overlay_start_1:
0x0: {  	(tag) =	ssettag $0x1  }
0x1: {  	s5 =	rddreg [dreg:$0x0]  }
0x2: {  	s0 =	srdreg.scid;
	s1 =	rddreg [dreg:$0x1]  }
0x3: {  	s8 =	stileid.u32;
	s2 =	rddreg [dreg:$0x2];
	s4 =	sand.u32 $0x1, s0  }
0x4: {  	s3 =	simm.s32 $0x0;
	s11 =	simm.s32 $0x50;
	s0 =	sshll.u32 s4, $0x4  }
0x5: {  	s12 =	simm.s32 $0x5000;
	s9 =	smul.u32 $0x500, s4;
	s6 =	sor.u32 s8, s0  }
0x6: {  	s13 =	simm.s32 $0x0;
	[smem:$0x7FF] =	sst s3;
	s7 =	smul.u32 $0x500, s6  }
0x7: {  	s4 =	ssub.s32 $0x2, s4;
	s0 =	rddreg [dreg:$0x3];
	s10 =	smul.u32 $0xFFFFFFB0, s6  }
0x8: {  	_ =	strace $0x80000047;
	s31 =	sshrl.u32 s4, $0x1;
	s30 =	sadd.s32 s7, s5  }
0x9: {  	s5 =	sadd.s32 s9, s5;
	s7 =	ssub.s32 s4, s31;
	p0 =	slt.s32 s10, $0xFFFFF68C  }
0xa: {  	v0 =	vlaneseq.u32;
	s9 =	simm.s32 $0x2800;
	s10 =	simm.s32 @!p0 $0xFFFFF68C;
	s4 =	sadd.s32 $0x1C00, s30  }
0xb: {  	v5 =	vimm.f32 $1.000000000e+00;
	v1 =	vor.u32 $0x10, v0;
	s5 =	sadd.s32 $0x15C00, s5;
	s6 =	smax.u32 s7, $0x1;
	p0 =	sne.s32 s8, $0x0  }
0xc: {  	v2 =	vor.u32 $0x20, v0;
	v3 =	vor.u32 $0x30, v0;
	v4 =	vor.u32 $0x40, v0;
	s8 =	simm.s32 $0x1;
	s7 =	sadd.s32 $0x9C3, s10;
	s10 =	sshrl.u32 @!p0 s2, $0x3  }
.LBB2_1:
0xd: {  	[tilespmem:s3], [sflag:$0x1] =	stream.linear.gather [hbm4b:s4+s3], $0x2800, $0x38;
	[tilespmem:$0x5300] =	vst v63  }
0xe: {  	_ =	swait.ge [sflag:s8], $0x2800  }
0xf: {  	[sflag:s8] =	ssyncset.done $0x0  }
0x10: {  	[sflag:s8] =	ssyncadd.s32 $0xFFFFD800  }
0x11: {  	[tilespmem:s9], [sflag:$0x1] =	stream.linear.gather [hbm4b:s1+s3], $0x2800, $0x38;
	[tilespmem:$0x5300] =	vst v63  }
0x12: {  	_ =	swait.ge [sflag:s8], $0x2800  }
0x13: {  	[sflag:s8] =	ssyncset.done $0x0  }
0x14: {  	[sflag:s8] =	ssyncadd.s32 $0xFFFFD800  }
0x15: {  	[tilespmem:$0x5000] =	vst v0  }
0x16: {  	[tilespmem:$0x5010] =	vst v1  }
0x17: {  	[tilespmem:$0x5020] =	vst v2  }
0x18: {  	[tilespmem:$0x5030] =	vst v3  }
0x19: {  	s14 =	simm.s32 @!p0 $0x1C01;
	[tilespmem:$0x5040] =	vst v4  }
0x1a: {  	[spmem:s10], [sflag:s14] =	dma.local @!p0 [hbm:s1], $0x500  }
0x1b: {  	s14 =	simm.s32 @!p0 $0x1  }
0x1c: {  	_ =	swait.ge @!p0 [sflag:s14], $0x500  }
0x1d: {  	[sflag:s14] =	ssyncset.done @!p0 $0x0  }
0x1e: {  	[sflag:s14] =	ssyncadd.s32 @!p0 $0xFFFFFB00  }
0x1f: {  	s15 =	simm.s32 $0x40;
	s14 =	simm.s32 $0xFFFFFFFF;
	[bflag:$0x0] =	sbarrier.arrive $0xFFFF  }
.LBB2_2:
0x20: {  	v6 =	vld [tilespmem:s15+$0xFFFFFFC0];
	_ =	sdelay $0x7  }
0x21: {  	[tilespmem:v6+s9+$0x0] =	vst.idx.add.f32.msk $0xffff, v5  }
0x22: {  	v6 =	vld [tilespmem:s15+$0xFFFFFFD0];
	_ =	sdelay $0x7  }
0x23: {  	[tilespmem:v6+s9+$0x0] =	vst.idx.add.f32.msk $0xffff, v5  }
0x24: {  	v6 =	vld [tilespmem:s15+$0xFFFFFFE0];
	_ =	sdelay $0x7  }
0x25: {  	[tilespmem:v6+s9+$0x0] =	vst.idx.add.f32.msk $0xffff, v5  }
0x26: {  	v6 =	vld [tilespmem:s15+$0xFFFFFFF0];
	_ =	sdelay $0x7  }
0x27: {  	[tilespmem:v6+s9+$0x0] =	vst.idx.add.f32.msk $0xffff, v5  }
0x28: {  	v6 =	vld [tilespmem:s15+$0x0];
	_ =	sdelay $0x7  }
0x29: {  	[tilespmem:v6+s9+$0x0] =	vst.idx.add.f32.msk $0xffff, v5  }
0x2a: {  	v6 =	vld [tilespmem:s15+$0x10];
	_ =	sdelay $0x7  }
0x2b: {  	[tilespmem:v6+s9+$0x0] =	vst.idx.add.f32.msk $0xffff, v5  }
0x2c: {  	v6 =	vld [tilespmem:s15+$0x20];
	_ =	sdelay $0x7  }
0x2d: {  	[tilespmem:v6+s9+$0x0] =	vst.idx.add.f32.msk $0xffff, v5  }
0x2e: {  	v6 =	vld [tilespmem:s15+$0x30];
	_ =	sdelay $0x1  }
0x2f: {  	s14 =	sadd.s32 $0x1, s14  }
0x30: {  	p1 =	slt.u32 s14, s7  }
.Ltmp0:
0x31: {  	_ = 	snop;
	(pc) =	sbr.rel @p1 .LBB2_2-.Ltmp0, $2  }
0x32: {  	_ =	sdelay $0x2  }
0x33: {  	s15 =	sadd.s32 $0x80, s15;
	[tilespmem:v6+s9+$0x0] =	vst.idx.add.f32.msk $0xffff, v5  }
0x34: {  	[spmem:s2] =	stream.indirect.scatter.add.f32 [tilespmem:s9], [sflag:$0x1], $0x80, s12, s11, $0xb8;
	[tilespmem:$0x5300] =	vst v63  }
0x35: {  	_ =	swait.ge [sflag:s8], $0x2800  }
0x36: {  	[sflag:s8] =	ssyncset.done $0x0  }
0x37: {  	s13 =	sadd.s32 $0x1, s13;
	[sflag:s8] =	ssyncadd.s32 $0xFFFFD800  }
0x38: {  	s14 =	simm.s32 @!p0 $0x1C01;
	p1 =	sne.s32 s13, s6;
	[bflag:$0x0] =	sbarrier.arrive $0xFFFF  }
0x39: {  	[hbm:s5], [sflag:s14] =	dma.local @!p0 [spmem:s10], $0x500  }
.Ltmp1:
0x3a: {  	_ = 	snop;
	(pc) =	sbr.rel @p1 .LBB2_1-.Ltmp1, $4  }
0x3b: {  	s14 =	simm.s32 @!p0 $0x1  }
0x3c: {  	_ =	swait.ge @!p0 [sflag:s14], $0x500  }
0x3d: {  	[sflag:s14] =	ssyncset.done @!p0 $0x0  }
0x3e: {  	[sflag:s14] =	ssyncadd.s32 @!p0 $0xFFFFFB00  }
0x3f: {  	_ =	sfence.sel $0x180000  }
0x40: {  	[bflag:$0x0] =	sbarrier.arrive $0xFFFF  }
0x41: {  	_ =	strace $0x90000047  }
0x42: {  	s0 =	sadd.s32 @!p0 $0x100000, s0;
	[bflag:$0x2] =	sbarrier.arrive $0xFFFF  }
0x43: {  	[sflag:s0] =	ssyncadd.tile.s32 @!p0 $0x1;
	_ =	shalt  }
.Lfunc_end2:
_tile_overlayer_lowered:
.L_overlay_start_2:
0x44: {  	(tag) =	ssettag $0x2  }
0x45: {  	s0 =	rddreg [dreg:$0x0];
	s2 =	stileid.u32  }
0x46: {  	s1 =	rddreg [dreg:$0x1];
	p0 =	sne.s32 s2, $0x0  }
0x47: {  	s3 =	rddreg [dreg:$0x2];
	[bflag:$0x3] =	sbarrier.arrive $0xFFFF;
	s2 =	simm.s32 @!p0 $0x1C01  }
0x48: {  	[timem:s3], [sflag:s2] =	dma.local @!p0 [hbm:s0], s1  }
0x49: {  	s0 =	simm.s32 @!p0 $0x1  }
0x4a: {  	_ =	swait.ge @!p0 [sflag:s0], s1  }
0x4b: {  	s1 =	ssub.s32 @!p0 $0x0, s1;
	[sflag:s0] =	ssyncset.done @!p0 $0x0  }
0x4c: {  	[sflag:s0] =	ssyncadd.s32 @!p0 s1  }
0x4d: {  	[bflag:$0x3] =	sbarrier.arrive $0xFFFF  }
0x4e: {  	_ =	shalt  }

// kernel: kernel.13.cloned.1.call-start
scs
__scs_entry_jumppad:
0x0: {  	(pc) =	sbr.rel $0x88, $3  }
0x1: {  	(tag) =	ssettag $0x0;
	lr =	simm.s32 $0x1  }
0x2: {  	[smem:$0x3F99] =	sst lr;
	_ =	strace $0xD0000000  }
0x3: {  	_ = 	snop  }
0x4: {  	_ = 	snop  }
0x5: {  	_ = 	snop  }
0x6: {  	_ = 	snop  }
0x7: {  	_ = 	snop  }
__scs_overlays_trampoline_lowered:
0x8: {  	[smem:$0x3FA8] =	sst s0  }
0x9: {  	[smem:$0x3FA9] =	sst s1  }
0xa: {  	[smem:$0x3FAA] =	sst s2  }
0xb: {  	[smem:$0x3FAB] =	sst s3  }
0xc: {  	[smem:$0x3FAC] =	sst s4  }
0xd: {  	[smem:$0x3FAD] =	sst s5  }
0xe: {  	[smem:$0x3FAE] =	sst s6  }
0xf: {  	[smem:$0x3FAF] =	sst s7  }
0x10: {  	[smem:$0x3FB0] =	sst s8  }
0x11: {  	[smem:$0x3FB1] =	sst s9;
	s0 =	simm.s32 @!p0 $0x0  }
0x12: {  	s1 =	sld [smem:$0x3F97];
	s0 =	simm.s32 @p0 $0x1  }
0x13: {  	[smem:$0x3FB2] =	sst s0;
	s0 =	simm.s32 @!p1 $0x0  }
0x14: {  	s2 =	sld [smem:$0x3F96];
	s0 =	simm.s32 @p1 $0x1  }
0x15: {  	[smem:$0x3FB3] =	sst s0;
	s0 =	simm.s32 @!p2 $0x0  }
0x16: {  	s3 =	sld [smem:$0x3FDB];
	s0 =	simm.s32 @p2 $0x1  }
0x17: {  	s4 =	simm.s32 $0x1BF5;
	[smem:$0x3FB5] =	sst s0  }
0x18: {  	s0 =	sld [smem:$0x3F98];
	_ =	swait.ge [sflag:s4], $0x0  }
0x19: {  	s7 =	sld [smem:$0x3F99]  }
0x1a: {  	s8 =	sadd.s32 $0xFFFFE003, lr  }
0x1b: {  	s9 =	sadd.s32 $0xFFFFFEF7, lr;
	s5 =	simm.s32 $0xFFFFFFFF;
	p2 =	slt.u32 s8, $0xFFFFF086  }
0x1c: {  	p1 =	slt.u32 s9, $0xF7A;
	s5 =	simm.s32 @!p2 $0x0  }
0x1d: {  	s5 =	simm.s32 @p1 $0x1;
	p0 =	seq.s32 s7, s2  }
0x1e: {  	s7 =	smul.u32 @!p0 $0xF7A, s2;
	p2 =	seq.s32 @!p0 s5, $0x0  }
0x1f: {  	s9 =	smul.u32 $0xF7A, s1;
	s8 =	simm.s32 @!p0 $0x1BF5;
	p2 =	por !p2, p0  }
0x20: {  	[sflag:s8] =	ssyncset.s32 @!p0 $0xFFFFF086;
	s6 =	sadd.s32 @!p0 s3, s7;
	s7 =	simm.s32 @!p0 $0x108  }
0x21: {  	s3 =	sadd.s32 s3, s9;
	s6 =	sadd.s32 @!p0 $0x88, s6;
	s7 =	simm.s32 @p2 $0x1082  }
0x22: {  	[simem:s7], [sflag:s8] =	dma.local @!p0 [hbm:s6], $0xF7A  }
0x23: {  	s9 =	sor.u32 $0xD0000000, s2;
	s6 =	simm.s32 $0x108;
	_ =	swait.ge @!p0 [sflag:s8], $0x0  }
0x24: {  	s3 =	sadd.s32 $0x88, s3;
	s6 =	simm.s32 @!p1 $0x1082;
	[sflag:s4] =	ssyncset.s32 $0xFFFFF086  }
0x25: {  	[simem:s6], [sflag:s4] =	dma.local [hbm:s3], $0xF7A  }
0x26: {  	[smem:$0x3F99] =	sst s1;
	(tag) =	ssettag s2;
	_ =	strace s9  }
0x27: {  	s1 =	sld [smem:$0x3FA9]  }
0x28: {  	s2 =	sld [smem:$0x3FAA]  }
0x29: {  	s4 =	sld [smem:$0x3FAC]  }
0x2a: {  	p0 =	seq.s32 s5, $0x0;
	s5 =	sld [smem:$0x3FAD]  }
0x2b: {  	s6 =	sld [smem:$0x3FAE]  }
0x2c: {  	s7 =	sld [smem:$0x3FAF]  }
0x2d: {  	s3 =	simm.s32 $0x108;
	s8 =	sld [smem:$0x3FB0]  }
0x2e: {  	s3 =	simm.s32 @!p0 $0x1082;
	s9 =	sld [smem:$0x3FB1]  }
0x2f: {  	lr =	sadd.s32 s0, s3;
	s0 =	sld [smem:$0x3FA8]  }
0x30: {  	s3 =	sld [smem:$0x3FAB]  }
0x31: {  	[smem:$0x3FB4] =	sst s10  }
0x32: {  	s10 =	sld [smem:$0x3FB2];
	_ =	sdelay $0x3  }
0x33: {  	p0 =	seq.s32 s10, $0x1;
	s10 =	sld [smem:$0x3FB4];
	_ =	sdelay $0x3  }
0x34: {  	[smem:$0x3FB4] =	sst s10  }
0x35: {  	s10 =	sld [smem:$0x3FB3];
	_ =	sdelay $0x3  }
0x36: {  	p1 =	seq.s32 s10, $0x1;
	s10 =	sld [smem:$0x3FB4];
	_ =	sdelay $0x3  }
0x37: {  	[smem:$0x3FB4] =	sst s10  }
0x38: {  	s10 =	sld [smem:$0x3FB5]  }
0x39: {  	_ = 	snop;
	(pc) =	sbr.ind lr, $3  }
0x3a: {  	_ = 	snop  }
0x3b: {  	_ = 	snop  }
0x3c: {  	p2 =	seq.s32 s10, $0x1;
	s10 =	sld [smem:$0x3FB4]  }
0x3d: {  	_ =	shalt  }
0x3e: {  	_ =	shalt  }
0x3f: {  	_ =	shalt  }
0x40: {  	_ =	shalt  }
0x41: {  	_ =	shalt  }
0x42: {  	_ =	shalt  }
0x43: {  	_ =	shalt  }
0x44: {  	_ =	shalt  }
0x45: {  	_ =	shalt  }
0x46: {  	_ =	shalt  }
0x47: {  	_ =	shalt  }
0x48: {  	_ =	shalt  }
0x49: {  	_ =	shalt  }
0x4a: {  	_ =	shalt  }
0x4b: {  	_ =	shalt  }
0x4c: {  	_ =	shalt  }
0x4d: {  	_ =	shalt  }
0x4e: {  	_ =	shalt  }
0x4f: {  	_ =	shalt  }
0x50: {  	_ =	shalt  }
0x51: {  	_ =	shalt  }
0x52: {  	_ =	shalt  }
0x53: {  	_ =	shalt  }
0x54: {  	_ =	shalt  }
0x55: {  	_ =	shalt  }
0x56: {  	_ =	shalt  }
0x57: {  	_ =	shalt  }
0x58: {  	_ =	shalt  }
0x59: {  	_ =	shalt  }
0x5a: {  	_ =	shalt  }
0x5b: {  	_ =	shalt  }
0x5c: {  	_ =	shalt  }
0x5d: {  	_ =	shalt  }
0x5e: {  	_ =	shalt  }
0x5f: {  	_ =	shalt  }
0x60: {  	_ =	shalt  }
0x61: {  	_ =	shalt  }
0x62: {  	_ =	shalt  }
0x63: {  	_ =	shalt  }
0x64: {  	_ =	shalt  }
0x65: {  	_ =	shalt  }
0x66: {  	_ =	shalt  }
0x67: {  	_ =	shalt  }
0x68: {  	_ =	shalt  }
0x69: {  	_ =	shalt  }
0x6a: {  	_ =	shalt  }
0x6b: {  	_ =	shalt  }
0x6c: {  	_ =	shalt  }
0x6d: {  	_ =	shalt  }
0x6e: {  	_ =	shalt  }
0x6f: {  	_ =	shalt  }
0x70: {  	_ =	shalt  }
0x71: {  	_ =	shalt  }
0x72: {  	_ =	shalt  }
0x73: {  	_ =	shalt  }
0x74: {  	_ =	shalt  }
0x75: {  	_ =	shalt  }
0x76: {  	_ =	shalt  }
0x77: {  	_ =	shalt  }
0x78: {  	_ =	shalt  }
0x79: {  	_ =	shalt  }
0x7a: {  	_ =	shalt  }
0x7b: {  	_ =	shalt  }
0x7c: {  	_ =	shalt  }
0x7d: {  	_ =	shalt  }
0x7e: {  	_ =	shalt  }
0x7f: {  	_ =	shalt  }
0x80: {  	_ =	shalt  }
0x81: {  	_ =	shalt  }
0x82: {  	_ =	shalt  }
0x83: {  	_ =	shalt  }
0x84: {  	_ =	shalt  }
0x85: {  	_ =	shalt  }
0x86: {  	_ =	shalt  }
0x87: {  	_ =	shalt  }
.Lfunc_end0:
.L_simem_size_0:
called_computation.1_lowered:
.L_overlay_start_0:
0x88: {  	s2 =	sld [smem:$0x3FD9]  }
0x89: {  	s3 =	sld [smem:$0x3FFE];
	_ =	sdelay $0x1  }
0x8a: {  	s1 =	srdreg.scid  }
0x8b: {  	s0 =	sand.u32 $0x1, s1  }
0x8c: {  	s17 =	sshll.u32 s0, $0xA;
	s2 =	sadd.s32 s3, s2  }
0x8d: {  	s2 =	sadd.s32 s2, s17  }
0x8e: {  	[smem:$0x3FC0] =	sst s2  }
0x8f: {  	_ = 	snop  }
0x90: {  	s2 =	sld [smem:$0x3FD0];
	(tm) =	ssettm $0x1  }
0x91: {  	s18 =	sld [smem:$0x3FFB];
	_ =	sdelay $0x3  }
0x92: {  	_ =	strace s18  }
0x93: {  	s3 =	sld [smem:$0x3FFC];
	_ =	sdelay $0x3  }
0x94: {  	_ =	strace s3  }
0x95: {  	s3 =	sld [smem:$0x3FFD];
	_ =	sdelay $0x3  }
0x96: {  	_ =	strace s3  }
0x97: {  	_ =	strace $0x8FFFFFFF  }
0x98: {  	s19 =	sld [smem:$0x3FDB];
	_ =	sdelay $0x1  }
0x99: {  	s4 =	simm.s32 $_scs_section_size  }
0x9a: {  	s5 =	simm.s32 $_size__tile_overlayer_lowered;
	s6 =	simm.s32 $_tile_overlayer_lowered  }
0x9b: {  	s22 =	simm.s32 $0x1BFF;
	s21 =	sshll.u32 s6, $0x1;
	s3 =	sadd.s32 s4, s19  }
0x9c: {  	s7 =	simm.s32 $0x0;
	s20 =	sshll.u32 s5, $0x1;
	s5 =	sadd.s32 s21, s3  }
0x9d: {  	[timem:s7], [sflag:s22] =	dma.local [hbm:s5], s20  }
0x9e: {  	_ =	swait.ge [sflag:s22], s20  }
0x9f: {  	s4 =	ssub.s32 $0x0, s20;
	[sflag:s22] =	ssyncset.done $0x0  }
0xa0: {  	[sflag:s22] =	ssyncadd.s32 s4;
	_ =	sdelay $0x1  }
0xa1: {  	s23 =	simm.s32 $0x1B8B  }
0xa2: {  	_ =	swait.ge [sflag:s23], $0x1  }
0xa3: {  	[sflag:s23] =	ssyncset.done $0x0  }
0xa4: {  	s25 =	simm.s32 $0x1B8E;
	s24 =	sld [smem:$0x3FFE];
	[sflag:s23] =	ssyncadd.s32 $0xFFFFFFFF  }
0xa5: {  	s26 =	simm.s32 $execute0_lowered;
	[smem:$0x3FD2] =	sst s25  }
0xa6: {  	s5 =	sshll.u32 s26, $0x1;
	_ =	strace $0x80000049;
	[dreg:$0x1] =	wrdreg $0xFFFFFFFF  }
0xa7: {  	s28 =	simm.s32 $_size_execute0_lowered;
	s3 =	sadd.s32 s3, s5;
	[dreg:$0x0] =	wrdreg $0x0  }
0xa8: {  	s5 =	sshll.u32 s28, $0x1;
	[dreg:$0x2] =	wrdreg s3  }
0xa9: {  	[dreg:$0x3] =	wrdreg s5  }
0xaa: {  	[dreg:$0x4] =	wrdreg $0xC0  }
0xab: {  	_ =	task [dreg:s7], $0x5FFFF  }
0xac: {  	[dreg:$0x1] =	wrdreg $0xFFFFFFFF  }
0xad: {  	[dreg:$0x0] =	wrdreg $0x60  }
0xae: {  	[dreg:$0x2] =	wrdreg s24  }
0xaf: {  	[dreg:$0x3] =	wrdreg s2  }
0xb0: {  	[dreg:$0x4] =	wrdreg $0x90000  }
0xb1: {  	[dreg:$0x5] =	wrdreg $0x9  }
0xb2: {  	_ =	task.clear_ibuf [dreg:s7], $0x6FFFF;
	_ =	strace $0x90000049  }
0xb3: {  	s29 =	simm.s32 $0x9;
	_ =	strace $0x8000004B  }
0xb4: {  	_ =	swait.ge [sflag:s29], $0x1  }
0xb5: {  	[sflag:s29] =	ssyncadd.s32 $0xFFFFFFFF  }
0xb6: {  	_ =	strace $0x9000004B  }
0xb7: {  	_ =	sfence  }
0xb8: {  	s30 =	sld [smem:$0x0];
	_ =	sdelay $0x2  }
0xb9: {  	s31 =	sshll.u32 s1, $0xD;
	s1 =	sshrl.u32 s1, $0x2  }
0xba: {  	s3 =	sand.u32 $0x4000, s31;
	s1 =	sadd.s32 s1, s30  }
0xbb: {  	s0 =	sor.u32 s3, s0;
	s1 =	sshll.u32 s1, $0x11  }
0xbc: {  	s0 =	sor.u32 s1, s0  }
0xbd: {  	s0 =	sadd.s32 $0x8F2B, s0  }
0xbe: {  	[sflag:s0] =	ssyncadd.remote.s32 $0x1  }
0xbf: {  	_ =	sfence.sel $0xFFFF  }
0xc0: {  	[dreg:$0x0] =	wrdreg $0xFFFFFFFF;
	(pc) =	sbr.abs _section_cstart, $3  }
0xc1: {  	[dreg:$0x1] =	wrdreg $0xFFFFFFFF  }
0xc2: {  	_ =	task.clear_ibuf [dreg:s7], $0x2FFFF;
	_ =	strace $0x9FFFFFFF  }
0xc3: {  	(tm) =	ssettm $0x7FFFFFFF  }
tec
execute0_lowered:
.L_overlay_start_1:
0x0: {  	(tag) =	ssettag $0x1  }
0x1: {  	s0 =	rddreg [dreg:$0x0]  }
0x2: {  	s3 =	rddreg [dreg:$0x2];
	s9 =	stileid.u32  }
0x3: {  	s4 =	simm.s32 $0x0;
	s1 =	srdreg.scid;
	s11 =	simm.s32 $0x100  }
0x4: {  	s12 =	simm.s32 $0x880;
	s14 =	simm.s32 $0x180;
	s15 =	simm.s32 $0x900  }
0x5: {  	s16 =	simm.s32 $0x200;
	s18 =	simm.s32 $0x980;
	s19 =	simm.s32 $0x280  }
0x6: {  	s20 =	simm.s32 $0xA00;
	s21 =	simm.s32 $0x300;
	[smem:$0x7FF] =	sst s4  }
0x7: {  	s28 =	simm.s32 $0xD80;
	_ =	strace $0x8000004A;
	[dreg:$0x6] =	wrdreg s11  }
0x8: {  	s29 =	simm.s32 $0x680;
	s30 =	simm.s32 $0xE00;
	[dreg:$0x7] =	wrdreg s12  }
0x9: {  	s31 =	simm.s32 $0x700;
	s2 =	smul.u32 $0x2800, s9;
	[dreg:$0x8] =	wrdreg s14  }
0xa: {  	s1 =	sand.u32 $0x1, s1;
	s22 =	smul.u32 $0x13C00, s9;
	[dreg:$0x9] =	wrdreg s15  }
0xb: {  	s5 =	sadd.s32 $0x15C00, s0;
	s23 =	smul.u32 $0x50000, s9;
	[dreg:$0xa] =	wrdreg s16  }
0xc: {  	s25 =	sshll.u32 s9, $0x6;
	s10 =	smul.u32 $0x4E200, s9;
	[dreg:$0xb] =	wrdreg s18  }
0xd: {  	p0 =	seq.s32 s1, $0x0;
	s7 =	smul.u32 $0x13C000, s1;
	[dreg:$0xc] =	wrdreg s19  }
0xe: {  	s1 =	ssub.s32 $0x2, s1;
	s25 =	sor.u32 $0x1C03, s25;
	[dreg:$0xd] =	wrdreg s20  }
0xf: {  	s11 =	simm.s32 $0x800;
	s12 =	simm.s32 $0x80;
	[dreg:$0xe] =	wrdreg s21  }
0x10: {  	s14 =	simm.s32 $0x5000;
	s15 =	simm.s32 $0x1;
	s16 =	simm.s32 $0x2  }
0x11: {  	s18 =	simm.s32 $0xB80;
	s19 =	simm.s32 $0x480;
	s20 =	simm.s32 $0xC00  }
0x12: {  	s21 =	simm.s32 $0x500;
	s6 =	sadd.s32 $0x28000, s2;
	s8 =	sshrl.u32 s1, $0x1  }
0x13: {  	s24 =	sshrl.u32 s23, $0x2;
	s13 =	sshrl.u32 s10, $0x2;
	s10 =	simm.s32 $0x3  }
0x14: {  	s23 =	simm.s32 $0x380;
	[dreg:$0x12] =	wrdreg s25;
	s6 =	smov.u32 @p0 s2  }
0x15: {  	s2 =	sadd.s32 s22, s7;
	s1 =	ssub.s32 s1, s8;
	s22 =	simm.s32 $0xA80  }
0x16: {  	[dreg:$0x10] =	wrdreg s23;
	s23 =	simm.s32 $0x580;
	s7 =	simm.s32 $0xF80  }
0x17: {  	s6 =	sshrl.u32 s6, $0x3;
	s2 =	sshrl.u32 s2, $0x3;
	s1 =	smax.u32 s1, $0x1  }
0x18: {  	[dreg:$0xf] =	wrdreg s22;
	s6 =	sadd.s32 s6, s0;
	s0 =	sadd.s32 s2, s0  }
0x19: {  	s2 =	sadd.s32 s24, s3;
	[dreg:$0x14] =	wrdreg s1;
	s24 =	simm.s32 $0xB00  }
0x1a: {  	s8 =	simm.s32 $0x0;
	s26 =	sadd.s32 $0x1C00, s6;
	[dreg:$0x11] =	wrdreg s24  }
0x1b: {  	s22 =	simm.s32 $0xC80;
	s6 =	sadd.s32 $0xBC00, s6;
	[dreg:$0x4] =	wrdreg s26  }
0x1c: {  	s1 =	simm.s32 $0x780;
	s0 =	sadd.s32 $0x3CE00, s0;
	[dreg:$0x5] =	wrdreg s6  }
0x1d: {  	s17 =	sshrl.u32 s2, $0x3;
	s24 =	simm.s32 $0xD00;
	[dreg:$0x13] =	wrdreg s0  }
0x1e: {  	s2 =	simm.s32 $0xF00;
	s6 =	sadd.s32 s13, s3;
	[dreg:$0x15] =	wrdreg s17  }
0x1f: {  	s13 =	simm.s32 $0x1000;
	s17 =	simm.s32 $0x400;
	s26 =	sshrl.u32 s6, $0x3  }
0x20: {  	s0 =	simm.s32 $0xE80;
	[dreg:$0x16] =	wrdreg s26;
	s26 =	simm.s32 $0x600  }
.LBB2_1:
0x21: {  	[dreg:$0x17] =	wrdreg s8  }
0x22: {  	s6 =	rddreg [dreg:$0x1]  }
0x23: {  	s9 =	rddreg [dreg:$0x15]  }
0x24: {  	[spmem:s9], [sflag:s25] =	dma.local [hbm:s6], $0x2800  }
0x25: {  	_ =	swait.ge [sflag:s10], $0x2800  }
0x26: {  	[sflag:s10] =	ssyncset.done $0x0  }
0x27: {  	[sflag:s10] =	ssyncadd.s32 $0xFFFFD800  }
0x28: {  	[bflag:$0x0] =	sbarrier.arrive $0xFFFF  }
0x29: {  	s9 =	rddreg [dreg:$0x5]  }
0x2a: {  	s6 =	sadd.s32 $0x0, s9  }
0x2b: {  	[tilespmem:s4], [sflag:$0x3] =	stream.linear.gather [hbm4b:s6+s4], $0x800, $0x38;
	[tilespmem:$0x1D000] =	vst v63  }
0x2c: {  	_ =	swait.ge [sflag:s10], $0x800  }
0x2d: {  	s25 =	rddreg [dreg:$0x4];
	[sflag:s10] =	ssyncset.done $0x0  }
0x2e: {  	[sflag:s10] =	ssyncadd.s32 $0xFFFFF800;
	s6 =	sadd.s32 $0x0, s25  }
0x2f: {  	[tilespmem:s11], [sflag:$0x3] =	stream.linear.gather [hbm4b:s6+s4], $0x800, $0x38;
	[tilespmem:$0x1D000] =	vst v63  }
0x30: {  	_ =	swait.ge [sflag:s10], $0x800  }
0x31: {  	[sflag:s10] =	ssyncset.done $0x0  }
0x32: {  	[sflag:s10] =	ssyncadd.s32 $0xFFFFF800  }
0x33: {  	[tilespmem:s13], [sflag:$0x1] =	stream.indirect.gather [hbm4b:s5+s12], $0x80, s4, s12, $0xb8;
	[tilespmem:$0x1D000] =	vst v63  }
0x34: {  	_ = 	snop  }
0x35: {  	[tilespmem:s14], [sflag:$0x2] =	stream.indirect.gather [hbm4b:s5+s12], $0x80, s12, s12, $0xb8;
	[tilespmem:$0x1D000] =	vst v63  }
0x36: {  	_ =	swait.ge [sflag:s15], $0x4000  }
0x37: {  	[sflag:s15] =	ssyncset.done $0x0  }
0x38: {  	[sflag:s15] =	ssyncadd.s32 $0xFFFFC000  }
0x39: {  	[spmem:s3] =	stream.indirect.scatter.add.f32 [tilespmem:s13], [sflag:$0x3], $0x80, s11, s12, $0xb8;
	[tilespmem:$0x1D000] =	vst v63  }
0x3a: {  	_ =	swait.ge [sflag:s10], $0x4000  }
0x3b: {  	[sflag:s10] =	ssyncset.done $0x0  }
0x3c: {  	s8 =	rddreg [dreg:$0x6];
	[sflag:s10] =	ssyncadd.s32 $0xFFFFC000  }
0x3d: {  	[tilespmem:s13], [sflag:$0x1] =	stream.indirect.gather [hbm4b:s5+s12], $0x80, s8, s12, $0xb8;
	[tilespmem:$0x1D000] =	vst v63  }
0x3e: {  	_ =	swait.ge [sflag:s16], $0x4000  }
0x3f: {  	[sflag:s16] =	ssyncset.done $0x0  }
0x40: {  	s9 =	rddreg [dreg:$0x7];
	[sflag:s16] =	ssyncadd.s32 $0xFFFFC000  }
0x41: {  	[spmem:s3] =	stream.indirect.scatter.add.f32 [tilespmem:s14], [sflag:$0x3], $0x80, s9, s12, $0xb8;
	[tilespmem:$0x1D000] =	vst v63  }
0x42: {  	_ =	swait.ge [sflag:s10], $0x4000  }
0x43: {  	[sflag:s10] =	ssyncset.done $0x0  }
0x44: {  	s25 =	rddreg [dreg:$0x8];
	[sflag:s10] =	ssyncadd.s32 $0xFFFFC000  }
0x45: {  	[tilespmem:s14], [sflag:$0x2] =	stream.indirect.gather [hbm4b:s5+s12], $0x80, s25, s12, $0xb8;
	[tilespmem:$0x1D000] =	vst v63  }
0x46: {  	_ =	swait.ge [sflag:s15], $0x4000  }
0x47: {  	[sflag:s15] =	ssyncset.done $0x0  }
0x48: {  	s8 =	rddreg [dreg:$0x9];
	[sflag:s15] =	ssyncadd.s32 $0xFFFFC000  }
0x49: {  	[spmem:s3] =	stream.indirect.scatter.add.f32 [tilespmem:s13], [sflag:$0x3], $0x80, s8, s12, $0xb8;
	[tilespmem:$0x1D000] =	vst v63  }
0x4a: {  	_ =	swait.ge [sflag:s10], $0x4000  }
0x4b: {  	[sflag:s10] =	ssyncset.done $0x0  }
0x4c: {  	s9 =	rddreg [dreg:$0xa];
	[sflag:s10] =	ssyncadd.s32 $0xFFFFC000  }
0x4d: {  	[tilespmem:s13], [sflag:$0x1] =	stream.indirect.gather [hbm4b:s5+s12], $0x80, s9, s12, $0xb8;
	[tilespmem:$0x1D000] =	vst v63  }
0x4e: {  	_ =	swait.ge [sflag:s16], $0x4000  }
0x4f: {  	[sflag:s16] =	ssyncset.done $0x0  }
0x50: {  	s25 =	rddreg [dreg:$0xb];
	[sflag:s16] =	ssyncadd.s32 $0xFFFFC000  }
0x51: {  	[spmem:s3] =	stream.indirect.scatter.add.f32 [tilespmem:s14], [sflag:$0x3], $0x80, s25, s12, $0xb8;
	[tilespmem:$0x1D000] =	vst v63  }
0x52: {  	_ =	swait.ge [sflag:s10], $0x4000  }
0x53: {  	[sflag:s10] =	ssyncset.done $0x0  }
0x54: {  	s8 =	rddreg [dreg:$0xc];
	[sflag:s10] =	ssyncadd.s32 $0xFFFFC000  }
0x55: {  	[tilespmem:s14], [sflag:$0x2] =	stream.indirect.gather [hbm4b:s5+s12], $0x80, s8, s12, $0xb8;
	[tilespmem:$0x1D000] =	vst v63  }
0x56: {  	_ =	swait.ge [sflag:s15], $0x4000  }
0x57: {  	[sflag:s15] =	ssyncset.done $0x0  }
0x58: {  	s9 =	rddreg [dreg:$0xd];
	[sflag:s15] =	ssyncadd.s32 $0xFFFFC000  }
0x59: {  	[spmem:s3] =	stream.indirect.scatter.add.f32 [tilespmem:s13], [sflag:$0x3], $0x80, s9, s12, $0xb8;
	[tilespmem:$0x1D000] =	vst v63  }
0x5a: {  	_ =	swait.ge [sflag:s10], $0x4000  }
0x5b: {  	[sflag:s10] =	ssyncset.done $0x0  }
0x5c: {  	s25 =	rddreg [dreg:$0xe];
	[sflag:s10] =	ssyncadd.s32 $0xFFFFC000  }
0x5d: {  	[tilespmem:s13], [sflag:$0x1] =	stream.indirect.gather [hbm4b:s5+s12], $0x80, s25, s12, $0xb8;
	[tilespmem:$0x1D000] =	vst v63  }
0x5e: {  	_ =	swait.ge [sflag:s16], $0x4000  }
0x5f: {  	[sflag:s16] =	ssyncset.done $0x0  }
0x60: {  	s8 =	rddreg [dreg:$0xf];
	[sflag:s16] =	ssyncadd.s32 $0xFFFFC000  }
0x61: {  	[spmem:s3] =	stream.indirect.scatter.add.f32 [tilespmem:s14], [sflag:$0x3], $0x80, s8, s12, $0xb8;
	[tilespmem:$0x1D000] =	vst v63  }
0x62: {  	_ =	swait.ge [sflag:s10], $0x4000  }
0x63: {  	[sflag:s10] =	ssyncset.done $0x0  }
0x64: {  	s9 =	rddreg [dreg:$0x10];
	[sflag:s10] =	ssyncadd.s32 $0xFFFFC000  }
0x65: {  	[tilespmem:s14], [sflag:$0x2] =	stream.indirect.gather [hbm4b:s5+s12], $0x80, s9, s12, $0xb8;
	[tilespmem:$0x1D000] =	vst v63  }
0x66: {  	_ =	swait.ge [sflag:s15], $0x4000  }
0x67: {  	[sflag:s15] =	ssyncset.done $0x0  }
0x68: {  	s25 =	rddreg [dreg:$0x11];
	[sflag:s15] =	ssyncadd.s32 $0xFFFFC000  }
0x69: {  	[spmem:s3] =	stream.indirect.scatter.add.f32 [tilespmem:s13], [sflag:$0x3], $0x80, s25, s12, $0xb8;
	[tilespmem:$0x1D000] =	vst v63  }
0x6a: {  	_ =	swait.ge [sflag:s10], $0x4000  }
0x6b: {  	[sflag:s10] =	ssyncset.done $0x0  }
0x6c: {  	[sflag:s10] =	ssyncadd.s32 $0xFFFFC000  }
0x6d: {  	[tilespmem:s13], [sflag:$0x1] =	stream.indirect.gather [hbm4b:s5+s12], $0x80, s17, s12, $0xb8;
	[tilespmem:$0x1D000] =	vst v63  }
0x6e: {  	_ =	swait.ge [sflag:s16], $0x4000  }
0x6f: {  	[sflag:s16] =	ssyncset.done $0x0  }
0x70: {  	[sflag:s16] =	ssyncadd.s32 $0xFFFFC000  }
0x71: {  	[spmem:s3] =	stream.indirect.scatter.add.f32 [tilespmem:s14], [sflag:$0x3], $0x80, s18, s12, $0xb8;
	[tilespmem:$0x1D000] =	vst v63  }
0x72: {  	_ =	swait.ge [sflag:s10], $0x4000  }
0x73: {  	[sflag:s10] =	ssyncset.done $0x0  }
0x74: {  	[sflag:s10] =	ssyncadd.s32 $0xFFFFC000  }
0x75: {  	[tilespmem:s14], [sflag:$0x2] =	stream.indirect.gather [hbm4b:s5+s12], $0x80, s19, s12, $0xb8;
	[tilespmem:$0x1D000] =	vst v63  }
0x76: {  	_ =	swait.ge [sflag:s15], $0x4000  }
0x77: {  	[sflag:s15] =	ssyncset.done $0x0  }
0x78: {  	[sflag:s15] =	ssyncadd.s32 $0xFFFFC000  }
0x79: {  	[spmem:s3] =	stream.indirect.scatter.add.f32 [tilespmem:s13], [sflag:$0x3], $0x80, s20, s12, $0xb8;
	[tilespmem:$0x1D000] =	vst v63  }
0x7a: {  	_ =	swait.ge [sflag:s10], $0x4000  }
0x7b: {  	[sflag:s10] =	ssyncset.done $0x0  }
0x7c: {  	[sflag:s10] =	ssyncadd.s32 $0xFFFFC000  }
0x7d: {  	[tilespmem:s13], [sflag:$0x1] =	stream.indirect.gather [hbm4b:s5+s12], $0x80, s21, s12, $0xb8;
	[tilespmem:$0x1D000] =	vst v63  }
0x7e: {  	_ =	swait.ge [sflag:s16], $0x4000  }
0x7f: {  	[sflag:s16] =	ssyncset.done $0x0  }
0x80: {  	[sflag:s16] =	ssyncadd.s32 $0xFFFFC000  }
0x81: {  	[spmem:s3] =	stream.indirect.scatter.add.f32 [tilespmem:s14], [sflag:$0x3], $0x80, s22, s12, $0xb8;
	[tilespmem:$0x1D000] =	vst v63  }
0x82: {  	_ =	swait.ge [sflag:s10], $0x4000  }
0x83: {  	[sflag:s10] =	ssyncset.done $0x0  }
0x84: {  	[sflag:s10] =	ssyncadd.s32 $0xFFFFC000  }
0x85: {  	[tilespmem:s14], [sflag:$0x2] =	stream.indirect.gather [hbm4b:s5+s12], $0x80, s23, s12, $0xb8;
	[tilespmem:$0x1D000] =	vst v63  }
0x86: {  	_ =	swait.ge [sflag:s15], $0x4000  }
0x87: {  	[sflag:s15] =	ssyncset.done $0x0  }
0x88: {  	[sflag:s15] =	ssyncadd.s32 $0xFFFFC000  }
0x89: {  	[spmem:s3] =	stream.indirect.scatter.add.f32 [tilespmem:s13], [sflag:$0x3], $0x80, s24, s12, $0xb8;
	[tilespmem:$0x1D000] =	vst v63  }
0x8a: {  	_ =	swait.ge [sflag:s10], $0x4000  }
0x8b: {  	[sflag:s10] =	ssyncset.done $0x0  }
0x8c: {  	[sflag:s10] =	ssyncadd.s32 $0xFFFFC000  }
0x8d: {  	[tilespmem:s13], [sflag:$0x1] =	stream.indirect.gather [hbm4b:s5+s12], $0x80, s26, s12, $0xb8;
	[tilespmem:$0x1D000] =	vst v63  }
0x8e: {  	_ =	swait.ge [sflag:s16], $0x4000  }
0x8f: {  	[sflag:s16] =	ssyncset.done $0x0  }
0x90: {  	[sflag:s16] =	ssyncadd.s32 $0xFFFFC000  }
0x91: {  	[spmem:s3] =	stream.indirect.scatter.add.f32 [tilespmem:s14], [sflag:$0x3], $0x80, s28, s12, $0xb8;
	[tilespmem:$0x1D000] =	vst v63  }
0x92: {  	_ =	swait.ge [sflag:s10], $0x4000  }
0x93: {  	[sflag:s10] =	ssyncset.done $0x0  }
0x94: {  	[sflag:s10] =	ssyncadd.s32 $0xFFFFC000  }
0x95: {  	[tilespmem:s14], [sflag:$0x2] =	stream.indirect.gather [hbm4b:s5+s12], $0x80, s29, s12, $0xb8;
	[tilespmem:$0x1D000] =	vst v63  }
0x96: {  	_ =	swait.ge [sflag:s15], $0x4000  }
0x97: {  	[sflag:s15] =	ssyncset.done $0x0  }
0x98: {  	[sflag:s15] =	ssyncadd.s32 $0xFFFFC000  }
0x99: {  	[spmem:s3] =	stream.indirect.scatter.add.f32 [tilespmem:s13], [sflag:$0x3], $0x80, s30, s12, $0xb8;
	[tilespmem:$0x1D000] =	vst v63  }
0x9a: {  	_ =	swait.ge [sflag:s10], $0x4000  }
0x9b: {  	[sflag:s10] =	ssyncset.done $0x0  }
0x9c: {  	[sflag:s10] =	ssyncadd.s32 $0xFFFFC000  }
0x9d: {  	[tilespmem:s13], [sflag:$0x1] =	stream.indirect.gather [hbm4b:s5+s12], $0x80, s31, s12, $0xb8;
	[tilespmem:$0x1D000] =	vst v63  }
0x9e: {  	_ =	swait.ge [sflag:s16], $0x4000  }
0x9f: {  	[sflag:s16] =	ssyncset.done $0x0  }
0xa0: {  	[sflag:s16] =	ssyncadd.s32 $0xFFFFC000  }
0xa1: {  	[spmem:s3] =	stream.indirect.scatter.add.f32 [tilespmem:s14], [sflag:$0x3], $0x80, s0, s12, $0xb8;
	[tilespmem:$0x1D000] =	vst v63  }
0xa2: {  	_ =	swait.ge [sflag:s10], $0x4000  }
0xa3: {  	[sflag:s10] =	ssyncset.done $0x0  }
0xa4: {  	[sflag:s10] =	ssyncadd.s32 $0xFFFFC000  }
0xa5: {  	[tilespmem:s14], [sflag:$0x2] =	stream.indirect.gather [hbm4b:s5+s12], $0x80, s1, s12, $0xb8;
	[tilespmem:$0x1D000] =	vst v63  }
0xa6: {  	_ =	swait.ge [sflag:s15], $0x4000  }
0xa7: {  	[sflag:s15] =	ssyncset.done $0x0  }
0xa8: {  	[sflag:s15] =	ssyncadd.s32 $0xFFFFC000  }
0xa9: {  	[spmem:s3] =	stream.indirect.scatter.add.f32 [tilespmem:s13], [sflag:$0x3], $0x80, s2, s12, $0xb8;
	[tilespmem:$0x1D000] =	vst v63  }
0xaa: {  	_ =	swait.ge [sflag:s10], $0x4000  }
0xab: {  	[sflag:s10] =	ssyncset.done $0x0  }
0xac: {  	[sflag:s10] =	ssyncadd.s32 $0xFFFFC000  }
0xad: {  	_ =	swait.ge [sflag:s16], $0x4000  }
0xae: {  	[sflag:s16] =	ssyncset.done $0x0  }
0xaf: {  	[sflag:s16] =	ssyncadd.s32 $0xFFFFC000  }
0xb0: {  	[spmem:s3] =	stream.indirect.scatter.add.f32 [tilespmem:s14], [sflag:$0x3], $0x80, s7, s12, $0xb8;
	[tilespmem:$0x1D000] =	vst v63  }
0xb1: {  	s9 =	simm.s32 $0x100;
	_ =	swait.ge [sflag:s10], $0x4000  }
0xb2: {  	s25 =	simm.s32 $0x200;
	s6 =	rddreg [dreg:$0x5];
	[sflag:s10] =	ssyncset.done $0x0  }
.LBB2_2:
0xb3: {  	[sflag:s10] =	ssyncadd.s32 $0xFFFFC000;
	s6 =	sadd.s32 s9, s6  }
0xb4: {  	[tilespmem:s4], [sflag:$0x3] =	stream.linear.gather [hbm4b:s6+s4], $0x800, $0x38;
	[tilespmem:$0x1D000] =	vst v63  }
0xb5: {  	_ =	swait.ge [sflag:s10], $0x800  }
0xb6: {  	s6 =	rddreg [dreg:$0x4];
	[sflag:s10] =	ssyncset.done $0x0  }
0xb7: {  	[sflag:s10] =	ssyncadd.s32 $0xFFFFF800;
	s6 =	sadd.s32 s9, s6  }
0xb8: {  	[tilespmem:s11], [sflag:$0x3] =	stream.linear.gather [hbm4b:s6+s4], $0x800, $0x38;
	[tilespmem:$0x1D000] =	vst v63  }
0xb9: {  	_ =	swait.ge [sflag:s10], $0x800  }
0xba: {  	[sflag:s10] =	ssyncset.done $0x0  }
0xbb: {  	[sflag:s10] =	ssyncadd.s32 $0xFFFFF800  }
0xbc: {  	[tilespmem:s13], [sflag:$0x1] =	stream.indirect.gather [hbm4b:s5+s12], $0x80, s4, s12, $0xb8;
	[tilespmem:$0x1D000] =	vst v63  }
0xbd: {  	_ = 	snop  }
0xbe: {  	[tilespmem:s14], [sflag:$0x2] =	stream.indirect.gather [hbm4b:s5+s12], $0x80, s12, s12, $0xb8;
	[tilespmem:$0x1D000] =	vst v63  }
0xbf: {  	_ =	swait.ge [sflag:s15], $0x4000  }
0xc0: {  	[sflag:s15] =	ssyncset.done $0x0  }
0xc1: {  	[sflag:s15] =	ssyncadd.s32 $0xFFFFC000  }
0xc2: {  	[spmem:s3] =	stream.indirect.scatter.add.f32 [tilespmem:s13], [sflag:$0x3], $0x80, s11, s12, $0xb8;
	[tilespmem:$0x1D000] =	vst v63  }
0xc3: {  	_ =	swait.ge [sflag:s10], $0x4000  }
0xc4: {  	s8 =	smov.u32 s25;
	[sflag:s10] =	ssyncset.done $0x0  }
0xc5: {  	s9 =	smov.u32 s8;
	s8 =	rddreg [dreg:$0x6];
	[sflag:s10] =	ssyncadd.s32 $0xFFFFC000  }
0xc6: {  	[tilespmem:s13], [sflag:$0x1] =	stream.indirect.gather [hbm4b:s5+s12], $0x80, s8, s12, $0xb8;
	[tilespmem:$0x1D000] =	vst v63  }
0xc7: {  	_ =	swait.ge [sflag:s16], $0x4000  }
0xc8: {  	[sflag:s16] =	ssyncset.done $0x0  }
0xc9: {  	s8 =	rddreg [dreg:$0x7];
	[sflag:s16] =	ssyncadd.s32 $0xFFFFC000  }
0xca: {  	[spmem:s3] =	stream.indirect.scatter.add.f32 [tilespmem:s14], [sflag:$0x3], $0x80, s8, s12, $0xb8;
	[tilespmem:$0x1D000] =	vst v63  }
0xcb: {  	_ =	swait.ge [sflag:s10], $0x4000  }
0xcc: {  	[sflag:s10] =	ssyncset.done $0x0  }
0xcd: {  	s8 =	rddreg [dreg:$0x8];
	[sflag:s10] =	ssyncadd.s32 $0xFFFFC000  }
0xce: {  	[tilespmem:s14], [sflag:$0x2] =	stream.indirect.gather [hbm4b:s5+s12], $0x80, s8, s12, $0xb8;
	[tilespmem:$0x1D000] =	vst v63  }
0xcf: {  	_ =	swait.ge [sflag:s15], $0x4000  }
0xd0: {  	[sflag:s15] =	ssyncset.done $0x0  }
0xd1: {  	s8 =	rddreg [dreg:$0x9];
	[sflag:s15] =	ssyncadd.s32 $0xFFFFC000  }
0xd2: {  	[spmem:s3] =	stream.indirect.scatter.add.f32 [tilespmem:s13], [sflag:$0x3], $0x80, s8, s12, $0xb8;
	[tilespmem:$0x1D000] =	vst v63  }
0xd3: {  	_ =	swait.ge [sflag:s10], $0x4000  }
0xd4: {  	[sflag:s10] =	ssyncset.done $0x0  }
0xd5: {  	s8 =	rddreg [dreg:$0xa];
	[sflag:s10] =	ssyncadd.s32 $0xFFFFC000  }
0xd6: {  	[tilespmem:s13], [sflag:$0x1] =	stream.indirect.gather [hbm4b:s5+s12], $0x80, s8, s12, $0xb8;
	[tilespmem:$0x1D000] =	vst v63  }
0xd7: {  	_ =	swait.ge [sflag:s16], $0x4000  }
0xd8: {  	[sflag:s16] =	ssyncset.done $0x0  }
0xd9: {  	s8 =	rddreg [dreg:$0xb];
	[sflag:s16] =	ssyncadd.s32 $0xFFFFC000  }
0xda: {  	[spmem:s3] =	stream.indirect.scatter.add.f32 [tilespmem:s14], [sflag:$0x3], $0x80, s8, s12, $0xb8;
	[tilespmem:$0x1D000] =	vst v63  }
0xdb: {  	_ =	swait.ge [sflag:s10], $0x4000  }
0xdc: {  	[sflag:s10] =	ssyncset.done $0x0  }
0xdd: {  	s8 =	rddreg [dreg:$0xc];
	[sflag:s10] =	ssyncadd.s32 $0xFFFFC000  }
0xde: {  	[tilespmem:s14], [sflag:$0x2] =	stream.indirect.gather [hbm4b:s5+s12], $0x80, s8, s12, $0xb8;
	[tilespmem:$0x1D000] =	vst v63  }
0xdf: {  	_ =	swait.ge [sflag:s15], $0x4000  }
0xe0: {  	[sflag:s15] =	ssyncset.done $0x0  }
0xe1: {  	s8 =	rddreg [dreg:$0xd];
	[sflag:s15] =	ssyncadd.s32 $0xFFFFC000  }
0xe2: {  	[spmem:s3] =	stream.indirect.scatter.add.f32 [tilespmem:s13], [sflag:$0x3], $0x80, s8, s12, $0xb8;
	[tilespmem:$0x1D000] =	vst v63  }
0xe3: {  	_ =	swait.ge [sflag:s10], $0x4000  }
0xe4: {  	[sflag:s10] =	ssyncset.done $0x0  }
0xe5: {  	s8 =	rddreg [dreg:$0xe];
	[sflag:s10] =	ssyncadd.s32 $0xFFFFC000  }
0xe6: {  	[tilespmem:s13], [sflag:$0x1] =	stream.indirect.gather [hbm4b:s5+s12], $0x80, s8, s12, $0xb8;
	[tilespmem:$0x1D000] =	vst v63  }
0xe7: {  	_ =	swait.ge [sflag:s16], $0x4000  }
0xe8: {  	[sflag:s16] =	ssyncset.done $0x0  }
0xe9: {  	s8 =	rddreg [dreg:$0xf];
	[sflag:s16] =	ssyncadd.s32 $0xFFFFC000  }
0xea: {  	[spmem:s3] =	stream.indirect.scatter.add.f32 [tilespmem:s14], [sflag:$0x3], $0x80, s8, s12, $0xb8;
	[tilespmem:$0x1D000] =	vst v63  }
0xeb: {  	_ =	swait.ge [sflag:s10], $0x4000  }
0xec: {  	[sflag:s10] =	ssyncset.done $0x0  }
0xed: {  	s8 =	rddreg [dreg:$0x10];
	[sflag:s10] =	ssyncadd.s32 $0xFFFFC000  }
0xee: {  	[tilespmem:s14], [sflag:$0x2] =	stream.indirect.gather [hbm4b:s5+s12], $0x80, s8, s12, $0xb8;
	[tilespmem:$0x1D000] =	vst v63  }
0xef: {  	_ =	swait.ge [sflag:s15], $0x4000  }
0xf0: {  	[sflag:s15] =	ssyncset.done $0x0  }
0xf1: {  	s8 =	rddreg [dreg:$0x11];
	[sflag:s15] =	ssyncadd.s32 $0xFFFFC000  }
0xf2: {  	[spmem:s3] =	stream.indirect.scatter.add.f32 [tilespmem:s13], [sflag:$0x3], $0x80, s8, s12, $0xb8;
	[tilespmem:$0x1D000] =	vst v63  }
0xf3: {  	_ =	swait.ge [sflag:s10], $0x4000  }
0xf4: {  	[sflag:s10] =	ssyncset.done $0x0  }
0xf5: {  	[sflag:s10] =	ssyncadd.s32 $0xFFFFC000  }
0xf6: {  	[tilespmem:s13], [sflag:$0x1] =	stream.indirect.gather [hbm4b:s5+s12], $0x80, s17, s12, $0xb8;
	[tilespmem:$0x1D000] =	vst v63  }
0xf7: {  	_ =	swait.ge [sflag:s16], $0x4000  }
0xf8: {  	[sflag:s16] =	ssyncset.done $0x0  }
0xf9: {  	[sflag:s16] =	ssyncadd.s32 $0xFFFFC000  }
0xfa: {  	[spmem:s3] =	stream.indirect.scatter.add.f32 [tilespmem:s14], [sflag:$0x3], $0x80, s18, s12, $0xb8;
	[tilespmem:$0x1D000] =	vst v63  }
0xfb: {  	_ =	swait.ge [sflag:s10], $0x4000  }
0xfc: {  	[sflag:s10] =	ssyncset.done $0x0  }
0xfd: {  	[sflag:s10] =	ssyncadd.s32 $0xFFFFC000  }
0xfe: {  	[tilespmem:s14], [sflag:$0x2] =	stream.indirect.gather [hbm4b:s5+s12], $0x80, s19, s12, $0xb8;
	[tilespmem:$0x1D000] =	vst v63  }
0xff: {  	_ =	swait.ge [sflag:s15], $0x4000  }
0x100: {  	[sflag:s15] =	ssyncset.done $0x0  }
0x101: {  	[sflag:s15] =	ssyncadd.s32 $0xFFFFC000  }
0x102: {  	[spmem:s3] =	stream.indirect.scatter.add.f32 [tilespmem:s13], [sflag:$0x3], $0x80, s20, s12, $0xb8;
	[tilespmem:$0x1D000] =	vst v63  }
0x103: {  	_ =	swait.ge [sflag:s10], $0x4000  }
0x104: {  	[sflag:s10] =	ssyncset.done $0x0  }
0x105: {  	[sflag:s10] =	ssyncadd.s32 $0xFFFFC000  }
0x106: {  	[tilespmem:s13], [sflag:$0x1] =	stream.indirect.gather [hbm4b:s5+s12], $0x80, s21, s12, $0xb8;
	[tilespmem:$0x1D000] =	vst v63  }
0x107: {  	_ =	swait.ge [sflag:s16], $0x4000  }
0x108: {  	[sflag:s16] =	ssyncset.done $0x0  }
0x109: {  	[sflag:s16] =	ssyncadd.s32 $0xFFFFC000  }
0x10a: {  	[spmem:s3] =	stream.indirect.scatter.add.f32 [tilespmem:s14], [sflag:$0x3], $0x80, s22, s12, $0xb8;
	[tilespmem:$0x1D000] =	vst v63  }
0x10b: {  	_ =	swait.ge [sflag:s10], $0x4000  }
0x10c: {  	[sflag:s10] =	ssyncset.done $0x0  }
0x10d: {  	[sflag:s10] =	ssyncadd.s32 $0xFFFFC000  }
0x10e: {  	[tilespmem:s14], [sflag:$0x2] =	stream.indirect.gather [hbm4b:s5+s12], $0x80, s23, s12, $0xb8;
	[tilespmem:$0x1D000] =	vst v63  }
0x10f: {  	_ =	swait.ge [sflag:s15], $0x4000  }
0x110: {  	[sflag:s15] =	ssyncset.done $0x0  }
0x111: {  	[sflag:s15] =	ssyncadd.s32 $0xFFFFC000  }
0x112: {  	[spmem:s3] =	stream.indirect.scatter.add.f32 [tilespmem:s13], [sflag:$0x3], $0x80, s24, s12, $0xb8;
	[tilespmem:$0x1D000] =	vst v63  }
0x113: {  	_ =	swait.ge [sflag:s10], $0x4000  }
0x114: {  	[sflag:s10] =	ssyncset.done $0x0  }
0x115: {  	[sflag:s10] =	ssyncadd.s32 $0xFFFFC000  }
0x116: {  	[tilespmem:s13], [sflag:$0x1] =	stream.indirect.gather [hbm4b:s5+s12], $0x80, s26, s12, $0xb8;
	[tilespmem:$0x1D000] =	vst v63  }
0x117: {  	_ =	swait.ge [sflag:s16], $0x4000  }
0x118: {  	[sflag:s16] =	ssyncset.done $0x0  }
0x119: {  	[sflag:s16] =	ssyncadd.s32 $0xFFFFC000  }
0x11a: {  	[spmem:s3] =	stream.indirect.scatter.add.f32 [tilespmem:s14], [sflag:$0x3], $0x80, s28, s12, $0xb8;
	[tilespmem:$0x1D000] =	vst v63  }
0x11b: {  	_ =	swait.ge [sflag:s10], $0x4000  }
0x11c: {  	[sflag:s10] =	ssyncset.done $0x0  }
0x11d: {  	[sflag:s10] =	ssyncadd.s32 $0xFFFFC000  }
0x11e: {  	[tilespmem:s14], [sflag:$0x2] =	stream.indirect.gather [hbm4b:s5+s12], $0x80, s29, s12, $0xb8;
	[tilespmem:$0x1D000] =	vst v63  }
0x11f: {  	_ =	swait.ge [sflag:s15], $0x4000  }
0x120: {  	[sflag:s15] =	ssyncset.done $0x0  }
0x121: {  	[sflag:s15] =	ssyncadd.s32 $0xFFFFC000  }
0x122: {  	[spmem:s3] =	stream.indirect.scatter.add.f32 [tilespmem:s13], [sflag:$0x3], $0x80, s30, s12, $0xb8;
	[tilespmem:$0x1D000] =	vst v63  }
0x123: {  	_ =	swait.ge [sflag:s10], $0x4000  }
0x124: {  	[sflag:s10] =	ssyncset.done $0x0  }
0x125: {  	[sflag:s10] =	ssyncadd.s32 $0xFFFFC000  }
0x126: {  	[tilespmem:s13], [sflag:$0x1] =	stream.indirect.gather [hbm4b:s5+s12], $0x80, s31, s12, $0xb8;
	[tilespmem:$0x1D000] =	vst v63  }
0x127: {  	_ =	swait.ge [sflag:s16], $0x4000  }
0x128: {  	[sflag:s16] =	ssyncset.done $0x0  }
0x129: {  	[sflag:s16] =	ssyncadd.s32 $0xFFFFC000  }
0x12a: {  	[spmem:s3] =	stream.indirect.scatter.add.f32 [tilespmem:s14], [sflag:$0x3], $0x80, s0, s12, $0xb8;
	[tilespmem:$0x1D000] =	vst v63  }
0x12b: {  	_ =	swait.ge [sflag:s10], $0x4000  }
0x12c: {  	[sflag:s10] =	ssyncset.done $0x0  }
0x12d: {  	[sflag:s10] =	ssyncadd.s32 $0xFFFFC000  }
0x12e: {  	[tilespmem:s14], [sflag:$0x2] =	stream.indirect.gather [hbm4b:s5+s12], $0x80, s1, s12, $0xb8;
	[tilespmem:$0x1D000] =	vst v63  }
0x12f: {  	_ =	swait.ge [sflag:s15], $0x4000  }
0x130: {  	[sflag:s15] =	ssyncset.done $0x0  }
0x131: {  	[sflag:s15] =	ssyncadd.s32 $0xFFFFC000  }
0x132: {  	[spmem:s3] =	stream.indirect.scatter.add.f32 [tilespmem:s13], [sflag:$0x3], $0x80, s2, s12, $0xb8;
	[tilespmem:$0x1D000] =	vst v63  }
0x133: {  	_ =	swait.ge [sflag:s10], $0x4000  }
0x134: {  	[sflag:s10] =	ssyncset.done $0x0  }
0x135: {  	[sflag:s10] =	ssyncadd.s32 $0xFFFFC000  }
0x136: {  	p0 =	sne.s32 s25, $0x400;
	_ =	swait.ge [sflag:s16], $0x4000  }
.Ltmp0:
0x137: {  	[sflag:s16] =	ssyncset.done $0x0;
	(pc) =	sbr.rel @p0 .LBB2_2-.Ltmp0, $4  }
0x138: {  	[sflag:s16] =	ssyncadd.s32 $0xFFFFC000  }
0x139: {  	[spmem:s3] =	stream.indirect.scatter.add.f32 [tilespmem:s14], [sflag:$0x3], $0x80, s7, s12, $0xb8;
	[tilespmem:$0x1D000] =	vst v63  }
0x13a: {  	_ =	swait.ge [sflag:s10], $0x4000  }
0x13b: {  	s25 =	sadd.s32 $0x100, s25;
	s6 =	rddreg [dreg:$0x5];
	[sflag:s10] =	ssyncset.done $0x0  }
0x13c: {  	[sflag:s10] =	ssyncadd.s32 $0xFFFFC000;
	s6 =	sadd.s32 s9, s6  }
0x13d: {  	[tilespmem:s4], [sflag:$0x3] =	stream.linear.gather [hbm4b:s6+s4], $0x800, $0x38;
	[tilespmem:$0x1D000] =	vst v63  }
0x13e: {  	_ =	swait.ge [sflag:s10], $0x800  }
0x13f: {  	s8 =	rddreg [dreg:$0x4];
	[sflag:s10] =	ssyncset.done $0x0  }
0x140: {  	s6 =	sadd.s32 s9, s8;
	[sflag:s10] =	ssyncadd.s32 $0xFFFFF800  }
0x141: {  	[tilespmem:s11], [sflag:$0x3] =	stream.linear.gather [hbm4b:s6+s4], $0x800, $0x38;
	[tilespmem:$0x1D000] =	vst v63  }
0x142: {  	_ =	swait.ge [sflag:s10], $0x800  }
0x143: {  	[sflag:s10] =	ssyncset.done $0x0  }
0x144: {  	[sflag:s10] =	ssyncadd.s32 $0xFFFFF800  }
0x145: {  	[tilespmem:s13], [sflag:$0x1] =	stream.indirect.gather [hbm4b:s5+s12], $0x80, s4, s12, $0xb8;
	[tilespmem:$0x1D000] =	vst v63  }
0x146: {  	_ = 	snop  }
0x147: {  	[tilespmem:s14], [sflag:$0x2] =	stream.indirect.gather [hbm4b:s5+s12], $0x80, s12, s12, $0xb8;
	[tilespmem:$0x1D000] =	vst v63  }
0x148: {  	_ =	swait.ge [sflag:s15], $0x4000  }
0x149: {  	[sflag:s15] =	ssyncset.done $0x0  }
0x14a: {  	[sflag:s15] =	ssyncadd.s32 $0xFFFFC000  }
0x14b: {  	[spmem:s3] =	stream.indirect.scatter.add.f32 [tilespmem:s13], [sflag:$0x3], $0x80, s11, s12, $0xb8;
	[tilespmem:$0x1D000] =	vst v63  }
0x14c: {  	_ =	swait.ge [sflag:s10], $0x4000  }
0x14d: {  	[sflag:s10] =	ssyncset.done $0x0  }
0x14e: {  	s9 =	rddreg [dreg:$0x6];
	[sflag:s10] =	ssyncadd.s32 $0xFFFFC000  }
0x14f: {  	[tilespmem:s13], [sflag:$0x1] =	stream.indirect.gather [hbm4b:s5+s12], $0x80, s9, s12, $0xb8;
	[tilespmem:$0x1D000] =	vst v63  }
0x150: {  	_ =	swait.ge [sflag:s16], $0x4000  }
0x151: {  	[sflag:s16] =	ssyncset.done $0x0  }
0x152: {  	s25 =	rddreg [dreg:$0x7];
	[sflag:s16] =	ssyncadd.s32 $0xFFFFC000  }
0x153: {  	[spmem:s3] =	stream.indirect.scatter.add.f32 [tilespmem:s14], [sflag:$0x3], $0x80, s25, s12, $0xb8;
	[tilespmem:$0x1D000] =	vst v63  }
0x154: {  	_ =	swait.ge [sflag:s10], $0x4000  }
0x155: {  	[sflag:s10] =	ssyncset.done $0x0  }
0x156: {  	s8 =	rddreg [dreg:$0x8];
	[sflag:s10] =	ssyncadd.s32 $0xFFFFC000  }
0x157: {  	[tilespmem:s14], [sflag:$0x2] =	stream.indirect.gather [hbm4b:s5+s12], $0x80, s8, s12, $0xb8;
	[tilespmem:$0x1D000] =	vst v63  }
0x158: {  	_ =	swait.ge [sflag:s15], $0x4000  }
0x159: {  	[sflag:s15] =	ssyncset.done $0x0  }
0x15a: {  	s9 =	rddreg [dreg:$0x9];
	[sflag:s15] =	ssyncadd.s32 $0xFFFFC000  }
0x15b: {  	[spmem:s3] =	stream.indirect.scatter.add.f32 [tilespmem:s13], [sflag:$0x3], $0x80, s9, s12, $0xb8;
	[tilespmem:$0x1D000] =	vst v63  }
0x15c: {  	_ =	swait.ge [sflag:s10], $0x4000  }
0x15d: {  	[sflag:s10] =	ssyncset.done $0x0  }
0x15e: {  	s25 =	rddreg [dreg:$0xa];
	[sflag:s10] =	ssyncadd.s32 $0xFFFFC000  }
0x15f: {  	[tilespmem:s13], [sflag:$0x1] =	stream.indirect.gather [hbm4b:s5+s12], $0x80, s25, s12, $0xb8;
	[tilespmem:$0x1D000] =	vst v63  }
0x160: {  	_ =	swait.ge [sflag:s16], $0x4000  }
0x161: {  	[sflag:s16] =	ssyncset.done $0x0  }
0x162: {  	s8 =	rddreg [dreg:$0xb];
	[sflag:s16] =	ssyncadd.s32 $0xFFFFC000  }
0x163: {  	[spmem:s3] =	stream.indirect.scatter.add.f32 [tilespmem:s14], [sflag:$0x3], $0x80, s8, s12, $0xb8;
	[tilespmem:$0x1D000] =	vst v63  }
0x164: {  	_ =	swait.ge [sflag:s10], $0x4000  }
0x165: {  	[sflag:s10] =	ssyncset.done $0x0  }
0x166: {  	s9 =	rddreg [dreg:$0xc];
	[sflag:s10] =	ssyncadd.s32 $0xFFFFC000  }
0x167: {  	[tilespmem:s14], [sflag:$0x2] =	stream.indirect.gather [hbm4b:s5+s12], $0x80, s9, s12, $0xb8;
	[tilespmem:$0x1D000] =	vst v63  }
0x168: {  	_ =	swait.ge [sflag:s15], $0x4000  }
0x169: {  	[sflag:s15] =	ssyncset.done $0x0  }
0x16a: {  	s25 =	rddreg [dreg:$0xd];
	[sflag:s15] =	ssyncadd.s32 $0xFFFFC000  }
0x16b: {  	[spmem:s3] =	stream.indirect.scatter.add.f32 [tilespmem:s13], [sflag:$0x3], $0x80, s25, s12, $0xb8;
	[tilespmem:$0x1D000] =	vst v63  }
0x16c: {  	_ =	swait.ge [sflag:s10], $0x4000  }
0x16d: {  	[sflag:s10] =	ssyncset.done $0x0  }
0x16e: {  	s8 =	rddreg [dreg:$0xe];
	[sflag:s10] =	ssyncadd.s32 $0xFFFFC000  }
0x16f: {  	[tilespmem:s13], [sflag:$0x1] =	stream.indirect.gather [hbm4b:s5+s12], $0x80, s8, s12, $0xb8;
	[tilespmem:$0x1D000] =	vst v63  }
0x170: {  	_ =	swait.ge [sflag:s16], $0x4000  }
0x171: {  	[sflag:s16] =	ssyncset.done $0x0  }
0x172: {  	s9 =	rddreg [dreg:$0xf];
	[sflag:s16] =	ssyncadd.s32 $0xFFFFC000  }
0x173: {  	[spmem:s3] =	stream.indirect.scatter.add.f32 [tilespmem:s14], [sflag:$0x3], $0x80, s9, s12, $0xb8;
	[tilespmem:$0x1D000] =	vst v63  }
0x174: {  	_ =	swait.ge [sflag:s10], $0x4000  }
0x175: {  	[sflag:s10] =	ssyncset.done $0x0  }
0x176: {  	s25 =	rddreg [dreg:$0x10];
	[sflag:s10] =	ssyncadd.s32 $0xFFFFC000  }
0x177: {  	[tilespmem:s14], [sflag:$0x2] =	stream.indirect.gather [hbm4b:s5+s12], $0x80, s25, s12, $0xb8;
	[tilespmem:$0x1D000] =	vst v63  }
0x178: {  	_ =	swait.ge [sflag:s15], $0x4000  }
0x179: {  	[sflag:s15] =	ssyncset.done $0x0  }
0x17a: {  	s8 =	rddreg [dreg:$0x11];
	[sflag:s15] =	ssyncadd.s32 $0xFFFFC000  }
0x17b: {  	[spmem:s3] =	stream.indirect.scatter.add.f32 [tilespmem:s13], [sflag:$0x3], $0x80, s8, s12, $0xb8;
	[tilespmem:$0x1D000] =	vst v63  }
0x17c: {  	_ =	swait.ge [sflag:s10], $0x4000  }
0x17d: {  	[sflag:s10] =	ssyncset.done $0x0  }
0x17e: {  	[sflag:s10] =	ssyncadd.s32 $0xFFFFC000  }
0x17f: {  	[tilespmem:s13], [sflag:$0x1] =	stream.indirect.gather [hbm4b:s5+s12], $0x80, s17, s12, $0xb8;
	[tilespmem:$0x1D000] =	vst v63  }
0x180: {  	_ =	swait.ge [sflag:s16], $0x4000  }
0x181: {  	[sflag:s16] =	ssyncset.done $0x0  }
0x182: {  	[sflag:s16] =	ssyncadd.s32 $0xFFFFC000  }
0x183: {  	[spmem:s3] =	stream.indirect.scatter.add.f32 [tilespmem:s14], [sflag:$0x3], $0x80, s18, s12, $0xb8;
	[tilespmem:$0x1D000] =	vst v63  }
0x184: {  	_ =	swait.ge [sflag:s10], $0x4000  }
0x185: {  	[sflag:s10] =	ssyncset.done $0x0  }
0x186: {  	[sflag:s10] =	ssyncadd.s32 $0xFFFFC000  }
0x187: {  	[tilespmem:s14], [sflag:$0x2] =	stream.indirect.gather [hbm4b:s5+s12], $0x80, s19, s12, $0xb8;
	[tilespmem:$0x1D000] =	vst v63  }
0x188: {  	_ =	swait.ge [sflag:s15], $0x4000  }
0x189: {  	[sflag:s15] =	ssyncset.done $0x0  }
0x18a: {  	[sflag:s15] =	ssyncadd.s32 $0xFFFFC000  }
0x18b: {  	[spmem:s3] =	stream.indirect.scatter.add.f32 [tilespmem:s13], [sflag:$0x3], $0x80, s20, s12, $0xb8;
	[tilespmem:$0x1D000] =	vst v63  }
0x18c: {  	_ =	swait.ge [sflag:s10], $0x4000  }
0x18d: {  	[sflag:s10] =	ssyncset.done $0x0  }
0x18e: {  	[sflag:s10] =	ssyncadd.s32 $0xFFFFC000  }
0x18f: {  	[tilespmem:s13], [sflag:$0x1] =	stream.indirect.gather [hbm4b:s5+s12], $0x80, s21, s12, $0xb8;
	[tilespmem:$0x1D000] =	vst v63  }
0x190: {  	_ =	swait.ge [sflag:s16], $0x4000  }
0x191: {  	[sflag:s16] =	ssyncset.done $0x0  }
0x192: {  	[sflag:s16] =	ssyncadd.s32 $0xFFFFC000  }
0x193: {  	[spmem:s3] =	stream.indirect.scatter.add.f32 [tilespmem:s14], [sflag:$0x3], $0x80, s22, s12, $0xb8;
	[tilespmem:$0x1D000] =	vst v63  }
0x194: {  	_ =	swait.ge [sflag:s10], $0x4000  }
0x195: {  	[sflag:s10] =	ssyncset.done $0x0  }
0x196: {  	[sflag:s10] =	ssyncadd.s32 $0xFFFFC000  }
0x197: {  	[tilespmem:s14], [sflag:$0x2] =	stream.indirect.gather [hbm4b:s5+s12], $0x80, s23, s12, $0xb8;
	[tilespmem:$0x1D000] =	vst v63  }
0x198: {  	_ =	swait.ge [sflag:s15], $0x4000  }
0x199: {  	[sflag:s15] =	ssyncset.done $0x0  }
0x19a: {  	[sflag:s15] =	ssyncadd.s32 $0xFFFFC000  }
0x19b: {  	[spmem:s3] =	stream.indirect.scatter.add.f32 [tilespmem:s13], [sflag:$0x3], $0x80, s24, s12, $0xb8;
	[tilespmem:$0x1D000] =	vst v63  }
0x19c: {  	_ =	swait.ge [sflag:s10], $0x4000  }
0x19d: {  	[sflag:s10] =	ssyncset.done $0x0  }
0x19e: {  	[sflag:s10] =	ssyncadd.s32 $0xFFFFC000  }
0x19f: {  	[tilespmem:s13], [sflag:$0x1] =	stream.indirect.gather [hbm4b:s5+s12], $0x80, s26, s12, $0xb8;
	[tilespmem:$0x1D000] =	vst v63  }
0x1a0: {  	_ =	swait.ge [sflag:s16], $0x4000  }
0x1a1: {  	[sflag:s16] =	ssyncset.done $0x0  }
0x1a2: {  	[sflag:s16] =	ssyncadd.s32 $0xFFFFC000  }
0x1a3: {  	[spmem:s3] =	stream.indirect.scatter.add.f32 [tilespmem:s14], [sflag:$0x3], $0x80, s28, s12, $0xb8;
	[tilespmem:$0x1D000] =	vst v63  }
0x1a4: {  	_ =	swait.ge [sflag:s10], $0x4000  }
0x1a5: {  	[sflag:s10] =	ssyncset.done $0x0  }
0x1a6: {  	[sflag:s10] =	ssyncadd.s32 $0xFFFFC000  }
0x1a7: {  	[tilespmem:s14], [sflag:$0x2] =	stream.indirect.gather [hbm4b:s5+s12], $0x80, s29, s12, $0xb8;
	[tilespmem:$0x1D000] =	vst v63  }
0x1a8: {  	_ =	swait.ge [sflag:s15], $0x4000  }
0x1a9: {  	[sflag:s15] =	ssyncset.done $0x0  }
0x1aa: {  	[sflag:s15] =	ssyncadd.s32 $0xFFFFC000  }
0x1ab: {  	[spmem:s3] =	stream.indirect.scatter.add.f32 [tilespmem:s13], [sflag:$0x3], $0x80, s30, s12, $0xb8;
	[tilespmem:$0x1D000] =	vst v63  }
0x1ac: {  	_ =	swait.ge [sflag:s10], $0x4000  }
0x1ad: {  	[sflag:s10] =	ssyncset.done $0x0  }
0x1ae: {  	[sflag:s10] =	ssyncadd.s32 $0xFFFFC000  }
0x1af: {  	[tilespmem:s13], [sflag:$0x1] =	stream.indirect.gather [hbm4b:s5+s12], $0x80, s31, s12, $0xb8;
	[tilespmem:$0x1D000] =	vst v63  }
0x1b0: {  	_ =	swait.ge [sflag:s16], $0x4000  }
0x1b1: {  	[sflag:s16] =	ssyncset.done $0x0  }
0x1b2: {  	[sflag:s16] =	ssyncadd.s32 $0xFFFFC000  }
0x1b3: {  	[spmem:s3] =	stream.indirect.scatter.add.f32 [tilespmem:s14], [sflag:$0x3], $0x80, s0, s12, $0xb8;
	[tilespmem:$0x1D000] =	vst v63  }
0x1b4: {  	_ =	swait.ge [sflag:s10], $0x4000  }
0x1b5: {  	[sflag:s10] =	ssyncset.done $0x0  }
0x1b6: {  	[sflag:s10] =	ssyncadd.s32 $0xFFFFC000  }
0x1b7: {  	[tilespmem:s14], [sflag:$0x2] =	stream.indirect.gather [hbm4b:s5+s12], $0x80, s1, s12, $0xb8;
	[tilespmem:$0x1D000] =	vst v63  }
0x1b8: {  	_ =	swait.ge [sflag:s15], $0x4000  }
0x1b9: {  	[sflag:s15] =	ssyncset.done $0x0  }
0x1ba: {  	[sflag:s15] =	ssyncadd.s32 $0xFFFFC000  }
0x1bb: {  	[spmem:s3] =	stream.indirect.scatter.add.f32 [tilespmem:s13], [sflag:$0x3], $0x80, s2, s12, $0xb8;
	[tilespmem:$0x1D000] =	vst v63  }
0x1bc: {  	_ =	swait.ge [sflag:s10], $0x4000  }
0x1bd: {  	[sflag:s10] =	ssyncset.done $0x0  }
0x1be: {  	[sflag:s10] =	ssyncadd.s32 $0xFFFFC000  }
0x1bf: {  	_ =	swait.ge [sflag:s16], $0x4000  }
0x1c0: {  	[sflag:s16] =	ssyncset.done $0x0  }
0x1c1: {  	[sflag:s16] =	ssyncadd.s32 $0xFFFFC000  }
0x1c2: {  	[spmem:s3] =	stream.indirect.scatter.add.f32 [tilespmem:s14], [sflag:$0x3], $0x80, s7, s12, $0xb8;
	[tilespmem:$0x1D000] =	vst v63  }
0x1c3: {  	_ =	swait.ge [sflag:s10], $0x4000  }
0x1c4: {  	[sflag:s10] =	ssyncset.done $0x0  }
0x1c5: {  	[sflag:s10] =	ssyncadd.s32 $0xFFFFC000  }
0x1c6: {  	[bflag:$0x0] =	sbarrier.arrive $0xFFFF  }
0x1c7: {  	s25 =	rddreg [dreg:$0x12]  }
0x1c8: {  	s9 =	rddreg [dreg:$0x13]  }
0x1c9: {  	s8 =	rddreg [dreg:$0x16]  }
0x1ca: {  	[hbm:s9], [sflag:s25] =	dma.local [spmem:s8], $0x2710  }
0x1cb: {  	_ =	swait.ge [sflag:s10], $0x2710  }
0x1cc: {  	s6 =	rddreg [dreg:$0x17]  }
0x1cd: {  	s9 =	rddreg [dreg:$0x14];
	s8 =	sadd.s32 $0x1, s6  }
0x1ce: {  	p0 =	sne.s32 s8, s9  }
.Ltmp1:
0x1cf: {  	_ = 	snop;
	(pc) =	sbr.rel @p0 .LBB2_1-.Ltmp1, $3  }
0x1d0: {  	_ =	sdelay $0x1  }
0x1d1: {  	[sflag:s10] =	ssyncset.done $0x0  }
0x1d2: {  	[sflag:s10] =	ssyncadd.s32 $0xFFFFD8F0  }
0x1d3: {  	_ =	sfence.sel $0x180000  }
0x1d4: {  	[bflag:$0x0] =	sbarrier.arrive $0xFFFF  }
0x1d5: {  	_ =	strace $0x9000004A  }
0x1d6: {  	s0 =	stileid.u32;
	[bflag:$0x2] =	sbarrier.arrive $0xFFFF  }
0x1d7: {  	p0 =	sne.s32 s0, $0x0;
	s0 =	rddreg [dreg:$0x3]  }
0x1d8: {  	s0 =	sadd.s32 @!p0 $0x100000, s0  }
0x1d9: {  	[sflag:s0] =	ssyncadd.tile.s32 @!p0 $0x1;
	_ =	shalt  }
.Lfunc_end2:
_tile_overlayer_lowered:
.L_overlay_start_2:
0x1da: {  	(tag) =	ssettag $0x2  }
0x1db: {  	s0 =	rddreg [dreg:$0x0];
	s2 =	stileid.u32  }
0x1dc: {  	s1 =	rddreg [dreg:$0x1];
	p0 =	sne.s32 s2, $0x0  }
0x1dd: {  	s3 =	rddreg [dreg:$0x2];
	[bflag:$0x3] =	sbarrier.arrive $0xFFFF;
	s2 =	simm.s32 @!p0 $0x1C03  }
0x1de: {  	[timem:s3], [sflag:s2] =	dma.local @!p0 [hbm:s0], s1  }
0x1df: {  	s0 =	simm.s32 @!p0 $0x3  }
0x1e0: {  	_ =	swait.ge @!p0 [sflag:s0], s1  }
0x1e1: {  	s1 =	ssub.s32 @!p0 $0x0, s1;
	[sflag:s0] =	ssyncset.done @!p0 $0x0  }
0x1e2: {  	[sflag:s0] =	ssyncadd.s32 @!p0 s1  }
0x1e3: {  	[bflag:$0x3] =	sbarrier.arrive $0xFFFF  }
0x1e4: {  	_ =	shalt  }

// kernel: kernel.16.cloned.1.call-start
scs
__scs_entry_jumppad:
0x0: {  	(pc) =	sbr.rel $0x88, $3  }
0x1: {  	(tag) =	ssettag $0x0;
	lr =	simm.s32 $0x1  }
0x2: {  	[smem:$0x3F99] =	sst lr;
	_ =	strace $0xD0000000  }
0x3: {  	_ = 	snop  }
0x4: {  	_ = 	snop  }
0x5: {  	_ = 	snop  }
0x6: {  	_ = 	snop  }
0x7: {  	_ = 	snop  }
__scs_overlays_trampoline_lowered:
0x8: {  	[smem:$0x3FA8] =	sst s0  }
0x9: {  	[smem:$0x3FA9] =	sst s1  }
0xa: {  	[smem:$0x3FAA] =	sst s2  }
0xb: {  	[smem:$0x3FAB] =	sst s3  }
0xc: {  	[smem:$0x3FAC] =	sst s4  }
0xd: {  	[smem:$0x3FAD] =	sst s5  }
0xe: {  	[smem:$0x3FAE] =	sst s6  }
0xf: {  	[smem:$0x3FAF] =	sst s7  }
0x10: {  	[smem:$0x3FB0] =	sst s8  }
0x11: {  	[smem:$0x3FB1] =	sst s9;
	s0 =	simm.s32 @!p0 $0x0  }
0x12: {  	s1 =	sld [smem:$0x3F97];
	s0 =	simm.s32 @p0 $0x1  }
0x13: {  	[smem:$0x3FB2] =	sst s0;
	s0 =	simm.s32 @!p1 $0x0  }
0x14: {  	s2 =	sld [smem:$0x3F96];
	s0 =	simm.s32 @p1 $0x1  }
0x15: {  	[smem:$0x3FB3] =	sst s0;
	s0 =	simm.s32 @!p2 $0x0  }
0x16: {  	s3 =	sld [smem:$0x3FDB];
	s0 =	simm.s32 @p2 $0x1  }
0x17: {  	s4 =	simm.s32 $0x1BF5;
	[smem:$0x3FB5] =	sst s0  }
0x18: {  	s0 =	sld [smem:$0x3F98];
	_ =	swait.ge [sflag:s4], $0x0  }
0x19: {  	s7 =	sld [smem:$0x3F99]  }
0x1a: {  	s8 =	sadd.s32 $0xFFFFE003, lr  }
0x1b: {  	s9 =	sadd.s32 $0xFFFFFEF7, lr;
	s5 =	simm.s32 $0xFFFFFFFF;
	p2 =	slt.u32 s8, $0xFFFFF086  }
0x1c: {  	p1 =	slt.u32 s9, $0xF7A;
	s5 =	simm.s32 @!p2 $0x0  }
0x1d: {  	s5 =	simm.s32 @p1 $0x1;
	p0 =	seq.s32 s7, s2  }
0x1e: {  	s7 =	smul.u32 @!p0 $0xF7A, s2;
	p2 =	seq.s32 @!p0 s5, $0x0  }
0x1f: {  	s9 =	smul.u32 $0xF7A, s1;
	s8 =	simm.s32 @!p0 $0x1BF5;
	p2 =	por !p2, p0  }
0x20: {  	[sflag:s8] =	ssyncset.s32 @!p0 $0xFFFFF086;
	s6 =	sadd.s32 @!p0 s3, s7;
	s7 =	simm.s32 @!p0 $0x108  }
0x21: {  	s3 =	sadd.s32 s3, s9;
	s6 =	sadd.s32 @!p0 $0x88, s6;
	s7 =	simm.s32 @p2 $0x1082  }
0x22: {  	[simem:s7], [sflag:s8] =	dma.local @!p0 [hbm:s6], $0xF7A  }
0x23: {  	s9 =	sor.u32 $0xD0000000, s2;
	s6 =	simm.s32 $0x108;
	_ =	swait.ge @!p0 [sflag:s8], $0x0  }
0x24: {  	s3 =	sadd.s32 $0x88, s3;
	s6 =	simm.s32 @!p1 $0x1082;
	[sflag:s4] =	ssyncset.s32 $0xFFFFF086  }
0x25: {  	[simem:s6], [sflag:s4] =	dma.local [hbm:s3], $0xF7A  }
0x26: {  	[smem:$0x3F99] =	sst s1;
	(tag) =	ssettag s2;
	_ =	strace s9  }
0x27: {  	s1 =	sld [smem:$0x3FA9]  }
0x28: {  	s2 =	sld [smem:$0x3FAA]  }
0x29: {  	s4 =	sld [smem:$0x3FAC]  }
0x2a: {  	p0 =	seq.s32 s5, $0x0;
	s5 =	sld [smem:$0x3FAD]  }
0x2b: {  	s6 =	sld [smem:$0x3FAE]  }
0x2c: {  	s7 =	sld [smem:$0x3FAF]  }
0x2d: {  	s3 =	simm.s32 $0x108;
	s8 =	sld [smem:$0x3FB0]  }
0x2e: {  	s3 =	simm.s32 @!p0 $0x1082;
	s9 =	sld [smem:$0x3FB1]  }
0x2f: {  	lr =	sadd.s32 s0, s3;
	s0 =	sld [smem:$0x3FA8]  }
0x30: {  	s3 =	sld [smem:$0x3FAB]  }
0x31: {  	[smem:$0x3FB4] =	sst s10  }
0x32: {  	s10 =	sld [smem:$0x3FB2];
	_ =	sdelay $0x3  }
0x33: {  	p0 =	seq.s32 s10, $0x1;
	s10 =	sld [smem:$0x3FB4];
	_ =	sdelay $0x3  }
0x34: {  	[smem:$0x3FB4] =	sst s10  }
0x35: {  	s10 =	sld [smem:$0x3FB3];
	_ =	sdelay $0x3  }
0x36: {  	p1 =	seq.s32 s10, $0x1;
	s10 =	sld [smem:$0x3FB4];
	_ =	sdelay $0x3  }
0x37: {  	[smem:$0x3FB4] =	sst s10  }
0x38: {  	s10 =	sld [smem:$0x3FB5]  }
0x39: {  	_ = 	snop;
	(pc) =	sbr.ind lr, $3  }
0x3a: {  	_ = 	snop  }
0x3b: {  	_ = 	snop  }
0x3c: {  	p2 =	seq.s32 s10, $0x1;
	s10 =	sld [smem:$0x3FB4]  }
0x3d: {  	_ =	shalt  }
0x3e: {  	_ =	shalt  }
0x3f: {  	_ =	shalt  }
0x40: {  	_ =	shalt  }
0x41: {  	_ =	shalt  }
0x42: {  	_ =	shalt  }
0x43: {  	_ =	shalt  }
0x44: {  	_ =	shalt  }
0x45: {  	_ =	shalt  }
0x46: {  	_ =	shalt  }
0x47: {  	_ =	shalt  }
0x48: {  	_ =	shalt  }
0x49: {  	_ =	shalt  }
0x4a: {  	_ =	shalt  }
0x4b: {  	_ =	shalt  }
0x4c: {  	_ =	shalt  }
0x4d: {  	_ =	shalt  }
0x4e: {  	_ =	shalt  }
0x4f: {  	_ =	shalt  }
0x50: {  	_ =	shalt  }
0x51: {  	_ =	shalt  }
0x52: {  	_ =	shalt  }
0x53: {  	_ =	shalt  }
0x54: {  	_ =	shalt  }
0x55: {  	_ =	shalt  }
0x56: {  	_ =	shalt  }
0x57: {  	_ =	shalt  }
0x58: {  	_ =	shalt  }
0x59: {  	_ =	shalt  }
0x5a: {  	_ =	shalt  }
0x5b: {  	_ =	shalt  }
0x5c: {  	_ =	shalt  }
0x5d: {  	_ =	shalt  }
0x5e: {  	_ =	shalt  }
0x5f: {  	_ =	shalt  }
0x60: {  	_ =	shalt  }
0x61: {  	_ =	shalt  }
0x62: {  	_ =	shalt  }
0x63: {  	_ =	shalt  }
0x64: {  	_ =	shalt  }
0x65: {  	_ =	shalt  }
0x66: {  	_ =	shalt  }
0x67: {  	_ =	shalt  }
0x68: {  	_ =	shalt  }
0x69: {  	_ =	shalt  }
0x6a: {  	_ =	shalt  }
0x6b: {  	_ =	shalt  }
0x6c: {  	_ =	shalt  }
0x6d: {  	_ =	shalt  }
0x6e: {  	_ =	shalt  }
0x6f: {  	_ =	shalt  }
0x70: {  	_ =	shalt  }
0x71: {  	_ =	shalt  }
0x72: {  	_ =	shalt  }
0x73: {  	_ =	shalt  }
0x74: {  	_ =	shalt  }
0x75: {  	_ =	shalt  }
0x76: {  	_ =	shalt  }
0x77: {  	_ =	shalt  }
0x78: {  	_ =	shalt  }
0x79: {  	_ =	shalt  }
0x7a: {  	_ =	shalt  }
0x7b: {  	_ =	shalt  }
0x7c: {  	_ =	shalt  }
0x7d: {  	_ =	shalt  }
0x7e: {  	_ =	shalt  }
0x7f: {  	_ =	shalt  }
0x80: {  	_ =	shalt  }
0x81: {  	_ =	shalt  }
0x82: {  	_ =	shalt  }
0x83: {  	_ =	shalt  }
0x84: {  	_ =	shalt  }
0x85: {  	_ =	shalt  }
0x86: {  	_ =	shalt  }
0x87: {  	_ =	shalt  }
.Lfunc_end0:
.L_simem_size_0:
called_computation.2_lowered:
.L_overlay_start_0:
0x88: {  	s2 =	sld [smem:$0x3FD9]  }
0x89: {  	s3 =	sld [smem:$0x3FFE];
	_ =	sdelay $0x1  }
0x8a: {  	s1 =	srdreg.scid  }
0x8b: {  	s0 =	sand.u32 $0x1, s1  }
0x8c: {  	s17 =	sshll.u32 s0, $0xA;
	s2 =	sadd.s32 s3, s2  }
0x8d: {  	s2 =	sadd.s32 s2, s17  }
0x8e: {  	[smem:$0x3FC0] =	sst s2  }
0x8f: {  	_ = 	snop  }
0x90: {  	s2 =	sld [smem:$0x3FD0];
	(tm) =	ssettm $0x1  }
0x91: {  	s18 =	sld [smem:$0x3FFB];
	_ =	sdelay $0x3  }
0x92: {  	_ =	strace s18  }
0x93: {  	s3 =	sld [smem:$0x3FFC];
	_ =	sdelay $0x3  }
0x94: {  	_ =	strace s3  }
0x95: {  	s3 =	sld [smem:$0x3FFD];
	_ =	sdelay $0x3  }
0x96: {  	_ =	strace s3  }
0x97: {  	_ =	strace $0x8FFFFFFF  }
0x98: {  	s19 =	sld [smem:$0x3FDB];
	_ =	sdelay $0x1  }
0x99: {  	s4 =	simm.s32 $_scs_section_size  }
0x9a: {  	s5 =	simm.s32 $_size__tile_overlayer_lowered;
	s6 =	simm.s32 $_tile_overlayer_lowered  }
0x9b: {  	s22 =	simm.s32 $0x1BFF;
	s21 =	sshll.u32 s6, $0x1;
	s3 =	sadd.s32 s4, s19  }
0x9c: {  	s7 =	simm.s32 $0x0;
	s20 =	sshll.u32 s5, $0x1;
	s5 =	sadd.s32 s21, s3  }
0x9d: {  	[timem:s7], [sflag:s22] =	dma.local [hbm:s5], s20  }
0x9e: {  	_ =	swait.ge [sflag:s22], s20  }
0x9f: {  	s4 =	ssub.s32 $0x0, s20;
	[sflag:s22] =	ssyncset.done $0x0  }
0xa0: {  	[sflag:s22] =	ssyncadd.s32 s4;
	_ =	sdelay $0x1  }
0xa1: {  	s23 =	simm.s32 $0x1B8B  }
0xa2: {  	_ =	swait.ge [sflag:s23], $0x1  }
0xa3: {  	[sflag:s23] =	ssyncset.done $0x0  }
0xa4: {  	s25 =	simm.s32 $0x1B8E;
	s24 =	sld [smem:$0x3FFE];
	[sflag:s23] =	ssyncadd.s32 $0xFFFFFFFF  }
0xa5: {  	s26 =	simm.s32 $execute0_lowered;
	[smem:$0x3FD2] =	sst s25  }
0xa6: {  	s5 =	sshll.u32 s26, $0x1;
	_ =	strace $0x8000004C;
	[dreg:$0x1] =	wrdreg $0xFFFFFFFF  }
0xa7: {  	s28 =	simm.s32 $_size_execute0_lowered;
	s3 =	sadd.s32 s3, s5;
	[dreg:$0x0] =	wrdreg $0x0  }
0xa8: {  	s5 =	sshll.u32 s28, $0x1;
	[dreg:$0x2] =	wrdreg s3  }
0xa9: {  	[dreg:$0x3] =	wrdreg s5  }
0xaa: {  	[dreg:$0x4] =	wrdreg $0xC0  }
0xab: {  	_ =	task [dreg:s7], $0x5FFFF  }
0xac: {  	[dreg:$0x1] =	wrdreg $0xFFFFFFFF  }
0xad: {  	[dreg:$0x0] =	wrdreg $0x60  }
0xae: {  	[dreg:$0x2] =	wrdreg s24  }
0xaf: {  	[dreg:$0x3] =	wrdreg s2  }
0xb0: {  	[dreg:$0x4] =	wrdreg $0x90000  }
0xb1: {  	[dreg:$0x5] =	wrdreg $0x9  }
0xb2: {  	_ =	task.clear_ibuf [dreg:s7], $0x6FFFF;
	_ =	strace $0x9000004C  }
0xb3: {  	s29 =	simm.s32 $0x9;
	_ =	strace $0x8000004E  }
0xb4: {  	_ =	swait.ge [sflag:s29], $0x1  }
0xb5: {  	[sflag:s29] =	ssyncadd.s32 $0xFFFFFFFF  }
0xb6: {  	_ =	strace $0x9000004E  }
0xb7: {  	_ =	sfence  }
0xb8: {  	s30 =	sld [smem:$0x0];
	_ =	sdelay $0x2  }
0xb9: {  	s31 =	sshll.u32 s1, $0xD;
	s1 =	sshrl.u32 s1, $0x2  }
0xba: {  	s3 =	sand.u32 $0x4000, s31;
	s1 =	sadd.s32 s1, s30  }
0xbb: {  	s0 =	sor.u32 s3, s0;
	s1 =	sshll.u32 s1, $0x11  }
0xbc: {  	s0 =	sor.u32 s1, s0  }
0xbd: {  	s0 =	sadd.s32 $0x8F2B, s0  }
0xbe: {  	[sflag:s0] =	ssyncadd.remote.s32 $0x1  }
0xbf: {  	_ =	sfence.sel $0xFFFF  }
0xc0: {  	[dreg:$0x0] =	wrdreg $0xFFFFFFFF;
	(pc) =	sbr.abs _section_cstart, $3  }
0xc1: {  	[dreg:$0x1] =	wrdreg $0xFFFFFFFF  }
0xc2: {  	_ =	task.clear_ibuf [dreg:s7], $0x2FFFF;
	_ =	strace $0x9FFFFFFF  }
0xc3: {  	(tm) =	ssettm $0x7FFFFFFF  }
tec
execute0_lowered:
.L_overlay_start_1:
0x0: {  	(tag) =	ssettag $0x1  }
0x1: {  	s0 =	rddreg [dreg:$0x0]  }
0x2: {  	s3 =	rddreg [dreg:$0x2];
	s9 =	stileid.u32  }
0x3: {  	s4 =	simm.s32 $0x0;
	s1 =	srdreg.scid;
	s11 =	simm.s32 $0x100  }
0x4: {  	s12 =	simm.s32 $0x880;
	s14 =	simm.s32 $0x180;
	s15 =	simm.s32 $0x900  }
0x5: {  	s16 =	simm.s32 $0x200;
	s18 =	simm.s32 $0x980;
	s19 =	simm.s32 $0x280  }
0x6: {  	s20 =	simm.s32 $0xA00;
	s21 =	simm.s32 $0x300;
	[smem:$0x7FF] =	sst s4  }
0x7: {  	s28 =	simm.s32 $0xD80;
	_ =	strace $0x8000004D;
	[dreg:$0x6] =	wrdreg s11  }
0x8: {  	s29 =	simm.s32 $0x680;
	s30 =	simm.s32 $0xE00;
	[dreg:$0x7] =	wrdreg s12  }
0x9: {  	s31 =	simm.s32 $0x700;
	s2 =	smul.u32 $0x2800, s9;
	[dreg:$0x8] =	wrdreg s14  }
0xa: {  	s1 =	sand.u32 $0x1, s1;
	s22 =	smul.u32 $0x13C00, s9;
	[dreg:$0x9] =	wrdreg s15  }
0xb: {  	s5 =	sadd.s32 $0x15C00, s0;
	s23 =	smul.u32 $0x50000, s9;
	[dreg:$0xa] =	wrdreg s16  }
0xc: {  	s25 =	sshll.u32 s9, $0x6;
	s10 =	smul.u32 $0x4E200, s9;
	[dreg:$0xb] =	wrdreg s18  }
0xd: {  	p0 =	seq.s32 s1, $0x0;
	s7 =	smul.u32 $0x13C000, s1;
	[dreg:$0xc] =	wrdreg s19  }
0xe: {  	s1 =	ssub.s32 $0x2, s1;
	s25 =	sor.u32 $0x1C03, s25;
	[dreg:$0xd] =	wrdreg s20  }
0xf: {  	s11 =	simm.s32 $0x800;
	s12 =	simm.s32 $0x80;
	[dreg:$0xe] =	wrdreg s21  }
0x10: {  	s14 =	simm.s32 $0x5000;
	s15 =	simm.s32 $0x1;
	s16 =	simm.s32 $0x2  }
0x11: {  	s18 =	simm.s32 $0xB80;
	s19 =	simm.s32 $0x480;
	s20 =	simm.s32 $0xC00  }
0x12: {  	s21 =	simm.s32 $0x500;
	s6 =	sadd.s32 $0x28000, s2;
	s8 =	sshrl.u32 s1, $0x1  }
0x13: {  	s24 =	sshrl.u32 s23, $0x2;
	s13 =	sshrl.u32 s10, $0x2;
	s10 =	simm.s32 $0x3  }
0x14: {  	s23 =	simm.s32 $0x380;
	[dreg:$0x12] =	wrdreg s25;
	s6 =	smov.u32 @p0 s2  }
0x15: {  	s2 =	sadd.s32 s22, s7;
	s1 =	ssub.s32 s1, s8;
	s22 =	simm.s32 $0xA80  }
0x16: {  	[dreg:$0x10] =	wrdreg s23;
	s23 =	simm.s32 $0x580;
	s7 =	simm.s32 $0xF80  }
0x17: {  	s6 =	sshrl.u32 s6, $0x3;
	s2 =	sshrl.u32 s2, $0x3;
	s1 =	smax.u32 s1, $0x1  }
0x18: {  	[dreg:$0xf] =	wrdreg s22;
	s6 =	sadd.s32 s6, s0;
	s0 =	sadd.s32 s2, s0  }
0x19: {  	s2 =	sadd.s32 s24, s3;
	[dreg:$0x14] =	wrdreg s1;
	s24 =	simm.s32 $0xB00  }
0x1a: {  	s8 =	simm.s32 $0x0;
	s26 =	sadd.s32 $0x1C00, s6;
	[dreg:$0x11] =	wrdreg s24  }
0x1b: {  	s22 =	simm.s32 $0xC80;
	s6 =	sadd.s32 $0xBC00, s6;
	[dreg:$0x4] =	wrdreg s26  }
0x1c: {  	s1 =	simm.s32 $0x780;
	s0 =	sadd.s32 $0x3CE00, s0;
	[dreg:$0x5] =	wrdreg s6  }
0x1d: {  	s17 =	sshrl.u32 s2, $0x3;
	s24 =	simm.s32 $0xD00;
	[dreg:$0x13] =	wrdreg s0  }
0x1e: {  	s2 =	simm.s32 $0xF00;
	s6 =	sadd.s32 s13, s3;
	[dreg:$0x15] =	wrdreg s17  }
0x1f: {  	s13 =	simm.s32 $0x1000;
	s17 =	simm.s32 $0x400;
	s26 =	sshrl.u32 s6, $0x3  }
0x20: {  	s0 =	simm.s32 $0xE80;
	[dreg:$0x16] =	wrdreg s26;
	s26 =	simm.s32 $0x600  }
.LBB2_1:
0x21: {  	[dreg:$0x17] =	wrdreg s8  }
0x22: {  	s6 =	rddreg [dreg:$0x1]  }
0x23: {  	s9 =	rddreg [dreg:$0x15]  }
0x24: {  	[spmem:s9], [sflag:s25] =	dma.local [hbm:s6], $0x2800  }
0x25: {  	_ =	swait.ge [sflag:s10], $0x2800  }
0x26: {  	[sflag:s10] =	ssyncset.done $0x0  }
0x27: {  	[sflag:s10] =	ssyncadd.s32 $0xFFFFD800  }
0x28: {  	[bflag:$0x0] =	sbarrier.arrive $0xFFFF  }
0x29: {  	s9 =	rddreg [dreg:$0x5]  }
0x2a: {  	s6 =	sadd.s32 $0x0, s9  }
0x2b: {  	[tilespmem:s4], [sflag:$0x3] =	stream.linear.gather [hbm4b:s6+s4], $0x800, $0x38;
	[tilespmem:$0x1D000] =	vst v63  }
0x2c: {  	_ =	swait.ge [sflag:s10], $0x800  }
0x2d: {  	s25 =	rddreg [dreg:$0x4];
	[sflag:s10] =	ssyncset.done $0x0  }
0x2e: {  	[sflag:s10] =	ssyncadd.s32 $0xFFFFF800;
	s6 =	sadd.s32 $0x0, s25  }
0x2f: {  	[tilespmem:s11], [sflag:$0x3] =	stream.linear.gather [hbm4b:s6+s4], $0x800, $0x38;
	[tilespmem:$0x1D000] =	vst v63  }
0x30: {  	_ =	swait.ge [sflag:s10], $0x800  }
0x31: {  	[sflag:s10] =	ssyncset.done $0x0  }
0x32: {  	[sflag:s10] =	ssyncadd.s32 $0xFFFFF800  }
0x33: {  	[tilespmem:s13], [sflag:$0x1] =	stream.indirect.gather [hbm4b:s5+s12], $0x80, s4, s12, $0xb8;
	[tilespmem:$0x1D000] =	vst v63  }
0x34: {  	_ = 	snop  }
0x35: {  	[tilespmem:s14], [sflag:$0x2] =	stream.indirect.gather [hbm4b:s5+s12], $0x80, s12, s12, $0xb8;
	[tilespmem:$0x1D000] =	vst v63  }
0x36: {  	_ =	swait.ge [sflag:s15], $0x4000  }
0x37: {  	[sflag:s15] =	ssyncset.done $0x0  }
0x38: {  	[sflag:s15] =	ssyncadd.s32 $0xFFFFC000  }
0x39: {  	[spmem:s3] =	stream.indirect.scatter.add.f32 [tilespmem:s13], [sflag:$0x3], $0x80, s11, s12, $0xb8;
	[tilespmem:$0x1D000] =	vst v63  }
0x3a: {  	_ =	swait.ge [sflag:s10], $0x4000  }
0x3b: {  	[sflag:s10] =	ssyncset.done $0x0  }
0x3c: {  	s8 =	rddreg [dreg:$0x6];
	[sflag:s10] =	ssyncadd.s32 $0xFFFFC000  }
0x3d: {  	[tilespmem:s13], [sflag:$0x1] =	stream.indirect.gather [hbm4b:s5+s12], $0x80, s8, s12, $0xb8;
	[tilespmem:$0x1D000] =	vst v63  }
0x3e: {  	_ =	swait.ge [sflag:s16], $0x4000  }
0x3f: {  	[sflag:s16] =	ssyncset.done $0x0  }
0x40: {  	s9 =	rddreg [dreg:$0x7];
	[sflag:s16] =	ssyncadd.s32 $0xFFFFC000  }
0x41: {  	[spmem:s3] =	stream.indirect.scatter.add.f32 [tilespmem:s14], [sflag:$0x3], $0x80, s9, s12, $0xb8;
	[tilespmem:$0x1D000] =	vst v63  }
0x42: {  	_ =	swait.ge [sflag:s10], $0x4000  }
0x43: {  	[sflag:s10] =	ssyncset.done $0x0  }
0x44: {  	s25 =	rddreg [dreg:$0x8];
	[sflag:s10] =	ssyncadd.s32 $0xFFFFC000  }
0x45: {  	[tilespmem:s14], [sflag:$0x2] =	stream.indirect.gather [hbm4b:s5+s12], $0x80, s25, s12, $0xb8;
	[tilespmem:$0x1D000] =	vst v63  }
0x46: {  	_ =	swait.ge [sflag:s15], $0x4000  }
0x47: {  	[sflag:s15] =	ssyncset.done $0x0  }
0x48: {  	s8 =	rddreg [dreg:$0x9];
	[sflag:s15] =	ssyncadd.s32 $0xFFFFC000  }
0x49: {  	[spmem:s3] =	stream.indirect.scatter.add.f32 [tilespmem:s13], [sflag:$0x3], $0x80, s8, s12, $0xb8;
	[tilespmem:$0x1D000] =	vst v63  }
0x4a: {  	_ =	swait.ge [sflag:s10], $0x4000  }
0x4b: {  	[sflag:s10] =	ssyncset.done $0x0  }
0x4c: {  	s9 =	rddreg [dreg:$0xa];
	[sflag:s10] =	ssyncadd.s32 $0xFFFFC000  }
0x4d: {  	[tilespmem:s13], [sflag:$0x1] =	stream.indirect.gather [hbm4b:s5+s12], $0x80, s9, s12, $0xb8;
	[tilespmem:$0x1D000] =	vst v63  }
0x4e: {  	_ =	swait.ge [sflag:s16], $0x4000  }
0x4f: {  	[sflag:s16] =	ssyncset.done $0x0  }
0x50: {  	s25 =	rddreg [dreg:$0xb];
	[sflag:s16] =	ssyncadd.s32 $0xFFFFC000  }
0x51: {  	[spmem:s3] =	stream.indirect.scatter.add.f32 [tilespmem:s14], [sflag:$0x3], $0x80, s25, s12, $0xb8;
	[tilespmem:$0x1D000] =	vst v63  }
0x52: {  	_ =	swait.ge [sflag:s10], $0x4000  }
0x53: {  	[sflag:s10] =	ssyncset.done $0x0  }
0x54: {  	s8 =	rddreg [dreg:$0xc];
	[sflag:s10] =	ssyncadd.s32 $0xFFFFC000  }
0x55: {  	[tilespmem:s14], [sflag:$0x2] =	stream.indirect.gather [hbm4b:s5+s12], $0x80, s8, s12, $0xb8;
	[tilespmem:$0x1D000] =	vst v63  }
0x56: {  	_ =	swait.ge [sflag:s15], $0x4000  }
0x57: {  	[sflag:s15] =	ssyncset.done $0x0  }
0x58: {  	s9 =	rddreg [dreg:$0xd];
	[sflag:s15] =	ssyncadd.s32 $0xFFFFC000  }
0x59: {  	[spmem:s3] =	stream.indirect.scatter.add.f32 [tilespmem:s13], [sflag:$0x3], $0x80, s9, s12, $0xb8;
	[tilespmem:$0x1D000] =	vst v63  }
0x5a: {  	_ =	swait.ge [sflag:s10], $0x4000  }
0x5b: {  	[sflag:s10] =	ssyncset.done $0x0  }
0x5c: {  	s25 =	rddreg [dreg:$0xe];
	[sflag:s10] =	ssyncadd.s32 $0xFFFFC000  }
0x5d: {  	[tilespmem:s13], [sflag:$0x1] =	stream.indirect.gather [hbm4b:s5+s12], $0x80, s25, s12, $0xb8;
	[tilespmem:$0x1D000] =	vst v63  }
0x5e: {  	_ =	swait.ge [sflag:s16], $0x4000  }
0x5f: {  	[sflag:s16] =	ssyncset.done $0x0  }
0x60: {  	s8 =	rddreg [dreg:$0xf];
	[sflag:s16] =	ssyncadd.s32 $0xFFFFC000  }
0x61: {  	[spmem:s3] =	stream.indirect.scatter.add.f32 [tilespmem:s14], [sflag:$0x3], $0x80, s8, s12, $0xb8;
	[tilespmem:$0x1D000] =	vst v63  }
0x62: {  	_ =	swait.ge [sflag:s10], $0x4000  }
0x63: {  	[sflag:s10] =	ssyncset.done $0x0  }
0x64: {  	s9 =	rddreg [dreg:$0x10];
	[sflag:s10] =	ssyncadd.s32 $0xFFFFC000  }
0x65: {  	[tilespmem:s14], [sflag:$0x2] =	stream.indirect.gather [hbm4b:s5+s12], $0x80, s9, s12, $0xb8;
	[tilespmem:$0x1D000] =	vst v63  }
0x66: {  	_ =	swait.ge [sflag:s15], $0x4000  }
0x67: {  	[sflag:s15] =	ssyncset.done $0x0  }
0x68: {  	s25 =	rddreg [dreg:$0x11];
	[sflag:s15] =	ssyncadd.s32 $0xFFFFC000  }
0x69: {  	[spmem:s3] =	stream.indirect.scatter.add.f32 [tilespmem:s13], [sflag:$0x3], $0x80, s25, s12, $0xb8;
	[tilespmem:$0x1D000] =	vst v63  }
0x6a: {  	_ =	swait.ge [sflag:s10], $0x4000  }
0x6b: {  	[sflag:s10] =	ssyncset.done $0x0  }
0x6c: {  	[sflag:s10] =	ssyncadd.s32 $0xFFFFC000  }
0x6d: {  	[tilespmem:s13], [sflag:$0x1] =	stream.indirect.gather [hbm4b:s5+s12], $0x80, s17, s12, $0xb8;
	[tilespmem:$0x1D000] =	vst v63  }
0x6e: {  	_ =	swait.ge [sflag:s16], $0x4000  }
0x6f: {  	[sflag:s16] =	ssyncset.done $0x0  }
0x70: {  	[sflag:s16] =	ssyncadd.s32 $0xFFFFC000  }
0x71: {  	[spmem:s3] =	stream.indirect.scatter.add.f32 [tilespmem:s14], [sflag:$0x3], $0x80, s18, s12, $0xb8;
	[tilespmem:$0x1D000] =	vst v63  }
0x72: {  	_ =	swait.ge [sflag:s10], $0x4000  }
0x73: {  	[sflag:s10] =	ssyncset.done $0x0  }
0x74: {  	[sflag:s10] =	ssyncadd.s32 $0xFFFFC000  }
0x75: {  	[tilespmem:s14], [sflag:$0x2] =	stream.indirect.gather [hbm4b:s5+s12], $0x80, s19, s12, $0xb8;
	[tilespmem:$0x1D000] =	vst v63  }
0x76: {  	_ =	swait.ge [sflag:s15], $0x4000  }
0x77: {  	[sflag:s15] =	ssyncset.done $0x0  }
0x78: {  	[sflag:s15] =	ssyncadd.s32 $0xFFFFC000  }
0x79: {  	[spmem:s3] =	stream.indirect.scatter.add.f32 [tilespmem:s13], [sflag:$0x3], $0x80, s20, s12, $0xb8;
	[tilespmem:$0x1D000] =	vst v63  }
0x7a: {  	_ =	swait.ge [sflag:s10], $0x4000  }
0x7b: {  	[sflag:s10] =	ssyncset.done $0x0  }
0x7c: {  	[sflag:s10] =	ssyncadd.s32 $0xFFFFC000  }
0x7d: {  	[tilespmem:s13], [sflag:$0x1] =	stream.indirect.gather [hbm4b:s5+s12], $0x80, s21, s12, $0xb8;
	[tilespmem:$0x1D000] =	vst v63  }
0x7e: {  	_ =	swait.ge [sflag:s16], $0x4000  }
0x7f: {  	[sflag:s16] =	ssyncset.done $0x0  }
0x80: {  	[sflag:s16] =	ssyncadd.s32 $0xFFFFC000  }
0x81: {  	[spmem:s3] =	stream.indirect.scatter.add.f32 [tilespmem:s14], [sflag:$0x3], $0x80, s22, s12, $0xb8;
	[tilespmem:$0x1D000] =	vst v63  }
0x82: {  	_ =	swait.ge [sflag:s10], $0x4000  }
0x83: {  	[sflag:s10] =	ssyncset.done $0x0  }
0x84: {  	[sflag:s10] =	ssyncadd.s32 $0xFFFFC000  }
0x85: {  	[tilespmem:s14], [sflag:$0x2] =	stream.indirect.gather [hbm4b:s5+s12], $0x80, s23, s12, $0xb8;
	[tilespmem:$0x1D000] =	vst v63  }
0x86: {  	_ =	swait.ge [sflag:s15], $0x4000  }
0x87: {  	[sflag:s15] =	ssyncset.done $0x0  }
0x88: {  	[sflag:s15] =	ssyncadd.s32 $0xFFFFC000  }
0x89: {  	[spmem:s3] =	stream.indirect.scatter.add.f32 [tilespmem:s13], [sflag:$0x3], $0x80, s24, s12, $0xb8;
	[tilespmem:$0x1D000] =	vst v63  }
0x8a: {  	_ =	swait.ge [sflag:s10], $0x4000  }
0x8b: {  	[sflag:s10] =	ssyncset.done $0x0  }
0x8c: {  	[sflag:s10] =	ssyncadd.s32 $0xFFFFC000  }
0x8d: {  	[tilespmem:s13], [sflag:$0x1] =	stream.indirect.gather [hbm4b:s5+s12], $0x80, s26, s12, $0xb8;
	[tilespmem:$0x1D000] =	vst v63  }
0x8e: {  	_ =	swait.ge [sflag:s16], $0x4000  }
0x8f: {  	[sflag:s16] =	ssyncset.done $0x0  }
0x90: {  	[sflag:s16] =	ssyncadd.s32 $0xFFFFC000  }
0x91: {  	[spmem:s3] =	stream.indirect.scatter.add.f32 [tilespmem:s14], [sflag:$0x3], $0x80, s28, s12, $0xb8;
	[tilespmem:$0x1D000] =	vst v63  }
0x92: {  	_ =	swait.ge [sflag:s10], $0x4000  }
0x93: {  	[sflag:s10] =	ssyncset.done $0x0  }
0x94: {  	[sflag:s10] =	ssyncadd.s32 $0xFFFFC000  }
0x95: {  	[tilespmem:s14], [sflag:$0x2] =	stream.indirect.gather [hbm4b:s5+s12], $0x80, s29, s12, $0xb8;
	[tilespmem:$0x1D000] =	vst v63  }
0x96: {  	_ =	swait.ge [sflag:s15], $0x4000  }
0x97: {  	[sflag:s15] =	ssyncset.done $0x0  }
0x98: {  	[sflag:s15] =	ssyncadd.s32 $0xFFFFC000  }
0x99: {  	[spmem:s3] =	stream.indirect.scatter.add.f32 [tilespmem:s13], [sflag:$0x3], $0x80, s30, s12, $0xb8;
	[tilespmem:$0x1D000] =	vst v63  }
0x9a: {  	_ =	swait.ge [sflag:s10], $0x4000  }
0x9b: {  	[sflag:s10] =	ssyncset.done $0x0  }
0x9c: {  	[sflag:s10] =	ssyncadd.s32 $0xFFFFC000  }
0x9d: {  	[tilespmem:s13], [sflag:$0x1] =	stream.indirect.gather [hbm4b:s5+s12], $0x80, s31, s12, $0xb8;
	[tilespmem:$0x1D000] =	vst v63  }
0x9e: {  	_ =	swait.ge [sflag:s16], $0x4000  }
0x9f: {  	[sflag:s16] =	ssyncset.done $0x0  }
0xa0: {  	[sflag:s16] =	ssyncadd.s32 $0xFFFFC000  }
0xa1: {  	[spmem:s3] =	stream.indirect.scatter.add.f32 [tilespmem:s14], [sflag:$0x3], $0x80, s0, s12, $0xb8;
	[tilespmem:$0x1D000] =	vst v63  }
0xa2: {  	_ =	swait.ge [sflag:s10], $0x4000  }
0xa3: {  	[sflag:s10] =	ssyncset.done $0x0  }
0xa4: {  	[sflag:s10] =	ssyncadd.s32 $0xFFFFC000  }
0xa5: {  	[tilespmem:s14], [sflag:$0x2] =	stream.indirect.gather [hbm4b:s5+s12], $0x80, s1, s12, $0xb8;
	[tilespmem:$0x1D000] =	vst v63  }
0xa6: {  	_ =	swait.ge [sflag:s15], $0x4000  }
0xa7: {  	[sflag:s15] =	ssyncset.done $0x0  }
0xa8: {  	[sflag:s15] =	ssyncadd.s32 $0xFFFFC000  }
0xa9: {  	[spmem:s3] =	stream.indirect.scatter.add.f32 [tilespmem:s13], [sflag:$0x3], $0x80, s2, s12, $0xb8;
	[tilespmem:$0x1D000] =	vst v63  }
0xaa: {  	_ =	swait.ge [sflag:s10], $0x4000  }
0xab: {  	[sflag:s10] =	ssyncset.done $0x0  }
0xac: {  	[sflag:s10] =	ssyncadd.s32 $0xFFFFC000  }
0xad: {  	_ =	swait.ge [sflag:s16], $0x4000  }
0xae: {  	[sflag:s16] =	ssyncset.done $0x0  }
0xaf: {  	[sflag:s16] =	ssyncadd.s32 $0xFFFFC000  }
0xb0: {  	[spmem:s3] =	stream.indirect.scatter.add.f32 [tilespmem:s14], [sflag:$0x3], $0x80, s7, s12, $0xb8;
	[tilespmem:$0x1D000] =	vst v63  }
0xb1: {  	s9 =	simm.s32 $0x100;
	_ =	swait.ge [sflag:s10], $0x4000  }
0xb2: {  	s25 =	simm.s32 $0x200;
	s6 =	rddreg [dreg:$0x5];
	[sflag:s10] =	ssyncset.done $0x0  }
.LBB2_2:
0xb3: {  	[sflag:s10] =	ssyncadd.s32 $0xFFFFC000;
	s6 =	sadd.s32 s9, s6  }
0xb4: {  	[tilespmem:s4], [sflag:$0x3] =	stream.linear.gather [hbm4b:s6+s4], $0x800, $0x38;
	[tilespmem:$0x1D000] =	vst v63  }
0xb5: {  	_ =	swait.ge [sflag:s10], $0x800  }
0xb6: {  	s6 =	rddreg [dreg:$0x4];
	[sflag:s10] =	ssyncset.done $0x0  }
0xb7: {  	[sflag:s10] =	ssyncadd.s32 $0xFFFFF800;
	s6 =	sadd.s32 s9, s6  }
0xb8: {  	[tilespmem:s11], [sflag:$0x3] =	stream.linear.gather [hbm4b:s6+s4], $0x800, $0x38;
	[tilespmem:$0x1D000] =	vst v63  }
0xb9: {  	_ =	swait.ge [sflag:s10], $0x800  }
0xba: {  	[sflag:s10] =	ssyncset.done $0x0  }
0xbb: {  	[sflag:s10] =	ssyncadd.s32 $0xFFFFF800  }
0xbc: {  	[tilespmem:s13], [sflag:$0x1] =	stream.indirect.gather [hbm4b:s5+s12], $0x80, s4, s12, $0xb8;
	[tilespmem:$0x1D000] =	vst v63  }
0xbd: {  	_ = 	snop  }
0xbe: {  	[tilespmem:s14], [sflag:$0x2] =	stream.indirect.gather [hbm4b:s5+s12], $0x80, s12, s12, $0xb8;
	[tilespmem:$0x1D000] =	vst v63  }
0xbf: {  	_ =	swait.ge [sflag:s15], $0x4000  }
0xc0: {  	[sflag:s15] =	ssyncset.done $0x0  }
0xc1: {  	[sflag:s15] =	ssyncadd.s32 $0xFFFFC000  }
0xc2: {  	[spmem:s3] =	stream.indirect.scatter.add.f32 [tilespmem:s13], [sflag:$0x3], $0x80, s11, s12, $0xb8;
	[tilespmem:$0x1D000] =	vst v63  }
0xc3: {  	_ =	swait.ge [sflag:s10], $0x4000  }
0xc4: {  	s8 =	smov.u32 s25;
	[sflag:s10] =	ssyncset.done $0x0  }
0xc5: {  	s9 =	smov.u32 s8;
	s8 =	rddreg [dreg:$0x6];
	[sflag:s10] =	ssyncadd.s32 $0xFFFFC000  }
0xc6: {  	[tilespmem:s13], [sflag:$0x1] =	stream.indirect.gather [hbm4b:s5+s12], $0x80, s8, s12, $0xb8;
	[tilespmem:$0x1D000] =	vst v63  }
0xc7: {  	_ =	swait.ge [sflag:s16], $0x4000  }
0xc8: {  	[sflag:s16] =	ssyncset.done $0x0  }
0xc9: {  	s8 =	rddreg [dreg:$0x7];
	[sflag:s16] =	ssyncadd.s32 $0xFFFFC000  }
0xca: {  	[spmem:s3] =	stream.indirect.scatter.add.f32 [tilespmem:s14], [sflag:$0x3], $0x80, s8, s12, $0xb8;
	[tilespmem:$0x1D000] =	vst v63  }
0xcb: {  	_ =	swait.ge [sflag:s10], $0x4000  }
0xcc: {  	[sflag:s10] =	ssyncset.done $0x0  }
0xcd: {  	s8 =	rddreg [dreg:$0x8];
	[sflag:s10] =	ssyncadd.s32 $0xFFFFC000  }
0xce: {  	[tilespmem:s14], [sflag:$0x2] =	stream.indirect.gather [hbm4b:s5+s12], $0x80, s8, s12, $0xb8;
	[tilespmem:$0x1D000] =	vst v63  }
0xcf: {  	_ =	swait.ge [sflag:s15], $0x4000  }
0xd0: {  	[sflag:s15] =	ssyncset.done $0x0  }
0xd1: {  	s8 =	rddreg [dreg:$0x9];
	[sflag:s15] =	ssyncadd.s32 $0xFFFFC000  }
0xd2: {  	[spmem:s3] =	stream.indirect.scatter.add.f32 [tilespmem:s13], [sflag:$0x3], $0x80, s8, s12, $0xb8;
	[tilespmem:$0x1D000] =	vst v63  }
0xd3: {  	_ =	swait.ge [sflag:s10], $0x4000  }
0xd4: {  	[sflag:s10] =	ssyncset.done $0x0  }
0xd5: {  	s8 =	rddreg [dreg:$0xa];
	[sflag:s10] =	ssyncadd.s32 $0xFFFFC000  }
0xd6: {  	[tilespmem:s13], [sflag:$0x1] =	stream.indirect.gather [hbm4b:s5+s12], $0x80, s8, s12, $0xb8;
	[tilespmem:$0x1D000] =	vst v63  }
0xd7: {  	_ =	swait.ge [sflag:s16], $0x4000  }
0xd8: {  	[sflag:s16] =	ssyncset.done $0x0  }
0xd9: {  	s8 =	rddreg [dreg:$0xb];
	[sflag:s16] =	ssyncadd.s32 $0xFFFFC000  }
0xda: {  	[spmem:s3] =	stream.indirect.scatter.add.f32 [tilespmem:s14], [sflag:$0x3], $0x80, s8, s12, $0xb8;
	[tilespmem:$0x1D000] =	vst v63  }
0xdb: {  	_ =	swait.ge [sflag:s10], $0x4000  }
0xdc: {  	[sflag:s10] =	ssyncset.done $0x0  }
0xdd: {  	s8 =	rddreg [dreg:$0xc];
	[sflag:s10] =	ssyncadd.s32 $0xFFFFC000  }
0xde: {  	[tilespmem:s14], [sflag:$0x2] =	stream.indirect.gather [hbm4b:s5+s12], $0x80, s8, s12, $0xb8;
	[tilespmem:$0x1D000] =	vst v63  }
0xdf: {  	_ =	swait.ge [sflag:s15], $0x4000  }
0xe0: {  	[sflag:s15] =	ssyncset.done $0x0  }
0xe1: {  	s8 =	rddreg [dreg:$0xd];
	[sflag:s15] =	ssyncadd.s32 $0xFFFFC000  }
0xe2: {  	[spmem:s3] =	stream.indirect.scatter.add.f32 [tilespmem:s13], [sflag:$0x3], $0x80, s8, s12, $0xb8;
	[tilespmem:$0x1D000] =	vst v63  }
0xe3: {  	_ =	swait.ge [sflag:s10], $0x4000  }
0xe4: {  	[sflag:s10] =	ssyncset.done $0x0  }
0xe5: {  	s8 =	rddreg [dreg:$0xe];
	[sflag:s10] =	ssyncadd.s32 $0xFFFFC000  }
0xe6: {  	[tilespmem:s13], [sflag:$0x1] =	stream.indirect.gather [hbm4b:s5+s12], $0x80, s8, s12, $0xb8;
	[tilespmem:$0x1D000] =	vst v63  }
0xe7: {  	_ =	swait.ge [sflag:s16], $0x4000  }
0xe8: {  	[sflag:s16] =	ssyncset.done $0x0  }
0xe9: {  	s8 =	rddreg [dreg:$0xf];
	[sflag:s16] =	ssyncadd.s32 $0xFFFFC000  }
0xea: {  	[spmem:s3] =	stream.indirect.scatter.add.f32 [tilespmem:s14], [sflag:$0x3], $0x80, s8, s12, $0xb8;
	[tilespmem:$0x1D000] =	vst v63  }
0xeb: {  	_ =	swait.ge [sflag:s10], $0x4000  }
0xec: {  	[sflag:s10] =	ssyncset.done $0x0  }
0xed: {  	s8 =	rddreg [dreg:$0x10];
	[sflag:s10] =	ssyncadd.s32 $0xFFFFC000  }
0xee: {  	[tilespmem:s14], [sflag:$0x2] =	stream.indirect.gather [hbm4b:s5+s12], $0x80, s8, s12, $0xb8;
	[tilespmem:$0x1D000] =	vst v63  }
0xef: {  	_ =	swait.ge [sflag:s15], $0x4000  }
0xf0: {  	[sflag:s15] =	ssyncset.done $0x0  }
0xf1: {  	s8 =	rddreg [dreg:$0x11];
	[sflag:s15] =	ssyncadd.s32 $0xFFFFC000  }
0xf2: {  	[spmem:s3] =	stream.indirect.scatter.add.f32 [tilespmem:s13], [sflag:$0x3], $0x80, s8, s12, $0xb8;
	[tilespmem:$0x1D000] =	vst v63  }
0xf3: {  	_ =	swait.ge [sflag:s10], $0x4000  }
0xf4: {  	[sflag:s10] =	ssyncset.done $0x0  }
0xf5: {  	[sflag:s10] =	ssyncadd.s32 $0xFFFFC000  }
0xf6: {  	[tilespmem:s13], [sflag:$0x1] =	stream.indirect.gather [hbm4b:s5+s12], $0x80, s17, s12, $0xb8;
	[tilespmem:$0x1D000] =	vst v63  }
0xf7: {  	_ =	swait.ge [sflag:s16], $0x4000  }
0xf8: {  	[sflag:s16] =	ssyncset.done $0x0  }
0xf9: {  	[sflag:s16] =	ssyncadd.s32 $0xFFFFC000  }
0xfa: {  	[spmem:s3] =	stream.indirect.scatter.add.f32 [tilespmem:s14], [sflag:$0x3], $0x80, s18, s12, $0xb8;
	[tilespmem:$0x1D000] =	vst v63  }
0xfb: {  	_ =	swait.ge [sflag:s10], $0x4000  }
0xfc: {  	[sflag:s10] =	ssyncset.done $0x0  }
0xfd: {  	[sflag:s10] =	ssyncadd.s32 $0xFFFFC000  }
0xfe: {  	[tilespmem:s14], [sflag:$0x2] =	stream.indirect.gather [hbm4b:s5+s12], $0x80, s19, s12, $0xb8;
	[tilespmem:$0x1D000] =	vst v63  }
0xff: {  	_ =	swait.ge [sflag:s15], $0x4000  }
0x100: {  	[sflag:s15] =	ssyncset.done $0x0  }
0x101: {  	[sflag:s15] =	ssyncadd.s32 $0xFFFFC000  }
0x102: {  	[spmem:s3] =	stream.indirect.scatter.add.f32 [tilespmem:s13], [sflag:$0x3], $0x80, s20, s12, $0xb8;
	[tilespmem:$0x1D000] =	vst v63  }
0x103: {  	_ =	swait.ge [sflag:s10], $0x4000  }
0x104: {  	[sflag:s10] =	ssyncset.done $0x0  }
0x105: {  	[sflag:s10] =	ssyncadd.s32 $0xFFFFC000  }
0x106: {  	[tilespmem:s13], [sflag:$0x1] =	stream.indirect.gather [hbm4b:s5+s12], $0x80, s21, s12, $0xb8;
	[tilespmem:$0x1D000] =	vst v63  }
0x107: {  	_ =	swait.ge [sflag:s16], $0x4000  }
0x108: {  	[sflag:s16] =	ssyncset.done $0x0  }
0x109: {  	[sflag:s16] =	ssyncadd.s32 $0xFFFFC000  }
0x10a: {  	[spmem:s3] =	stream.indirect.scatter.add.f32 [tilespmem:s14], [sflag:$0x3], $0x80, s22, s12, $0xb8;
	[tilespmem:$0x1D000] =	vst v63  }
0x10b: {  	_ =	swait.ge [sflag:s10], $0x4000  }
0x10c: {  	[sflag:s10] =	ssyncset.done $0x0  }
0x10d: {  	[sflag:s10] =	ssyncadd.s32 $0xFFFFC000  }
0x10e: {  	[tilespmem:s14], [sflag:$0x2] =	stream.indirect.gather [hbm4b:s5+s12], $0x80, s23, s12, $0xb8;
	[tilespmem:$0x1D000] =	vst v63  }
0x10f: {  	_ =	swait.ge [sflag:s15], $0x4000  }
0x110: {  	[sflag:s15] =	ssyncset.done $0x0  }
0x111: {  	[sflag:s15] =	ssyncadd.s32 $0xFFFFC000  }
0x112: {  	[spmem:s3] =	stream.indirect.scatter.add.f32 [tilespmem:s13], [sflag:$0x3], $0x80, s24, s12, $0xb8;
	[tilespmem:$0x1D000] =	vst v63  }
0x113: {  	_ =	swait.ge [sflag:s10], $0x4000  }
0x114: {  	[sflag:s10] =	ssyncset.done $0x0  }
0x115: {  	[sflag:s10] =	ssyncadd.s32 $0xFFFFC000  }
0x116: {  	[tilespmem:s13], [sflag:$0x1] =	stream.indirect.gather [hbm4b:s5+s12], $0x80, s26, s12, $0xb8;
	[tilespmem:$0x1D000] =	vst v63  }
0x117: {  	_ =	swait.ge [sflag:s16], $0x4000  }
0x118: {  	[sflag:s16] =	ssyncset.done $0x0  }
0x119: {  	[sflag:s16] =	ssyncadd.s32 $0xFFFFC000  }
0x11a: {  	[spmem:s3] =	stream.indirect.scatter.add.f32 [tilespmem:s14], [sflag:$0x3], $0x80, s28, s12, $0xb8;
	[tilespmem:$0x1D000] =	vst v63  }
0x11b: {  	_ =	swait.ge [sflag:s10], $0x4000  }
0x11c: {  	[sflag:s10] =	ssyncset.done $0x0  }
0x11d: {  	[sflag:s10] =	ssyncadd.s32 $0xFFFFC000  }
0x11e: {  	[tilespmem:s14], [sflag:$0x2] =	stream.indirect.gather [hbm4b:s5+s12], $0x80, s29, s12, $0xb8;
	[tilespmem:$0x1D000] =	vst v63  }
0x11f: {  	_ =	swait.ge [sflag:s15], $0x4000  }
0x120: {  	[sflag:s15] =	ssyncset.done $0x0  }
0x121: {  	[sflag:s15] =	ssyncadd.s32 $0xFFFFC000  }
0x122: {  	[spmem:s3] =	stream.indirect.scatter.add.f32 [tilespmem:s13], [sflag:$0x3], $0x80, s30, s12, $0xb8;
	[tilespmem:$0x1D000] =	vst v63  }
0x123: {  	_ =	swait.ge [sflag:s10], $0x4000  }
0x124: {  	[sflag:s10] =	ssyncset.done $0x0  }
0x125: {  	[sflag:s10] =	ssyncadd.s32 $0xFFFFC000  }
0x126: {  	[tilespmem:s13], [sflag:$0x1] =	stream.indirect.gather [hbm4b:s5+s12], $0x80, s31, s12, $0xb8;
	[tilespmem:$0x1D000] =	vst v63  }
0x127: {  	_ =	swait.ge [sflag:s16], $0x4000  }
0x128: {  	[sflag:s16] =	ssyncset.done $0x0  }
0x129: {  	[sflag:s16] =	ssyncadd.s32 $0xFFFFC000  }
0x12a: {  	[spmem:s3] =	stream.indirect.scatter.add.f32 [tilespmem:s14], [sflag:$0x3], $0x80, s0, s12, $0xb8;
	[tilespmem:$0x1D000] =	vst v63  }
0x12b: {  	_ =	swait.ge [sflag:s10], $0x4000  }
0x12c: {  	[sflag:s10] =	ssyncset.done $0x0  }
0x12d: {  	[sflag:s10] =	ssyncadd.s32 $0xFFFFC000  }
0x12e: {  	[tilespmem:s14], [sflag:$0x2] =	stream.indirect.gather [hbm4b:s5+s12], $0x80, s1, s12, $0xb8;
	[tilespmem:$0x1D000] =	vst v63  }
0x12f: {  	_ =	swait.ge [sflag:s15], $0x4000  }
0x130: {  	[sflag:s15] =	ssyncset.done $0x0  }
0x131: {  	[sflag:s15] =	ssyncadd.s32 $0xFFFFC000  }
0x132: {  	[spmem:s3] =	stream.indirect.scatter.add.f32 [tilespmem:s13], [sflag:$0x3], $0x80, s2, s12, $0xb8;
	[tilespmem:$0x1D000] =	vst v63  }
0x133: {  	_ =	swait.ge [sflag:s10], $0x4000  }
0x134: {  	[sflag:s10] =	ssyncset.done $0x0  }
0x135: {  	[sflag:s10] =	ssyncadd.s32 $0xFFFFC000  }
0x136: {  	p0 =	sne.s32 s25, $0x400;
	_ =	swait.ge [sflag:s16], $0x4000  }
.Ltmp0:
0x137: {  	[sflag:s16] =	ssyncset.done $0x0;
	(pc) =	sbr.rel @p0 .LBB2_2-.Ltmp0, $4  }
0x138: {  	[sflag:s16] =	ssyncadd.s32 $0xFFFFC000  }
0x139: {  	[spmem:s3] =	stream.indirect.scatter.add.f32 [tilespmem:s14], [sflag:$0x3], $0x80, s7, s12, $0xb8;
	[tilespmem:$0x1D000] =	vst v63  }
0x13a: {  	_ =	swait.ge [sflag:s10], $0x4000  }
0x13b: {  	s25 =	sadd.s32 $0x100, s25;
	s6 =	rddreg [dreg:$0x5];
	[sflag:s10] =	ssyncset.done $0x0  }
0x13c: {  	[sflag:s10] =	ssyncadd.s32 $0xFFFFC000;
	s6 =	sadd.s32 s9, s6  }
0x13d: {  	[tilespmem:s4], [sflag:$0x3] =	stream.linear.gather [hbm4b:s6+s4], $0x800, $0x38;
	[tilespmem:$0x1D000] =	vst v63  }
0x13e: {  	_ =	swait.ge [sflag:s10], $0x800  }
0x13f: {  	s8 =	rddreg [dreg:$0x4];
	[sflag:s10] =	ssyncset.done $0x0  }
0x140: {  	s6 =	sadd.s32 s9, s8;
	[sflag:s10] =	ssyncadd.s32 $0xFFFFF800  }
0x141: {  	[tilespmem:s11], [sflag:$0x3] =	stream.linear.gather [hbm4b:s6+s4], $0x800, $0x38;
	[tilespmem:$0x1D000] =	vst v63  }
0x142: {  	_ =	swait.ge [sflag:s10], $0x800  }
0x143: {  	[sflag:s10] =	ssyncset.done $0x0  }
0x144: {  	[sflag:s10] =	ssyncadd.s32 $0xFFFFF800  }
0x145: {  	[tilespmem:s13], [sflag:$0x1] =	stream.indirect.gather [hbm4b:s5+s12], $0x80, s4, s12, $0xb8;
	[tilespmem:$0x1D000] =	vst v63  }
0x146: {  	_ = 	snop  }
0x147: {  	[tilespmem:s14], [sflag:$0x2] =	stream.indirect.gather [hbm4b:s5+s12], $0x80, s12, s12, $0xb8;
	[tilespmem:$0x1D000] =	vst v63  }
0x148: {  	_ =	swait.ge [sflag:s15], $0x4000  }
0x149: {  	[sflag:s15] =	ssyncset.done $0x0  }
0x14a: {  	[sflag:s15] =	ssyncadd.s32 $0xFFFFC000  }
0x14b: {  	[spmem:s3] =	stream.indirect.scatter.add.f32 [tilespmem:s13], [sflag:$0x3], $0x80, s11, s12, $0xb8;
	[tilespmem:$0x1D000] =	vst v63  }
0x14c: {  	_ =	swait.ge [sflag:s10], $0x4000  }
0x14d: {  	[sflag:s10] =	ssyncset.done $0x0  }
0x14e: {  	s9 =	rddreg [dreg:$0x6];
	[sflag:s10] =	ssyncadd.s32 $0xFFFFC000  }
0x14f: {  	[tilespmem:s13], [sflag:$0x1] =	stream.indirect.gather [hbm4b:s5+s12], $0x80, s9, s12, $0xb8;
	[tilespmem:$0x1D000] =	vst v63  }
0x150: {  	_ =	swait.ge [sflag:s16], $0x4000  }
0x151: {  	[sflag:s16] =	ssyncset.done $0x0  }
0x152: {  	s25 =	rddreg [dreg:$0x7];
	[sflag:s16] =	ssyncadd.s32 $0xFFFFC000  }
0x153: {  	[spmem:s3] =	stream.indirect.scatter.add.f32 [tilespmem:s14], [sflag:$0x3], $0x80, s25, s12, $0xb8;
	[tilespmem:$0x1D000] =	vst v63  }
0x154: {  	_ =	swait.ge [sflag:s10], $0x4000  }
0x155: {  	[sflag:s10] =	ssyncset.done $0x0  }
0x156: {  	s8 =	rddreg [dreg:$0x8];
	[sflag:s10] =	ssyncadd.s32 $0xFFFFC000  }
0x157: {  	[tilespmem:s14], [sflag:$0x2] =	stream.indirect.gather [hbm4b:s5+s12], $0x80, s8, s12, $0xb8;
	[tilespmem:$0x1D000] =	vst v63  }
0x158: {  	_ =	swait.ge [sflag:s15], $0x4000  }
0x159: {  	[sflag:s15] =	ssyncset.done $0x0  }
0x15a: {  	s9 =	rddreg [dreg:$0x9];
	[sflag:s15] =	ssyncadd.s32 $0xFFFFC000  }
0x15b: {  	[spmem:s3] =	stream.indirect.scatter.add.f32 [tilespmem:s13], [sflag:$0x3], $0x80, s9, s12, $0xb8;
	[tilespmem:$0x1D000] =	vst v63  }
0x15c: {  	_ =	swait.ge [sflag:s10], $0x4000  }
0x15d: {  	[sflag:s10] =	ssyncset.done $0x0  }
0x15e: {  	s25 =	rddreg [dreg:$0xa];
	[sflag:s10] =	ssyncadd.s32 $0xFFFFC000  }
0x15f: {  	[tilespmem:s13], [sflag:$0x1] =	stream.indirect.gather [hbm4b:s5+s12], $0x80, s25, s12, $0xb8;
	[tilespmem:$0x1D000] =	vst v63  }
0x160: {  	_ =	swait.ge [sflag:s16], $0x4000  }
0x161: {  	[sflag:s16] =	ssyncset.done $0x0  }
0x162: {  	s8 =	rddreg [dreg:$0xb];
	[sflag:s16] =	ssyncadd.s32 $0xFFFFC000  }
0x163: {  	[spmem:s3] =	stream.indirect.scatter.add.f32 [tilespmem:s14], [sflag:$0x3], $0x80, s8, s12, $0xb8;
	[tilespmem:$0x1D000] =	vst v63  }
0x164: {  	_ =	swait.ge [sflag:s10], $0x4000  }
0x165: {  	[sflag:s10] =	ssyncset.done $0x0  }
0x166: {  	s9 =	rddreg [dreg:$0xc];
	[sflag:s10] =	ssyncadd.s32 $0xFFFFC000  }
0x167: {  	[tilespmem:s14], [sflag:$0x2] =	stream.indirect.gather [hbm4b:s5+s12], $0x80, s9, s12, $0xb8;
	[tilespmem:$0x1D000] =	vst v63  }
0x168: {  	_ =	swait.ge [sflag:s15], $0x4000  }
0x169: {  	[sflag:s15] =	ssyncset.done $0x0  }
0x16a: {  	s25 =	rddreg [dreg:$0xd];
	[sflag:s15] =	ssyncadd.s32 $0xFFFFC000  }
0x16b: {  	[spmem:s3] =	stream.indirect.scatter.add.f32 [tilespmem:s13], [sflag:$0x3], $0x80, s25, s12, $0xb8;
	[tilespmem:$0x1D000] =	vst v63  }
0x16c: {  	_ =	swait.ge [sflag:s10], $0x4000  }
0x16d: {  	[sflag:s10] =	ssyncset.done $0x0  }
0x16e: {  	s8 =	rddreg [dreg:$0xe];
	[sflag:s10] =	ssyncadd.s32 $0xFFFFC000  }
0x16f: {  	[tilespmem:s13], [sflag:$0x1] =	stream.indirect.gather [hbm4b:s5+s12], $0x80, s8, s12, $0xb8;
	[tilespmem:$0x1D000] =	vst v63  }
0x170: {  	_ =	swait.ge [sflag:s16], $0x4000  }
0x171: {  	[sflag:s16] =	ssyncset.done $0x0  }
0x172: {  	s9 =	rddreg [dreg:$0xf];
	[sflag:s16] =	ssyncadd.s32 $0xFFFFC000  }
0x173: {  	[spmem:s3] =	stream.indirect.scatter.add.f32 [tilespmem:s14], [sflag:$0x3], $0x80, s9, s12, $0xb8;
	[tilespmem:$0x1D000] =	vst v63  }
0x174: {  	_ =	swait.ge [sflag:s10], $0x4000  }
0x175: {  	[sflag:s10] =	ssyncset.done $0x0  }
0x176: {  	s25 =	rddreg [dreg:$0x10];
	[sflag:s10] =	ssyncadd.s32 $0xFFFFC000  }
0x177: {  	[tilespmem:s14], [sflag:$0x2] =	stream.indirect.gather [hbm4b:s5+s12], $0x80, s25, s12, $0xb8;
	[tilespmem:$0x1D000] =	vst v63  }
0x178: {  	_ =	swait.ge [sflag:s15], $0x4000  }
0x179: {  	[sflag:s15] =	ssyncset.done $0x0  }
0x17a: {  	s8 =	rddreg [dreg:$0x11];
	[sflag:s15] =	ssyncadd.s32 $0xFFFFC000  }
0x17b: {  	[spmem:s3] =	stream.indirect.scatter.add.f32 [tilespmem:s13], [sflag:$0x3], $0x80, s8, s12, $0xb8;
	[tilespmem:$0x1D000] =	vst v63  }
0x17c: {  	_ =	swait.ge [sflag:s10], $0x4000  }
0x17d: {  	[sflag:s10] =	ssyncset.done $0x0  }
0x17e: {  	[sflag:s10] =	ssyncadd.s32 $0xFFFFC000  }
0x17f: {  	[tilespmem:s13], [sflag:$0x1] =	stream.indirect.gather [hbm4b:s5+s12], $0x80, s17, s12, $0xb8;
	[tilespmem:$0x1D000] =	vst v63  }
0x180: {  	_ =	swait.ge [sflag:s16], $0x4000  }
0x181: {  	[sflag:s16] =	ssyncset.done $0x0  }
0x182: {  	[sflag:s16] =	ssyncadd.s32 $0xFFFFC000  }
0x183: {  	[spmem:s3] =	stream.indirect.scatter.add.f32 [tilespmem:s14], [sflag:$0x3], $0x80, s18, s12, $0xb8;
	[tilespmem:$0x1D000] =	vst v63  }
0x184: {  	_ =	swait.ge [sflag:s10], $0x4000  }
0x185: {  	[sflag:s10] =	ssyncset.done $0x0  }
0x186: {  	[sflag:s10] =	ssyncadd.s32 $0xFFFFC000  }
0x187: {  	[tilespmem:s14], [sflag:$0x2] =	stream.indirect.gather [hbm4b:s5+s12], $0x80, s19, s12, $0xb8;
	[tilespmem:$0x1D000] =	vst v63  }
0x188: {  	_ =	swait.ge [sflag:s15], $0x4000  }
0x189: {  	[sflag:s15] =	ssyncset.done $0x0  }
0x18a: {  	[sflag:s15] =	ssyncadd.s32 $0xFFFFC000  }
0x18b: {  	[spmem:s3] =	stream.indirect.scatter.add.f32 [tilespmem:s13], [sflag:$0x3], $0x80, s20, s12, $0xb8;
	[tilespmem:$0x1D000] =	vst v63  }
0x18c: {  	_ =	swait.ge [sflag:s10], $0x4000  }
0x18d: {  	[sflag:s10] =	ssyncset.done $0x0  }
0x18e: {  	[sflag:s10] =	ssyncadd.s32 $0xFFFFC000  }
0x18f: {  	[tilespmem:s13], [sflag:$0x1] =	stream.indirect.gather [hbm4b:s5+s12], $0x80, s21, s12, $0xb8;
	[tilespmem:$0x1D000] =	vst v63  }
0x190: {  	_ =	swait.ge [sflag:s16], $0x4000  }
0x191: {  	[sflag:s16] =	ssyncset.done $0x0  }
0x192: {  	[sflag:s16] =	ssyncadd.s32 $0xFFFFC000  }
0x193: {  	[spmem:s3] =	stream.indirect.scatter.add.f32 [tilespmem:s14], [sflag:$0x3], $0x80, s22, s12, $0xb8;
	[tilespmem:$0x1D000] =	vst v63  }
0x194: {  	_ =	swait.ge [sflag:s10], $0x4000  }
0x195: {  	[sflag:s10] =	ssyncset.done $0x0  }
0x196: {  	[sflag:s10] =	ssyncadd.s32 $0xFFFFC000  }
0x197: {  	[tilespmem:s14], [sflag:$0x2] =	stream.indirect.gather [hbm4b:s5+s12], $0x80, s23, s12, $0xb8;
	[tilespmem:$0x1D000] =	vst v63  }
0x198: {  	_ =	swait.ge [sflag:s15], $0x4000  }
0x199: {  	[sflag:s15] =	ssyncset.done $0x0  }
0x19a: {  	[sflag:s15] =	ssyncadd.s32 $0xFFFFC000  }
0x19b: {  	[spmem:s3] =	stream.indirect.scatter.add.f32 [tilespmem:s13], [sflag:$0x3], $0x80, s24, s12, $0xb8;
	[tilespmem:$0x1D000] =	vst v63  }
0x19c: {  	_ =	swait.ge [sflag:s10], $0x4000  }
0x19d: {  	[sflag:s10] =	ssyncset.done $0x0  }
0x19e: {  	[sflag:s10] =	ssyncadd.s32 $0xFFFFC000  }
0x19f: {  	[tilespmem:s13], [sflag:$0x1] =	stream.indirect.gather [hbm4b:s5+s12], $0x80, s26, s12, $0xb8;
	[tilespmem:$0x1D000] =	vst v63  }
0x1a0: {  	_ =	swait.ge [sflag:s16], $0x4000  }
0x1a1: {  	[sflag:s16] =	ssyncset.done $0x0  }
0x1a2: {  	[sflag:s16] =	ssyncadd.s32 $0xFFFFC000  }
0x1a3: {  	[spmem:s3] =	stream.indirect.scatter.add.f32 [tilespmem:s14], [sflag:$0x3], $0x80, s28, s12, $0xb8;
	[tilespmem:$0x1D000] =	vst v63  }
0x1a4: {  	_ =	swait.ge [sflag:s10], $0x4000  }
0x1a5: {  	[sflag:s10] =	ssyncset.done $0x0  }
0x1a6: {  	[sflag:s10] =	ssyncadd.s32 $0xFFFFC000  }
0x1a7: {  	[tilespmem:s14], [sflag:$0x2] =	stream.indirect.gather [hbm4b:s5+s12], $0x80, s29, s12, $0xb8;
	[tilespmem:$0x1D000] =	vst v63  }
0x1a8: {  	_ =	swait.ge [sflag:s15], $0x4000  }
0x1a9: {  	[sflag:s15] =	ssyncset.done $0x0  }
0x1aa: {  	[sflag:s15] =	ssyncadd.s32 $0xFFFFC000  }
0x1ab: {  	[spmem:s3] =	stream.indirect.scatter.add.f32 [tilespmem:s13], [sflag:$0x3], $0x80, s30, s12, $0xb8;
	[tilespmem:$0x1D000] =	vst v63  }
0x1ac: {  	_ =	swait.ge [sflag:s10], $0x4000  }
0x1ad: {  	[sflag:s10] =	ssyncset.done $0x0  }
0x1ae: {  	[sflag:s10] =	ssyncadd.s32 $0xFFFFC000  }
0x1af: {  	[tilespmem:s13], [sflag:$0x1] =	stream.indirect.gather [hbm4b:s5+s12], $0x80, s31, s12, $0xb8;
	[tilespmem:$0x1D000] =	vst v63  }
0x1b0: {  	_ =	swait.ge [sflag:s16], $0x4000  }
0x1b1: {  	[sflag:s16] =	ssyncset.done $0x0  }
0x1b2: {  	[sflag:s16] =	ssyncadd.s32 $0xFFFFC000  }
0x1b3: {  	[spmem:s3] =	stream.indirect.scatter.add.f32 [tilespmem:s14], [sflag:$0x3], $0x80, s0, s12, $0xb8;
	[tilespmem:$0x1D000] =	vst v63  }
0x1b4: {  	_ =	swait.ge [sflag:s10], $0x4000  }
0x1b5: {  	[sflag:s10] =	ssyncset.done $0x0  }
0x1b6: {  	[sflag:s10] =	ssyncadd.s32 $0xFFFFC000  }
0x1b7: {  	[tilespmem:s14], [sflag:$0x2] =	stream.indirect.gather [hbm4b:s5+s12], $0x80, s1, s12, $0xb8;
	[tilespmem:$0x1D000] =	vst v63  }
0x1b8: {  	_ =	swait.ge [sflag:s15], $0x4000  }
0x1b9: {  	[sflag:s15] =	ssyncset.done $0x0  }
0x1ba: {  	[sflag:s15] =	ssyncadd.s32 $0xFFFFC000  }
0x1bb: {  	[spmem:s3] =	stream.indirect.scatter.add.f32 [tilespmem:s13], [sflag:$0x3], $0x80, s2, s12, $0xb8;
	[tilespmem:$0x1D000] =	vst v63  }
0x1bc: {  	_ =	swait.ge [sflag:s10], $0x4000  }
0x1bd: {  	[sflag:s10] =	ssyncset.done $0x0  }
0x1be: {  	[sflag:s10] =	ssyncadd.s32 $0xFFFFC000  }
0x1bf: {  	_ =	swait.ge [sflag:s16], $0x4000  }
0x1c0: {  	[sflag:s16] =	ssyncset.done $0x0  }
0x1c1: {  	[sflag:s16] =	ssyncadd.s32 $0xFFFFC000  }
0x1c2: {  	[spmem:s3] =	stream.indirect.scatter.add.f32 [tilespmem:s14], [sflag:$0x3], $0x80, s7, s12, $0xb8;
	[tilespmem:$0x1D000] =	vst v63  }
0x1c3: {  	_ =	swait.ge [sflag:s10], $0x4000  }
0x1c4: {  	[sflag:s10] =	ssyncset.done $0x0  }
0x1c5: {  	[sflag:s10] =	ssyncadd.s32 $0xFFFFC000  }
0x1c6: {  	[bflag:$0x0] =	sbarrier.arrive $0xFFFF  }
0x1c7: {  	s25 =	rddreg [dreg:$0x12]  }
0x1c8: {  	s9 =	rddreg [dreg:$0x13]  }
0x1c9: {  	s8 =	rddreg [dreg:$0x16]  }
0x1ca: {  	[hbm:s9], [sflag:s25] =	dma.local [spmem:s8], $0x2710  }
0x1cb: {  	_ =	swait.ge [sflag:s10], $0x2710  }
0x1cc: {  	s6 =	rddreg [dreg:$0x17]  }
0x1cd: {  	s9 =	rddreg [dreg:$0x14];
	s8 =	sadd.s32 $0x1, s6  }
0x1ce: {  	p0 =	sne.s32 s8, s9  }
.Ltmp1:
0x1cf: {  	_ = 	snop;
	(pc) =	sbr.rel @p0 .LBB2_1-.Ltmp1, $3  }
0x1d0: {  	_ =	sdelay $0x1  }
0x1d1: {  	[sflag:s10] =	ssyncset.done $0x0  }
0x1d2: {  	[sflag:s10] =	ssyncadd.s32 $0xFFFFD8F0  }
0x1d3: {  	_ =	sfence.sel $0x180000  }
0x1d4: {  	[bflag:$0x0] =	sbarrier.arrive $0xFFFF  }
0x1d5: {  	_ =	strace $0x9000004D  }
0x1d6: {  	s0 =	stileid.u32;
	[bflag:$0x2] =	sbarrier.arrive $0xFFFF  }
0x1d7: {  	p0 =	sne.s32 s0, $0x0;
	s0 =	rddreg [dreg:$0x3]  }
0x1d8: {  	s0 =	sadd.s32 @!p0 $0x100000, s0  }
0x1d9: {  	[sflag:s0] =	ssyncadd.tile.s32 @!p0 $0x1;
	_ =	shalt  }
.Lfunc_end2:
_tile_overlayer_lowered:
.L_overlay_start_2:
0x1da: {  	(tag) =	ssettag $0x2  }
0x1db: {  	s0 =	rddreg [dreg:$0x0];
	s2 =	stileid.u32  }
0x1dc: {  	s1 =	rddreg [dreg:$0x1];
	p0 =	sne.s32 s2, $0x0  }
0x1dd: {  	s3 =	rddreg [dreg:$0x2];
	[bflag:$0x3] =	sbarrier.arrive $0xFFFF;
	s2 =	simm.s32 @!p0 $0x1C03  }
0x1de: {  	[timem:s3], [sflag:s2] =	dma.local @!p0 [hbm:s0], s1  }
0x1df: {  	s0 =	simm.s32 @!p0 $0x3  }
0x1e0: {  	_ =	swait.ge @!p0 [sflag:s0], s1  }
0x1e1: {  	s1 =	ssub.s32 @!p0 $0x0, s1;
	[sflag:s0] =	ssyncset.done @!p0 $0x0  }
0x1e2: {  	[sflag:s0] =	ssyncadd.s32 @!p0 s1  }
0x1e3: {  	[bflag:$0x3] =	sbarrier.arrive $0xFFFF  }
0x1e4: {  	_ =	shalt  }

// kernel: kernel.19.cloned.1.call-start
scs
__scs_entry_jumppad:
0x0: {  	(pc) =	sbr.rel $0x88, $3  }
0x1: {  	(tag) =	ssettag $0x0;
	lr =	simm.s32 $0x1  }
0x2: {  	[smem:$0x3F99] =	sst lr;
	_ =	strace $0xD0000000  }
0x3: {  	_ = 	snop  }
0x4: {  	_ = 	snop  }
0x5: {  	_ = 	snop  }
0x6: {  	_ = 	snop  }
0x7: {  	_ = 	snop  }
__scs_overlays_trampoline_lowered:
0x8: {  	[smem:$0x3FA8] =	sst s0  }
0x9: {  	[smem:$0x3FA9] =	sst s1  }
0xa: {  	[smem:$0x3FAA] =	sst s2  }
0xb: {  	[smem:$0x3FAB] =	sst s3  }
0xc: {  	[smem:$0x3FAC] =	sst s4  }
0xd: {  	[smem:$0x3FAD] =	sst s5  }
0xe: {  	[smem:$0x3FAE] =	sst s6  }
0xf: {  	[smem:$0x3FAF] =	sst s7  }
0x10: {  	[smem:$0x3FB0] =	sst s8  }
0x11: {  	[smem:$0x3FB1] =	sst s9;
	s0 =	simm.s32 @!p0 $0x0  }
0x12: {  	s1 =	sld [smem:$0x3F97];
	s0 =	simm.s32 @p0 $0x1  }
0x13: {  	[smem:$0x3FB2] =	sst s0;
	s0 =	simm.s32 @!p1 $0x0  }
0x14: {  	s2 =	sld [smem:$0x3F96];
	s0 =	simm.s32 @p1 $0x1  }
0x15: {  	[smem:$0x3FB3] =	sst s0;
	s0 =	simm.s32 @!p2 $0x0  }
0x16: {  	s3 =	sld [smem:$0x3FDB];
	s0 =	simm.s32 @p2 $0x1  }
0x17: {  	s4 =	simm.s32 $0x1BF5;
	[smem:$0x3FB5] =	sst s0  }
0x18: {  	s0 =	sld [smem:$0x3F98];
	_ =	swait.ge [sflag:s4], $0x0  }
0x19: {  	s7 =	sld [smem:$0x3F99]  }
0x1a: {  	s8 =	sadd.s32 $0xFFFFE003, lr  }
0x1b: {  	s9 =	sadd.s32 $0xFFFFFEF7, lr;
	s5 =	simm.s32 $0xFFFFFFFF;
	p2 =	slt.u32 s8, $0xFFFFF086  }
0x1c: {  	p1 =	slt.u32 s9, $0xF7A;
	s5 =	simm.s32 @!p2 $0x0  }
0x1d: {  	s5 =	simm.s32 @p1 $0x1;
	p0 =	seq.s32 s7, s2  }
0x1e: {  	s7 =	smul.u32 @!p0 $0xF7A, s2;
	p2 =	seq.s32 @!p0 s5, $0x0  }
0x1f: {  	s9 =	smul.u32 $0xF7A, s1;
	s8 =	simm.s32 @!p0 $0x1BF5;
	p2 =	por !p2, p0  }
0x20: {  	[sflag:s8] =	ssyncset.s32 @!p0 $0xFFFFF086;
	s6 =	sadd.s32 @!p0 s3, s7;
	s7 =	simm.s32 @!p0 $0x108  }
0x21: {  	s3 =	sadd.s32 s3, s9;
	s6 =	sadd.s32 @!p0 $0x88, s6;
	s7 =	simm.s32 @p2 $0x1082  }
0x22: {  	[simem:s7], [sflag:s8] =	dma.local @!p0 [hbm:s6], $0xF7A  }
0x23: {  	s9 =	sor.u32 $0xD0000000, s2;
	s6 =	simm.s32 $0x108;
	_ =	swait.ge @!p0 [sflag:s8], $0x0  }
0x24: {  	s3 =	sadd.s32 $0x88, s3;
	s6 =	simm.s32 @!p1 $0x1082;
	[sflag:s4] =	ssyncset.s32 $0xFFFFF086  }
0x25: {  	[simem:s6], [sflag:s4] =	dma.local [hbm:s3], $0xF7A  }
0x26: {  	[smem:$0x3F99] =	sst s1;
	(tag) =	ssettag s2;
	_ =	strace s9  }
0x27: {  	s1 =	sld [smem:$0x3FA9]  }
0x28: {  	s2 =	sld [smem:$0x3FAA]  }
0x29: {  	s4 =	sld [smem:$0x3FAC]  }
0x2a: {  	p0 =	seq.s32 s5, $0x0;
	s5 =	sld [smem:$0x3FAD]  }
0x2b: {  	s6 =	sld [smem:$0x3FAE]  }
0x2c: {  	s7 =	sld [smem:$0x3FAF]  }
0x2d: {  	s3 =	simm.s32 $0x108;
	s8 =	sld [smem:$0x3FB0]  }
0x2e: {  	s3 =	simm.s32 @!p0 $0x1082;
	s9 =	sld [smem:$0x3FB1]  }
0x2f: {  	lr =	sadd.s32 s0, s3;
	s0 =	sld [smem:$0x3FA8]  }
0x30: {  	s3 =	sld [smem:$0x3FAB]  }
0x31: {  	[smem:$0x3FB4] =	sst s10  }
0x32: {  	s10 =	sld [smem:$0x3FB2];
	_ =	sdelay $0x3  }
0x33: {  	p0 =	seq.s32 s10, $0x1;
	s10 =	sld [smem:$0x3FB4];
	_ =	sdelay $0x3  }
0x34: {  	[smem:$0x3FB4] =	sst s10  }
0x35: {  	s10 =	sld [smem:$0x3FB3];
	_ =	sdelay $0x3  }
0x36: {  	p1 =	seq.s32 s10, $0x1;
	s10 =	sld [smem:$0x3FB4];
	_ =	sdelay $0x3  }
0x37: {  	[smem:$0x3FB4] =	sst s10  }
0x38: {  	s10 =	sld [smem:$0x3FB5]  }
0x39: {  	_ = 	snop;
	(pc) =	sbr.ind lr, $3  }
0x3a: {  	_ = 	snop  }
0x3b: {  	_ = 	snop  }
0x3c: {  	p2 =	seq.s32 s10, $0x1;
	s10 =	sld [smem:$0x3FB4]  }
0x3d: {  	_ =	shalt  }
0x3e: {  	_ =	shalt  }
0x3f: {  	_ =	shalt  }
0x40: {  	_ =	shalt  }
0x41: {  	_ =	shalt  }
0x42: {  	_ =	shalt  }
0x43: {  	_ =	shalt  }
0x44: {  	_ =	shalt  }
0x45: {  	_ =	shalt  }
0x46: {  	_ =	shalt  }
0x47: {  	_ =	shalt  }
0x48: {  	_ =	shalt  }
0x49: {  	_ =	shalt  }
0x4a: {  	_ =	shalt  }
0x4b: {  	_ =	shalt  }
0x4c: {  	_ =	shalt  }
0x4d: {  	_ =	shalt  }
0x4e: {  	_ =	shalt  }
0x4f: {  	_ =	shalt  }
0x50: {  	_ =	shalt  }
0x51: {  	_ =	shalt  }
0x52: {  	_ =	shalt  }
0x53: {  	_ =	shalt  }
0x54: {  	_ =	shalt  }
0x55: {  	_ =	shalt  }
0x56: {  	_ =	shalt  }
0x57: {  	_ =	shalt  }
0x58: {  	_ =	shalt  }
0x59: {  	_ =	shalt  }
0x5a: {  	_ =	shalt  }
0x5b: {  	_ =	shalt  }
0x5c: {  	_ =	shalt  }
0x5d: {  	_ =	shalt  }
0x5e: {  	_ =	shalt  }
0x5f: {  	_ =	shalt  }
0x60: {  	_ =	shalt  }
0x61: {  	_ =	shalt  }
0x62: {  	_ =	shalt  }
0x63: {  	_ =	shalt  }
0x64: {  	_ =	shalt  }
0x65: {  	_ =	shalt  }
0x66: {  	_ =	shalt  }
0x67: {  	_ =	shalt  }
0x68: {  	_ =	shalt  }
0x69: {  	_ =	shalt  }
0x6a: {  	_ =	shalt  }
0x6b: {  	_ =	shalt  }
0x6c: {  	_ =	shalt  }
0x6d: {  	_ =	shalt  }
0x6e: {  	_ =	shalt  }
0x6f: {  	_ =	shalt  }
0x70: {  	_ =	shalt  }
0x71: {  	_ =	shalt  }
0x72: {  	_ =	shalt  }
0x73: {  	_ =	shalt  }
0x74: {  	_ =	shalt  }
0x75: {  	_ =	shalt  }
0x76: {  	_ =	shalt  }
0x77: {  	_ =	shalt  }
0x78: {  	_ =	shalt  }
0x79: {  	_ =	shalt  }
0x7a: {  	_ =	shalt  }
0x7b: {  	_ =	shalt  }
0x7c: {  	_ =	shalt  }
0x7d: {  	_ =	shalt  }
0x7e: {  	_ =	shalt  }
0x7f: {  	_ =	shalt  }
0x80: {  	_ =	shalt  }
0x81: {  	_ =	shalt  }
0x82: {  	_ =	shalt  }
0x83: {  	_ =	shalt  }
0x84: {  	_ =	shalt  }
0x85: {  	_ =	shalt  }
0x86: {  	_ =	shalt  }
0x87: {  	_ =	shalt  }
.Lfunc_end0:
.L_simem_size_0:
called_computation.3_lowered:
.L_overlay_start_0:
0x88: {  	s2 =	sld [smem:$0x3FD9]  }
0x89: {  	s3 =	sld [smem:$0x3FFE];
	_ =	sdelay $0x1  }
0x8a: {  	s1 =	srdreg.scid  }
0x8b: {  	s0 =	sand.u32 $0x1, s1  }
0x8c: {  	s17 =	sshll.u32 s0, $0xA;
	s2 =	sadd.s32 s3, s2  }
0x8d: {  	s2 =	sadd.s32 s2, s17  }
0x8e: {  	[smem:$0x3FC0] =	sst s2  }
0x8f: {  	_ = 	snop  }
0x90: {  	s2 =	sld [smem:$0x3FD0];
	(tm) =	ssettm $0x1  }
0x91: {  	s18 =	sld [smem:$0x3FFB];
	_ =	sdelay $0x3  }
0x92: {  	_ =	strace s18  }
0x93: {  	s3 =	sld [smem:$0x3FFC];
	_ =	sdelay $0x3  }
0x94: {  	_ =	strace s3  }
0x95: {  	s3 =	sld [smem:$0x3FFD];
	_ =	sdelay $0x3  }
0x96: {  	_ =	strace s3  }
0x97: {  	_ =	strace $0x8FFFFFFF  }
0x98: {  	s19 =	sld [smem:$0x3FDB];
	_ =	sdelay $0x1  }
0x99: {  	s4 =	simm.s32 $_scs_section_size  }
0x9a: {  	s5 =	simm.s32 $_size__tile_overlayer_lowered;
	s6 =	simm.s32 $_tile_overlayer_lowered  }
0x9b: {  	s22 =	simm.s32 $0x1BFF;
	s21 =	sshll.u32 s6, $0x1;
	s3 =	sadd.s32 s4, s19  }
0x9c: {  	s7 =	simm.s32 $0x0;
	s20 =	sshll.u32 s5, $0x1;
	s5 =	sadd.s32 s21, s3  }
0x9d: {  	[timem:s7], [sflag:s22] =	dma.local [hbm:s5], s20  }
0x9e: {  	_ =	swait.ge [sflag:s22], s20  }
0x9f: {  	s4 =	ssub.s32 $0x0, s20;
	[sflag:s22] =	ssyncset.done $0x0  }
0xa0: {  	[sflag:s22] =	ssyncadd.s32 s4;
	_ =	sdelay $0x1  }
0xa1: {  	s23 =	simm.s32 $0x1B8B  }
0xa2: {  	_ =	swait.ge [sflag:s23], $0x1  }
0xa3: {  	[sflag:s23] =	ssyncset.done $0x0  }
0xa4: {  	s25 =	simm.s32 $0x1B8E;
	s24 =	sld [smem:$0x3FFE];
	[sflag:s23] =	ssyncadd.s32 $0xFFFFFFFF  }
0xa5: {  	s26 =	simm.s32 $execute0_lowered;
	[smem:$0x3FD2] =	sst s25  }
0xa6: {  	s5 =	sshll.u32 s26, $0x1;
	_ =	strace $0x8000004F;
	[dreg:$0x1] =	wrdreg $0xFFFFFFFF  }
0xa7: {  	s28 =	simm.s32 $_size_execute0_lowered;
	s3 =	sadd.s32 s3, s5;
	[dreg:$0x0] =	wrdreg $0x0  }
0xa8: {  	s5 =	sshll.u32 s28, $0x1;
	[dreg:$0x2] =	wrdreg s3  }
0xa9: {  	[dreg:$0x3] =	wrdreg s5  }
0xaa: {  	[dreg:$0x4] =	wrdreg $0xC0  }
0xab: {  	_ =	task [dreg:s7], $0x5FFFF  }
0xac: {  	[dreg:$0x1] =	wrdreg $0xFFFFFFFF  }
0xad: {  	[dreg:$0x0] =	wrdreg $0x60  }
0xae: {  	[dreg:$0x2] =	wrdreg s2  }
0xaf: {  	[dreg:$0x3] =	wrdreg s24  }
0xb0: {  	[dreg:$0x4] =	wrdreg $0x9  }
0xb1: {  	_ =	task.clear_ibuf [dreg:s7], $0x5FFFF;
	_ =	strace $0x9000004F  }
0xb2: {  	s29 =	simm.s32 $0x9;
	_ =	strace $0x80000051  }
0xb3: {  	_ =	swait.ge [sflag:s29], $0x1  }
0xb4: {  	[sflag:s29] =	ssyncadd.s32 $0xFFFFFFFF  }
0xb5: {  	_ =	strace $0x90000051  }
0xb6: {  	_ =	sfence  }
0xb7: {  	s30 =	sld [smem:$0x0];
	_ =	sdelay $0x2  }
0xb8: {  	s31 =	sshll.u32 s1, $0xD;
	s1 =	sshrl.u32 s1, $0x2  }
0xb9: {  	s3 =	sand.u32 $0x4000, s31;
	s1 =	sadd.s32 s1, s30  }
0xba: {  	s0 =	sor.u32 s3, s0;
	s1 =	sshll.u32 s1, $0x11  }
0xbb: {  	s0 =	sor.u32 s1, s0  }
0xbc: {  	s0 =	sadd.s32 $0x8F2B, s0  }
0xbd: {  	[sflag:s0] =	ssyncadd.remote.s32 $0x1  }
0xbe: {  	_ =	sfence.sel $0xFFFF  }
0xbf: {  	[dreg:$0x0] =	wrdreg $0xFFFFFFFF;
	(pc) =	sbr.abs _section_cstart, $3  }
0xc0: {  	[dreg:$0x1] =	wrdreg $0xFFFFFFFF  }
0xc1: {  	_ =	task.clear_ibuf [dreg:s7], $0x2FFFF;
	_ =	strace $0x9FFFFFFF  }
0xc2: {  	(tm) =	ssettm $0x7FFFFFFF  }
0xc3: {  	_ =	shalt  }
tec
execute0_lowered:
.L_overlay_start_1:
0x0: {  	(tag) =	ssettag $0x1  }
0x1: {  	s2 =	rddreg [dreg:$0x0]  }
0x2: {  	s0 =	srdreg.scid;
	s5 =	rddreg [dreg:$0x1];
	s3 =	simm.s32 $0x0  }
0x3: {  	s10 =	simm.s32 $0x1;
	s11 =	simm.s32 $0x2780;
	s4 =	sand.u32 $0x1, s0  }
0x4: {  	s12 =	simm.s32 $0x4F00;
	s0 =	stileid.u32;
	s1 =	sshll.u32 s4, $0x4  }
0x5: {  	s13 =	simm.s32 $0x7700;
	s14 =	simm.s32 $0x9F00;
	s6 =	sor.u32 s0, s1  }
0x6: {  	s15 =	simm.s32 $0x0;
	[smem:$0x7FF] =	sst s3;
	s7 =	smul.u32 $0x500, s6  }
0x7: {  	s8 =	ssub.s32 $0x2, s4;
	s4 =	sadd.s32 $0x15C00, s5;
	s9 =	smul.u32 $0xFFFFFFB0, s6  }
0x8: {  	s1 =	rddreg [dreg:$0x2];
	_ =	strace $0x80000050;
	s31 =	sshrl.u32 s8, $0x1  }
0x9: {  	s8 =	ssub.s32 s8, s31;
	s7 =	sadd.s32 s7, s5;
	p0 =	slt.s32 s9, $0xFFFFF68C  }
0xa: {  	s8 =	smax.u32 s8, $0x1;
	s9 =	simm.s32 @!p0 $0xFFFFF68C;
	s5 =	sadd.s32 $0xBC00, s7  }
0xb: {  	s6 =	sadd.s32 $0x1C00, s7;
	s7 =	sadd.s32 $0x16200, s7;
	s9 =	sadd.s32 $0x9C3, s9  }
.LBB2_1:
0xc: {  	[tilespmem:s3], [sflag:$0x1] =	stream.linear.gather [hbm4b:s2+s3], $0x2780, $0x38;
	[tilespmem:$0xC700] =	vst v63  }
0xd: {  	_ =	swait.ge [sflag:s10], $0x2780  }
0xe: {  	[sflag:s10] =	ssyncset.done $0x0  }
0xf: {  	[sflag:s10] =	ssyncadd.s32 $0xFFFFD880  }
0x10: {  	[tilespmem:s11], [sflag:$0x1] =	stream.linear.gather [hbm4b:s4+s3], $0x2780, $0x38;
	[tilespmem:$0xC700] =	vst v63  }
0x11: {  	_ =	swait.ge [sflag:s10], $0x2780  }
0x12: {  	[sflag:s10] =	ssyncset.done $0x0  }
0x13: {  	[sflag:s10] =	ssyncadd.s32 $0xFFFFD880  }
0x14: {  	[tilespmem:s12], [sflag:$0x1] =	stream.linear.gather [hbm4b:s5+s3], $0x2800, $0x38;
	[tilespmem:$0xC700] =	vst v63  }
0x15: {  	_ =	swait.ge [sflag:s10], $0x2800  }
0x16: {  	[sflag:s10] =	ssyncset.done $0x0  }
0x17: {  	[sflag:s10] =	ssyncadd.s32 $0xFFFFD800  }
0x18: {  	[tilespmem:s13], [sflag:$0x1] =	stream.linear.gather [hbm4b:s6+s3], $0x2800, $0x38;
	[tilespmem:$0xC700] =	vst v63  }
0x19: {  	_ =	swait.ge [sflag:s10], $0x2800  }
0x1a: {  	s16 =	simm.s32 $0xFFFFFFFF;
	s17 =	simm.s32 $0x4F40;
	[sflag:s10] =	ssyncset.done $0x0  }
0x1b: {  	s18 =	simm.s32 $0x7740;
	s19 =	simm.s32 $0x9F40;
	[sflag:s10] =	ssyncadd.s32 $0xFFFFD800  }
.LBB2_2:
0x1c: {  	v0 =	vld [tilespmem:s17+$0xFFFFFFC0]  }
0x1d: {  	v1 =	vld [tilespmem:s18+$0xFFFFFFC0];
	_ =	sdelay $0x6  }
0x1e: {  	v0 =	vld.idx.msk [tilespmem:v0+s3+$0x0], $0xffff  }
0x1f: {  	v1 =	vld.idx.msk [tilespmem:v1+s11+$0x0], $0xffff;
	_ =	sdelay $0x4  }
0x20: {  	v0 =	vadd.f32 v1, v0;
	_ =	sdelay $0x1  }
0x21: {  	v0 =	vsub.f32 $0.0e+00, v0;
	_ =	sdelay $0x1  }
0x22: {  	v0 =	vmul.f32 $1.442695020e+00, v0;
	_ =	sdelay $0x1  }
0x23: {  	(erf) = vpow2.f32 v0;
	_ =	sdelay $0x8  }
0x24: {  	v0 =	vpop (erf)  }
0x25: {  	v0 =	vadd.f32 $1.000000000e+00, v0;
	_ =	sdelay $0x1  }
0x26: {  	(erf) = vrcp.f32 v0;
	_ =	sdelay $0x8  }
0x27: {  	v0 =	vpop (erf)  }
0x28: {  	[tilespmem:s19+$0xFFFFFFC0] =	vst v0  }
0x29: {  	v0 =	vld [tilespmem:s17+$0xFFFFFFD0]  }
0x2a: {  	v57 =	vld [tilespmem:s18+$0xFFFFFFD0];
	_ =	sdelay $0x6  }
0x2b: {  	v0 =	vld.idx.msk [tilespmem:v0+s3+$0x0], $0xffff  }
0x2c: {  	v1 =	vld.idx.msk [tilespmem:v57+s11+$0x0], $0xffff;
	_ =	sdelay $0x4  }
0x2d: {  	v0 =	vadd.f32 v1, v0;
	_ =	sdelay $0x1  }
0x2e: {  	v0 =	vsub.f32 $0.0e+00, v0;
	_ =	sdelay $0x1  }
0x2f: {  	v0 =	vmul.f32 $1.442695020e+00, v0;
	_ =	sdelay $0x1  }
0x30: {  	(erf) = vpow2.f32 v0;
	_ =	sdelay $0x8  }
0x31: {  	v0 =	vpop (erf)  }
0x32: {  	v0 =	vadd.f32 $1.000000000e+00, v0;
	_ =	sdelay $0x1  }
0x33: {  	(erf) = vrcp.f32 v0;
	_ =	sdelay $0x8  }
0x34: {  	v0 =	vpop (erf)  }
0x35: {  	[tilespmem:s19+$0xFFFFFFD0] =	vst v0  }
0x36: {  	v0 =	vld [tilespmem:s17+$0xFFFFFFE0]  }
0x37: {  	v58 =	vld [tilespmem:s18+$0xFFFFFFE0];
	_ =	sdelay $0x6  }
0x38: {  	v0 =	vld.idx.msk [tilespmem:v0+s3+$0x0], $0xffff  }
0x39: {  	v1 =	vld.idx.msk [tilespmem:v58+s11+$0x0], $0xffff;
	_ =	sdelay $0x4  }
0x3a: {  	v0 =	vadd.f32 v1, v0;
	_ =	sdelay $0x1  }
0x3b: {  	v0 =	vsub.f32 $0.0e+00, v0;
	_ =	sdelay $0x1  }
0x3c: {  	v0 =	vmul.f32 $1.442695020e+00, v0;
	_ =	sdelay $0x1  }
0x3d: {  	(erf) = vpow2.f32 v0;
	_ =	sdelay $0x8  }
0x3e: {  	v0 =	vpop (erf)  }
0x3f: {  	v0 =	vadd.f32 $1.000000000e+00, v0;
	_ =	sdelay $0x1  }
0x40: {  	(erf) = vrcp.f32 v0;
	_ =	sdelay $0x8  }
0x41: {  	v0 =	vpop (erf)  }
0x42: {  	[tilespmem:s19+$0xFFFFFFE0] =	vst v0  }
0x43: {  	v0 =	vld [tilespmem:s17+$0xFFFFFFF0]  }
0x44: {  	v59 =	vld [tilespmem:s18+$0xFFFFFFF0];
	_ =	sdelay $0x6  }
0x45: {  	v0 =	vld.idx.msk [tilespmem:v0+s3+$0x0], $0xffff  }
0x46: {  	v1 =	vld.idx.msk [tilespmem:v59+s11+$0x0], $0xffff;
	_ =	sdelay $0x4  }
0x47: {  	v0 =	vadd.f32 v1, v0;
	_ =	sdelay $0x1  }
0x48: {  	v0 =	vsub.f32 $0.0e+00, v0;
	_ =	sdelay $0x1  }
0x49: {  	v0 =	vmul.f32 $1.442695020e+00, v0;
	_ =	sdelay $0x1  }
0x4a: {  	(erf) = vpow2.f32 v0;
	_ =	sdelay $0x8  }
0x4b: {  	v0 =	vpop (erf)  }
0x4c: {  	v0 =	vadd.f32 $1.000000000e+00, v0;
	_ =	sdelay $0x1  }
0x4d: {  	(erf) = vrcp.f32 v0;
	_ =	sdelay $0x8  }
0x4e: {  	v0 =	vpop (erf)  }
0x4f: {  	[tilespmem:s19+$0xFFFFFFF0] =	vst v0  }
0x50: {  	v0 =	vld [tilespmem:s17+$0x0]  }
0x51: {  	v60 =	vld [tilespmem:s18+$0x0];
	_ =	sdelay $0x6  }
0x52: {  	v0 =	vld.idx.msk [tilespmem:v0+s3+$0x0], $0xffff  }
0x53: {  	v1 =	vld.idx.msk [tilespmem:v60+s11+$0x0], $0xffff;
	_ =	sdelay $0x4  }
0x54: {  	v0 =	vadd.f32 v1, v0;
	_ =	sdelay $0x1  }
0x55: {  	v0 =	vsub.f32 $0.0e+00, v0;
	_ =	sdelay $0x1  }
0x56: {  	v0 =	vmul.f32 $1.442695020e+00, v0;
	_ =	sdelay $0x1  }
0x57: {  	(erf) = vpow2.f32 v0;
	_ =	sdelay $0x8  }
0x58: {  	v0 =	vpop (erf)  }
0x59: {  	v0 =	vadd.f32 $1.000000000e+00, v0;
	_ =	sdelay $0x1  }
0x5a: {  	(erf) = vrcp.f32 v0;
	_ =	sdelay $0x8  }
0x5b: {  	v0 =	vpop (erf)  }
0x5c: {  	[tilespmem:s19+$0x0] =	vst v0  }
0x5d: {  	v0 =	vld [tilespmem:s17+$0x10]  }
0x5e: {  	v61 =	vld [tilespmem:s18+$0x10];
	_ =	sdelay $0x6  }
0x5f: {  	v0 =	vld.idx.msk [tilespmem:v0+s3+$0x0], $0xffff  }
0x60: {  	v1 =	vld.idx.msk [tilespmem:v61+s11+$0x0], $0xffff;
	_ =	sdelay $0x4  }
0x61: {  	v0 =	vadd.f32 v1, v0;
	_ =	sdelay $0x1  }
0x62: {  	v0 =	vsub.f32 $0.0e+00, v0;
	_ =	sdelay $0x1  }
0x63: {  	v0 =	vmul.f32 $1.442695020e+00, v0;
	_ =	sdelay $0x1  }
0x64: {  	(erf) = vpow2.f32 v0;
	_ =	sdelay $0x8  }
0x65: {  	v0 =	vpop (erf)  }
0x66: {  	v0 =	vadd.f32 $1.000000000e+00, v0;
	_ =	sdelay $0x1  }
0x67: {  	(erf) = vrcp.f32 v0;
	_ =	sdelay $0x8  }
0x68: {  	v0 =	vpop (erf)  }
0x69: {  	[tilespmem:s19+$0x10] =	vst v0  }
0x6a: {  	v0 =	vld [tilespmem:s17+$0x20]  }
0x6b: {  	v62 =	vld [tilespmem:s18+$0x20];
	_ =	sdelay $0x6  }
0x6c: {  	v0 =	vld.idx.msk [tilespmem:v0+s3+$0x0], $0xffff  }
0x6d: {  	v1 =	vld.idx.msk [tilespmem:v62+s11+$0x0], $0xffff;
	_ =	sdelay $0x4  }
0x6e: {  	v0 =	vadd.f32 v1, v0;
	_ =	sdelay $0x1  }
0x6f: {  	v0 =	vsub.f32 $0.0e+00, v0;
	_ =	sdelay $0x1  }
0x70: {  	v0 =	vmul.f32 $1.442695020e+00, v0;
	_ =	sdelay $0x1  }
0x71: {  	(erf) = vpow2.f32 v0;
	_ =	sdelay $0x8  }
0x72: {  	v0 =	vpop (erf)  }
0x73: {  	v0 =	vadd.f32 $1.000000000e+00, v0;
	_ =	sdelay $0x1  }
0x74: {  	(erf) = vrcp.f32 v0;
	_ =	sdelay $0x8  }
0x75: {  	v0 =	vpop (erf)  }
0x76: {  	[tilespmem:s19+$0x20] =	vst v0  }
0x77: {  	v0 =	vld [tilespmem:s17+$0x30]  }
0x78: {  	v63 =	vld [tilespmem:s18+$0x30];
	_ =	sdelay $0x6  }
0x79: {  	v0 =	vld.idx.msk [tilespmem:v0+s3+$0x0], $0xffff  }
0x7a: {  	v1 =	vld.idx.msk [tilespmem:v63+s11+$0x0], $0xffff;
	_ =	sdelay $0x4  }
0x7b: {  	v0 =	vadd.f32 v1, v0;
	_ =	sdelay $0x1  }
0x7c: {  	v0 =	vsub.f32 $0.0e+00, v0;
	_ =	sdelay $0x1  }
0x7d: {  	v0 =	vmul.f32 $1.442695020e+00, v0;
	_ =	sdelay $0x1  }
0x7e: {  	(erf) = vpow2.f32 v0;
	_ =	sdelay $0x8  }
0x7f: {  	v0 =	vpop (erf)  }
0x80: {  	v0 =	vadd.f32 $1.000000000e+00, v0;
	_ =	sdelay $0x1  }
0x81: {  	(erf) = vrcp.f32 v0;
	_ =	sdelay $0x3  }
0x82: {  	s16 =	sadd.s32 $0x1, s16  }
0x83: {  	p0 =	slt.u32 s16, s9  }
.Ltmp0:
0x84: {  	_ = 	snop;
	(pc) =	sbr.rel @p0 .LBB2_2-.Ltmp0, $3  }
0x85: {  	_ =	sdelay $0x1  }
0x86: {  	v0 =	vpop (erf)  }
0x87: {  	s17 =	sadd.s32 $0x80, s17;
	s18 =	sadd.s32 $0x80, s18;
	[tilespmem:s19+$0x30] =	vst v0;
	s19 =	sadd.s32 $0x80, s19  }
0x88: {  	s15 =	sadd.s32 $0x1, s15  }
0x89: {  	p0 =	sne.s32 s15, s8  }
.Ltmp1:
0x8a: {  	_ = 	snop;
	(pc) =	sbr.rel @p0 .LBB2_1-.Ltmp1, $4  }
0x8b: {  	[hbm4b:s7+s3] =	stream.linear.scatter [tilespmem:s14], [sflag:$0x1], $0x2800, $0x38;
	[tilespmem:$0xC700] =	vst v63  }
0x8c: {  	_ =	swait.ge [sflag:s10], $0x2800  }
0x8d: {  	[sflag:s10] =	ssyncset.done $0x0  }
0x8e: {  	[sflag:s10] =	ssyncadd.s32 $0xFFFFD800  }
0x8f: {  	_ =	sfence.sel $0x180000  }
0x90: {  	[bflag:$0x0] =	sbarrier.arrive $0xFFFF  }
0x91: {  	p0 =	sne.s32 s0, $0x0;
	_ =	strace $0x90000050  }
0x92: {  	s0 =	sadd.s32 @!p0 $0x100000, s1;
	[bflag:$0x2] =	sbarrier.arrive $0xFFFF  }
0x93: {  	[sflag:s0] =	ssyncadd.tile.s32 @!p0 $0x1;
	_ =	shalt  }
.Lfunc_end2:
_tile_overlayer_lowered:
.L_overlay_start_2:
0x94: {  	(tag) =	ssettag $0x2  }
0x95: {  	s0 =	rddreg [dreg:$0x0];
	s2 =	stileid.u32  }
0x96: {  	s1 =	rddreg [dreg:$0x1];
	p0 =	sne.s32 s2, $0x0  }
0x97: {  	s3 =	rddreg [dreg:$0x2];
	[bflag:$0x3] =	sbarrier.arrive $0xFFFF;
	s2 =	simm.s32 @!p0 $0x1C01  }
0x98: {  	[timem:s3], [sflag:s2] =	dma.local @!p0 [hbm:s0], s1  }
0x99: {  	s0 =	simm.s32 @!p0 $0x1  }
0x9a: {  	_ =	swait.ge @!p0 [sflag:s0], s1  }
0x9b: {  	s1 =	ssub.s32 @!p0 $0x0, s1;
	[sflag:s0] =	ssyncset.done @!p0 $0x0  }
0x9c: {  	[sflag:s0] =	ssyncadd.s32 @!p0 s1  }
0x9d: {  	[bflag:$0x3] =	sbarrier.arrive $0xFFFF  }
0x9e: {  	_ =	shalt  }

</sc_bundles>
